<compile_context>
chip_gen: v7x
topology: tpu7x:2x2x1
jax: 0.10.2.dev20260603
libtpu: 0.0.44.dev20260713+nightly
codegen_flags: <defaults>
</compile_context>

<pallas_src>
import jax
import jax.numpy as jnp
from jax import lax
from jax.experimental import pallas as pl
from jax.experimental.pallas import tpu as pltpu
from jax.experimental.pallas import tpu_sc as plsc

VOCAB = 1_000_000
D = 64
B = 16384
NC = 2
NS = 16
NW = NC * NS
BPW = B // NW
L = 16
NG = BPW // L
NQ = 4
AQ = 2
SW = 16


def _sc_body(w1_hbm, w2_hbm, W1_hbm, W2_hbm, out_hbm,
             idx1_v, idx2_v, s1_v, s2_v, dots_v, sem):
    wid = lax.axis_index("s") * NC + lax.axis_index("c")
    base = wid * BPW

    pltpu.sync_copy(w1_hbm.at[pl.ds(base, BPW)], idx1_v)
    pltpu.sync_copy(w2_hbm.at[pl.ds(base, BPW)], idx2_v)

    lanes = lax.iota(jnp.int32, L)

    def group(g, _):
        gsl = pl.ds(g * L, L)
        idv1 = idx1_v[gsl]
        idv2 = idx2_v[gsl]
        o1 = idv1 & (SW - 1)
        o2 = idv2 & (SW - 1)

        def one_pass(q, acc):
            asl = pl.ds(q * AQ, AQ)
            for j in range(L):
                st1 = (idv1[j] >> 4) * SW
                st2 = (idv2[j] >> 4) * SW
                pltpu.async_copy(W1_hbm.at[asl, :, pl.ds(st1, SW)],
                                 s1_v.at[j, :, :, pl.ds(0, SW)], sem)
                pltpu.async_copy(W2_hbm.at[asl, :, pl.ds(st2, SW)],
                                 s2_v.at[j, :, :, pl.ds(0, SW)], sem)
            for j in range(L):
                pltpu.make_async_copy(W1_hbm.at[pl.ds(0, AQ), :,
                                                pl.ds(0, SW)],
                                      s1_v.at[j, :, :, pl.ds(0, SW)],
                                      sem).wait()
                pltpu.make_async_copy(W1_hbm.at[pl.ds(0, AQ), :,
                                                pl.ds(0, SW)],
                                      s2_v.at[j, :, :, pl.ds(0, SW)],
                                      sem).wait()

            for s in range(AQ * 8):
                av = jnp.full((L,), s // 8, jnp.int32)
                bv = jnp.full((L,), s % 8, jnp.int32)
                va = plsc.load_gather(s1_v, [lanes, av, bv, o1])
                vb = plsc.load_gather(s2_v, [lanes, av, bv, o2])
                acc = acc + va * vb
            return acc

        acc = lax.fori_loop(0, NQ, one_pass, jnp.zeros((L,), jnp.float32))
        dots_v[gsl] = acc
        return 0

    lax.fori_loop(0, NG, group, 0)

    pltpu.sync_copy(dots_v, out_hbm.at[pl.ds(base, BPW)])


def _sc_dots(w1, w2, W1t3, W2t3):
    mesh = plsc.VectorSubcoreMesh(core_axis_name="c", subcore_axis_name="s")
    return pl.kernel(
        _sc_body,
        out_type=jax.ShapeDtypeStruct((B,), jnp.float32),
        mesh=mesh,
        compiler_params=pltpu.CompilerParams(needs_layout_passes=False),
        scratch_types=[
            pltpu.VMEM((BPW,), jnp.int32),
            pltpu.VMEM((BPW,), jnp.int32),
            pltpu.VMEM((L, AQ, 8, 128), jnp.float32),
            pltpu.VMEM((L, AQ, 8, 128), jnp.float32),
            pltpu.VMEM((BPW,), jnp.float32),
            pltpu.SemaphoreType.DMA,
        ],
    )(w1, w2, W1t3, W2t3)


def _loss_body(dot_ref, lbl_ref, out_ref):
    x = dot_ref[...]
    l = lbl_ref[...]
    sp = jnp.maximum(-x, 0.0) + jnp.log1p(jnp.exp(-jnp.abs(x)))
    out_ref[0, 0] = jnp.sum(l * sp) * (1.0 / B)


def _tc_loss(dots2d, lbl2d):
    return pl.pallas_call(
        _loss_body,
        out_shape=jax.ShapeDtypeStruct((1, 1), jnp.float32),
        out_specs=pl.BlockSpec(memory_space=pltpu.SMEM),
    )(dots2d, lbl2d)


def kernel(word1, word2, label, W1, W2):
    W1t3 = W1.T.reshape(8, 8, VOCAB)
    W2t3 = W2.T.reshape(8, 8, VOCAB)
    dots = _sc_dots(word1.astype(jnp.int32), word2.astype(jnp.int32),
                    W1t3, W2t3)
    loss = _tc_loss(dots.reshape(128, 128),
                    label.astype(jnp.float32).reshape(128, 128))
    return loss[0, 0]

# --- scband reference (transcript-rebuilt; emitter-appended) ---
"""Pipeline reference for scband-sgns-37804302139717 (READ-ONLY COPY).

The authoritative reference and input builder live on the scoring server;
editing this copy changes nothing except your own understanding.
"""

import jax, jax.numpy as jnp
import numpy as np

VOCAB_SIZE = 1000000
EMBED_DIM = 64
BATCH = 16384


def setup_inputs(seed: int = 0) -> dict:
    key = jax.random.key(seed)
    k1, k2, k3, k4, k5 = jax.random.split(key, 5)
    word1 = jax.random.randint(k1, (BATCH,), 0, VOCAB_SIZE)
    word2 = jax.random.randint(k2, (BATCH,), 0, VOCAB_SIZE)
    label = jax.random.randint(k3, (BATCH,), 0, 2)
    # learned parameters: two embedding tables (center words and context words)
    W1 = jax.random.normal(k4, (VOCAB_SIZE, EMBED_DIM), dtype=jnp.float32) * 0.02
    W2 = jax.random.normal(k5, (VOCAB_SIZE, EMBED_DIM), dtype=jnp.float32) * 0.02
    return {"word1": word1, "word2": word2, "label": label, "W1": W1, "W2": W2}


def reference(word1, word2, label, W1, W2):
    # embed.forward_word1(word1).unsqueeze(1) -> [B, 1, d]
    e1 = jnp.take(W1, word1, axis=0)[:, None, :]
    # embed.forward_word2(word2).unsqueeze(2) -> [B, d, 1]
    e2 = jnp.take(W2, word2, axis=0)[:, :, None]
    # torch.bmm(e1, e2).squeeze(2) -> [B, 1]
    dot = jnp.matmul(e1, e2)[:, :, 0]
    prediction = jnp.log(jax.nn.sigmoid(dot))
    lbl = label.astype(jnp.float32)[:, None]
    loss = -lbl * prediction
    return loss.mean()

if __name__ == "__main__":
    import jax
    _d = setup_inputs()
    print(jax.jit(kernel)(*tuple(_d.values())))

</pallas_src>

<mosaic_0001>
#map = affine_map<(d0, d1) -> (0)>
#map1 = affine_map<(d0, d1) -> (0, 0, 0)>
module attributes {stable_mosaic.version = 14 : i64} {
  func.func @_sc_body(%arg0: i32, %arg1: i32, %arg2: memref<16384xi32, #tpu.memory_space<hbm>>, %arg3: memref<16384xi32, #tpu.memory_space<hbm>>, %arg4: memref<8x8x1000000xf32, #tpu.memory_space<hbm>>, %arg5: memref<8x8x1000000xf32, #tpu.memory_space<hbm>>, %arg6: memref<16384xf32, #tpu.memory_space<hbm>>, %arg7: memref<512xi32, #tpu.memory_space<vmem>>, %arg8: memref<512xi32, #tpu.memory_space<vmem>>, %arg9: memref<16x2x8x128xf32, #tpu.memory_space<vmem>>, %arg10: memref<16x2x8x128xf32, #tpu.memory_space<vmem>>, %arg11: memref<512xf32, #tpu.memory_space<vmem>>, %arg12: memref<!tpu.dma_semaphore, #tpu.memory_space<semaphore_mem>>) attributes {dimension_semantics = [#tpu.dimension_semantics<core_parallel>, #tpu.dimension_semantics<subcore_parallel>], iteration_bounds = array<i64: 2, 16>, scalar_prefetch = 0 : i64, scratch_operands = 6 : i64, tpu.core_type = #tpu.core_type<sc_vector_subcore>, window_params = [{transform_indices = #map}, {transform_indices = #map}, {transform_indices = #map1}, {transform_indices = #map1}, {transform_indices = #map}]} {
    %mul3A = arith.constant 2 : i32
    %mul3A_0 = arith.muli %arg1, %mul3A : i32
    %add3A = arith.addi %mul3A_0, %arg0 : i32
    %mul3A_1 = arith.constant 512 : i32
    %mul3A_2 = arith.muli %add3A, %mul3A_1 : i32
    "tpu.region"() ({
      %run_scoped3A = tpu.sem_alloc : memref<!tpu.dma_semaphore, #tpu.memory_space<semaphore_mem>>
      %dma_start3A = tpu.memref_slice %arg2[%mul3A_2] : memref<16384xi32, #tpu.memory_space<hbm>> -> memref<512xi32, #tpu.memory_space<hbm>>
      %dma_start3A_9 = tpu.memref_slice %arg2[%mul3A_2] : memref<16384xi32, #tpu.memory_space<hbm>> -> memref<512xi32, #tpu.memory_space<hbm>>
      tpu.enqueue_dma source(%dma_start3A_9 : memref<512xi32, #tpu.memory_space<hbm>>) target(%arg7 : memref<512xi32, #tpu.memory_space<vmem>>) target_semaphore(%run_scoped3A : memref<!tpu.dma_semaphore, #tpu.memory_space<semaphore_mem>>)
      %dma_wait3A = tpu.memref_slice %arg2[%mul3A_2] : memref<16384xi32, #tpu.memory_space<hbm>> -> memref<512xi32, #tpu.memory_space<hbm>>
      %dma_wait3A_10 = tpu.memref_slice %arg2[%mul3A_2] : memref<16384xi32, #tpu.memory_space<hbm>> -> memref<512xi32, #tpu.memory_space<hbm>>
      tpu.wait_dma2 semaphore(%run_scoped3A : memref<!tpu.dma_semaphore, #tpu.memory_space<semaphore_mem>>) src(%dma_wait3A_10 : memref<512xi32, #tpu.memory_space<hbm>>) dst(%arg7 : memref<512xi32, #tpu.memory_space<vmem>>)
      tpu.yield
    }) : () -> ()
    "tpu.region"() ({
      %run_scoped3A = tpu.sem_alloc : memref<!tpu.dma_semaphore, #tpu.memory_space<semaphore_mem>>
      %dma_start3A = tpu.memref_slice %arg3[%mul3A_2] : memref<16384xi32, #tpu.memory_space<hbm>> -> memref<512xi32, #tpu.memory_space<hbm>>
      %dma_start3A_9 = tpu.memref_slice %arg3[%mul3A_2] : memref<16384xi32, #tpu.memory_space<hbm>> -> memref<512xi32, #tpu.memory_space<hbm>>
      tpu.enqueue_dma source(%dma_start3A_9 : memref<512xi32, #tpu.memory_space<hbm>>) target(%arg8 : memref<512xi32, #tpu.memory_space<vmem>>) target_semaphore(%run_scoped3A : memref<!tpu.dma_semaphore, #tpu.memory_space<semaphore_mem>>)
      %dma_wait3A = tpu.memref_slice %arg3[%mul3A_2] : memref<16384xi32, #tpu.memory_space<hbm>> -> memref<512xi32, #tpu.memory_space<hbm>>
      %dma_wait3A_10 = tpu.memref_slice %arg3[%mul3A_2] : memref<16384xi32, #tpu.memory_space<hbm>> -> memref<512xi32, #tpu.memory_space<hbm>>
      tpu.wait_dma2 semaphore(%run_scoped3A : memref<!tpu.dma_semaphore, #tpu.memory_space<semaphore_mem>>) src(%dma_wait3A_10 : memref<512xi32, #tpu.memory_space<hbm>>) dst(%arg8 : memref<512xi32, #tpu.memory_space<vmem>>)
      tpu.yield
    }) : () -> ()
    %iota3A = tpu.iota {dimensions = array<i32: 0>} : vector<16xi32>
    %scan3A = arith.constant 0 : i32
    %scan3A_3 = arith.constant 0 : i32
    %scan3A_4 = arith.constant 32 : i32
    %scan3A_5 = arith.addi %scan3A_3, %scan3A_4 : i32
    %scan3A_6 = arith.constant 1 : i32
    %scan3A_7 = scf.for %scan3A_9 = %scan3A_3 to %scan3A_5 step %scan3A_6 iter_args(%scan3A_10 = %scan3A) -> (i32)  : i32 {
      %mul3A_11 = arith.constant 16 : i32
      %mul3A_12 = arith.muli %scan3A_9, %mul3A_11 : i32
      %get3A = arith.index_cast %mul3A_12 : i32 to index
      %get3A_13 = tpu.vector_load %arg7[%get3A] {strides = array<i32>} : memref<512xi32, #tpu.memory_space<vmem>>, vector<16xi32>,
      %get3A_14 = arith.index_cast %mul3A_12 : i32 to index
      %get3A_15 = tpu.vector_load %arg8[%get3A_14] {strides = array<i32>} : memref<512xi32, #tpu.memory_space<vmem>>, vector<16xi32>,
      %and3A = arith.constant 15 : i32
      %and3A_16 = vector.broadcast %and3A : i32 to vector<16xi32>
      %and3A_17 = arith.andi %get3A_13, %and3A_16 : vector<16xi32>
      %and3A_18 = arith.constant 15 : i32
      %and3A_19 = vector.broadcast %and3A_18 : i32 to vector<16xi32>
      %and3A_20 = arith.andi %get3A_15, %and3A_19 : vector<16xi32>
      %broadcast_in_dim3A = arith.constant 0.000000e+00 : f32
      %broadcast_in_dim3A_21 = vector.broadcast %broadcast_in_dim3A : f32 to vector<16xf32>
      %scan3A_22 = arith.constant 0 : i32
      %scan3A_23 = arith.constant 4 : i32
      %scan3A_24 = arith.addi %scan3A_22, %scan3A_23 : i32
      %scan3A_25 = arith.constant 1 : i32
      %scan3A_26 = scf.for %scan3A_30 = %scan3A_22 to %scan3A_24 step %scan3A_25 iter_args(%scan3A_31 = %broadcast_in_dim3A_21) -> (vector<16xf32>)  : i32 {
        %mul3A_32 = arith.constant 2 : i32
        %mul3A_33 = arith.muli %scan3A_30, %mul3A_32 : i32
        %slice3A = vector.extract_strided_slice %get3A_13 {offsets = [0], sizes = [1], strides = [1]} : vector<16xi32> to vector<1xi32>
        %squeeze3A = vector.extract %slice3A[0] : i32 from vector<1xi32>
        %shift_right_arithmetic3A = arith.constant 4 : i32
        %shift_right_arithmetic3A_34 = arith.shrsi %squeeze3A, %shift_right_arithmetic3A : i32
        %mul3A_35 = arith.constant 16 : i32
        %mul3A_36 = arith.muli %shift_right_arithmetic3A_34, %mul3A_35 : i32
        %slice3A_37 = vector.extract_strided_slice %get3A_15 {offsets = [0], sizes = [1], strides = [1]} : vector<16xi32> to vector<1xi32>
        %squeeze3A_38 = vector.extract %slice3A_37[0] : i32 from vector<1xi32>
        %shift_right_arithmetic3A_39 = arith.constant 4 : i32
        %shift_right_arithmetic3A_40 = arith.shrsi %squeeze3A_38, %shift_right_arithmetic3A_39 : i32
        %mul3A_41 = arith.constant 16 : i32
        %mul3A_42 = arith.muli %shift_right_arithmetic3A_40, %mul3A_41 : i32
        %dma_start3A = arith.constant 0 : i32
        %dma_start3A_43 = arith.constant 0 : i32
        %dma_start3A_44 = arith.constant 0 : i32
        %dma_start3A_45 = arith.constant 0 : i32
        %dma_start3A_46 = tpu.memref_slice %arg9[%dma_start3A, %dma_start3A_43, %dma_start3A_44, %dma_start3A_45] : memref<16x2x8x128xf32, #tpu.memory_space<vmem>> -> memref<1x2x8x16xf32, #tpu.memory_space<vmem>>
        %dma_start3A_47 = tpu.memref_squeeze %dma_start3A_46 : memref<1x2x8x16xf32, #tpu.memory_space<vmem>> -> memref<2x8x16xf32, #tpu.memory_space<vmem>>
        %dma_start3A_48 = arith.constant 0 : i32
        %dma_start3A_49 = tpu.memref_slice %arg4[%mul3A_33, %dma_start3A_48, %mul3A_36] : memref<8x8x1000000xf32, #tpu.memory_space<hbm>> -> memref<2x8x16xf32, #tpu.memory_space<hbm>>
        %dma_start3A_50 = arith.constant 0 : i32
        %dma_start3A_51 = arith.constant 0 : i32
        %dma_start3A_52 = arith.constant 0 : i32
        %dma_start3A_53 = tpu.memref_slice %arg9[%dma_start3A, %dma_start3A_50, %dma_start3A_51, %dma_start3A_52] : memref<16x2x8x128xf32, #tpu.memory_space<vmem>> -> memref<1x2x8x16xf32, #tpu.memory_space<vmem>>
        %dma_start3A_54 = tpu.memref_squeeze %dma_start3A_53 : memref<1x2x8x16xf32, #tpu.memory_space<vmem>> -> memref<2x8x16xf32, #tpu.memory_space<vmem>>
        %dma_start3A_55 = arith.constant 0 : i32
        %dma_start3A_56 = tpu.memref_slice %arg4[%mul3A_33, %dma_start3A_55, %mul3A_36] : memref<8x8x1000000xf32, #tpu.memory_space<hbm>> -> memref<2x8x16xf32, #tpu.memory_space<hbm>>
        tpu.enqueue_dma source(%dma_start3A_56 : memref<2x8x16xf32, #tpu.memory_space<hbm>>) target(%dma_start3A_54 : memref<2x8x16xf32, #tpu.memory_space<vmem>>) target_semaphore(%arg12 : memref<!tpu.dma_semaphore, #tpu.memory_space<semaphore_mem>>)
        %dma_start3A_57 = arith.constant 0 : i32
        %dma_start3A_58 = arith.constant 0 : i32
        %dma_start3A_59 = arith.constant 0 : i32
        %dma_start3A_60 = arith.constant 0 : i32
        %dma_start3A_61 = tpu.memref_slice %arg10[%dma_start3A_57, %dma_start3A_58, %dma_start3A_59, %dma_start3A_60] : memref<16x2x8x128xf32, #tpu.memory_space<vmem>> -> memref<1x2x8x16xf32, #tpu.memory_space<vmem>>
        %dma_start3A_62 = tpu.memref_squeeze %dma_start3A_61 : memref<1x2x8x16xf32, #tpu.memory_space<vmem>> -> memref<2x8x16xf32, #tpu.memory_space<vmem>>
        %dma_start3A_63 = arith.constant 0 : i32
        %dma_start3A_64 = tpu.memref_slice %arg5[%mul3A_33, %dma_start3A_63, %mul3A_42] : memref<8x8x1000000xf32, #tpu.memory_space<hbm>> -> memref<2x8x16xf32, #tpu.memory_space<hbm>>
        %dma_start3A_65 = arith.constant 0 : i32
        %dma_start3A_66 = arith.constant 0 : i32
        %dma_start3A_67 = arith.constant 0 : i32
        %dma_start3A_68 = tpu.memref_slice %arg10[%dma_start3A_57, %dma_start3A_65, %dma_start3A_66, %dma_start3A_67] : memref<16x2x8x128xf32, #tpu.memory_space<vmem>> -> memref<1x2x8x16xf32, #tpu.memory_space<vmem>>
        %dma_start3A_69 = tpu.memref_squeeze %dma_start3A_68 : memref<1x2x8x16xf32, #tpu.memory_space<vmem>> -> memref<2x8x16xf32, #tpu.memory_space<vmem>>
        %dma_start3A_70 = arith.constant 0 : i32
        %dma_start3A_71 = tpu.memref_slice %arg5[%mul3A_33, %dma_start3A_70, %mul3A_42] : memref<8x8x1000000xf32, #tpu.memory_space<hbm>> -> memref<2x8x16xf32, #tpu.memory_space<hbm>>
        tpu.enqueue_dma source(%dma_start3A_71 : memref<2x8x16xf32, #tpu.memory_space<hbm>>) target(%dma_start3A_69 : memref<2x8x16xf32, #tpu.memory_space<vmem>>) target_semaphore(%arg12 : memref<!tpu.dma_semaphore, #tpu.memory_space<semaphore_mem>>)
        %slice3A_72 = vector.extract_strided_slice %get3A_13 {offsets = [1], sizes = [1], strides = [1]} : vector<16xi32> to vector<1xi32>
        %squeeze3A_73 = vector.extract %slice3A_72[0] : i32 from vector<1xi32>
        %shift_right_arithmetic3A_74 = arith.constant 4 : i32
        %shift_right_arithmetic3A_75 = arith.shrsi %squeeze3A_73, %shift_right_arithmetic3A_74 : i32
        %mul3A_76 = arith.constant 16 : i32
        %mul3A_77 = arith.muli %shift_right_arithmetic3A_75, %mul3A_76 : i32
        %slice3A_78 = vector.extract_strided_slice %get3A_15 {offsets = [1], sizes = [1], strides = [1]} : vector<16xi32> to vector<1xi32>
        %squeeze3A_79 = vector.extract %slice3A_78[0] : i32 from vector<1xi32>
        %shift_right_arithmetic3A_80 = arith.constant 4 : i32
        %shift_right_arithmetic3A_81 = arith.shrsi %squeeze3A_79, %shift_right_arithmetic3A_80 : i32
        %mul3A_82 = arith.constant 16 : i32
        %mul3A_83 = arith.muli %shift_right_arithmetic3A_81, %mul3A_82 : i32
        %dma_start3A_84 = arith.constant 1 : i32
        %dma_start3A_85 = arith.constant 0 : i32
        %dma_start3A_86 = arith.constant 0 : i32
        %dma_start3A_87 = arith.constant 0 : i32
        %dma_start3A_88 = tpu.memref_slice %arg9[%dma_start3A_84, %dma_start3A_85, %dma_start3A_86, %dma_start3A_87] : memref<16x2x8x128xf32, #tpu.memory_space<vmem>> -> memref<1x2x8x16xf32, #tpu.memory_space<vmem>>
        %dma_start3A_89 = tpu.memref_squeeze %dma_start3A_88 : memref<1x2x8x16xf32, #tpu.memory_space<vmem>> -> memref<2x8x16xf32, #tpu.memory_space<vmem>>
        %dma_start3A_90 = arith.constant 0 : i32
        %dma_start3A_91 = tpu.memref_slice %arg4[%mul3A_33, %dma_start3A_90, %mul3A_77] : memref<8x8x1000000xf32, #tpu.memory_space<hbm>> -> memref<2x8x16xf32, #tpu.memory_space<hbm>>
        %dma_start3A_92 = arith.constant 0 : i32
        %dma_start3A_93 = arith.constant 0 : i32
        %dma_start3A_94 = arith.constant 0 : i32
        %dma_start3A_95 = tpu.memref_slice %arg9[%dma_start3A_84, %dma_start3A_92, %dma_start3A_93, %dma_start3A_94] : memref<16x2x8x128xf32, #tpu.memory_space<vmem>> -> memref<1x2x8x16xf32, #tpu.memory_space<vmem>>
        %dma_start3A_96 = tpu.memref_squeeze %dma_start3A_95 : memref<1x2x8x16xf32, #tpu.memory_space<vmem>> -> memref<2x8x16xf32, #tpu.memory_space<vmem>>
        %dma_start3A_97 = arith.constant 0 : i32
        %dma_start3A_98 = tpu.memref_slice %arg4[%mul3A_33, %dma_start3A_97, %mul3A_77] : memref<8x8x1000000xf32, #tpu.memory_space<hbm>> -> memref<2x8x16xf32, #tpu.memory_space<hbm>>
        tpu.enqueue_dma source(%dma_start3A_98 : memref<2x8x16xf32, #tpu.memory_space<hbm>>) target(%dma_start3A_96 : memref<2x8x16xf32, #tpu.memory_space<vmem>>) target_semaphore(%arg12 : memref<!tpu.dma_semaphore, #tpu.memory_space<semaphore_mem>>)
        %dma_start3A_99 = arith.constant 1 : i32
        %dma_start3A_100 = arith.constant 0 : i32
        %dma_start3A_101 = arith.constant 0 : i32
        %dma_start3A_102 = arith.constant 0 : i32
        %dma_start3A_103 = tpu.memref_slice %arg10[%dma_start3A_99, %dma_start3A_100, %dma_start3A_101, %dma_start3A_102] : memref<16x2x8x128xf32, #tpu.memory_space<vmem>> -> memref<1x2x8x16xf32, #tpu.memory_space<vmem>>
        %dma_start3A_104 = tpu.memref_squeeze %dma_start3A_103 : memref<1x2x8x16xf32, #tpu.memory_space<vmem>> -> memref<2x8x16xf32, #tpu.memory_space<vmem>>
        %dma_start3A_105 = arith.constant 0 : i32
        %dma_start3A_106 = tpu.memref_slice %arg5[%mul3A_33, %dma_start3A_105, %mul3A_83] : memref<8x8x1000000xf32, #tpu.memory_space<hbm>> -> memref<2x8x16xf32, #tpu.memory_space<hbm>>
        %dma_start3A_107 = arith.constant 0 : i32
        %dma_start3A_108 = arith.constant 0 : i32
        %dma_start3A_109 = arith.constant 0 : i32
        %dma_start3A_110 = tpu.memref_slice %arg10[%dma_start3A_99, %dma_start3A_107, %dma_start3A_108, %dma_start3A_109] : memref<16x2x8x128xf32, #tpu.memory_space<vmem>> -> memref<1x2x8x16xf32, #tpu.memory_space<vmem>>
        %dma_start3A_111 = tpu.memref_squeeze %dma_start3A_110 : memref<1x2x8x16xf32, #tpu.memory_space<vmem>> -> memref<2x8x16xf32, #tpu.memory_space<vmem>>
        %dma_start3A_112 = arith.constant 0 : i32
        %dma_start3A_113 = tpu.memref_slice %arg5[%mul3A_33, %dma_start3A_112, %mul3A_83] : memref<8x8x1000000xf32, #tpu.memory_space<hbm>> -> memref<2x8x16xf32, #tpu.memory_space<hbm>>
        tpu.enqueue_dma source(%dma_start3A_113 : memref<2x8x16xf32, #tpu.memory_space<hbm>>) target(%dma_start3A_111 : memref<2x8x16xf32, #tpu.memory_space<vmem>>) target_semaphore(%arg12 : memref<!tpu.dma_semaphore, #tpu.memory_space<semaphore_mem>>)
        %slice3A_114 = vector.extract_strided_slice %get3A_13 {offsets = [2], sizes = [1], strides = [1]} : vector<16xi32> to vector<1xi32>
        %squeeze3A_115 = vector.extract %slice3A_114[0] : i32 from vector<1xi32>
        %shift_right_arithmetic3A_116 = arith.constant 4 : i32
        %shift_right_arithmetic3A_117 = arith.shrsi %squeeze3A_115, %shift_right_arithmetic3A_116 : i32
        %mul3A_118 = arith.constant 16 : i32
        %mul3A_119 = arith.muli %shift_right_arithmetic3A_117, %mul3A_118 : i32
        %slice3A_120 = vector.extract_strided_slice %get3A_15 {offsets = [2], sizes = [1], strides = [1]} : vector<16xi32> to vector<1xi32>
        %squeeze3A_121 = vector.extract %slice3A_120[0] : i32 from vector<1xi32>
        %shift_right_arithmetic3A_122 = arith.constant 4 : i32
        %shift_right_arithmetic3A_123 = arith.shrsi %squeeze3A_121, %shift_right_arithmetic3A_122 : i32
        %mul3A_124 = arith.constant 16 : i32
        %mul3A_125 = arith.muli %shift_right_arithmetic3A_123, %mul3A_124 : i32
        %dma_start3A_126 = arith.constant 2 : i32
        %dma_start3A_127 = arith.constant 0 : i32
        %dma_start3A_128 = arith.constant 0 : i32
        %dma_start3A_129 = arith.constant 0 : i32
        %dma_start3A_130 = tpu.memref_slice %arg9[%dma_start3A_126, %dma_start3A_127, %dma_start3A_128, %dma_start3A_129] : memref<16x2x8x128xf32, #tpu.memory_space<vmem>> -> memref<1x2x8x16xf32, #tpu.memory_space<vmem>>
        %dma_start3A_131 = tpu.memref_squeeze %dma_start3A_130 : memref<1x2x8x16xf32, #tpu.memory_space<vmem>> -> memref<2x8x16xf32, #tpu.memory_space<vmem>>
        %dma_start3A_132 = arith.constant 0 : i32
        %dma_start3A_133 = tpu.memref_slice %arg4[%mul3A_33, %dma_start3A_132, %mul3A_119] : memref<8x8x1000000xf32, #tpu.memory_space<hbm>> -> memref<2x8x16xf32, #tpu.memory_space<hbm>>
        %dma_start3A_134 = arith.constant 0 : i32
        %dma_start3A_135 = arith.constant 0 : i32
        %dma_start3A_136 = arith.constant 0 : i32
        %dma_start3A_137 = tpu.memref_slice %arg9[%dma_start3A_126, %dma_start3A_134, %dma_start3A_135, %dma_start3A_136] : memref<16x2x8x128xf32, #tpu.memory_space<vmem>> -> memref<1x2x8x16xf32, #tpu.memory_space<vmem>>
        %dma_start3A_138 = tpu.memref_squeeze %dma_start3A_137 : memref<1x2x8x16xf32, #tpu.memory_space<vmem>> -> memref<2x8x16xf32, #tpu.memory_space<vmem>>
        %dma_start3A_139 = arith.constant 0 : i32
        %dma_start3A_140 = tpu.memref_slice %arg4[%mul3A_33, %dma_start3A_139, %mul3A_119] : memref<8x8x1000000xf32, #tpu.memory_space<hbm>> -> memref<2x8x16xf32, #tpu.memory_space<hbm>>
        tpu.enqueue_dma source(%dma_start3A_140 : memref<2x8x16xf32, #tpu.memory_space<hbm>>) target(%dma_start3A_138 : memref<2x8x16xf32, #tpu.memory_space<vmem>>) target_semaphore(%arg12 : memref<!tpu.dma_semaphore, #tpu.memory_space<semaphore_mem>>)
        %dma_start3A_141 = arith.constant 2 : i32
        %dma_start3A_142 = arith.constant 0 : i32
        %dma_start3A_143 = arith.constant 0 : i32
        %dma_start3A_144 = arith.constant 0 : i32
        %dma_start3A_145 = tpu.memref_slice %arg10[%dma_start3A_141, %dma_start3A_142, %dma_start3A_143, %dma_start3A_144] : memref<16x2x8x128xf32, #tpu.memory_space<vmem>> -> memref<1x2x8x16xf32, #tpu.memory_space<vmem>>
        %dma_start3A_146 = tpu.memref_squeeze %dma_start3A_145 : memref<1x2x8x16xf32, #tpu.memory_space<vmem>> -> memref<2x8x16xf32, #tpu.memory_space<vmem>>
        %dma_start3A_147 = arith.constant 0 : i32
        %dma_start3A_148 = tpu.memref_slice %arg5[%mul3A_33, %dma_start3A_147, %mul3A_125] : memref<8x8x1000000xf32, #tpu.memory_space<hbm>> -> memref<2x8x16xf32, #tpu.memory_space<hbm>>
        %dma_start3A_149 = arith.constant 0 : i32
        %dma_start3A_150 = arith.constant 0 : i32
        %dma_start3A_151 = arith.constant 0 : i32
        %dma_start3A_152 = tpu.memref_slice %arg10[%dma_start3A_141, %dma_start3A_149, %dma_start3A_150, %dma_start3A_151] : memref<16x2x8x128xf32, #tpu.memory_space<vmem>> -> memref<1x2x8x16xf32, #tpu.memory_space<vmem>>
        %dma_start3A_153 = tpu.memref_squeeze %dma_start3A_152 : memref<1x2x8x16xf32, #tpu.memory_space<vmem>> -> memref<2x8x16xf32, #tpu.memory_space<vmem>>
        %dma_start3A_154 = arith.constant 0 : i32
        %dma_start3A_155 = tpu.memref_slice %arg5[%mul3A_33, %dma_start3A_154, %mul3A_125] : memref<8x8x1000000xf32, #tpu.memory_space<hbm>> -> memref<2x8x16xf32, #tpu.memory_space<hbm>>
        tpu.enqueue_dma source(%dma_start3A_155 : memref<2x8x16xf32, #tpu.memory_space<hbm>>) target(%dma_start3A_153 : memref<2x8x16xf32, #tpu.memory_space<vmem>>) target_semaphore(%arg12 : memref<!tpu.dma_semaphore, #tpu.memory_space<semaphore_mem>>)
        %slice3A_156 = vector.extract_strided_slice %get3A_13 {offsets = [3], sizes = [1], strides = [1]} : vector<16xi32> to vector<1xi32>
        %squeeze3A_157 = vector.extract %slice3A_156[0] : i32 from vector<1xi32>
        %shift_right_arithmetic3A_158 = arith.constant 4 : i32
        %shift_right_arithmetic3A_159 = arith.shrsi %squeeze3A_157, %shift_right_arithmetic3A_158 : i32
        %mul3A_160 = arith.constant 16 : i32
        %mul3A_161 = arith.muli %shift_right_arithmetic3A_159, %mul3A_160 : i32
        %slice3A_162 = vector.extract_strided_slice %get3A_15 {offsets = [3], sizes = [1], strides = [1]} : vector<16xi32> to vector<1xi32>
        %squeeze3A_163 = vector.extract %slice3A_162[0] : i32 from vector<1xi32>
        %shift_right_arithmetic3A_164 = arith.constant 4 : i32
        %shift_right_arithmetic3A_165 = arith.shrsi %squeeze3A_163, %shift_right_arithmetic3A_164 : i32
        %mul3A_166 = arith.constant 16 : i32
        %mul3A_167 = arith.muli %shift_right_arithmetic3A_165, %mul3A_166 : i32
        %dma_start3A_168 = arith.constant 3 : i32
        %dma_start3A_169 = arith.constant 0 : i32
        %dma_start3A_170 = arith.constant 0 : i32
        %dma_start3A_171 = arith.constant 0 : i32
        %dma_start3A_172 = tpu.memref_slice %arg9[%dma_start3A_168, %dma_start3A_169, %dma_start3A_170, %dma_start3A_171] : memref<16x2x8x128xf32, #tpu.memory_space<vmem>> -> memref<1x2x8x16xf32, #tpu.memory_space<vmem>>
        %dma_start3A_173 = tpu.memref_squeeze %dma_start3A_172 : memref<1x2x8x16xf32, #tpu.memory_space<vmem>> -> memref<2x8x16xf32, #tpu.memory_space<vmem>>
        %dma_start3A_174 = arith.constant 0 : i32
        %dma_start3A_175 = tpu.memref_slice %arg4[%mul3A_33, %dma_start3A_174, %mul3A_161] : memref<8x8x1000000xf32, #tpu.memory_space<hbm>> -> memref<2x8x16xf32, #tpu.memory_space<hbm>>
        %dma_start3A_176 = arith.constant 0 : i32
        %dma_start3A_177 = arith.constant 0 : i32
        %dma_start3A_178 = arith.constant 0 : i32
        %dma_start3A_179 = tpu.memref_slice %arg9[%dma_start3A_168, %dma_start3A_176, %dma_start3A_177, %dma_start3A_178] : memref<16x2x8x128xf32, #tpu.memory_space<vmem>> -> memref<1x2x8x16xf32, #tpu.memory_space<vmem>>
        %dma_start3A_180 = tpu.memref_squeeze %dma_start3A_179 : memref<1x2x8x16xf32, #tpu.memory_space<vmem>> -> memref<2x8x16xf32, #tpu.memory_space<vmem>>
        %dma_start3A_181 = arith.constant 0 : i32
        %dma_start3A_182 = tpu.memref_slice %arg4[%mul3A_33, %dma_start3A_181, %mul3A_161] : memref<8x8x1000000xf32, #tpu.memory_space<hbm>> -> memref<2x8x16xf32, #tpu.memory_space<hbm>>
        tpu.enqueue_dma source(%dma_start3A_182 : memref<2x8x16xf32, #tpu.memory_space<hbm>>) target(%dma_start3A_180 : memref<2x8x16xf32, #tpu.memory_space<vmem>>) target_semaphore(%arg12 : memref<!tpu.dma_semaphore, #tpu.memory_space<semaphore_mem>>)
        %dma_start3A_183 = arith.constant 3 : i32
        %dma_start3A_184 = arith.constant 0 : i32
        %dma_start3A_185 = arith.constant 0 : i32
        %dma_start3A_186 = arith.constant 0 : i32
        %dma_start3A_187 = tpu.memref_slice %arg10[%dma_start3A_183, %dma_start3A_184, %dma_start3A_185, %dma_start3A_186] : memref<16x2x8x128xf32, #tpu.memory_space<vmem>> -> memref<1x2x8x16xf32, #tpu.memory_space<vmem>>
        %dma_start3A_188 = tpu.memref_squeeze %dma_start3A_187 : memref<1x2x8x16xf32, #tpu.memory_space<vmem>> -> memref<2x8x16xf32, #tpu.memory_space<vmem>>
        %dma_start3A_189 = arith.constant 0 : i32
        %dma_start3A_190 = tpu.memref_slice %arg5[%mul3A_33, %dma_start3A_189, %mul3A_167] : memref<8x8x1000000xf32, #tpu.memory_space<hbm>> -> memref<2x8x16xf32, #tpu.memory_space<hbm>>
        %dma_start3A_191 = arith.constant 0 : i32
        %dma_start3A_192 = arith.constant 0 : i32
        %dma_start3A_193 = arith.constant 0 : i32
        %dma_start3A_194 = tpu.memref_slice %arg10[%dma_start3A_183, %dma_start3A_191, %dma_start3A_192, %dma_start3A_193] : memref<16x2x8x128xf32, #tpu.memory_space<vmem>> -> memref<1x2x8x16xf32, #tpu.memory_space<vmem>>
        %dma_start3A_195 = tpu.memref_squeeze %dma_start3A_194 : memref<1x2x8x16xf32, #tpu.memory_space<vmem>> -> memref<2x8x16xf32, #tpu.memory_space<vmem>>
        %dma_start3A_196 = arith.constant 0 : i32
        %dma_start3A_197 = tpu.memref_slice %arg5[%mul3A_33, %dma_start3A_196, %mul3A_167] : memref<8x8x1000000xf32, #tpu.memory_space<hbm>> -> memref<2x8x16xf32, #tpu.memory_space<hbm>>
        tpu.enqueue_dma source(%dma_start3A_197 : memref<2x8x16xf32, #tpu.memory_space<hbm>>) target(%dma_start3A_195 : memref<2x8x16xf32, #tpu.memory_space<vmem>>) target_semaphore(%arg12 : memref<!tpu.dma_semaphore, #tpu.memory_space<semaphore_mem>>)
        %slice3A_198 = vector.extract_strided_slice %get3A_13 {offsets = [4], sizes = [1], strides = [1]} : vector<16xi32> to vector<1xi32>
        %squeeze3A_199 = vector.extract %slice3A_198[0] : i32 from vector<1xi32>
        %shift_right_arithmetic3A_200 = arith.constant 4 : i32
        %shift_right_arithmetic3A_201 = arith.shrsi %squeeze3A_199, %shift_right_arithmetic3A_200 : i32
        %mul3A_202 = arith.constant 16 : i32
        %mul3A_203 = arith.muli %shift_right_arithmetic3A_201, %mul3A_202 : i32
        %slice3A_204 = vector.extract_strided_slice %get3A_15 {offsets = [4], sizes = [1], strides = [1]} : vector<16xi32> to vector<1xi32>
        %squeeze3A_205 = vector.extract %slice3A_204[0] : i32 from vector<1xi32>
        %shift_right_arithmetic3A_206 = arith.constant 4 : i32
        %shift_right_arithmetic3A_207 = arith.shrsi %squeeze3A_205, %shift_right_arithmetic3A_206 : i32
        %mul3A_208 = arith.constant 16 : i32
        %mul3A_209 = arith.muli %shift_right_arithmetic3A_207, %mul3A_208 : i32
        %dma_start3A_210 = arith.constant 4 : i32
        %dma_start3A_211 = arith.constant 0 : i32
        %dma_start3A_212 = arith.constant 0 : i32
        %dma_start3A_213 = arith.constant 0 : i32
        %dma_start3A_214 = tpu.memref_slice %arg9[%dma_start3A_210, %dma_start3A_211, %dma_start3A_212, %dma_start3A_213] : memref<16x2x8x128xf32, #tpu.memory_space<vmem>> -> memref<1x2x8x16xf32, #tpu.memory_space<vmem>>
        %dma_start3A_215 = tpu.memref_squeeze %dma_start3A_214 : memref<1x2x8x16xf32, #tpu.memory_space<vmem>> -> memref<2x8x16xf32, #tpu.memory_space<vmem>>
        %dma_start3A_216 = arith.constant 0 : i32
        %dma_start3A_217 = tpu.memref_slice %arg4[%mul3A_33, %dma_start3A_216, %mul3A_203] : memref<8x8x1000000xf32, #tpu.memory_space<hbm>> -> memref<2x8x16xf32, #tpu.memory_space<hbm>>
        %dma_start3A_218 = arith.constant 0 : i32
        %dma_start3A_219 = arith.constant 0 : i32
        %dma_start3A_220 = arith.constant 0 : i32
        %dma_start3A_221 = tpu.memref_slice %arg9[%dma_start3A_210, %dma_start3A_218, %dma_start3A_219, %dma_start3A_220] : memref<16x2x8x128xf32, #tpu.memory_space<vmem>> -> memref<1x2x8x16xf32, #tpu.memory_space<vmem>>
        %dma_start3A_222 = tpu.memref_squeeze %dma_start3A_221 : memref<1x2x8x16xf32, #tpu.memory_space<vmem>> -> memref<2x8x16xf32, #tpu.memory_space<vmem>>
        %dma_start3A_223 = arith.constant 0 : i32
        %dma_start3A_224 = tpu.memref_slice %arg4[%mul3A_33, %dma_start3A_223, %mul3A_203] : memref<8x8x1000000xf32, #tpu.memory_space<hbm>> -> memref<2x8x16xf32, #tpu.memory_space<hbm>>
        tpu.enqueue_dma source(%dma_start3A_224 : memref<2x8x16xf32, #tpu.memory_space<hbm>>) target(%dma_start3A_222 : memref<2x8x16xf32, #tpu.memory_space<vmem>>) target_semaphore(%arg12 : memref<!tpu.dma_semaphore, #tpu.memory_space<semaphore_mem>>)
        %dma_start3A_225 = arith.constant 4 : i32
        %dma_start3A_226 = arith.constant 0 : i32
        %dma_start3A_227 = arith.constant 0 : i32
        %dma_start3A_228 = arith.constant 0 : i32
        %dma_start3A_229 = tpu.memref_slice %arg10[%dma_start3A_225, %dma_start3A_226, %dma_start3A_227, %dma_start3A_228] : memref<16x2x8x128xf32, #tpu.memory_space<vmem>> -> memref<1x2x8x16xf32, #tpu.memory_space<vmem>>
        %dma_start3A_230 = tpu.memref_squeeze %dma_start3A_229 : memref<1x2x8x16xf32, #tpu.memory_space<vmem>> -> memref<2x8x16xf32, #tpu.memory_space<vmem>>
        %dma_start3A_231 = arith.constant 0 : i32
        %dma_start3A_232 = tpu.memref_slice %arg5[%mul3A_33, %dma_start3A_231, %mul3A_209] : memref<8x8x1000000xf32, #tpu.memory_space<hbm>> -> memref<2x8x16xf32, #tpu.memory_space<hbm>>
        %dma_start3A_233 = arith.constant 0 : i32
        %dma_start3A_234 = arith.constant 0 : i32
        %dma_start3A_235 = arith.constant 0 : i32
        %dma_start3A_236 = tpu.memref_slice %arg10[%dma_start3A_225, %dma_start3A_233, %dma_start3A_234, %dma_start3A_235] : memref<16x2x8x128xf32, #tpu.memory_space<vmem>> -> memref<1x2x8x16xf32, #tpu.memory_space<vmem>>
        %dma_start3A_237 = tpu.memref_squeeze %dma_start3A_236 : memref<1x2x8x16xf32, #tpu.memory_space<vmem>> -> memref<2x8x16xf32, #tpu.memory_space<vmem>>
        %dma_start3A_238 = arith.constant 0 : i32
        %dma_start3A_239 = tpu.memref_slice %arg5[%mul3A_33, %dma_start3A_238, %mul3A_209] : memref<8x8x1000000xf32, #tpu.memory_space<hbm>> -> memref<2x8x16xf32, #tpu.memory_space<hbm>>
        tpu.enqueue_dma source(%dma_start3A_239 : memref<2x8x16xf32, #tpu.memory_space<hbm>>) target(%dma_start3A_237 : memref<2x8x16xf32, #tpu.memory_space<vmem>>) target_semaphore(%arg12 : memref<!tpu.dma_semaphore, #tpu.memory_space<semaphore_mem>>)
        %slice3A_240 = vector.extract_strided_slice %get3A_13 {offsets = [5], sizes = [1], strides = [1]} : vector<16xi32> to vector<1xi32>
        %squeeze3A_241 = vector.extract %slice3A_240[0] : i32 from vector<1xi32>
        %shift_right_arithmetic3A_242 = arith.constant 4 : i32
        %shift_right_arithmetic3A_243 = arith.shrsi %squeeze3A_241, %shift_right_arithmetic3A_242 : i32
        %mul3A_244 = arith.constant 16 : i32
        %mul3A_245 = arith.muli %shift_right_arithmetic3A_243, %mul3A_244 : i32
        %slice3A_246 = vector.extract_strided_slice %get3A_15 {offsets = [5], sizes = [1], strides = [1]} : vector<16xi32> to vector<1xi32>
        %squeeze3A_247 = vector.extract %slice3A_246[0] : i32 from vector<1xi32>
        %shift_right_arithmetic3A_248 = arith.constant 4 : i32
        %shift_right_arithmetic3A_249 = arith.shrsi %squeeze3A_247, %shift_right_arithmetic3A_248 : i32
        %mul3A_250 = arith.constant 16 : i32
        %mul3A_251 = arith.muli %shift_right_arithmetic3A_249, %mul3A_250 : i32
        %dma_start3A_252 = arith.constant 5 : i32
        %dma_start3A_253 = arith.constant 0 : i32
        %dma_start3A_254 = arith.constant 0 : i32
        %dma_start3A_255 = arith.constant 0 : i32
        %dma_start3A_256 = tpu.memref_slice %arg9[%dma_start3A_252, %dma_start3A_253, %dma_start3A_254, %dma_start3A_255] : memref<16x2x8x128xf32, #tpu.memory_space<vmem>> -> memref<1x2x8x16xf32, #tpu.memory_space<vmem>>
        %dma_start3A_257 = tpu.memref_squeeze %dma_start3A_256 : memref<1x2x8x16xf32, #tpu.memory_space<vmem>> -> memref<2x8x16xf32, #tpu.memory_space<vmem>>
        %dma_start3A_258 = arith.constant 0 : i32
        %dma_start3A_259 = tpu.memref_slice %arg4[%mul3A_33, %dma_start3A_258, %mul3A_245] : memref<8x8x1000000xf32, #tpu.memory_space<hbm>> -> memref<2x8x16xf32, #tpu.memory_space<hbm>>
        %dma_start3A_260 = arith.constant 0 : i32
        %dma_start3A_261 = arith.constant 0 : i32
        %dma_start3A_262 = arith.constant 0 : i32
        %dma_start3A_263 = tpu.memref_slice %arg9[%dma_start3A_252, %dma_start3A_260, %dma_start3A_261, %dma_start3A_262] : memref<16x2x8x128xf32, #tpu.memory_space<vmem>> -> memref<1x2x8x16xf32, #tpu.memory_space<vmem>>
        %dma_start3A_264 = tpu.memref_squeeze %dma_start3A_263 : memref<1x2x8x16xf32, #tpu.memory_space<vmem>> -> memref<2x8x16xf32, #tpu.memory_space<vmem>>
        %dma_start3A_265 = arith.constant 0 : i32
        %dma_start3A_266 = tpu.memref_slice %arg4[%mul3A_33, %dma_start3A_265, %mul3A_245] : memref<8x8x1000000xf32, #tpu.memory_space<hbm>> -> memref<2x8x16xf32, #tpu.memory_space<hbm>>
        tpu.enqueue_dma source(%dma_start3A_266 : memref<2x8x16xf32, #tpu.memory_space<hbm>>) target(%dma_start3A_264 : memref<2x8x16xf32, #tpu.memory_space<vmem>>) target_semaphore(%arg12 : memref<!tpu.dma_semaphore, #tpu.memory_space<semaphore_mem>>)
        %dma_start3A_267 = arith.constant 5 : i32
        %dma_start3A_268 = arith.constant 0 : i32
        %dma_start3A_269 = arith.constant 0 : i32
        %dma_start3A_270 = arith.constant 0 : i32
        %dma_start3A_271 = tpu.memref_slice %arg10[%dma_start3A_267, %dma_start3A_268, %dma_start3A_269, %dma_start3A_270] : memref<16x2x8x128xf32, #tpu.memory_space<vmem>> -> memref<1x2x8x16xf32, #tpu.memory_space<vmem>>
        %dma_start3A_272 = tpu.memref_squeeze %dma_start3A_271 : memref<1x2x8x16xf32, #tpu.memory_space<vmem>> -> memref<2x8x16xf32, #tpu.memory_space<vmem>>
        %dma_start3A_273 = arith.constant 0 : i32
        %dma_start3A_274 = tpu.memref_slice %arg5[%mul3A_33, %dma_start3A_273, %mul3A_251] : memref<8x8x1000000xf32, #tpu.memory_space<hbm>> -> memref<2x8x16xf32, #tpu.memory_space<hbm>>
        %dma_start3A_275 = arith.constant 0 : i32
        %dma_start3A_276 = arith.constant 0 : i32
        %dma_start3A_277 = arith.constant 0 : i32
        %dma_start3A_278 = tpu.memref_slice %arg10[%dma_start3A_267, %dma_start3A_275, %dma_start3A_276, %dma_start3A_277] : memref<16x2x8x128xf32, #tpu.memory_space<vmem>> -> memref<1x2x8x16xf32, #tpu.memory_space<vmem>>
        %dma_start3A_279 = tpu.memref_squeeze %dma_start3A_278 : memref<1x2x8x16xf32, #tpu.memory_space<vmem>> -> memref<2x8x16xf32, #tpu.memory_space<vmem>>
        %dma_start3A_280 = arith.constant 0 : i32
        %dma_start3A_281 = tpu.memref_slice %arg5[%mul3A_33, %dma_start3A_280, %mul3A_251] : memref<8x8x1000000xf32, #tpu.memory_space<hbm>> -> memref<2x8x16xf32, #tpu.memory_space<hbm>>
        tpu.enqueue_dma source(%dma_start3A_281 : memref<2x8x16xf32, #tpu.memory_space<hbm>>) target(%dma_start3A_279 : memref<2x8x16xf32, #tpu.memory_space<vmem>>) target_semaphore(%arg12 : memref<!tpu.dma_semaphore, #tpu.memory_space<semaphore_mem>>)
        %slice3A_282 = vector.extract_strided_slice %get3A_13 {offsets = [6], sizes = [1], strides = [1]} : vector<16xi32> to vector<1xi32>
        %squeeze3A_283 = vector.extract %slice3A_282[0] : i32 from vector<1xi32>
        %shift_right_arithmetic3A_284 = arith.constant 4 : i32
        %shift_right_arithmetic3A_285 = arith.shrsi %squeeze3A_283, %shift_right_arithmetic3A_284 : i32
        %mul3A_286 = arith.constant 16 : i32
        %mul3A_287 = arith.muli %shift_right_arithmetic3A_285, %mul3A_286 : i32
        %slice3A_288 = vector.extract_strided_slice %get3A_15 {offsets = [6], sizes = [1], strides = [1]} : vector<16xi32> to vector<1xi32>
        %squeeze3A_289 = vector.extract %slice3A_288[0] : i32 from vector<1xi32>
        %shift_right_arithmetic3A_290 = arith.constant 4 : i32
        %shift_right_arithmetic3A_291 = arith.shrsi %squeeze3A_289, %shift_right_arithmetic3A_290 : i32
        %mul3A_292 = arith.constant 16 : i32
        %mul3A_293 = arith.muli %shift_right_arithmetic3A_291, %mul3A_292 : i32
        %dma_start3A_294 = arith.constant 6 : i32
        %dma_start3A_295 = arith.constant 0 : i32
        %dma_start3A_296 = arith.constant 0 : i32
        %dma_start3A_297 = arith.constant 0 : i32
        %dma_start3A_298 = tpu.memref_slice %arg9[%dma_start3A_294, %dma_start3A_295, %dma_start3A_296, %dma_start3A_297] : memref<16x2x8x128xf32, #tpu.memory_space<vmem>> -> memref<1x2x8x16xf32, #tpu.memory_space<vmem>>
        %dma_start3A_299 = tpu.memref_squeeze %dma_start3A_298 : memref<1x2x8x16xf32, #tpu.memory_space<vmem>> -> memref<2x8x16xf32, #tpu.memory_space<vmem>>
        %dma_start3A_300 = arith.constant 0 : i32
        %dma_start3A_301 = tpu.memref_slice %arg4[%mul3A_33, %dma_start3A_300, %mul3A_287] : memref<8x8x1000000xf32, #tpu.memory_space<hbm>> -> memref<2x8x16xf32, #tpu.memory_space<hbm>>
        %dma_start3A_302 = arith.constant 0 : i32
        %dma_start3A_303 = arith.constant 0 : i32
        %dma_start3A_304 = arith.constant 0 : i32
        %dma_start3A_305 = tpu.memref_slice %arg9[%dma_start3A_294, %dma_start3A_302, %dma_start3A_303, %dma_start3A_304] : memref<16x2x8x128xf32, #tpu.memory_space<vmem>> -> memref<1x2x8x16xf32, #tpu.memory_space<vmem>>
        %dma_start3A_306 = tpu.memref_squeeze %dma_start3A_305 : memref<1x2x8x16xf32, #tpu.memory_space<vmem>> -> memref<2x8x16xf32, #tpu.memory_space<vmem>>
        %dma_start3A_307 = arith.constant 0 : i32
        %dma_start3A_308 = tpu.memref_slice %arg4[%mul3A_33, %dma_start3A_307, %mul3A_287] : memref<8x8x1000000xf32, #tpu.memory_space<hbm>> -> memref<2x8x16xf32, #tpu.memory_space<hbm>>
        tpu.enqueue_dma source(%dma_start3A_308 : memref<2x8x16xf32, #tpu.memory_space<hbm>>) target(%dma_start3A_306 : memref<2x8x16xf32, #tpu.memory_space<vmem>>) target_semaphore(%arg12 : memref<!tpu.dma_semaphore, #tpu.memory_space<semaphore_mem>>)
        %dma_start3A_309 = arith.constant 6 : i32
        %dma_start3A_310 = arith.constant 0 : i32
        %dma_start3A_311 = arith.constant 0 : i32
        %dma_start3A_312 = arith.constant 0 : i32
        %dma_start3A_313 = tpu.memref_slice %arg10[%dma_start3A_309, %dma_start3A_310, %dma_start3A_311, %dma_start3A_312] : memref<16x2x8x128xf32, #tpu.memory_space<vmem>> -> memref<1x2x8x16xf32, #tpu.memory_space<vmem>>
        %dma_start3A_314 = tpu.memref_squeeze %dma_start3A_313 : memref<1x2x8x16xf32, #tpu.memory_space<vmem>> -> memref<2x8x16xf32, #tpu.memory_space<vmem>>
        %dma_start3A_315 = arith.constant 0 : i32
        %dma_start3A_316 = tpu.memref_slice %arg5[%mul3A_33, %dma_start3A_315, %mul3A_293] : memref<8x8x1000000xf32, #tpu.memory_space<hbm>> -> memref<2x8x16xf32, #tpu.memory_space<hbm>>
        %dma_start3A_317 = arith.constant 0 : i32
        %dma_start3A_318 = arith.constant 0 : i32
        %dma_start3A_319 = arith.constant 0 : i32
        %dma_start3A_320 = tpu.memref_slice %arg10[%dma_start3A_309, %dma_start3A_317, %dma_start3A_318, %dma_start3A_319] : memref<16x2x8x128xf32, #tpu.memory_space<vmem>> -> memref<1x2x8x16xf32, #tpu.memory_space<vmem>>
        %dma_start3A_321 = tpu.memref_squeeze %dma_start3A_320 : memref<1x2x8x16xf32, #tpu.memory_space<vmem>> -> memref<2x8x16xf32, #tpu.memory_space<vmem>>
        %dma_start3A_322 = arith.constant 0 : i32
        %dma_start3A_323 = tpu.memref_slice %arg5[%mul3A_33, %dma_start3A_322, %mul3A_293] : memref<8x8x1000000xf32, #tpu.memory_space<hbm>> -> memref<2x8x16xf32, #tpu.memory_space<hbm>>
        tpu.enqueue_dma source(%dma_start3A_323 : memref<2x8x16xf32, #tpu.memory_space<hbm>>) target(%dma_start3A_321 : memref<2x8x16xf32, #tpu.memory_space<vmem>>) target_semaphore(%arg12 : memref<!tpu.dma_semaphore, #tpu.memory_space<semaphore_mem>>)
        %slice3A_324 = vector.extract_strided_slice %get3A_13 {offsets = [7], sizes = [1], strides = [1]} : vector<16xi32> to vector<1xi32>
        %squeeze3A_325 = vector.extract %slice3A_324[0] : i32 from vector<1xi32>
        %shift_right_arithmetic3A_326 = arith.constant 4 : i32
        %shift_right_arithmetic3A_327 = arith.shrsi %squeeze3A_325, %shift_right_arithmetic3A_326 : i32
        %mul3A_328 = arith.constant 16 : i32
        %mul3A_329 = arith.muli %shift_right_arithmetic3A_327, %mul3A_328 : i32
        %slice3A_330 = vector.extract_strided_slice %get3A_15 {offsets = [7], sizes = [1], strides = [1]} : vector<16xi32> to vector<1xi32>
        %squeeze3A_331 = vector.extract %slice3A_330[0] : i32 from vector<1xi32>
        %shift_right_arithmetic3A_332 = arith.constant 4 : i32
        %shift_right_arithmetic3A_333 = arith.shrsi %squeeze3A_331, %shift_right_arithmetic3A_332 : i32
        %mul3A_334 = arith.constant 16 : i32
        %mul3A_335 = arith.muli %shift_right_arithmetic3A_333, %mul3A_334 : i32
        %dma_start3A_336 = arith.constant 7 : i32
        %dma_start3A_337 = arith.constant 0 : i32
        %dma_start3A_338 = arith.constant 0 : i32
        %dma_start3A_339 = arith.constant 0 : i32
        %dma_start3A_340 = tpu.memref_slice %arg9[%dma_start3A_336, %dma_start3A_337, %dma_start3A_338, %dma_start3A_339] : memref<16x2x8x128xf32, #tpu.memory_space<vmem>> -> memref<1x2x8x16xf32, #tpu.memory_space<vmem>>
        %dma_start3A_341 = tpu.memref_squeeze %dma_start3A_340 : memref<1x2x8x16xf32, #tpu.memory_space<vmem>> -> memref<2x8x16xf32, #tpu.memory_space<vmem>>
        %dma_start3A_342 = arith.constant 0 : i32
        %dma_start3A_343 = tpu.memref_slice %arg4[%mul3A_33, %dma_start3A_342, %mul3A_329] : memref<8x8x1000000xf32, #tpu.memory_space<hbm>> -> memref<2x8x16xf32, #tpu.memory_space<hbm>>
        %dma_start3A_344 = arith.constant 0 : i32
        %dma_start3A_345 = arith.constant 0 : i32
        %dma_start3A_346 = arith.constant 0 : i32
        %dma_start3A_347 = tpu.memref_slice %arg9[%dma_start3A_336, %dma_start3A_344, %dma_start3A_345, %dma_start3A_346] : memref<16x2x8x128xf32, #tpu.memory_space<vmem>> -> memref<1x2x8x16xf32, #tpu.memory_space<vmem>>
        %dma_start3A_348 = tpu.memref_squeeze %dma_start3A_347 : memref<1x2x8x16xf32, #tpu.memory_space<vmem>> -> memref<2x8x16xf32, #tpu.memory_space<vmem>>
        %dma_start3A_349 = arith.constant 0 : i32
        %dma_start3A_350 = tpu.memref_slice %arg4[%mul3A_33, %dma_start3A_349, %mul3A_329] : memref<8x8x1000000xf32, #tpu.memory_space<hbm>> -> memref<2x8x16xf32, #tpu.memory_space<hbm>>
        tpu.enqueue_dma source(%dma_start3A_350 : memref<2x8x16xf32, #tpu.memory_space<hbm>>) target(%dma_start3A_348 : memref<2x8x16xf32, #tpu.memory_space<vmem>>) target_semaphore(%arg12 : memref<!tpu.dma_semaphore, #tpu.memory_space<semaphore_mem>>)
        %dma_start3A_351 = arith.constant 7 : i32
        %dma_start3A_352 = arith.constant 0 : i32
        %dma_start3A_353 = arith.constant 0 : i32
        %dma_start3A_354 = arith.constant 0 : i32
        %dma_start3A_355 = tpu.memref_slice %arg10[%dma_start3A_351, %dma_start3A_352, %dma_start3A_353, %dma_start3A_354] : memref<16x2x8x128xf32, #tpu.memory_space<vmem>> -> memref<1x2x8x16xf32, #tpu.memory_space<vmem>>
        %dma_start3A_356 = tpu.memref_squeeze %dma_start3A_355 : memref<1x2x8x16xf32, #tpu.memory_space<vmem>> -> memref<2x8x16xf32, #tpu.memory_space<vmem>>
        %dma_start3A_357 = arith.constant 0 : i32
        %dma_start3A_358 = tpu.memref_slice %arg5[%mul3A_33, %dma_start3A_357, %mul3A_335] : memref<8x8x1000000xf32, #tpu.memory_space<hbm>> -> memref<2x8x16xf32, #tpu.memory_space<hbm>>
        %dma_start3A_359 = arith.constant 0 : i32
        %dma_start3A_360 = arith.constant 0 : i32
        %dma_start3A_361 = arith.constant 0 : i32
        %dma_start3A_362 = tpu.memref_slice %arg10[%dma_start3A_351, %dma_start3A_359, %dma_start3A_360, %dma_start3A_361] : memref<16x2x8x128xf32, #tpu.memory_space<vmem>> -> memref<1x2x8x16xf32, #tpu.memory_space<vmem>>
        %dma_start3A_363 = tpu.memref_squeeze %dma_start3A_362 : memref<1x2x8x16xf32, #tpu.memory_space<vmem>> -> memref<2x8x16xf32, #tpu.memory_space<vmem>>
        %dma_start3A_364 = arith.constant 0 : i32
        %dma_start3A_365 = tpu.memref_slice %arg5[%mul3A_33, %dma_start3A_364, %mul3A_335] : memref<8x8x1000000xf32, #tpu.memory_space<hbm>> -> memref<2x8x16xf32, #tpu.memory_space<hbm>>
        tpu.enqueue_dma source(%dma_start3A_365 : memref<2x8x16xf32, #tpu.memory_space<hbm>>) target(%dma_start3A_363 : memref<2x8x16xf32, #tpu.memory_space<vmem>>) target_semaphore(%arg12 : memref<!tpu.dma_semaphore, #tpu.memory_space<semaphore_mem>>)
        %slice3A_366 = vector.extract_strided_slice %get3A_13 {offsets = [8], sizes = [1], strides = [1]} : vector<16xi32> to vector<1xi32>
        %squeeze3A_367 = vector.extract %slice3A_366[0] : i32 from vector<1xi32>
        %shift_right_arithmetic3A_368 = arith.constant 4 : i32
        %shift_right_arithmetic3A_369 = arith.shrsi %squeeze3A_367, %shift_right_arithmetic3A_368 : i32
        %mul3A_370 = arith.constant 16 : i32
        %mul3A_371 = arith.muli %shift_right_arithmetic3A_369, %mul3A_370 : i32
        %slice3A_372 = vector.extract_strided_slice %get3A_15 {offsets = [8], sizes = [1], strides = [1]} : vector<16xi32> to vector<1xi32>
        %squeeze3A_373 = vector.extract %slice3A_372[0] : i32 from vector<1xi32>
        %shift_right_arithmetic3A_374 = arith.constant 4 : i32
        %shift_right_arithmetic3A_375 = arith.shrsi %squeeze3A_373, %shift_right_arithmetic3A_374 : i32
        %mul3A_376 = arith.constant 16 : i32
        %mul3A_377 = arith.muli %shift_right_arithmetic3A_375, %mul3A_376 : i32
        %dma_start3A_378 = arith.constant 8 : i32
        %dma_start3A_379 = arith.constant 0 : i32
        %dma_start3A_380 = arith.constant 0 : i32
        %dma_start3A_381 = arith.constant 0 : i32
        %dma_start3A_382 = tpu.memref_slice %arg9[%dma_start3A_378, %dma_start3A_379, %dma_start3A_380, %dma_start3A_381] : memref<16x2x8x128xf32, #tpu.memory_space<vmem>> -> memref<1x2x8x16xf32, #tpu.memory_space<vmem>>
        %dma_start3A_383 = tpu.memref_squeeze %dma_start3A_382 : memref<1x2x8x16xf32, #tpu.memory_space<vmem>> -> memref<2x8x16xf32, #tpu.memory_space<vmem>>
        %dma_start3A_384 = arith.constant 0 : i32
        %dma_start3A_385 = tpu.memref_slice %arg4[%mul3A_33, %dma_start3A_384, %mul3A_371] : memref<8x8x1000000xf32, #tpu.memory_space<hbm>> -> memref<2x8x16xf32, #tpu.memory_space<hbm>>
        %dma_start3A_386 = arith.constant 0 : i32
        %dma_start3A_387 = arith.constant 0 : i32
        %dma_start3A_388 = arith.constant 0 : i32
        %dma_start3A_389 = tpu.memref_slice %arg9[%dma_start3A_378, %dma_start3A_386, %dma_start3A_387, %dma_start3A_388] : memref<16x2x8x128xf32, #tpu.memory_space<vmem>> -> memref<1x2x8x16xf32, #tpu.memory_space<vmem>>
        %dma_start3A_390 = tpu.memref_squeeze %dma_start3A_389 : memref<1x2x8x16xf32, #tpu.memory_space<vmem>> -> memref<2x8x16xf32, #tpu.memory_space<vmem>>
        %dma_start3A_391 = arith.constant 0 : i32
        %dma_start3A_392 = tpu.memref_slice %arg4[%mul3A_33, %dma_start3A_391, %mul3A_371] : memref<8x8x1000000xf32, #tpu.memory_space<hbm>> -> memref<2x8x16xf32, #tpu.memory_space<hbm>>
        tpu.enqueue_dma source(%dma_start3A_392 : memref<2x8x16xf32, #tpu.memory_space<hbm>>) target(%dma_start3A_390 : memref<2x8x16xf32, #tpu.memory_space<vmem>>) target_semaphore(%arg12 : memref<!tpu.dma_semaphore, #tpu.memory_space<semaphore_mem>>)
        %dma_start3A_393 = arith.constant 8 : i32
        %dma_start3A_394 = arith.constant 0 : i32
        %dma_start3A_395 = arith.constant 0 : i32
        %dma_start3A_396 = arith.constant 0 : i32
        %dma_start3A_397 = tpu.memref_slice %arg10[%dma_start3A_393, %dma_start3A_394, %dma_start3A_395, %dma_start3A_396] : memref<16x2x8x128xf32, #tpu.memory_space<vmem>> -> memref<1x2x8x16xf32, #tpu.memory_space<vmem>>
        %dma_start3A_398 = tpu.memref_squeeze %dma_start3A_397 : memref<1x2x8x16xf32, #tpu.memory_space<vmem>> -> memref<2x8x16xf32, #tpu.memory_space<vmem>>
        %dma_start3A_399 = arith.constant 0 : i32
        %dma_start3A_400 = tpu.memref_slice %arg5[%mul3A_33, %dma_start3A_399, %mul3A_377] : memref<8x8x1000000xf32, #tpu.memory_space<hbm>> -> memref<2x8x16xf32, #tpu.memory_space<hbm>>
        %dma_start3A_401 = arith.constant 0 : i32
        %dma_start3A_402 = arith.constant 0 : i32
        %dma_start3A_403 = arith.constant 0 : i32
        %dma_start3A_404 = tpu.memref_slice %arg10[%dma_start3A_393, %dma_start3A_401, %dma_start3A_402, %dma_start3A_403] : memref<16x2x8x128xf32, #tpu.memory_space<vmem>> -> memref<1x2x8x16xf32, #tpu.memory_space<vmem>>
        %dma_start3A_405 = tpu.memref_squeeze %dma_start3A_404 : memref<1x2x8x16xf32, #tpu.memory_space<vmem>> -> memref<2x8x16xf32, #tpu.memory_space<vmem>>
        %dma_start3A_406 = arith.constant 0 : i32
        %dma_start3A_407 = tpu.memref_slice %arg5[%mul3A_33, %dma_start3A_406, %mul3A_377] : memref<8x8x1000000xf32, #tpu.memory_space<hbm>> -> memref<2x8x16xf32, #tpu.memory_space<hbm>>
        tpu.enqueue_dma source(%dma_start3A_407 : memref<2x8x16xf32, #tpu.memory_space<hbm>>) target(%dma_start3A_405 : memref<2x8x16xf32, #tpu.memory_space<vmem>>) target_semaphore(%arg12 : memref<!tpu.dma_semaphore, #tpu.memory_space<semaphore_mem>>)
        %slice3A_408 = vector.extract_strided_slice %get3A_13 {offsets = [9], sizes = [1], strides = [1]} : vector<16xi32> to vector<1xi32>
        %squeeze3A_409 = vector.extract %slice3A_408[0] : i32 from vector<1xi32>
        %shift_right_arithmetic3A_410 = arith.constant 4 : i32
        %shift_right_arithmetic3A_411 = arith.shrsi %squeeze3A_409, %shift_right_arithmetic3A_410 : i32
        %mul3A_412 = arith.constant 16 : i32
        %mul3A_413 = arith.muli %shift_right_arithmetic3A_411, %mul3A_412 : i32
        %slice3A_414 = vector.extract_strided_slice %get3A_15 {offsets = [9], sizes = [1], strides = [1]} : vector<16xi32> to vector<1xi32>
        %squeeze3A_415 = vector.extract %slice3A_414[0] : i32 from vector<1xi32>
        %shift_right_arithmetic3A_416 = arith.constant 4 : i32
        %shift_right_arithmetic3A_417 = arith.shrsi %squeeze3A_415, %shift_right_arithmetic3A_416 : i32
        %mul3A_418 = arith.constant 16 : i32
        %mul3A_419 = arith.muli %shift_right_arithmetic3A_417, %mul3A_418 : i32
        %dma_start3A_420 = arith.constant 9 : i32
        %dma_start3A_421 = arith.constant 0 : i32
        %dma_start3A_422 = arith.constant 0 : i32
        %dma_start3A_423 = arith.constant 0 : i32
        %dma_start3A_424 = tpu.memref_slice %arg9[%dma_start3A_420, %dma_start3A_421, %dma_start3A_422, %dma_start3A_423] : memref<16x2x8x128xf32, #tpu.memory_space<vmem>> -> memref<1x2x8x16xf32, #tpu.memory_space<vmem>>
        %dma_start3A_425 = tpu.memref_squeeze %dma_start3A_424 : memref<1x2x8x16xf32, #tpu.memory_space<vmem>> -> memref<2x8x16xf32, #tpu.memory_space<vmem>>
        %dma_start3A_426 = arith.constant 0 : i32
        %dma_start3A_427 = tpu.memref_slice %arg4[%mul3A_33, %dma_start3A_426, %mul3A_413] : memref<8x8x1000000xf32, #tpu.memory_space<hbm>> -> memref<2x8x16xf32, #tpu.memory_space<hbm>>
        %dma_start3A_428 = arith.constant 0 : i32
        %dma_start3A_429 = arith.constant 0 : i32
        %dma_start3A_430 = arith.constant 0 : i32
        %dma_start3A_431 = tpu.memref_slice %arg9[%dma_start3A_420, %dma_start3A_428, %dma_start3A_429, %dma_start3A_430] : memref<16x2x8x128xf32, #tpu.memory_space<vmem>> -> memref<1x2x8x16xf32, #tpu.memory_space<vmem>>
        %dma_start3A_432 = tpu.memref_squeeze %dma_start3A_431 : memref<1x2x8x16xf32, #tpu.memory_space<vmem>> -> memref<2x8x16xf32, #tpu.memory_space<vmem>>
        %dma_start3A_433 = arith.constant 0 : i32
        %dma_start3A_434 = tpu.memref_slice %arg4[%mul3A_33, %dma_start3A_433, %mul3A_413] : memref<8x8x1000000xf32, #tpu.memory_space<hbm>> -> memref<2x8x16xf32, #tpu.memory_space<hbm>>
        tpu.enqueue_dma source(%dma_start3A_434 : memref<2x8x16xf32, #tpu.memory_space<hbm>>) target(%dma_start3A_432 : memref<2x8x16xf32, #tpu.memory_space<vmem>>) target_semaphore(%arg12 : memref<!tpu.dma_semaphore, #tpu.memory_space<semaphore_mem>>)
        %dma_start3A_435 = arith.constant 9 : i32
        %dma_start3A_436 = arith.constant 0 : i32
        %dma_start3A_437 = arith.constant 0 : i32
        %dma_start3A_438 = arith.constant 0 : i32
        %dma_start3A_439 = tpu.memref_slice %arg10[%dma_start3A_435, %dma_start3A_436, %dma_start3A_437, %dma_start3A_438] : memref<16x2x8x128xf32, #tpu.memory_space<vmem>> -> memref<1x2x8x16xf32, #tpu.memory_space<vmem>>
        %dma_start3A_440 = tpu.memref_squeeze %dma_start3A_439 : memref<1x2x8x16xf32, #tpu.memory_space<vmem>> -> memref<2x8x16xf32, #tpu.memory_space<vmem>>
        %dma_start3A_441 = arith.constant 0 : i32
        %dma_start3A_442 = tpu.memref_slice %arg5[%mul3A_33, %dma_start3A_441, %mul3A_419] : memref<8x8x1000000xf32, #tpu.memory_space<hbm>> -> memref<2x8x16xf32, #tpu.memory_space<hbm>>
        %dma_start3A_443 = arith.constant 0 : i32
        %dma_start3A_444 = arith.constant 0 : i32
        %dma_start3A_445 = arith.constant 0 : i32
        %dma_start3A_446 = tpu.memref_slice %arg10[%dma_start3A_435, %dma_start3A_443, %dma_start3A_444, %dma_start3A_445] : memref<16x2x8x128xf32, #tpu.memory_space<vmem>> -> memref<1x2x8x16xf32, #tpu.memory_space<vmem>>
        %dma_start3A_447 = tpu.memref_squeeze %dma_start3A_446 : memref<1x2x8x16xf32, #tpu.memory_space<vmem>> -> memref<2x8x16xf32, #tpu.memory_space<vmem>>
        %dma_start3A_448 = arith.constant 0 : i32
        %dma_start3A_449 = tpu.memref_slice %arg5[%mul3A_33, %dma_start3A_448, %mul3A_419] : memref<8x8x1000000xf32, #tpu.memory_space<hbm>> -> memref<2x8x16xf32, #tpu.memory_space<hbm>>
        tpu.enqueue_dma source(%dma_start3A_449 : memref<2x8x16xf32, #tpu.memory_space<hbm>>) target(%dma_start3A_447 : memref<2x8x16xf32, #tpu.memory_space<vmem>>) target_semaphore(%arg12 : memref<!tpu.dma_semaphore, #tpu.memory_space<semaphore_mem>>)
        %slice3A_450 = vector.extract_strided_slice %get3A_13 {offsets = [10], sizes = [1], strides = [1]} : vector<16xi32> to vector<1xi32>
        %squeeze3A_451 = vector.extract %slice3A_450[0] : i32 from vector<1xi32>
        %shift_right_arithmetic3A_452 = arith.constant 4 : i32
        %shift_right_arithmetic3A_453 = arith.shrsi %squeeze3A_451, %shift_right_arithmetic3A_452 : i32
        %mul3A_454 = arith.constant 16 : i32
        %mul3A_455 = arith.muli %shift_right_arithmetic3A_453, %mul3A_454 : i32
        %slice3A_456 = vector.extract_strided_slice %get3A_15 {offsets = [10], sizes = [1], strides = [1]} : vector<16xi32> to vector<1xi32>
        %squeeze3A_457 = vector.extract %slice3A_456[0] : i32 from vector<1xi32>
        %shift_right_arithmetic3A_458 = arith.constant 4 : i32
        %shift_right_arithmetic3A_459 = arith.shrsi %squeeze3A_457, %shift_right_arithmetic3A_458 : i32
        %mul3A_460 = arith.constant 16 : i32
        %mul3A_461 = arith.muli %shift_right_arithmetic3A_459, %mul3A_460 : i32
        %dma_start3A_462 = arith.constant 10 : i32
        %dma_start3A_463 = arith.constant 0 : i32
        %dma_start3A_464 = arith.constant 0 : i32
        %dma_start3A_465 = arith.constant 0 : i32
        %dma_start3A_466 = tpu.memref_slice %arg9[%dma_start3A_462, %dma_start3A_463, %dma_start3A_464, %dma_start3A_465] : memref<16x2x8x128xf32, #tpu.memory_space<vmem>> -> memref<1x2x8x16xf32, #tpu.memory_space<vmem>>
        %dma_start3A_467 = tpu.memref_squeeze %dma_start3A_466 : memref<1x2x8x16xf32, #tpu.memory_space<vmem>> -> memref<2x8x16xf32, #tpu.memory_space<vmem>>
        %dma_start3A_468 = arith.constant 0 : i32
        %dma_start3A_469 = tpu.memref_slice %arg4[%mul3A_33, %dma_start3A_468, %mul3A_455] : memref<8x8x1000000xf32, #tpu.memory_space<hbm>> -> memref<2x8x16xf32, #tpu.memory_space<hbm>>
        %dma_start3A_470 = arith.constant 0 : i32
        %dma_start3A_471 = arith.constant 0 : i32
        %dma_start3A_472 = arith.constant 0 : i32
        %dma_start3A_473 = tpu.memref_slice %arg9[%dma_start3A_462, %dma_start3A_470, %dma_start3A_471, %dma_start3A_472] : memref<16x2x8x128xf32, #tpu.memory_space<vmem>> -> memref<1x2x8x16xf32, #tpu.memory_space<vmem>>
        %dma_start3A_474 = tpu.memref_squeeze %dma_start3A_473 : memref<1x2x8x16xf32, #tpu.memory_space<vmem>> -> memref<2x8x16xf32, #tpu.memory_space<vmem>>
        %dma_start3A_475 = arith.constant 0 : i32
        %dma_start3A_476 = tpu.memref_slice %arg4[%mul3A_33, %dma_start3A_475, %mul3A_455] : memref<8x8x1000000xf32, #tpu.memory_space<hbm>> -> memref<2x8x16xf32, #tpu.memory_space<hbm>>
        tpu.enqueue_dma source(%dma_start3A_476 : memref<2x8x16xf32, #tpu.memory_space<hbm>>) target(%dma_start3A_474 : memref<2x8x16xf32, #tpu.memory_space<vmem>>) target_semaphore(%arg12 : memref<!tpu.dma_semaphore, #tpu.memory_space<semaphore_mem>>)
        %dma_start3A_477 = arith.constant 10 : i32
        %dma_start3A_478 = arith.constant 0 : i32
        %dma_start3A_479 = arith.constant 0 : i32
        %dma_start3A_480 = arith.constant 0 : i32
        %dma_start3A_481 = tpu.memref_slice %arg10[%dma_start3A_477, %dma_start3A_478, %dma_start3A_479, %dma_start3A_480] : memref<16x2x8x128xf32, #tpu.memory_space<vmem>> -> memref<1x2x8x16xf32, #tpu.memory_space<vmem>>
        %dma_start3A_482 = tpu.memref_squeeze %dma_start3A_481 : memref<1x2x8x16xf32, #tpu.memory_space<vmem>> -> memref<2x8x16xf32, #tpu.memory_space<vmem>>
        %dma_start3A_483 = arith.constant 0 : i32
        %dma_start3A_484 = tpu.memref_slice %arg5[%mul3A_33, %dma_start3A_483, %mul3A_461] : memref<8x8x1000000xf32, #tpu.memory_space<hbm>> -> memref<2x8x16xf32, #tpu.memory_space<hbm>>
        %dma_start3A_485 = arith.constant 0 : i32
        %dma_start3A_486 = arith.constant 0 : i32
        %dma_start3A_487 = arith.constant 0 : i32
        %dma_start3A_488 = tpu.memref_slice %arg10[%dma_start3A_477, %dma_start3A_485, %dma_start3A_486, %dma_start3A_487] : memref<16x2x8x128xf32, #tpu.memory_space<vmem>> -> memref<1x2x8x16xf32, #tpu.memory_space<vmem>>
        %dma_start3A_489 = tpu.memref_squeeze %dma_start3A_488 : memref<1x2x8x16xf32, #tpu.memory_space<vmem>> -> memref<2x8x16xf32, #tpu.memory_space<vmem>>
        %dma_start3A_490 = arith.constant 0 : i32
        %dma_start3A_491 = tpu.memref_slice %arg5[%mul3A_33, %dma_start3A_490, %mul3A_461] : memref<8x8x1000000xf32, #tpu.memory_space<hbm>> -> memref<2x8x16xf32, #tpu.memory_space<hbm>>
        tpu.enqueue_dma source(%dma_start3A_491 : memref<2x8x16xf32, #tpu.memory_space<hbm>>) target(%dma_start3A_489 : memref<2x8x16xf32, #tpu.memory_space<vmem>>) target_semaphore(%arg12 : memref<!tpu.dma_semaphore, #tpu.memory_space<semaphore_mem>>)
        %slice3A_492 = vector.extract_strided_slice %get3A_13 {offsets = [11], sizes = [1], strides = [1]} : vector<16xi32> to vector<1xi32>
        %squeeze3A_493 = vector.extract %slice3A_492[0] : i32 from vector<1xi32>
        %shift_right_arithmetic3A_494 = arith.constant 4 : i32
        %shift_right_arithmetic3A_495 = arith.shrsi %squeeze3A_493, %shift_right_arithmetic3A_494 : i32
        %mul3A_496 = arith.constant 16 : i32
        %mul3A_497 = arith.muli %shift_right_arithmetic3A_495, %mul3A_496 : i32
        %slice3A_498 = vector.extract_strided_slice %get3A_15 {offsets = [11], sizes = [1], strides = [1]} : vector<16xi32> to vector<1xi32>
        %squeeze3A_499 = vector.extract %slice3A_498[0] : i32 from vector<1xi32>
        %shift_right_arithmetic3A_500 = arith.constant 4 : i32
        %shift_right_arithmetic3A_501 = arith.shrsi %squeeze3A_499, %shift_right_arithmetic3A_500 : i32
        %mul3A_502 = arith.constant 16 : i32
        %mul3A_503 = arith.muli %shift_right_arithmetic3A_501, %mul3A_502 : i32
        %dma_start3A_504 = arith.constant 11 : i32
        %dma_start3A_505 = arith.constant 0 : i32
        %dma_start3A_506 = arith.constant 0 : i32
        %dma_start3A_507 = arith.constant 0 : i32
        %dma_start3A_508 = tpu.memref_slice %arg9[%dma_start3A_504, %dma_start3A_505, %dma_start3A_506, %dma_start3A_507] : memref<16x2x8x128xf32, #tpu.memory_space<vmem>> -> memref<1x2x8x16xf32, #tpu.memory_space<vmem>>
        %dma_start3A_509 = tpu.memref_squeeze %dma_start3A_508 : memref<1x2x8x16xf32, #tpu.memory_space<vmem>> -> memref<2x8x16xf32, #tpu.memory_space<vmem>>
        %dma_start3A_510 = arith.constant 0 : i32
        %dma_start3A_511 = tpu.memref_slice %arg4[%mul3A_33, %dma_start3A_510, %mul3A_497] : memref<8x8x1000000xf32, #tpu.memory_space<hbm>> -> memref<2x8x16xf32, #tpu.memory_space<hbm>>
        %dma_start3A_512 = arith.constant 0 : i32
        %dma_start3A_513 = arith.constant 0 : i32
        %dma_start3A_514 = arith.constant 0 : i32
        %dma_start3A_515 = tpu.memref_slice %arg9[%dma_start3A_504, %dma_start3A_512, %dma_start3A_513, %dma_start3A_514] : memref<16x2x8x128xf32, #tpu.memory_space<vmem>> -> memref<1x2x8x16xf32, #tpu.memory_space<vmem>>
        %dma_start3A_516 = tpu.memref_squeeze %dma_start3A_515 : memref<1x2x8x16xf32, #tpu.memory_space<vmem>> -> memref<2x8x16xf32, #tpu.memory_space<vmem>>
        %dma_start3A_517 = arith.constant 0 : i32
        %dma_start3A_518 = tpu.memref_slice %arg4[%mul3A_33, %dma_start3A_517, %mul3A_497] : memref<8x8x1000000xf32, #tpu.memory_space<hbm>> -> memref<2x8x16xf32, #tpu.memory_space<hbm>>
        tpu.enqueue_dma source(%dma_start3A_518 : memref<2x8x16xf32, #tpu.memory_space<hbm>>) target(%dma_start3A_516 : memref<2x8x16xf32, #tpu.memory_space<vmem>>) target_semaphore(%arg12 : memref<!tpu.dma_semaphore, #tpu.memory_space<semaphore_mem>>)
        %dma_start3A_519 = arith.constant 11 : i32
        %dma_start3A_520 = arith.constant 0 : i32
        %dma_start3A_521 = arith.constant 0 : i32
        %dma_start3A_522 = arith.constant 0 : i32
        %dma_start3A_523 = tpu.memref_slice %arg10[%dma_start3A_519, %dma_start3A_520, %dma_start3A_521, %dma_start3A_522] : memref<16x2x8x128xf32, #tpu.memory_space<vmem>> -> memref<1x2x8x16xf32, #tpu.memory_space<vmem>>
        %dma_start3A_524 = tpu.memref_squeeze %dma_start3A_523 : memref<1x2x8x16xf32, #tpu.memory_space<vmem>> -> memref<2x8x16xf32, #tpu.memory_space<vmem>>
        %dma_start3A_525 = arith.constant 0 : i32
        %dma_start3A_526 = tpu.memref_slice %arg5[%mul3A_33, %dma_start3A_525, %mul3A_503] : memref<8x8x1000000xf32, #tpu.memory_space<hbm>> -> memref<2x8x16xf32, #tpu.memory_space<hbm>>
        %dma_start3A_527 = arith.constant 0 : i32
        %dma_start3A_528 = arith.constant 0 : i32
        %dma_start3A_529 = arith.constant 0 : i32
        %dma_start3A_530 = tpu.memref_slice %arg10[%dma_start3A_519, %dma_start3A_527, %dma_start3A_528, %dma_start3A_529] : memref<16x2x8x128xf32, #tpu.memory_space<vmem>> -> memref<1x2x8x16xf32, #tpu.memory_space<vmem>>
        %dma_start3A_531 = tpu.memref_squeeze %dma_start3A_530 : memref<1x2x8x16xf32, #tpu.memory_space<vmem>> -> memref<2x8x16xf32, #tpu.memory_space<vmem>>
        %dma_start3A_532 = arith.constant 0 : i32
        %dma_start3A_533 = tpu.memref_slice %arg5[%mul3A_33, %dma_start3A_532, %mul3A_503] : memref<8x8x1000000xf32, #tpu.memory_space<hbm>> -> memref<2x8x16xf32, #tpu.memory_space<hbm>>
        tpu.enqueue_dma source(%dma_start3A_533 : memref<2x8x16xf32, #tpu.memory_space<hbm>>) target(%dma_start3A_531 : memref<2x8x16xf32, #tpu.memory_space<vmem>>) target_semaphore(%arg12 : memref<!tpu.dma_semaphore, #tpu.memory_space<semaphore_mem>>)
        %slice3A_534 = vector.extract_strided_slice %get3A_13 {offsets = [12], sizes = [1], strides = [1]} : vector<16xi32> to vector<1xi32>
        %squeeze3A_535 = vector.extract %slice3A_534[0] : i32 from vector<1xi32>
        %shift_right_arithmetic3A_536 = arith.constant 4 : i32
        %shift_right_arithmetic3A_537 = arith.shrsi %squeeze3A_535, %shift_right_arithmetic3A_536 : i32
        %mul3A_538 = arith.constant 16 : i32
        %mul3A_539 = arith.muli %shift_right_arithmetic3A_537, %mul3A_538 : i32
        %slice3A_540 = vector.extract_strided_slice %get3A_15 {offsets = [12], sizes = [1], strides = [1]} : vector<16xi32> to vector<1xi32>
        %squeeze3A_541 = vector.extract %slice3A_540[0] : i32 from vector<1xi32>
        %shift_right_arithmetic3A_542 = arith.constant 4 : i32
        %shift_right_arithmetic3A_543 = arith.shrsi %squeeze3A_541, %shift_right_arithmetic3A_542 : i32
        %mul3A_544 = arith.constant 16 : i32
        %mul3A_545 = arith.muli %shift_right_arithmetic3A_543, %mul3A_544 : i32
        %dma_start3A_546 = arith.constant 12 : i32
        %dma_start3A_547 = arith.constant 0 : i32
        %dma_start3A_548 = arith.constant 0 : i32
        %dma_start3A_549 = arith.constant 0 : i32
        %dma_start3A_550 = tpu.memref_slice %arg9[%dma_start3A_546, %dma_start3A_547, %dma_start3A_548, %dma_start3A_549] : memref<16x2x8x128xf32, #tpu.memory_space<vmem>> -> memref<1x2x8x16xf32, #tpu.memory_space<vmem>>
        %dma_start3A_551 = tpu.memref_squeeze %dma_start3A_550 : memref<1x2x8x16xf32, #tpu.memory_space<vmem>> -> memref<2x8x16xf32, #tpu.memory_space<vmem>>
        %dma_start3A_552 = arith.constant 0 : i32
        %dma_start3A_553 = tpu.memref_slice %arg4[%mul3A_33, %dma_start3A_552, %mul3A_539] : memref<8x8x1000000xf32, #tpu.memory_space<hbm>> -> memref<2x8x16xf32, #tpu.memory_space<hbm>>
        %dma_start3A_554 = arith.constant 0 : i32
        %dma_start3A_555 = arith.constant 0 : i32
        %dma_start3A_556 = arith.constant 0 : i32
        %dma_start3A_557 = tpu.memref_slice %arg9[%dma_start3A_546, %dma_start3A_554, %dma_start3A_555, %dma_start3A_556] : memref<16x2x8x128xf32, #tpu.memory_space<vmem>> -> memref<1x2x8x16xf32, #tpu.memory_space<vmem>>
        %dma_start3A_558 = tpu.memref_squeeze %dma_start3A_557 : memref<1x2x8x16xf32, #tpu.memory_space<vmem>> -> memref<2x8x16xf32, #tpu.memory_space<vmem>>
        %dma_start3A_559 = arith.constant 0 : i32
        %dma_start3A_560 = tpu.memref_slice %arg4[%mul3A_33, %dma_start3A_559, %mul3A_539] : memref<8x8x1000000xf32, #tpu.memory_space<hbm>> -> memref<2x8x16xf32, #tpu.memory_space<hbm>>
        tpu.enqueue_dma source(%dma_start3A_560 : memref<2x8x16xf32, #tpu.memory_space<hbm>>) target(%dma_start3A_558 : memref<2x8x16xf32, #tpu.memory_space<vmem>>) target_semaphore(%arg12 : memref<!tpu.dma_semaphore, #tpu.memory_space<semaphore_mem>>)
        %dma_start3A_561 = arith.constant 12 : i32
        %dma_start3A_562 = arith.constant 0 : i32
        %dma_start3A_563 = arith.constant 0 : i32
        %dma_start3A_564 = arith.constant 0 : i32
        %dma_start3A_565 = tpu.memref_slice %arg10[%dma_start3A_561, %dma_start3A_562, %dma_start3A_563, %dma_start3A_564] : memref<16x2x8x128xf32, #tpu.memory_space<vmem>> -> memref<1x2x8x16xf32, #tpu.memory_space<vmem>>
        %dma_start3A_566 = tpu.memref_squeeze %dma_start3A_565 : memref<1x2x8x16xf32, #tpu.memory_space<vmem>> -> memref<2x8x16xf32, #tpu.memory_space<vmem>>
        %dma_start3A_567 = arith.constant 0 : i32
        %dma_start3A_568 = tpu.memref_slice %arg5[%mul3A_33, %dma_start3A_567, %mul3A_545] : memref<8x8x1000000xf32, #tpu.memory_space<hbm>> -> memref<2x8x16xf32, #tpu.memory_space<hbm>>
        %dma_start3A_569 = arith.constant 0 : i32
        %dma_start3A_570 = arith.constant 0 : i32
        %dma_start3A_571 = arith.constant 0 : i32
        %dma_start3A_572 = tpu.memref_slice %arg10[%dma_start3A_561, %dma_start3A_569, %dma_start3A_570, %dma_start3A_571] : memref<16x2x8x128xf32, #tpu.memory_space<vmem>> -> memref<1x2x8x16xf32, #tpu.memory_space<vmem>>
        %dma_start3A_573 = tpu.memref_squeeze %dma_start3A_572 : memref<1x2x8x16xf32, #tpu.memory_space<vmem>> -> memref<2x8x16xf32, #tpu.memory_space<vmem>>
        %dma_start3A_574 = arith.constant 0 : i32
        %dma_start3A_575 = tpu.memref_slice %arg5[%mul3A_33, %dma_start3A_574, %mul3A_545] : memref<8x8x1000000xf32, #tpu.memory_space<hbm>> -> memref<2x8x16xf32, #tpu.memory_space<hbm>>
        tpu.enqueue_dma source(%dma_start3A_575 : memref<2x8x16xf32, #tpu.memory_space<hbm>>) target(%dma_start3A_573 : memref<2x8x16xf32, #tpu.memory_space<vmem>>) target_semaphore(%arg12 : memref<!tpu.dma_semaphore, #tpu.memory_space<semaphore_mem>>)
        %slice3A_576 = vector.extract_strided_slice %get3A_13 {offsets = [13], sizes = [1], strides = [1]} : vector<16xi32> to vector<1xi32>
        %squeeze3A_577 = vector.extract %slice3A_576[0] : i32 from vector<1xi32>
        %shift_right_arithmetic3A_578 = arith.constant 4 : i32
        %shift_right_arithmetic3A_579 = arith.shrsi %squeeze3A_577, %shift_right_arithmetic3A_578 : i32
        %mul3A_580 = arith.constant 16 : i32
        %mul3A_581 = arith.muli %shift_right_arithmetic3A_579, %mul3A_580 : i32
        %slice3A_582 = vector.extract_strided_slice %get3A_15 {offsets = [13], sizes = [1], strides = [1]} : vector<16xi32> to vector<1xi32>
        %squeeze3A_583 = vector.extract %slice3A_582[0] : i32 from vector<1xi32>
        %shift_right_arithmetic3A_584 = arith.constant 4 : i32
        %shift_right_arithmetic3A_585 = arith.shrsi %squeeze3A_583, %shift_right_arithmetic3A_584 : i32
        %mul3A_586 = arith.constant 16 : i32
        %mul3A_587 = arith.muli %shift_right_arithmetic3A_585, %mul3A_586 : i32
        %dma_start3A_588 = arith.constant 13 : i32
        %dma_start3A_589 = arith.constant 0 : i32
        %dma_start3A_590 = arith.constant 0 : i32
        %dma_start3A_591 = arith.constant 0 : i32
        %dma_start3A_592 = tpu.memref_slice %arg9[%dma_start3A_588, %dma_start3A_589, %dma_start3A_590, %dma_start3A_591] : memref<16x2x8x128xf32, #tpu.memory_space<vmem>> -> memref<1x2x8x16xf32, #tpu.memory_space<vmem>>
        %dma_start3A_593 = tpu.memref_squeeze %dma_start3A_592 : memref<1x2x8x16xf32, #tpu.memory_space<vmem>> -> memref<2x8x16xf32, #tpu.memory_space<vmem>>
        %dma_start3A_594 = arith.constant 0 : i32
        %dma_start3A_595 = tpu.memref_slice %arg4[%mul3A_33, %dma_start3A_594, %mul3A_581] : memref<8x8x1000000xf32, #tpu.memory_space<hbm>> -> memref<2x8x16xf32, #tpu.memory_space<hbm>>
        %dma_start3A_596 = arith.constant 0 : i32
        %dma_start3A_597 = arith.constant 0 : i32
        %dma_start3A_598 = arith.constant 0 : i32
        %dma_start3A_599 = tpu.memref_slice %arg9[%dma_start3A_588, %dma_start3A_596, %dma_start3A_597, %dma_start3A_598] : memref<16x2x8x128xf32, #tpu.memory_space<vmem>> -> memref<1x2x8x16xf32, #tpu.memory_space<vmem>>
        %dma_start3A_600 = tpu.memref_squeeze %dma_start3A_599 : memref<1x2x8x16xf32, #tpu.memory_space<vmem>> -> memref<2x8x16xf32, #tpu.memory_space<vmem>>
        %dma_start3A_601 = arith.constant 0 : i32
        %dma_start3A_602 = tpu.memref_slice %arg4[%mul3A_33, %dma_start3A_601, %mul3A_581] : memref<8x8x1000000xf32, #tpu.memory_space<hbm>> -> memref<2x8x16xf32, #tpu.memory_space<hbm>>
        tpu.enqueue_dma source(%dma_start3A_602 : memref<2x8x16xf32, #tpu.memory_space<hbm>>) target(%dma_start3A_600 : memref<2x8x16xf32, #tpu.memory_space<vmem>>) target_semaphore(%arg12 : memref<!tpu.dma_semaphore, #tpu.memory_space<semaphore_mem>>)
        %dma_start3A_603 = arith.constant 13 : i32
        %dma_start3A_604 = arith.constant 0 : i32
        %dma_start3A_605 = arith.constant 0 : i32
        %dma_start3A_606 = arith.constant 0 : i32
        %dma_start3A_607 = tpu.memref_slice %arg10[%dma_start3A_603, %dma_start3A_604, %dma_start3A_605, %dma_start3A_606] : memref<16x2x8x128xf32, #tpu.memory_space<vmem>> -> memref<1x2x8x16xf32, #tpu.memory_space<vmem>>
        %dma_start3A_608 = tpu.memref_squeeze %dma_start3A_607 : memref<1x2x8x16xf32, #tpu.memory_space<vmem>> -> memref<2x8x16xf32, #tpu.memory_space<vmem>>
        %dma_start3A_609 = arith.constant 0 : i32
        %dma_start3A_610 = tpu.memref_slice %arg5[%mul3A_33, %dma_start3A_609, %mul3A_587] : memref<8x8x1000000xf32, #tpu.memory_space<hbm>> -> memref<2x8x16xf32, #tpu.memory_space<hbm>>
        %dma_start3A_611 = arith.constant 0 : i32
        %dma_start3A_612 = arith.constant 0 : i32
        %dma_start3A_613 = arith.constant 0 : i32
        %dma_start3A_614 = tpu.memref_slice %arg10[%dma_start3A_603, %dma_start3A_611, %dma_start3A_612, %dma_start3A_613] : memref<16x2x8x128xf32, #tpu.memory_space<vmem>> -> memref<1x2x8x16xf32, #tpu.memory_space<vmem>>
        %dma_start3A_615 = tpu.memref_squeeze %dma_start3A_614 : memref<1x2x8x16xf32, #tpu.memory_space<vmem>> -> memref<2x8x16xf32, #tpu.memory_space<vmem>>
        %dma_start3A_616 = arith.constant 0 : i32
        %dma_start3A_617 = tpu.memref_slice %arg5[%mul3A_33, %dma_start3A_616, %mul3A_587] : memref<8x8x1000000xf32, #tpu.memory_space<hbm>> -> memref<2x8x16xf32, #tpu.memory_space<hbm>>
        tpu.enqueue_dma source(%dma_start3A_617 : memref<2x8x16xf32, #tpu.memory_space<hbm>>) target(%dma_start3A_615 : memref<2x8x16xf32, #tpu.memory_space<vmem>>) target_semaphore(%arg12 : memref<!tpu.dma_semaphore, #tpu.memory_space<semaphore_mem>>)
        %slice3A_618 = vector.extract_strided_slice %get3A_13 {offsets = [14], sizes = [1], strides = [1]} : vector<16xi32> to vector<1xi32>
        %squeeze3A_619 = vector.extract %slice3A_618[0] : i32 from vector<1xi32>
        %shift_right_arithmetic3A_620 = arith.constant 4 : i32
        %shift_right_arithmetic3A_621 = arith.shrsi %squeeze3A_619, %shift_right_arithmetic3A_620 : i32
        %mul3A_622 = arith.constant 16 : i32
        %mul3A_623 = arith.muli %shift_right_arithmetic3A_621, %mul3A_622 : i32
        %slice3A_624 = vector.extract_strided_slice %get3A_15 {offsets = [14], sizes = [1], strides = [1]} : vector<16xi32> to vector<1xi32>
        %squeeze3A_625 = vector.extract %slice3A_624[0] : i32 from vector<1xi32>
        %shift_right_arithmetic3A_626 = arith.constant 4 : i32
        %shift_right_arithmetic3A_627 = arith.shrsi %squeeze3A_625, %shift_right_arithmetic3A_626 : i32
        %mul3A_628 = arith.constant 16 : i32
        %mul3A_629 = arith.muli %shift_right_arithmetic3A_627, %mul3A_628 : i32
        %dma_start3A_630 = arith.constant 14 : i32
        %dma_start3A_631 = arith.constant 0 : i32
        %dma_start3A_632 = arith.constant 0 : i32
        %dma_start3A_633 = arith.constant 0 : i32
        %dma_start3A_634 = tpu.memref_slice %arg9[%dma_start3A_630, %dma_start3A_631, %dma_start3A_632, %dma_start3A_633] : memref<16x2x8x128xf32, #tpu.memory_space<vmem>> -> memref<1x2x8x16xf32, #tpu.memory_space<vmem>>
        %dma_start3A_635 = tpu.memref_squeeze %dma_start3A_634 : memref<1x2x8x16xf32, #tpu.memory_space<vmem>> -> memref<2x8x16xf32, #tpu.memory_space<vmem>>
        %dma_start3A_636 = arith.constant 0 : i32
        %dma_start3A_637 = tpu.memref_slice %arg4[%mul3A_33, %dma_start3A_636, %mul3A_623] : memref<8x8x1000000xf32, #tpu.memory_space<hbm>> -> memref<2x8x16xf32, #tpu.memory_space<hbm>>
        %dma_start3A_638 = arith.constant 0 : i32
        %dma_start3A_639 = arith.constant 0 : i32
        %dma_start3A_640 = arith.constant 0 : i32
        %dma_start3A_641 = tpu.memref_slice %arg9[%dma_start3A_630, %dma_start3A_638, %dma_start3A_639, %dma_start3A_640] : memref<16x2x8x128xf32, #tpu.memory_space<vmem>> -> memref<1x2x8x16xf32, #tpu.memory_space<vmem>>
        %dma_start3A_642 = tpu.memref_squeeze %dma_start3A_641 : memref<1x2x8x16xf32, #tpu.memory_space<vmem>> -> memref<2x8x16xf32, #tpu.memory_space<vmem>>
        %dma_start3A_643 = arith.constant 0 : i32
        %dma_start3A_644 = tpu.memref_slice %arg4[%mul3A_33, %dma_start3A_643, %mul3A_623] : memref<8x8x1000000xf32, #tpu.memory_space<hbm>> -> memref<2x8x16xf32, #tpu.memory_space<hbm>>
        tpu.enqueue_dma source(%dma_start3A_644 : memref<2x8x16xf32, #tpu.memory_space<hbm>>) target(%dma_start3A_642 : memref<2x8x16xf32, #tpu.memory_space<vmem>>) target_semaphore(%arg12 : memref<!tpu.dma_semaphore, #tpu.memory_space<semaphore_mem>>)
        %dma_start3A_645 = arith.constant 14 : i32
        %dma_start3A_646 = arith.constant 0 : i32
        %dma_start3A_647 = arith.constant 0 : i32
        %dma_start3A_648 = arith.constant 0 : i32
        %dma_start3A_649 = tpu.memref_slice %arg10[%dma_start3A_645, %dma_start3A_646, %dma_start3A_647, %dma_start3A_648] : memref<16x2x8x128xf32, #tpu.memory_space<vmem>> -> memref<1x2x8x16xf32, #tpu.memory_space<vmem>>
        %dma_start3A_650 = tpu.memref_squeeze %dma_start3A_649 : memref<1x2x8x16xf32, #tpu.memory_space<vmem>> -> memref<2x8x16xf32, #tpu.memory_space<vmem>>
        %dma_start3A_651 = arith.constant 0 : i32
        %dma_start3A_652 = tpu.memref_slice %arg5[%mul3A_33, %dma_start3A_651, %mul3A_629] : memref<8x8x1000000xf32, #tpu.memory_space<hbm>> -> memref<2x8x16xf32, #tpu.memory_space<hbm>>
        %dma_start3A_653 = arith.constant 0 : i32
        %dma_start3A_654 = arith.constant 0 : i32
        %dma_start3A_655 = arith.constant 0 : i32
        %dma_start3A_656 = tpu.memref_slice %arg10[%dma_start3A_645, %dma_start3A_653, %dma_start3A_654, %dma_start3A_655] : memref<16x2x8x128xf32, #tpu.memory_space<vmem>> -> memref<1x2x8x16xf32, #tpu.memory_space<vmem>>
        %dma_start3A_657 = tpu.memref_squeeze %dma_start3A_656 : memref<1x2x8x16xf32, #tpu.memory_space<vmem>> -> memref<2x8x16xf32, #tpu.memory_space<vmem>>
        %dma_start3A_658 = arith.constant 0 : i32
        %dma_start3A_659 = tpu.memref_slice %arg5[%mul3A_33, %dma_start3A_658, %mul3A_629] : memref<8x8x1000000xf32, #tpu.memory_space<hbm>> -> memref<2x8x16xf32, #tpu.memory_space<hbm>>
        tpu.enqueue_dma source(%dma_start3A_659 : memref<2x8x16xf32, #tpu.memory_space<hbm>>) target(%dma_start3A_657 : memref<2x8x16xf32, #tpu.memory_space<vmem>>) target_semaphore(%arg12 : memref<!tpu.dma_semaphore, #tpu.memory_space<semaphore_mem>>)
        %slice3A_660 = vector.extract_strided_slice %get3A_13 {offsets = [15], sizes = [1], strides = [1]} : vector<16xi32> to vector<1xi32>
        %squeeze3A_661 = vector.extract %slice3A_660[0] : i32 from vector<1xi32>
        %shift_right_arithmetic3A_662 = arith.constant 4 : i32
        %shift_right_arithmetic3A_663 = arith.shrsi %squeeze3A_661, %shift_right_arithmetic3A_662 : i32
        %mul3A_664 = arith.constant 16 : i32
        %mul3A_665 = arith.muli %shift_right_arithmetic3A_663, %mul3A_664 : i32
        %slice3A_666 = vector.extract_strided_slice %get3A_15 {offsets = [15], sizes = [1], strides = [1]} : vector<16xi32> to vector<1xi32>
        %squeeze3A_667 = vector.extract %slice3A_666[0] : i32 from vector<1xi32>
        %shift_right_arithmetic3A_668 = arith.constant 4 : i32
        %shift_right_arithmetic3A_669 = arith.shrsi %squeeze3A_667, %shift_right_arithmetic3A_668 : i32
        %mul3A_670 = arith.constant 16 : i32
        %mul3A_671 = arith.muli %shift_right_arithmetic3A_669, %mul3A_670 : i32
        %dma_start3A_672 = arith.constant 15 : i32
        %dma_start3A_673 = arith.constant 0 : i32
        %dma_start3A_674 = arith.constant 0 : i32
        %dma_start3A_675 = arith.constant 0 : i32
        %dma_start3A_676 = tpu.memref_slice %arg9[%dma_start3A_672, %dma_start3A_673, %dma_start3A_674, %dma_start3A_675] : memref<16x2x8x128xf32, #tpu.memory_space<vmem>> -> memref<1x2x8x16xf32, #tpu.memory_space<vmem>>
        %dma_start3A_677 = tpu.memref_squeeze %dma_start3A_676 : memref<1x2x8x16xf32, #tpu.memory_space<vmem>> -> memref<2x8x16xf32, #tpu.memory_space<vmem>>
        %dma_start3A_678 = arith.constant 0 : i32
        %dma_start3A_679 = tpu.memref_slice %arg4[%mul3A_33, %dma_start3A_678, %mul3A_665] : memref<8x8x1000000xf32, #tpu.memory_space<hbm>> -> memref<2x8x16xf32, #tpu.memory_space<hbm>>
        %dma_start3A_680 = arith.constant 0 : i32
        %dma_start3A_681 = arith.constant 0 : i32
        %dma_start3A_682 = arith.constant 0 : i32
        %dma_start3A_683 = tpu.memref_slice %arg9[%dma_start3A_672, %dma_start3A_680, %dma_start3A_681, %dma_start3A_682] : memref<16x2x8x128xf32, #tpu.memory_space<vmem>> -> memref<1x2x8x16xf32, #tpu.memory_space<vmem>>
        %dma_start3A_684 = tpu.memref_squeeze %dma_start3A_683 : memref<1x2x8x16xf32, #tpu.memory_space<vmem>> -> memref<2x8x16xf32, #tpu.memory_space<vmem>>
        %dma_start3A_685 = arith.constant 0 : i32
        %dma_start3A_686 = tpu.memref_slice %arg4[%mul3A_33, %dma_start3A_685, %mul3A_665] : memref<8x8x1000000xf32, #tpu.memory_space<hbm>> -> memref<2x8x16xf32, #tpu.memory_space<hbm>>
        tpu.enqueue_dma source(%dma_start3A_686 : memref<2x8x16xf32, #tpu.memory_space<hbm>>) target(%dma_start3A_684 : memref<2x8x16xf32, #tpu.memory_space<vmem>>) target_semaphore(%arg12 : memref<!tpu.dma_semaphore, #tpu.memory_space<semaphore_mem>>)
        %dma_start3A_687 = arith.constant 15 : i32
        %dma_start3A_688 = arith.constant 0 : i32
        %dma_start3A_689 = arith.constant 0 : i32
        %dma_start3A_690 = arith.constant 0 : i32
        %dma_start3A_691 = tpu.memref_slice %arg10[%dma_start3A_687, %dma_start3A_688, %dma_start3A_689, %dma_start3A_690] : memref<16x2x8x128xf32, #tpu.memory_space<vmem>> -> memref<1x2x8x16xf32, #tpu.memory_space<vmem>>
        %dma_start3A_692 = tpu.memref_squeeze %dma_start3A_691 : memref<1x2x8x16xf32, #tpu.memory_space<vmem>> -> memref<2x8x16xf32, #tpu.memory_space<vmem>>
        %dma_start3A_693 = arith.constant 0 : i32
        %dma_start3A_694 = tpu.memref_slice %arg5[%mul3A_33, %dma_start3A_693, %mul3A_671] : memref<8x8x1000000xf32, #tpu.memory_space<hbm>> -> memref<2x8x16xf32, #tpu.memory_space<hbm>>
        %dma_start3A_695 = arith.constant 0 : i32
        %dma_start3A_696 = arith.constant 0 : i32
        %dma_start3A_697 = arith.constant 0 : i32
        %dma_start3A_698 = tpu.memref_slice %arg10[%dma_start3A_687, %dma_start3A_695, %dma_start3A_696, %dma_start3A_697] : memref<16x2x8x128xf32, #tpu.memory_space<vmem>> -> memref<1x2x8x16xf32, #tpu.memory_space<vmem>>
        %dma_start3A_699 = tpu.memref_squeeze %dma_start3A_698 : memref<1x2x8x16xf32, #tpu.memory_space<vmem>> -> memref<2x8x16xf32, #tpu.memory_space<vmem>>
        %dma_start3A_700 = arith.constant 0 : i32
        %dma_start3A_701 = tpu.memref_slice %arg5[%mul3A_33, %dma_start3A_700, %mul3A_671] : memref<8x8x1000000xf32, #tpu.memory_space<hbm>> -> memref<2x8x16xf32, #tpu.memory_space<hbm>>
        tpu.enqueue_dma source(%dma_start3A_701 : memref<2x8x16xf32, #tpu.memory_space<hbm>>) target(%dma_start3A_699 : memref<2x8x16xf32, #tpu.memory_space<vmem>>) target_semaphore(%arg12 : memref<!tpu.dma_semaphore, #tpu.memory_space<semaphore_mem>>)
        %dma_wait3A = arith.constant 0 : i32
        %dma_wait3A_702 = arith.constant 0 : i32
        %dma_wait3A_703 = arith.constant 0 : i32
        %dma_wait3A_704 = arith.constant 0 : i32
        %dma_wait3A_705 = tpu.memref_slice %arg9[%dma_wait3A, %dma_wait3A_702, %dma_wait3A_703, %dma_wait3A_704] : memref<16x2x8x128xf32, #tpu.memory_space<vmem>> -> memref<1x2x8x16xf32, #tpu.memory_space<vmem>>
        %dma_wait3A_706 = tpu.memref_squeeze %dma_wait3A_705 : memref<1x2x8x16xf32, #tpu.memory_space<vmem>> -> memref<2x8x16xf32, #tpu.memory_space<vmem>>
        %dma_wait3A_707 = arith.constant 0 : i32
        %dma_wait3A_708 = arith.constant 0 : i32
        %dma_wait3A_709 = arith.constant 0 : i32
        %dma_wait3A_710 = tpu.memref_slice %arg4[%dma_wait3A_707, %dma_wait3A_708, %dma_wait3A_709] : memref<8x8x1000000xf32, #tpu.memory_space<hbm>> -> memref<2x8x16xf32, #tpu.memory_space<hbm>>
        %dma_wait3A_711 = arith.constant 0 : i32
        %dma_wait3A_712 = arith.constant 0 : i32
        %dma_wait3A_713 = arith.constant 0 : i32
        %dma_wait3A_714 = tpu.memref_slice %arg9[%dma_wait3A, %dma_wait3A_711, %dma_wait3A_712, %dma_wait3A_713] : memref<16x2x8x128xf32, #tpu.memory_space<vmem>> -> memref<1x2x8x16xf32, #tpu.memory_space<vmem>>
        %dma_wait3A_715 = tpu.memref_squeeze %dma_wait3A_714 : memref<1x2x8x16xf32, #tpu.memory_space<vmem>> -> memref<2x8x16xf32, #tpu.memory_space<vmem>>
        %dma_wait3A_716 = arith.constant 0 : i32
        %dma_wait3A_717 = arith.constant 0 : i32
        %dma_wait3A_718 = arith.constant 0 : i32
        %dma_wait3A_719 = tpu.memref_slice %arg4[%dma_wait3A_716, %dma_wait3A_717, %dma_wait3A_718] : memref<8x8x1000000xf32, #tpu.memory_space<hbm>> -> memref<2x8x16xf32, #tpu.memory_space<hbm>>
        tpu.wait_dma2 semaphore(%arg12 : memref<!tpu.dma_semaphore, #tpu.memory_space<semaphore_mem>>) src(%dma_wait3A_719 : memref<2x8x16xf32, #tpu.memory_space<hbm>>) dst(%dma_wait3A_715 : memref<2x8x16xf32, #tpu.memory_space<vmem>>)
        %dma_wait3A_720 = arith.constant 0 : i32
        %dma_wait3A_721 = arith.constant 0 : i32
        %dma_wait3A_722 = arith.constant 0 : i32
        %dma_wait3A_723 = arith.constant 0 : i32
        %dma_wait3A_724 = tpu.memref_slice %arg10[%dma_wait3A_720, %dma_wait3A_721, %dma_wait3A_722, %dma_wait3A_723] : memref<16x2x8x128xf32, #tpu.memory_space<vmem>> -> memref<1x2x8x16xf32, #tpu.memory_space<vmem>>
        %dma_wait3A_725 = tpu.memref_squeeze %dma_wait3A_724 : memref<1x2x8x16xf32, #tpu.memory_space<vmem>> -> memref<2x8x16xf32, #tpu.memory_space<vmem>>
        %dma_wait3A_726 = arith.constant 0 : i32
        %dma_wait3A_727 = arith.constant 0 : i32
        %dma_wait3A_728 = arith.constant 0 : i32
        %dma_wait3A_729 = tpu.memref_slice %arg4[%dma_wait3A_726, %dma_wait3A_727, %dma_wait3A_728] : memref<8x8x1000000xf32, #tpu.memory_space<hbm>> -> memref<2x8x16xf32, #tpu.memory_space<hbm>>
        %dma_wait3A_730 = arith.constant 0 : i32
        %dma_wait3A_731 = arith.constant 0 : i32
        %dma_wait3A_732 = arith.constant 0 : i32
        %dma_wait3A_733 = tpu.memref_slice %arg10[%dma_wait3A_720, %dma_wait3A_730, %dma_wait3A_731, %dma_wait3A_732] : memref<16x2x8x128xf32, #tpu.memory_space<vmem>> -> memref<1x2x8x16xf32, #tpu.memory_space<vmem>>
        %dma_wait3A_734 = tpu.memref_squeeze %dma_wait3A_733 : memref<1x2x8x16xf32, #tpu.memory_space<vmem>> -> memref<2x8x16xf32, #tpu.memory_space<vmem>>
        %dma_wait3A_735 = arith.constant 0 : i32
        %dma_wait3A_736 = arith.constant 0 : i32
        %dma_wait3A_737 = arith.constant 0 : i32
        %dma_wait3A_738 = tpu.memref_slice %arg4[%dma_wait3A_735, %dma_wait3A_736, %dma_wait3A_737] : memref<8x8x1000000xf32, #tpu.memory_space<hbm>> -> memref<2x8x16xf32, #tpu.memory_space<hbm>>
        tpu.wait_dma2 semaphore(%arg12 : memref<!tpu.dma_semaphore, #tpu.memory_space<semaphore_mem>>) src(%dma_wait3A_738 : memref<2x8x16xf32, #tpu.memory_space<hbm>>) dst(%dma_wait3A_734 : memref<2x8x16xf32, #tpu.memory_space<vmem>>)
        %dma_wait3A_739 = arith.constant 1 : i32
        %dma_wait3A_740 = arith.constant 0 : i32
        %dma_wait3A_741 = arith.constant 0 : i32
        %dma_wait3A_742 = arith.constant 0 : i32
        %dma_wait3A_743 = tpu.memref_slice %arg9[%dma_wait3A_739, %dma_wait3A_740, %dma_wait3A_741, %dma_wait3A_742] : memref<16x2x8x128xf32, #tpu.memory_space<vmem>> -> memref<1x2x8x16xf32, #tpu.memory_space<vmem>>
        %dma_wait3A_744 = tpu.memref_squeeze %dma_wait3A_743 : memref<1x2x8x16xf32, #tpu.memory_space<vmem>> -> memref<2x8x16xf32, #tpu.memory_space<vmem>>
        %dma_wait3A_745 = arith.constant 0 : i32
        %dma_wait3A_746 = arith.constant 0 : i32
        %dma_wait3A_747 = arith.constant 0 : i32
        %dma_wait3A_748 = tpu.memref_slice %arg4[%dma_wait3A_745, %dma_wait3A_746, %dma_wait3A_747] : memref<8x8x1000000xf32, #tpu.memory_space<hbm>> -> memref<2x8x16xf32, #tpu.memory_space<hbm>>
        %dma_wait3A_749 = arith.constant 0 : i32
        %dma_wait3A_750 = arith.constant 0 : i32
        %dma_wait3A_751 = arith.constant 0 : i32
        %dma_wait3A_752 = tpu.memref_slice %arg9[%dma_wait3A_739, %dma_wait3A_749, %dma_wait3A_750, %dma_wait3A_751] : memref<16x2x8x128xf32, #tpu.memory_space<vmem>> -> memref<1x2x8x16xf32, #tpu.memory_space<vmem>>
        %dma_wait3A_753 = tpu.memref_squeeze %dma_wait3A_752 : memref<1x2x8x16xf32, #tpu.memory_space<vmem>> -> memref<2x8x16xf32, #tpu.memory_space<vmem>>
        %dma_wait3A_754 = arith.constant 0 : i32
        %dma_wait3A_755 = arith.constant 0 : i32
        %dma_wait3A_756 = arith.constant 0 : i32
        %dma_wait3A_757 = tpu.memref_slice %arg4[%dma_wait3A_754, %dma_wait3A_755, %dma_wait3A_756] : memref<8x8x1000000xf32, #tpu.memory_space<hbm>> -> memref<2x8x16xf32, #tpu.memory_space<hbm>>
        tpu.wait_dma2 semaphore(%arg12 : memref<!tpu.dma_semaphore, #tpu.memory_space<semaphore_mem>>) src(%dma_wait3A_757 : memref<2x8x16xf32, #tpu.memory_space<hbm>>) dst(%dma_wait3A_753 : memref<2x8x16xf32, #tpu.memory_space<vmem>>)
        %dma_wait3A_758 = arith.constant 1 : i32
        %dma_wait3A_759 = arith.constant 0 : i32
        %dma_wait3A_760 = arith.constant 0 : i32
        %dma_wait3A_761 = arith.constant 0 : i32
        %dma_wait3A_762 = tpu.memref_slice %arg10[%dma_wait3A_758, %dma_wait3A_759, %dma_wait3A_760, %dma_wait3A_761] : memref<16x2x8x128xf32, #tpu.memory_space<vmem>> -> memref<1x2x8x16xf32, #tpu.memory_space<vmem>>
        %dma_wait3A_763 = tpu.memref_squeeze %dma_wait3A_762 : memref<1x2x8x16xf32, #tpu.memory_space<vmem>> -> memref<2x8x16xf32, #tpu.memory_space<vmem>>
        %dma_wait3A_764 = arith.constant 0 : i32
        %dma_wait3A_765 = arith.constant 0 : i32
        %dma_wait3A_766 = arith.constant 0 : i32
        %dma_wait3A_767 = tpu.memref_slice %arg4[%dma_wait3A_764, %dma_wait3A_765, %dma_wait3A_766] : memref<8x8x1000000xf32, #tpu.memory_space<hbm>> -> memref<2x8x16xf32, #tpu.memory_space<hbm>>
        %dma_wait3A_768 = arith.constant 0 : i32
        %dma_wait3A_769 = arith.constant 0 : i32
        %dma_wait3A_770 = arith.constant 0 : i32
        %dma_wait3A_771 = tpu.memref_slice %arg10[%dma_wait3A_758, %dma_wait3A_768, %dma_wait3A_769, %dma_wait3A_770] : memref<16x2x8x128xf32, #tpu.memory_space<vmem>> -> memref<1x2x8x16xf32, #tpu.memory_space<vmem>>
        %dma_wait3A_772 = tpu.memref_squeeze %dma_wait3A_771 : memref<1x2x8x16xf32, #tpu.memory_space<vmem>> -> memref<2x8x16xf32, #tpu.memory_space<vmem>>
        %dma_wait3A_773 = arith.constant 0 : i32
        %dma_wait3A_774 = arith.constant 0 : i32
        %dma_wait3A_775 = arith.constant 0 : i32
        %dma_wait3A_776 = tpu.memref_slice %arg4[%dma_wait3A_773, %dma_wait3A_774, %dma_wait3A_775] : memref<8x8x1000000xf32, #tpu.memory_space<hbm>> -> memref<2x8x16xf32, #tpu.memory_space<hbm>>
        tpu.wait_dma2 semaphore(%arg12 : memref<!tpu.dma_semaphore, #tpu.memory_space<semaphore_mem>>) src(%dma_wait3A_776 : memref<2x8x16xf32, #tpu.memory_space<hbm>>) dst(%dma_wait3A_772 : memref<2x8x16xf32, #tpu.memory_space<vmem>>)
        %dma_wait3A_777 = arith.constant 2 : i32
        %dma_wait3A_778 = arith.constant 0 : i32
        %dma_wait3A_779 = arith.constant 0 : i32
        %dma_wait3A_780 = arith.constant 0 : i32
        %dma_wait3A_781 = tpu.memref_slice %arg9[%dma_wait3A_777, %dma_wait3A_778, %dma_wait3A_779, %dma_wait3A_780] : memref<16x2x8x128xf32, #tpu.memory_space<vmem>> -> memref<1x2x8x16xf32, #tpu.memory_space<vmem>>
        %dma_wait3A_782 = tpu.memref_squeeze %dma_wait3A_781 : memref<1x2x8x16xf32, #tpu.memory_space<vmem>> -> memref<2x8x16xf32, #tpu.memory_space<vmem>>
        %dma_wait3A_783 = arith.constant 0 : i32
        %dma_wait3A_784 = arith.constant 0 : i32
        %dma_wait3A_785 = arith.constant 0 : i32
        %dma_wait3A_786 = tpu.memref_slice %arg4[%dma_wait3A_783, %dma_wait3A_784, %dma_wait3A_785] : memref<8x8x1000000xf32, #tpu.memory_space<hbm>> -> memref<2x8x16xf32, #tpu.memory_space<hbm>>
        %dma_wait3A_787 = arith.constant 0 : i32
        %dma_wait3A_788 = arith.constant 0 : i32
        %dma_wait3A_789 = arith.constant 0 : i32
        %dma_wait3A_790 = tpu.memref_slice %arg9[%dma_wait3A_777, %dma_wait3A_787, %dma_wait3A_788, %dma_wait3A_789] : memref<16x2x8x128xf32, #tpu.memory_space<vmem>> -> memref<1x2x8x16xf32, #tpu.memory_space<vmem>>
        %dma_wait3A_791 = tpu.memref_squeeze %dma_wait3A_790 : memref<1x2x8x16xf32, #tpu.memory_space<vmem>> -> memref<2x8x16xf32, #tpu.memory_space<vmem>>
        %dma_wait3A_792 = arith.constant 0 : i32
        %dma_wait3A_793 = arith.constant 0 : i32
        %dma_wait3A_794 = arith.constant 0 : i32
        %dma_wait3A_795 = tpu.memref_slice %arg4[%dma_wait3A_792, %dma_wait3A_793, %dma_wait3A_794] : memref<8x8x1000000xf32, #tpu.memory_space<hbm>> -> memref<2x8x16xf32, #tpu.memory_space<hbm>>
        tpu.wait_dma2 semaphore(%arg12 : memref<!tpu.dma_semaphore, #tpu.memory_space<semaphore_mem>>) src(%dma_wait3A_795 : memref<2x8x16xf32, #tpu.memory_space<hbm>>) dst(%dma_wait3A_791 : memref<2x8x16xf32, #tpu.memory_space<vmem>>)
        %dma_wait3A_796 = arith.constant 2 : i32
        %dma_wait3A_797 = arith.constant 0 : i32
        %dma_wait3A_798 = arith.constant 0 : i32
        %dma_wait3A_799 = arith.constant 0 : i32
        %dma_wait3A_800 = tpu.memref_slice %arg10[%dma_wait3A_796, %dma_wait3A_797, %dma_wait3A_798, %dma_wait3A_799] : memref<16x2x8x128xf32, #tpu.memory_space<vmem>> -> memref<1x2x8x16xf32, #tpu.memory_space<vmem>>
        %dma_wait3A_801 = tpu.memref_squeeze %dma_wait3A_800 : memref<1x2x8x16xf32, #tpu.memory_space<vmem>> -> memref<2x8x16xf32, #tpu.memory_space<vmem>>
        %dma_wait3A_802 = arith.constant 0 : i32
        %dma_wait3A_803 = arith.constant 0 : i32
        %dma_wait3A_804 = arith.constant 0 : i32
        %dma_wait3A_805 = tpu.memref_slice %arg4[%dma_wait3A_802, %dma_wait3A_803, %dma_wait3A_804] : memref<8x8x1000000xf32, #tpu.memory_space<hbm>> -> memref<2x8x16xf32, #tpu.memory_space<hbm>>
        %dma_wait3A_806 = arith.constant 0 : i32
        %dma_wait3A_807 = arith.constant 0 : i32
        %dma_wait3A_808 = arith.constant 0 : i32
        %dma_wait3A_809 = tpu.memref_slice %arg10[%dma_wait3A_796, %dma_wait3A_806, %dma_wait3A_807, %dma_wait3A_808] : memref<16x2x8x128xf32, #tpu.memory_space<vmem>> -> memref<1x2x8x16xf32, #tpu.memory_space<vmem>>
        %dma_wait3A_810 = tpu.memref_squeeze %dma_wait3A_809 : memref<1x2x8x16xf32, #tpu.memory_space<vmem>> -> memref<2x8x16xf32, #tpu.memory_space<vmem>>
        %dma_wait3A_811 = arith.constant 0 : i32
        %dma_wait3A_812 = arith.constant 0 : i32
        %dma_wait3A_813 = arith.constant 0 : i32
        %dma_wait3A_814 = tpu.memref_slice %arg4[%dma_wait3A_811, %dma_wait3A_812, %dma_wait3A_813] : memref<8x8x1000000xf32, #tpu.memory_space<hbm>> -> memref<2x8x16xf32, #tpu.memory_space<hbm>>
        tpu.wait_dma2 semaphore(%arg12 : memref<!tpu.dma_semaphore, #tpu.memory_space<semaphore_mem>>) src(%dma_wait3A_814 : memref<2x8x16xf32, #tpu.memory_space<hbm>>) dst(%dma_wait3A_810 : memref<2x8x16xf32, #tpu.memory_space<vmem>>)
        %dma_wait3A_815 = arith.constant 3 : i32
        %dma_wait3A_816 = arith.constant 0 : i32
        %dma_wait3A_817 = arith.constant 0 : i32
        %dma_wait3A_818 = arith.constant 0 : i32
        %dma_wait3A_819 = tpu.memref_slice %arg9[%dma_wait3A_815, %dma_wait3A_816, %dma_wait3A_817, %dma_wait3A_818] : memref<16x2x8x128xf32, #tpu.memory_space<vmem>> -> memref<1x2x8x16xf32, #tpu.memory_space<vmem>>
        %dma_wait3A_820 = tpu.memref_squeeze %dma_wait3A_819 : memref<1x2x8x16xf32, #tpu.memory_space<vmem>> -> memref<2x8x16xf32, #tpu.memory_space<vmem>>
        %dma_wait3A_821 = arith.constant 0 : i32
        %dma_wait3A_822 = arith.constant 0 : i32
        %dma_wait3A_823 = arith.constant 0 : i32
        %dma_wait3A_824 = tpu.memref_slice %arg4[%dma_wait3A_821, %dma_wait3A_822, %dma_wait3A_823] : memref<8x8x1000000xf32, #tpu.memory_space<hbm>> -> memref<2x8x16xf32, #tpu.memory_space<hbm>>
        %dma_wait3A_825 = arith.constant 0 : i32
        %dma_wait3A_826 = arith.constant 0 : i32
        %dma_wait3A_827 = arith.constant 0 : i32
        %dma_wait3A_828 = tpu.memref_slice %arg9[%dma_wait3A_815, %dma_wait3A_825, %dma_wait3A_826, %dma_wait3A_827] : memref<16x2x8x128xf32, #tpu.memory_space<vmem>> -> memref<1x2x8x16xf32, #tpu.memory_space<vmem>>
        %dma_wait3A_829 = tpu.memref_squeeze %dma_wait3A_828 : memref<1x2x8x16xf32, #tpu.memory_space<vmem>> -> memref<2x8x16xf32, #tpu.memory_space<vmem>>
        %dma_wait3A_830 = arith.constant 0 : i32
        %dma_wait3A_831 = arith.constant 0 : i32
        %dma_wait3A_832 = arith.constant 0 : i32
        %dma_wait3A_833 = tpu.memref_slice %arg4[%dma_wait3A_830, %dma_wait3A_831, %dma_wait3A_832] : memref<8x8x1000000xf32, #tpu.memory_space<hbm>> -> memref<2x8x16xf32, #tpu.memory_space<hbm>>
        tpu.wait_dma2 semaphore(%arg12 : memref<!tpu.dma_semaphore, #tpu.memory_space<semaphore_mem>>) src(%dma_wait3A_833 : memref<2x8x16xf32, #tpu.memory_space<hbm>>) dst(%dma_wait3A_829 : memref<2x8x16xf32, #tpu.memory_space<vmem>>)
        %dma_wait3A_834 = arith.constant 3 : i32
        %dma_wait3A_835 = arith.constant 0 : i32
        %dma_wait3A_836 = arith.constant 0 : i32
        %dma_wait3A_837 = arith.constant 0 : i32
        %dma_wait3A_838 = tpu.memref_slice %arg10[%dma_wait3A_834, %dma_wait3A_835, %dma_wait3A_836, %dma_wait3A_837] : memref<16x2x8x128xf32, #tpu.memory_space<vmem>> -> memref<1x2x8x16xf32, #tpu.memory_space<vmem>>
        %dma_wait3A_839 = tpu.memref_squeeze %dma_wait3A_838 : memref<1x2x8x16xf32, #tpu.memory_space<vmem>> -> memref<2x8x16xf32, #tpu.memory_space<vmem>>
        %dma_wait3A_840 = arith.constant 0 : i32
        %dma_wait3A_841 = arith.constant 0 : i32
        %dma_wait3A_842 = arith.constant 0 : i32
        %dma_wait3A_843 = tpu.memref_slice %arg4[%dma_wait3A_840, %dma_wait3A_841, %dma_wait3A_842] : memref<8x8x1000000xf32, #tpu.memory_space<hbm>> -> memref<2x8x16xf32, #tpu.memory_space<hbm>>
        %dma_wait3A_844 = arith.constant 0 : i32
        %dma_wait3A_845 = arith.constant 0 : i32
        %dma_wait3A_846 = arith.constant 0 : i32
        %dma_wait3A_847 = tpu.memref_slice %arg10[%dma_wait3A_834, %dma_wait3A_844, %dma_wait3A_845, %dma_wait3A_846] : memref<16x2x8x128xf32, #tpu.memory_space<vmem>> -> memref<1x2x8x16xf32, #tpu.memory_space<vmem>>
        %dma_wait3A_848 = tpu.memref_squeeze %dma_wait3A_847 : memref<1x2x8x16xf32, #tpu.memory_space<vmem>> -> memref<2x8x16xf32, #tpu.memory_space<vmem>>
        %dma_wait3A_849 = arith.constant 0 : i32
        %dma_wait3A_850 = arith.constant 0 : i32
        %dma_wait3A_851 = arith.constant 0 : i32
        %dma_wait3A_852 = tpu.memref_slice %arg4[%dma_wait3A_849, %dma_wait3A_850, %dma_wait3A_851] : memref<8x8x1000000xf32, #tpu.memory_space<hbm>> -> memref<2x8x16xf32, #tpu.memory_space<hbm>>
        tpu.wait_dma2 semaphore(%arg12 : memref<!tpu.dma_semaphore, #tpu.memory_space<semaphore_mem>>) src(%dma_wait3A_852 : memref<2x8x16xf32, #tpu.memory_space<hbm>>) dst(%dma_wait3A_848 : memref<2x8x16xf32, #tpu.memory_space<vmem>>)
        %dma_wait3A_853 = arith.constant 4 : i32
        %dma_wait3A_854 = arith.constant 0 : i32
        %dma_wait3A_855 = arith.constant 0 : i32
        %dma_wait3A_856 = arith.constant 0 : i32
        %dma_wait3A_857 = tpu.memref_slice %arg9[%dma_wait3A_853, %dma_wait3A_854, %dma_wait3A_855, %dma_wait3A_856] : memref<16x2x8x128xf32, #tpu.memory_space<vmem>> -> memref<1x2x8x16xf32, #tpu.memory_space<vmem>>
        %dma_wait3A_858 = tpu.memref_squeeze %dma_wait3A_857 : memref<1x2x8x16xf32, #tpu.memory_space<vmem>> -> memref<2x8x16xf32, #tpu.memory_space<vmem>>
        %dma_wait3A_859 = arith.constant 0 : i32
        %dma_wait3A_860 = arith.constant 0 : i32
        %dma_wait3A_861 = arith.constant 0 : i32
        %dma_wait3A_862 = tpu.memref_slice %arg4[%dma_wait3A_859, %dma_wait3A_860, %dma_wait3A_861] : memref<8x8x1000000xf32, #tpu.memory_space<hbm>> -> memref<2x8x16xf32, #tpu.memory_space<hbm>>
        %dma_wait3A_863 = arith.constant 0 : i32
        %dma_wait3A_864 = arith.constant 0 : i32
        %dma_wait3A_865 = arith.constant 0 : i32
        %dma_wait3A_866 = tpu.memref_slice %arg9[%dma_wait3A_853, %dma_wait3A_863, %dma_wait3A_864, %dma_wait3A_865] : memref<16x2x8x128xf32, #tpu.memory_space<vmem>> -> memref<1x2x8x16xf32, #tpu.memory_space<vmem>>
        %dma_wait3A_867 = tpu.memref_squeeze %dma_wait3A_866 : memref<1x2x8x16xf32, #tpu.memory_space<vmem>> -> memref<2x8x16xf32, #tpu.memory_space<vmem>>
        %dma_wait3A_868 = arith.constant 0 : i32
        %dma_wait3A_869 = arith.constant 0 : i32
        %dma_wait3A_870 = arith.constant 0 : i32
        %dma_wait3A_871 = tpu.memref_slice %arg4[%dma_wait3A_868, %dma_wait3A_869, %dma_wait3A_870] : memref<8x8x1000000xf32, #tpu.memory_space<hbm>> -> memref<2x8x16xf32, #tpu.memory_space<hbm>>
        tpu.wait_dma2 semaphore(%arg12 : memref<!tpu.dma_semaphore, #tpu.memory_space<semaphore_mem>>) src(%dma_wait3A_871 : memref<2x8x16xf32, #tpu.memory_space<hbm>>) dst(%dma_wait3A_867 : memref<2x8x16xf32, #tpu.memory_space<vmem>>)
        %dma_wait3A_872 = arith.constant 4 : i32
        %dma_wait3A_873 = arith.constant 0 : i32
        %dma_wait3A_874 = arith.constant 0 : i32
        %dma_wait3A_875 = arith.constant 0 : i32
        %dma_wait3A_876 = tpu.memref_slice %arg10[%dma_wait3A_872, %dma_wait3A_873, %dma_wait3A_874, %dma_wait3A_875] : memref<16x2x8x128xf32, #tpu.memory_space<vmem>> -> memref<1x2x8x16xf32, #tpu.memory_space<vmem>>
        %dma_wait3A_877 = tpu.memref_squeeze %dma_wait3A_876 : memref<1x2x8x16xf32, #tpu.memory_space<vmem>> -> memref<2x8x16xf32, #tpu.memory_space<vmem>>
        %dma_wait3A_878 = arith.constant 0 : i32
        %dma_wait3A_879 = arith.constant 0 : i32
        %dma_wait3A_880 = arith.constant 0 : i32
        %dma_wait3A_881 = tpu.memref_slice %arg4[%dma_wait3A_878, %dma_wait3A_879, %dma_wait3A_880] : memref<8x8x1000000xf32, #tpu.memory_space<hbm>> -> memref<2x8x16xf32, #tpu.memory_space<hbm>>
        %dma_wait3A_882 = arith.constant 0 : i32
        %dma_wait3A_883 = arith.constant 0 : i32
        %dma_wait3A_884 = arith.constant 0 : i32
        %dma_wait3A_885 = tpu.memref_slice %arg10[%dma_wait3A_872, %dma_wait3A_882, %dma_wait3A_883, %dma_wait3A_884] : memref<16x2x8x128xf32, #tpu.memory_space<vmem>> -> memref<1x2x8x16xf32, #tpu.memory_space<vmem>>
        %dma_wait3A_886 = tpu.memref_squeeze %dma_wait3A_885 : memref<1x2x8x16xf32, #tpu.memory_space<vmem>> -> memref<2x8x16xf32, #tpu.memory_space<vmem>>
        %dma_wait3A_887 = arith.constant 0 : i32
        %dma_wait3A_888 = arith.constant 0 : i32
        %dma_wait3A_889 = arith.constant 0 : i32
        %dma_wait3A_890 = tpu.memref_slice %arg4[%dma_wait3A_887, %dma_wait3A_888, %dma_wait3A_889] : memref<8x8x1000000xf32, #tpu.memory_space<hbm>> -> memref<2x8x16xf32, #tpu.memory_space<hbm>>
        tpu.wait_dma2 semaphore(%arg12 : memref<!tpu.dma_semaphore, #tpu.memory_space<semaphore_mem>>) src(%dma_wait3A_890 : memref<2x8x16xf32, #tpu.memory_space<hbm>>) dst(%dma_wait3A_886 : memref<2x8x16xf32, #tpu.memory_space<vmem>>)
        %dma_wait3A_891 = arith.constant 5 : i32
        %dma_wait3A_892 = arith.constant 0 : i32
        %dma_wait3A_893 = arith.constant 0 : i32
        %dma_wait3A_894 = arith.constant 0 : i32
        %dma_wait3A_895 = tpu.memref_slice %arg9[%dma_wait3A_891, %dma_wait3A_892, %dma_wait3A_893, %dma_wait3A_894] : memref<16x2x8x128xf32, #tpu.memory_space<vmem>> -> memref<1x2x8x16xf32, #tpu.memory_space<vmem>>
        %dma_wait3A_896 = tpu.memref_squeeze %dma_wait3A_895 : memref<1x2x8x16xf32, #tpu.memory_space<vmem>> -> memref<2x8x16xf32, #tpu.memory_space<vmem>>
        %dma_wait3A_897 = arith.constant 0 : i32
        %dma_wait3A_898 = arith.constant 0 : i32
        %dma_wait3A_899 = arith.constant 0 : i32
        %dma_wait3A_900 = tpu.memref_slice %arg4[%dma_wait3A_897, %dma_wait3A_898, %dma_wait3A_899] : memref<8x8x1000000xf32, #tpu.memory_space<hbm>> -> memref<2x8x16xf32, #tpu.memory_space<hbm>>
        %dma_wait3A_901 = arith.constant 0 : i32
        %dma_wait3A_902 = arith.constant 0 : i32
        %dma_wait3A_903 = arith.constant 0 : i32
        %dma_wait3A_904 = tpu.memref_slice %arg9[%dma_wait3A_891, %dma_wait3A_901, %dma_wait3A_902, %dma_wait3A_903] : memref<16x2x8x128xf32, #tpu.memory_space<vmem>> -> memref<1x2x8x16xf32, #tpu.memory_space<vmem>>
        %dma_wait3A_905 = tpu.memref_squeeze %dma_wait3A_904 : memref<1x2x8x16xf32, #tpu.memory_space<vmem>> -> memref<2x8x16xf32, #tpu.memory_space<vmem>>
        %dma_wait3A_906 = arith.constant 0 : i32
        %dma_wait3A_907 = arith.constant 0 : i32
        %dma_wait3A_908 = arith.constant 0 : i32
        %dma_wait3A_909 = tpu.memref_slice %arg4[%dma_wait3A_906, %dma_wait3A_907, %dma_wait3A_908] : memref<8x8x1000000xf32, #tpu.memory_space<hbm>> -> memref<2x8x16xf32, #tpu.memory_space<hbm>>
        tpu.wait_dma2 semaphore(%arg12 : memref<!tpu.dma_semaphore, #tpu.memory_space<semaphore_mem>>) src(%dma_wait3A_909 : memref<2x8x16xf32, #tpu.memory_space<hbm>>) dst(%dma_wait3A_905 : memref<2x8x16xf32, #tpu.memory_space<vmem>>)
        %dma_wait3A_910 = arith.constant 5 : i32
        %dma_wait3A_911 = arith.constant 0 : i32
        %dma_wait3A_912 = arith.constant 0 : i32
        %dma_wait3A_913 = arith.constant 0 : i32
        %dma_wait3A_914 = tpu.memref_slice %arg10[%dma_wait3A_910, %dma_wait3A_911, %dma_wait3A_912, %dma_wait3A_913] : memref<16x2x8x128xf32, #tpu.memory_space<vmem>> -> memref<1x2x8x16xf32, #tpu.memory_space<vmem>>
        %dma_wait3A_915 = tpu.memref_squeeze %dma_wait3A_914 : memref<1x2x8x16xf32, #tpu.memory_space<vmem>> -> memref<2x8x16xf32, #tpu.memory_space<vmem>>
        %dma_wait3A_916 = arith.constant 0 : i32
        %dma_wait3A_917 = arith.constant 0 : i32
        %dma_wait3A_918 = arith.constant 0 : i32
        %dma_wait3A_919 = tpu.memref_slice %arg4[%dma_wait3A_916, %dma_wait3A_917, %dma_wait3A_918] : memref<8x8x1000000xf32, #tpu.memory_space<hbm>> -> memref<2x8x16xf32, #tpu.memory_space<hbm>>
        %dma_wait3A_920 = arith.constant 0 : i32
        %dma_wait3A_921 = arith.constant 0 : i32
        %dma_wait3A_922 = arith.constant 0 : i32
        %dma_wait3A_923 = tpu.memref_slice %arg10[%dma_wait3A_910, %dma_wait3A_920, %dma_wait3A_921, %dma_wait3A_922] : memref<16x2x8x128xf32, #tpu.memory_space<vmem>> -> memref<1x2x8x16xf32, #tpu.memory_space<vmem>>
        %dma_wait3A_924 = tpu.memref_squeeze %dma_wait3A_923 : memref<1x2x8x16xf32, #tpu.memory_space<vmem>> -> memref<2x8x16xf32, #tpu.memory_space<vmem>>
        %dma_wait3A_925 = arith.constant 0 : i32
        %dma_wait3A_926 = arith.constant 0 : i32
        %dma_wait3A_927 = arith.constant 0 : i32
        %dma_wait3A_928 = tpu.memref_slice %arg4[%dma_wait3A_925, %dma_wait3A_926, %dma_wait3A_927] : memref<8x8x1000000xf32, #tpu.memory_space<hbm>> -> memref<2x8x16xf32, #tpu.memory_space<hbm>>
        tpu.wait_dma2 semaphore(%arg12 : memref<!tpu.dma_semaphore, #tpu.memory_space<semaphore_mem>>) src(%dma_wait3A_928 : memref<2x8x16xf32, #tpu.memory_space<hbm>>) dst(%dma_wait3A_924 : memref<2x8x16xf32, #tpu.memory_space<vmem>>)
        %dma_wait3A_929 = arith.constant 6 : i32
        %dma_wait3A_930 = arith.constant 0 : i32
        %dma_wait3A_931 = arith.constant 0 : i32
        %dma_wait3A_932 = arith.constant 0 : i32
        %dma_wait3A_933 = tpu.memref_slice %arg9[%dma_wait3A_929, %dma_wait3A_930, %dma_wait3A_931, %dma_wait3A_932] : memref<16x2x8x128xf32, #tpu.memory_space<vmem>> -> memref<1x2x8x16xf32, #tpu.memory_space<vmem>>
        %dma_wait3A_934 = tpu.memref_squeeze %dma_wait3A_933 : memref<1x2x8x16xf32, #tpu.memory_space<vmem>> -> memref<2x8x16xf32, #tpu.memory_space<vmem>>
        %dma_wait3A_935 = arith.constant 0 : i32
        %dma_wait3A_936 = arith.constant 0 : i32
        %dma_wait3A_937 = arith.constant 0 : i32
        %dma_wait3A_938 = tpu.memref_slice %arg4[%dma_wait3A_935, %dma_wait3A_936, %dma_wait3A_937] : memref<8x8x1000000xf32, #tpu.memory_space<hbm>> -> memref<2x8x16xf32, #tpu.memory_space<hbm>>
        %dma_wait3A_939 = arith.constant 0 : i32
        %dma_wait3A_940 = arith.constant 0 : i32
        %dma_wait3A_941 = arith.constant 0 : i32
        %dma_wait3A_942 = tpu.memref_slice %arg9[%dma_wait3A_929, %dma_wait3A_939, %dma_wait3A_940, %dma_wait3A_941] : memref<16x2x8x128xf32, #tpu.memory_space<vmem>> -> memref<1x2x8x16xf32, #tpu.memory_space<vmem>>
        %dma_wait3A_943 = tpu.memref_squeeze %dma_wait3A_942 : memref<1x2x8x16xf32, #tpu.memory_space<vmem>> -> memref<2x8x16xf32, #tpu.memory_space<vmem>>
        %dma_wait3A_944 = arith.constant 0 : i32
        %dma_wait3A_945 = arith.constant 0 : i32
        %dma_wait3A_946 = arith.constant 0 : i32
        %dma_wait3A_947 = tpu.memref_slice %arg4[%dma_wait3A_944, %dma_wait3A_945, %dma_wait3A_946] : memref<8x8x1000000xf32, #tpu.memory_space<hbm>> -> memref<2x8x16xf32, #tpu.memory_space<hbm>>
        tpu.wait_dma2 semaphore(%arg12 : memref<!tpu.dma_semaphore, #tpu.memory_space<semaphore_mem>>) src(%dma_wait3A_947 : memref<2x8x16xf32, #tpu.memory_space<hbm>>) dst(%dma_wait3A_943 : memref<2x8x16xf32, #tpu.memory_space<vmem>>)
        %dma_wait3A_948 = arith.constant 6 : i32
        %dma_wait3A_949 = arith.constant 0 : i32
        %dma_wait3A_950 = arith.constant 0 : i32
        %dma_wait3A_951 = arith.constant 0 : i32
        %dma_wait3A_952 = tpu.memref_slice %arg10[%dma_wait3A_948, %dma_wait3A_949, %dma_wait3A_950, %dma_wait3A_951] : memref<16x2x8x128xf32, #tpu.memory_space<vmem>> -> memref<1x2x8x16xf32, #tpu.memory_space<vmem>>
        %dma_wait3A_953 = tpu.memref_squeeze %dma_wait3A_952 : memref<1x2x8x16xf32, #tpu.memory_space<vmem>> -> memref<2x8x16xf32, #tpu.memory_space<vmem>>
        %dma_wait3A_954 = arith.constant 0 : i32
        %dma_wait3A_955 = arith.constant 0 : i32
        %dma_wait3A_956 = arith.constant 0 : i32
        %dma_wait3A_957 = tpu.memref_slice %arg4[%dma_wait3A_954, %dma_wait3A_955, %dma_wait3A_956] : memref<8x8x1000000xf32, #tpu.memory_space<hbm>> -> memref<2x8x16xf32, #tpu.memory_space<hbm>>
        %dma_wait3A_958 = arith.constant 0 : i32
        %dma_wait3A_959 = arith.constant 0 : i32
        %dma_wait3A_960 = arith.constant 0 : i32
        %dma_wait3A_961 = tpu.memref_slice %arg10[%dma_wait3A_948, %dma_wait3A_958, %dma_wait3A_959, %dma_wait3A_960] : memref<16x2x8x128xf32, #tpu.memory_space<vmem>> -> memref<1x2x8x16xf32, #tpu.memory_space<vmem>>
        %dma_wait3A_962 = tpu.memref_squeeze %dma_wait3A_961 : memref<1x2x8x16xf32, #tpu.memory_space<vmem>> -> memref<2x8x16xf32, #tpu.memory_space<vmem>>
        %dma_wait3A_963 = arith.constant 0 : i32
        %dma_wait3A_964 = arith.constant 0 : i32
        %dma_wait3A_965 = arith.constant 0 : i32
        %dma_wait3A_966 = tpu.memref_slice %arg4[%dma_wait3A_963, %dma_wait3A_964, %dma_wait3A_965] : memref<8x8x1000000xf32, #tpu.memory_space<hbm>> -> memref<2x8x16xf32, #tpu.memory_space<hbm>>
        tpu.wait_dma2 semaphore(%arg12 : memref<!tpu.dma_semaphore, #tpu.memory_space<semaphore_mem>>) src(%dma_wait3A_966 : memref<2x8x16xf32, #tpu.memory_space<hbm>>) dst(%dma_wait3A_962 : memref<2x8x16xf32, #tpu.memory_space<vmem>>)
        %dma_wait3A_967 = arith.constant 7 : i32
        %dma_wait3A_968 = arith.constant 0 : i32
        %dma_wait3A_969 = arith.constant 0 : i32
        %dma_wait3A_970 = arith.constant 0 : i32
        %dma_wait3A_971 = tpu.memref_slice %arg9[%dma_wait3A_967, %dma_wait3A_968, %dma_wait3A_969, %dma_wait3A_970] : memref<16x2x8x128xf32, #tpu.memory_space<vmem>> -> memref<1x2x8x16xf32, #tpu.memory_space<vmem>>
        %dma_wait3A_972 = tpu.memref_squeeze %dma_wait3A_971 : memref<1x2x8x16xf32, #tpu.memory_space<vmem>> -> memref<2x8x16xf32, #tpu.memory_space<vmem>>
        %dma_wait3A_973 = arith.constant 0 : i32
        %dma_wait3A_974 = arith.constant 0 : i32
        %dma_wait3A_975 = arith.constant 0 : i32
        %dma_wait3A_976 = tpu.memref_slice %arg4[%dma_wait3A_973, %dma_wait3A_974, %dma_wait3A_975] : memref<8x8x1000000xf32, #tpu.memory_space<hbm>> -> memref<2x8x16xf32, #tpu.memory_space<hbm>>
        %dma_wait3A_977 = arith.constant 0 : i32
        %dma_wait3A_978 = arith.constant 0 : i32
        %dma_wait3A_979 = arith.constant 0 : i32
        %dma_wait3A_980 = tpu.memref_slice %arg9[%dma_wait3A_967, %dma_wait3A_977, %dma_wait3A_978, %dma_wait3A_979] : memref<16x2x8x128xf32, #tpu.memory_space<vmem>> -> memref<1x2x8x16xf32, #tpu.memory_space<vmem>>
        %dma_wait3A_981 = tpu.memref_squeeze %dma_wait3A_980 : memref<1x2x8x16xf32, #tpu.memory_space<vmem>> -> memref<2x8x16xf32, #tpu.memory_space<vmem>>
        %dma_wait3A_982 = arith.constant 0 : i32
        %dma_wait3A_983 = arith.constant 0 : i32
        %dma_wait3A_984 = arith.constant 0 : i32
        %dma_wait3A_985 = tpu.memref_slice %arg4[%dma_wait3A_982, %dma_wait3A_983, %dma_wait3A_984] : memref<8x8x1000000xf32, #tpu.memory_space<hbm>> -> memref<2x8x16xf32, #tpu.memory_space<hbm>>
        tpu.wait_dma2 semaphore(%arg12 : memref<!tpu.dma_semaphore, #tpu.memory_space<semaphore_mem>>) src(%dma_wait3A_985 : memref<2x8x16xf32, #tpu.memory_space<hbm>>) dst(%dma_wait3A_981 : memref<2x8x16xf32, #tpu.memory_space<vmem>>)
        %dma_wait3A_986 = arith.constant 7 : i32
        %dma_wait3A_987 = arith.constant 0 : i32
        %dma_wait3A_988 = arith.constant 0 : i32
        %dma_wait3A_989 = arith.constant 0 : i32
        %dma_wait3A_990 = tpu.memref_slice %arg10[%dma_wait3A_986, %dma_wait3A_987, %dma_wait3A_988, %dma_wait3A_989] : memref<16x2x8x128xf32, #tpu.memory_space<vmem>> -> memref<1x2x8x16xf32, #tpu.memory_space<vmem>>
        %dma_wait3A_991 = tpu.memref_squeeze %dma_wait3A_990 : memref<1x2x8x16xf32, #tpu.memory_space<vmem>> -> memref<2x8x16xf32, #tpu.memory_space<vmem>>
        %dma_wait3A_992 = arith.constant 0 : i32
        %dma_wait3A_993 = arith.constant 0 : i32
        %dma_wait3A_994 = arith.constant 0 : i32
        %dma_wait3A_995 = tpu.memref_slice %arg4[%dma_wait3A_992, %dma_wait3A_993, %dma_wait3A_994] : memref<8x8x1000000xf32, #tpu.memory_space<hbm>> -> memref<2x8x16xf32, #tpu.memory_space<hbm>>
        %dma_wait3A_996 = arith.constant 0 : i32
        %dma_wait3A_997 = arith.constant 0 : i32
        %dma_wait3A_998 = arith.constant 0 : i32
        %dma_wait3A_999 = tpu.memref_slice %arg10[%dma_wait3A_986, %dma_wait3A_996, %dma_wait3A_997, %dma_wait3A_998] : memref<16x2x8x128xf32, #tpu.memory_space<vmem>> -> memref<1x2x8x16xf32, #tpu.memory_space<vmem>>
        %dma_wait3A_1000 = tpu.memref_squeeze %dma_wait3A_999 : memref<1x2x8x16xf32, #tpu.memory_space<vmem>> -> memref<2x8x16xf32, #tpu.memory_space<vmem>>
        %dma_wait3A_1001 = arith.constant 0 : i32
        %dma_wait3A_1002 = arith.constant 0 : i32
        %dma_wait3A_1003 = arith.constant 0 : i32
        %dma_wait3A_1004 = tpu.memref_slice %arg4[%dma_wait3A_1001, %dma_wait3A_1002, %dma_wait3A_1003] : memref<8x8x1000000xf32, #tpu.memory_space<hbm>> -> memref<2x8x16xf32, #tpu.memory_space<hbm>>
        tpu.wait_dma2 semaphore(%arg12 : memref<!tpu.dma_semaphore, #tpu.memory_space<semaphore_mem>>) src(%dma_wait3A_1004 : memref<2x8x16xf32, #tpu.memory_space<hbm>>) dst(%dma_wait3A_1000 : memref<2x8x16xf32, #tpu.memory_space<vmem>>)
        %dma_wait3A_1005 = arith.constant 8 : i32
        %dma_wait3A_1006 = arith.constant 0 : i32
        %dma_wait3A_1007 = arith.constant 0 : i32
        %dma_wait3A_1008 = arith.constant 0 : i32
        %dma_wait3A_1009 = tpu.memref_slice %arg9[%dma_wait3A_1005, %dma_wait3A_1006, %dma_wait3A_1007, %dma_wait3A_1008] : memref<16x2x8x128xf32, #tpu.memory_space<vmem>> -> memref<1x2x8x16xf32, #tpu.memory_space<vmem>>
        %dma_wait3A_1010 = tpu.memref_squeeze %dma_wait3A_1009 : memref<1x2x8x16xf32, #tpu.memory_space<vmem>> -> memref<2x8x16xf32, #tpu.memory_space<vmem>>
        %dma_wait3A_1011 = arith.constant 0 : i32
        %dma_wait3A_1012 = arith.constant 0 : i32
        %dma_wait3A_1013 = arith.constant 0 : i32
        %dma_wait3A_1014 = tpu.memref_slice %arg4[%dma_wait3A_1011, %dma_wait3A_1012, %dma_wait3A_1013] : memref<8x8x1000000xf32, #tpu.memory_space<hbm>> -> memref<2x8x16xf32, #tpu.memory_space<hbm>>
        %dma_wait3A_1015 = arith.constant 0 : i32
        %dma_wait3A_1016 = arith.constant 0 : i32
        %dma_wait3A_1017 = arith.constant 0 : i32
        %dma_wait3A_1018 = tpu.memref_slice %arg9[%dma_wait3A_1005, %dma_wait3A_1015, %dma_wait3A_1016, %dma_wait3A_1017] : memref<16x2x8x128xf32, #tpu.memory_space<vmem>> -> memref<1x2x8x16xf32, #tpu.memory_space<vmem>>
        %dma_wait3A_1019 = tpu.memref_squeeze %dma_wait3A_1018 : memref<1x2x8x16xf32, #tpu.memory_space<vmem>> -> memref<2x8x16xf32, #tpu.memory_space<vmem>>
        %dma_wait3A_1020 = arith.constant 0 : i32
        %dma_wait3A_1021 = arith.constant 0 : i32
        %dma_wait3A_1022 = arith.constant 0 : i32
        %dma_wait3A_1023 = tpu.memref_slice %arg4[%dma_wait3A_1020, %dma_wait3A_1021, %dma_wait3A_1022] : memref<8x8x1000000xf32, #tpu.memory_space<hbm>> -> memref<2x8x16xf32, #tpu.memory_space<hbm>>
        tpu.wait_dma2 semaphore(%arg12 : memref<!tpu.dma_semaphore, #tpu.memory_space<semaphore_mem>>) src(%dma_wait3A_1023 : memref<2x8x16xf32, #tpu.memory_space<hbm>>) dst(%dma_wait3A_1019 : memref<2x8x16xf32, #tpu.memory_space<vmem>>)
        %dma_wait3A_1024 = arith.constant 8 : i32
        %dma_wait3A_1025 = arith.constant 0 : i32
        %dma_wait3A_1026 = arith.constant 0 : i32
        %dma_wait3A_1027 = arith.constant 0 : i32
        %dma_wait3A_1028 = tpu.memref_slice %arg10[%dma_wait3A_1024, %dma_wait3A_1025, %dma_wait3A_1026, %dma_wait3A_1027] : memref<16x2x8x128xf32, #tpu.memory_space<vmem>> -> memref<1x2x8x16xf32, #tpu.memory_space<vmem>>
        %dma_wait3A_1029 = tpu.memref_squeeze %dma_wait3A_1028 : memref<1x2x8x16xf32, #tpu.memory_space<vmem>> -> memref<2x8x16xf32, #tpu.memory_space<vmem>>
        %dma_wait3A_1030 = arith.constant 0 : i32
        %dma_wait3A_1031 = arith.constant 0 : i32
        %dma_wait3A_1032 = arith.constant 0 : i32
        %dma_wait3A_1033 = tpu.memref_slice %arg4[%dma_wait3A_1030, %dma_wait3A_1031, %dma_wait3A_1032] : memref<8x8x1000000xf32, #tpu.memory_space<hbm>> -> memref<2x8x16xf32, #tpu.memory_space<hbm>>
        %dma_wait3A_1034 = arith.constant 0 : i32
        %dma_wait3A_1035 = arith.constant 0 : i32
        %dma_wait3A_1036 = arith.constant 0 : i32
        %dma_wait3A_1037 = tpu.memref_slice %arg10[%dma_wait3A_1024, %dma_wait3A_1034, %dma_wait3A_1035, %dma_wait3A_1036] : memref<16x2x8x128xf32, #tpu.memory_space<vmem>> -> memref<1x2x8x16xf32, #tpu.memory_space<vmem>>
        %dma_wait3A_1038 = tpu.memref_squeeze %dma_wait3A_1037 : memref<1x2x8x16xf32, #tpu.memory_space<vmem>> -> memref<2x8x16xf32, #tpu.memory_space<vmem>>
        %dma_wait3A_1039 = arith.constant 0 : i32
        %dma_wait3A_1040 = arith.constant 0 : i32
        %dma_wait3A_1041 = arith.constant 0 : i32
        %dma_wait3A_1042 = tpu.memref_slice %arg4[%dma_wait3A_1039, %dma_wait3A_1040, %dma_wait3A_1041] : memref<8x8x1000000xf32, #tpu.memory_space<hbm>> -> memref<2x8x16xf32, #tpu.memory_space<hbm>>
        tpu.wait_dma2 semaphore(%arg12 : memref<!tpu.dma_semaphore, #tpu.memory_space<semaphore_mem>>) src(%dma_wait3A_1042 : memref<2x8x16xf32, #tpu.memory_space<hbm>>) dst(%dma_wait3A_1038 : memref<2x8x16xf32, #tpu.memory_space<vmem>>)
        %dma_wait3A_1043 = arith.constant 9 : i32
        %dma_wait3A_1044 = arith.constant 0 : i32
        %dma_wait3A_1045 = arith.constant 0 : i32
        %dma_wait3A_1046 = arith.constant 0 : i32
        %dma_wait3A_1047 = tpu.memref_slice %arg9[%dma_wait3A_1043, %dma_wait3A_1044, %dma_wait3A_1045, %dma_wait3A_1046] : memref<16x2x8x128xf32, #tpu.memory_space<vmem>> -> memref<1x2x8x16xf32, #tpu.memory_space<vmem>>
        %dma_wait3A_1048 = tpu.memref_squeeze %dma_wait3A_1047 : memref<1x2x8x16xf32, #tpu.memory_space<vmem>> -> memref<2x8x16xf32, #tpu.memory_space<vmem>>
        %dma_wait3A_1049 = arith.constant 0 : i32
        %dma_wait3A_1050 = arith.constant 0 : i32
        %dma_wait3A_1051 = arith.constant 0 : i32
        %dma_wait3A_1052 = tpu.memref_slice %arg4[%dma_wait3A_1049, %dma_wait3A_1050, %dma_wait3A_1051] : memref<8x8x1000000xf32, #tpu.memory_space<hbm>> -> memref<2x8x16xf32, #tpu.memory_space<hbm>>
        %dma_wait3A_1053 = arith.constant 0 : i32
        %dma_wait3A_1054 = arith.constant 0 : i32
        %dma_wait3A_1055 = arith.constant 0 : i32
        %dma_wait3A_1056 = tpu.memref_slice %arg9[%dma_wait3A_1043, %dma_wait3A_1053, %dma_wait3A_1054, %dma_wait3A_1055] : memref<16x2x8x128xf32, #tpu.memory_space<vmem>> -> memref<1x2x8x16xf32, #tpu.memory_space<vmem>>
        %dma_wait3A_1057 = tpu.memref_squeeze %dma_wait3A_1056 : memref<1x2x8x16xf32, #tpu.memory_space<vmem>> -> memref<2x8x16xf32, #tpu.memory_space<vmem>>
        %dma_wait3A_1058 = arith.constant 0 : i32
        %dma_wait3A_1059 = arith.constant 0 : i32
        %dma_wait3A_1060 = arith.constant 0 : i32
        %dma_wait3A_1061 = tpu.memref_slice %arg4[%dma_wait3A_1058, %dma_wait3A_1059, %dma_wait3A_1060] : memref<8x8x1000000xf32, #tpu.memory_space<hbm>> -> memref<2x8x16xf32, #tpu.memory_space<hbm>>
        tpu.wait_dma2 semaphore(%arg12 : memref<!tpu.dma_semaphore, #tpu.memory_space<semaphore_mem>>) src(%dma_wait3A_1061 : memref<2x8x16xf32, #tpu.memory_space<hbm>>) dst(%dma_wait3A_1057 : memref<2x8x16xf32, #tpu.memory_space<vmem>>)
        %dma_wait3A_1062 = arith.constant 9 : i32
        %dma_wait3A_1063 = arith.constant 0 : i32
        %dma_wait3A_1064 = arith.constant 0 : i32
        %dma_wait3A_1065 = arith.constant 0 : i32
        %dma_wait3A_1066 = tpu.memref_slice %arg10[%dma_wait3A_1062, %dma_wait3A_1063, %dma_wait3A_1064, %dma_wait3A_1065] : memref<16x2x8x128xf32, #tpu.memory_space<vmem>> -> memref<1x2x8x16xf32, #tpu.memory_space<vmem>>
        %dma_wait3A_1067 = tpu.memref_squeeze %dma_wait3A_1066 : memref<1x2x8x16xf32, #tpu.memory_space<vmem>> -> memref<2x8x16xf32, #tpu.memory_space<vmem>>
        %dma_wait3A_1068 = arith.constant 0 : i32
        %dma_wait3A_1069 = arith.constant 0 : i32
        %dma_wait3A_1070 = arith.constant 0 : i32
        %dma_wait3A_1071 = tpu.memref_slice %arg4[%dma_wait3A_1068, %dma_wait3A_1069, %dma_wait3A_1070] : memref<8x8x1000000xf32, #tpu.memory_space<hbm>> -> memref<2x8x16xf32, #tpu.memory_space<hbm>>
        %dma_wait3A_1072 = arith.constant 0 : i32
        %dma_wait3A_1073 = arith.constant 0 : i32
        %dma_wait3A_1074 = arith.constant 0 : i32
        %dma_wait3A_1075 = tpu.memref_slice %arg10[%dma_wait3A_1062, %dma_wait3A_1072, %dma_wait3A_1073, %dma_wait3A_1074] : memref<16x2x8x128xf32, #tpu.memory_space<vmem>> -> memref<1x2x8x16xf32, #tpu.memory_space<vmem>>
        %dma_wait3A_1076 = tpu.memref_squeeze %dma_wait3A_1075 : memref<1x2x8x16xf32, #tpu.memory_space<vmem>> -> memref<2x8x16xf32, #tpu.memory_space<vmem>>
        %dma_wait3A_1077 = arith.constant 0 : i32
        %dma_wait3A_1078 = arith.constant 0 : i32
        %dma_wait3A_1079 = arith.constant 0 : i32
        %dma_wait3A_1080 = tpu.memref_slice %arg4[%dma_wait3A_1077, %dma_wait3A_1078, %dma_wait3A_1079] : memref<8x8x1000000xf32, #tpu.memory_space<hbm>> -> memref<2x8x16xf32, #tpu.memory_space<hbm>>
        tpu.wait_dma2 semaphore(%arg12 : memref<!tpu.dma_semaphore, #tpu.memory_space<semaphore_mem>>) src(%dma_wait3A_1080 : memref<2x8x16xf32, #tpu.memory_space<hbm>>) dst(%dma_wait3A_1076 : memref<2x8x16xf32, #tpu.memory_space<vmem>>)
        %dma_wait3A_1081 = arith.constant 10 : i32
        %dma_wait3A_1082 = arith.constant 0 : i32
        %dma_wait3A_1083 = arith.constant 0 : i32
        %dma_wait3A_1084 = arith.constant 0 : i32
        %dma_wait3A_1085 = tpu.memref_slice %arg9[%dma_wait3A_1081, %dma_wait3A_1082, %dma_wait3A_1083, %dma_wait3A_1084] : memref<16x2x8x128xf32, #tpu.memory_space<vmem>> -> memref<1x2x8x16xf32, #tpu.memory_space<vmem>>
        %dma_wait3A_1086 = tpu.memref_squeeze %dma_wait3A_1085 : memref<1x2x8x16xf32, #tpu.memory_space<vmem>> -> memref<2x8x16xf32, #tpu.memory_space<vmem>>
        %dma_wait3A_1087 = arith.constant 0 : i32
        %dma_wait3A_1088 = arith.constant 0 : i32
        %dma_wait3A_1089 = arith.constant 0 : i32
        %dma_wait3A_1090 = tpu.memref_slice %arg4[%dma_wait3A_1087, %dma_wait3A_1088, %dma_wait3A_1089] : memref<8x8x1000000xf32, #tpu.memory_space<hbm>> -> memref<2x8x16xf32, #tpu.memory_space<hbm>>
        %dma_wait3A_1091 = arith.constant 0 : i32
        %dma_wait3A_1092 = arith.constant 0 : i32
        %dma_wait3A_1093 = arith.constant 0 : i32
        %dma_wait3A_1094 = tpu.memref_slice %arg9[%dma_wait3A_1081, %dma_wait3A_1091, %dma_wait3A_1092, %dma_wait3A_1093] : memref<16x2x8x128xf32, #tpu.memory_space<vmem>> -> memref<1x2x8x16xf32, #tpu.memory_space<vmem>>
        %dma_wait3A_1095 = tpu.memref_squeeze %dma_wait3A_1094 : memref<1x2x8x16xf32, #tpu.memory_space<vmem>> -> memref<2x8x16xf32, #tpu.memory_space<vmem>>
        %dma_wait3A_1096 = arith.constant 0 : i32
        %dma_wait3A_1097 = arith.constant 0 : i32
        %dma_wait3A_1098 = arith.constant 0 : i32
        %dma_wait3A_1099 = tpu.memref_slice %arg4[%dma_wait3A_1096, %dma_wait3A_1097, %dma_wait3A_1098] : memref<8x8x1000000xf32, #tpu.memory_space<hbm>> -> memref<2x8x16xf32, #tpu.memory_space<hbm>>
        tpu.wait_dma2 semaphore(%arg12 : memref<!tpu.dma_semaphore, #tpu.memory_space<semaphore_mem>>) src(%dma_wait3A_1099 : memref<2x8x16xf32, #tpu.memory_space<hbm>>) dst(%dma_wait3A_1095 : memref<2x8x16xf32, #tpu.memory_space<vmem>>)
        %dma_wait3A_1100 = arith.constant 10 : i32
        %dma_wait3A_1101 = arith.constant 0 : i32
        %dma_wait3A_1102 = arith.constant 0 : i32
        %dma_wait3A_1103 = arith.constant 0 : i32
        %dma_wait3A_1104 = tpu.memref_slice %arg10[%dma_wait3A_1100, %dma_wait3A_1101, %dma_wait3A_1102, %dma_wait3A_1103] : memref<16x2x8x128xf32, #tpu.memory_space<vmem>> -> memref<1x2x8x16xf32, #tpu.memory_space<vmem>>
        %dma_wait3A_1105 = tpu.memref_squeeze %dma_wait3A_1104 : memref<1x2x8x16xf32, #tpu.memory_space<vmem>> -> memref<2x8x16xf32, #tpu.memory_space<vmem>>
        %dma_wait3A_1106 = arith.constant 0 : i32
        %dma_wait3A_1107 = arith.constant 0 : i32
        %dma_wait3A_1108 = arith.constant 0 : i32
        %dma_wait3A_1109 = tpu.memref_slice %arg4[%dma_wait3A_1106, %dma_wait3A_1107, %dma_wait3A_1108] : memref<8x8x1000000xf32, #tpu.memory_space<hbm>> -> memref<2x8x16xf32, #tpu.memory_space<hbm>>
        %dma_wait3A_1110 = arith.constant 0 : i32
        %dma_wait3A_1111 = arith.constant 0 : i32
        %dma_wait3A_1112 = arith.constant 0 : i32
        %dma_wait3A_1113 = tpu.memref_slice %arg10[%dma_wait3A_1100, %dma_wait3A_1110, %dma_wait3A_1111, %dma_wait3A_1112] : memref<16x2x8x128xf32, #tpu.memory_space<vmem>> -> memref<1x2x8x16xf32, #tpu.memory_space<vmem>>
        %dma_wait3A_1114 = tpu.memref_squeeze %dma_wait3A_1113 : memref<1x2x8x16xf32, #tpu.memory_space<vmem>> -> memref<2x8x16xf32, #tpu.memory_space<vmem>>
        %dma_wait3A_1115 = arith.constant 0 : i32
        %dma_wait3A_1116 = arith.constant 0 : i32
        %dma_wait3A_1117 = arith.constant 0 : i32
        %dma_wait3A_1118 = tpu.memref_slice %arg4[%dma_wait3A_1115, %dma_wait3A_1116, %dma_wait3A_1117] : memref<8x8x1000000xf32, #tpu.memory_space<hbm>> -> memref<2x8x16xf32, #tpu.memory_space<hbm>>
        tpu.wait_dma2 semaphore(%arg12 : memref<!tpu.dma_semaphore, #tpu.memory_space<semaphore_mem>>) src(%dma_wait3A_1118 : memref<2x8x16xf32, #tpu.memory_space<hbm>>) dst(%dma_wait3A_1114 : memref<2x8x16xf32, #tpu.memory_space<vmem>>)
        %dma_wait3A_1119 = arith.constant 11 : i32
        %dma_wait3A_1120 = arith.constant 0 : i32
        %dma_wait3A_1121 = arith.constant 0 : i32
        %dma_wait3A_1122 = arith.constant 0 : i32
        %dma_wait3A_1123 = tpu.memref_slice %arg9[%dma_wait3A_1119, %dma_wait3A_1120, %dma_wait3A_1121, %dma_wait3A_1122] : memref<16x2x8x128xf32, #tpu.memory_space<vmem>> -> memref<1x2x8x16xf32, #tpu.memory_space<vmem>>
        %dma_wait3A_1124 = tpu.memref_squeeze %dma_wait3A_1123 : memref<1x2x8x16xf32, #tpu.memory_space<vmem>> -> memref<2x8x16xf32, #tpu.memory_space<vmem>>
        %dma_wait3A_1125 = arith.constant 0 : i32
        %dma_wait3A_1126 = arith.constant 0 : i32
        %dma_wait3A_1127 = arith.constant 0 : i32
        %dma_wait3A_1128 = tpu.memref_slice %arg4[%dma_wait3A_1125, %dma_wait3A_1126, %dma_wait3A_1127] : memref<8x8x1000000xf32, #tpu.memory_space<hbm>> -> memref<2x8x16xf32, #tpu.memory_space<hbm>>
        %dma_wait3A_1129 = arith.constant 0 : i32
        %dma_wait3A_1130 = arith.constant 0 : i32
        %dma_wait3A_1131 = arith.constant 0 : i32
        %dma_wait3A_1132 = tpu.memref_slice %arg9[%dma_wait3A_1119, %dma_wait3A_1129, %dma_wait3A_1130, %dma_wait3A_1131] : memref<16x2x8x128xf32, #tpu.memory_space<vmem>> -> memref<1x2x8x16xf32, #tpu.memory_space<vmem>>
        %dma_wait3A_1133 = tpu.memref_squeeze %dma_wait3A_1132 : memref<1x2x8x16xf32, #tpu.memory_space<vmem>> -> memref<2x8x16xf32, #tpu.memory_space<vmem>>
        %dma_wait3A_1134 = arith.constant 0 : i32
        %dma_wait3A_1135 = arith.constant 0 : i32
        %dma_wait3A_1136 = arith.constant 0 : i32
        %dma_wait3A_1137 = tpu.memref_slice %arg4[%dma_wait3A_1134, %dma_wait3A_1135, %dma_wait3A_1136] : memref<8x8x1000000xf32, #tpu.memory_space<hbm>> -> memref<2x8x16xf32, #tpu.memory_space<hbm>>
        tpu.wait_dma2 semaphore(%arg12 : memref<!tpu.dma_semaphore, #tpu.memory_space<semaphore_mem>>) src(%dma_wait3A_1137 : memref<2x8x16xf32, #tpu.memory_space<hbm>>) dst(%dma_wait3A_1133 : memref<2x8x16xf32, #tpu.memory_space<vmem>>)
        %dma_wait3A_1138 = arith.constant 11 : i32
        %dma_wait3A_1139 = arith.constant 0 : i32
        %dma_wait3A_1140 = arith.constant 0 : i32
        %dma_wait3A_1141 = arith.constant 0 : i32
        %dma_wait3A_1142 = tpu.memref_slice %arg10[%dma_wait3A_1138, %dma_wait3A_1139, %dma_wait3A_1140, %dma_wait3A_1141] : memref<16x2x8x128xf32, #tpu.memory_space<vmem>> -> memref<1x2x8x16xf32, #tpu.memory_space<vmem>>
        %dma_wait3A_1143 = tpu.memref_squeeze %dma_wait3A_1142 : memref<1x2x8x16xf32, #tpu.memory_space<vmem>> -> memref<2x8x16xf32, #tpu.memory_space<vmem>>
        %dma_wait3A_1144 = arith.constant 0 : i32
        %dma_wait3A_1145 = arith.constant 0 : i32
        %dma_wait3A_1146 = arith.constant 0 : i32
        %dma_wait3A_1147 = tpu.memref_slice %arg4[%dma_wait3A_1144, %dma_wait3A_1145, %dma_wait3A_1146] : memref<8x8x1000000xf32, #tpu.memory_space<hbm>> -> memref<2x8x16xf32, #tpu.memory_space<hbm>>
        %dma_wait3A_1148 = arith.constant 0 : i32
        %dma_wait3A_1149 = arith.constant 0 : i32
        %dma_wait3A_1150 = arith.constant 0 : i32
        %dma_wait3A_1151 = tpu.memref_slice %arg10[%dma_wait3A_1138, %dma_wait3A_1148, %dma_wait3A_1149, %dma_wait3A_1150] : memref<16x2x8x128xf32, #tpu.memory_space<vmem>> -> memref<1x2x8x16xf32, #tpu.memory_space<vmem>>
        %dma_wait3A_1152 = tpu.memref_squeeze %dma_wait3A_1151 : memref<1x2x8x16xf32, #tpu.memory_space<vmem>> -> memref<2x8x16xf32, #tpu.memory_space<vmem>>
        %dma_wait3A_1153 = arith.constant 0 : i32
        %dma_wait3A_1154 = arith.constant 0 : i32
        %dma_wait3A_1155 = arith.constant 0 : i32
        %dma_wait3A_1156 = tpu.memref_slice %arg4[%dma_wait3A_1153, %dma_wait3A_1154, %dma_wait3A_1155] : memref<8x8x1000000xf32, #tpu.memory_space<hbm>> -> memref<2x8x16xf32, #tpu.memory_space<hbm>>
        tpu.wait_dma2 semaphore(%arg12 : memref<!tpu.dma_semaphore, #tpu.memory_space<semaphore_mem>>) src(%dma_wait3A_1156 : memref<2x8x16xf32, #tpu.memory_space<hbm>>) dst(%dma_wait3A_1152 : memref<2x8x16xf32, #tpu.memory_space<vmem>>)
        %dma_wait3A_1157 = arith.constant 12 : i32
        %dma_wait3A_1158 = arith.constant 0 : i32
        %dma_wait3A_1159 = arith.constant 0 : i32
        %dma_wait3A_1160 = arith.constant 0 : i32
        %dma_wait3A_1161 = tpu.memref_slice %arg9[%dma_wait3A_1157, %dma_wait3A_1158, %dma_wait3A_1159, %dma_wait3A_1160] : memref<16x2x8x128xf32, #tpu.memory_space<vmem>> -> memref<1x2x8x16xf32, #tpu.memory_space<vmem>>
        %dma_wait3A_1162 = tpu.memref_squeeze %dma_wait3A_1161 : memref<1x2x8x16xf32, #tpu.memory_space<vmem>> -> memref<2x8x16xf32, #tpu.memory_space<vmem>>
        %dma_wait3A_1163 = arith.constant 0 : i32
        %dma_wait3A_1164 = arith.constant 0 : i32
        %dma_wait3A_1165 = arith.constant 0 : i32
        %dma_wait3A_1166 = tpu.memref_slice %arg4[%dma_wait3A_1163, %dma_wait3A_1164, %dma_wait3A_1165] : memref<8x8x1000000xf32, #tpu.memory_space<hbm>> -> memref<2x8x16xf32, #tpu.memory_space<hbm>>
        %dma_wait3A_1167 = arith.constant 0 : i32
        %dma_wait3A_1168 = arith.constant 0 : i32
        %dma_wait3A_1169 = arith.constant 0 : i32
        %dma_wait3A_1170 = tpu.memref_slice %arg9[%dma_wait3A_1157, %dma_wait3A_1167, %dma_wait3A_1168, %dma_wait3A_1169] : memref<16x2x8x128xf32, #tpu.memory_space<vmem>> -> memref<1x2x8x16xf32, #tpu.memory_space<vmem>>
        %dma_wait3A_1171 = tpu.memref_squeeze %dma_wait3A_1170 : memref<1x2x8x16xf32, #tpu.memory_space<vmem>> -> memref<2x8x16xf32, #tpu.memory_space<vmem>>
        %dma_wait3A_1172 = arith.constant 0 : i32
        %dma_wait3A_1173 = arith.constant 0 : i32
        %dma_wait3A_1174 = arith.constant 0 : i32
        %dma_wait3A_1175 = tpu.memref_slice %arg4[%dma_wait3A_1172, %dma_wait3A_1173, %dma_wait3A_1174] : memref<8x8x1000000xf32, #tpu.memory_space<hbm>> -> memref<2x8x16xf32, #tpu.memory_space<hbm>>
        tpu.wait_dma2 semaphore(%arg12 : memref<!tpu.dma_semaphore, #tpu.memory_space<semaphore_mem>>) src(%dma_wait3A_1175 : memref<2x8x16xf32, #tpu.memory_space<hbm>>) dst(%dma_wait3A_1171 : memref<2x8x16xf32, #tpu.memory_space<vmem>>)
        %dma_wait3A_1176 = arith.constant 12 : i32
        %dma_wait3A_1177 = arith.constant 0 : i32
        %dma_wait3A_1178 = arith.constant 0 : i32
        %dma_wait3A_1179 = arith.constant 0 : i32
        %dma_wait3A_1180 = tpu.memref_slice %arg10[%dma_wait3A_1176, %dma_wait3A_1177, %dma_wait3A_1178, %dma_wait3A_1179] : memref<16x2x8x128xf32, #tpu.memory_space<vmem>> -> memref<1x2x8x16xf32, #tpu.memory_space<vmem>>
        %dma_wait3A_1181 = tpu.memref_squeeze %dma_wait3A_1180 : memref<1x2x8x16xf32, #tpu.memory_space<vmem>> -> memref<2x8x16xf32, #tpu.memory_space<vmem>>
        %dma_wait3A_1182 = arith.constant 0 : i32
        %dma_wait3A_1183 = arith.constant 0 : i32
        %dma_wait3A_1184 = arith.constant 0 : i32
        %dma_wait3A_1185 = tpu.memref_slice %arg4[%dma_wait3A_1182, %dma_wait3A_1183, %dma_wait3A_1184] : memref<8x8x1000000xf32, #tpu.memory_space<hbm>> -> memref<2x8x16xf32, #tpu.memory_space<hbm>>
        %dma_wait3A_1186 = arith.constant 0 : i32
        %dma_wait3A_1187 = arith.constant 0 : i32
        %dma_wait3A_1188 = arith.constant 0 : i32
        %dma_wait3A_1189 = tpu.memref_slice %arg10[%dma_wait3A_1176, %dma_wait3A_1186, %dma_wait3A_1187, %dma_wait3A_1188] : memref<16x2x8x128xf32, #tpu.memory_space<vmem>> -> memref<1x2x8x16xf32, #tpu.memory_space<vmem>>
        %dma_wait3A_1190 = tpu.memref_squeeze %dma_wait3A_1189 : memref<1x2x8x16xf32, #tpu.memory_space<vmem>> -> memref<2x8x16xf32, #tpu.memory_space<vmem>>
        %dma_wait3A_1191 = arith.constant 0 : i32
        %dma_wait3A_1192 = arith.constant 0 : i32
        %dma_wait3A_1193 = arith.constant 0 : i32
        %dma_wait3A_1194 = tpu.memref_slice %arg4[%dma_wait3A_1191, %dma_wait3A_1192, %dma_wait3A_1193] : memref<8x8x1000000xf32, #tpu.memory_space<hbm>> -> memref<2x8x16xf32, #tpu.memory_space<hbm>>
        tpu.wait_dma2 semaphore(%arg12 : memref<!tpu.dma_semaphore, #tpu.memory_space<semaphore_mem>>) src(%dma_wait3A_1194 : memref<2x8x16xf32, #tpu.memory_space<hbm>>) dst(%dma_wait3A_1190 : memref<2x8x16xf32, #tpu.memory_space<vmem>>)
        %dma_wait3A_1195 = arith.constant 13 : i32
        %dma_wait3A_1196 = arith.constant 0 : i32
        %dma_wait3A_1197 = arith.constant 0 : i32
        %dma_wait3A_1198 = arith.constant 0 : i32
        %dma_wait3A_1199 = tpu.memref_slice %arg9[%dma_wait3A_1195, %dma_wait3A_1196, %dma_wait3A_1197, %dma_wait3A_1198] : memref<16x2x8x128xf32, #tpu.memory_space<vmem>> -> memref<1x2x8x16xf32, #tpu.memory_space<vmem>>
        %dma_wait3A_1200 = tpu.memref_squeeze %dma_wait3A_1199 : memref<1x2x8x16xf32, #tpu.memory_space<vmem>> -> memref<2x8x16xf32, #tpu.memory_space<vmem>>
        %dma_wait3A_1201 = arith.constant 0 : i32
        %dma_wait3A_1202 = arith.constant 0 : i32
        %dma_wait3A_1203 = arith.constant 0 : i32
        %dma_wait3A_1204 = tpu.memref_slice %arg4[%dma_wait3A_1201, %dma_wait3A_1202, %dma_wait3A_1203] : memref<8x8x1000000xf32, #tpu.memory_space<hbm>> -> memref<2x8x16xf32, #tpu.memory_space<hbm>>
        %dma_wait3A_1205 = arith.constant 0 : i32
        %dma_wait3A_1206 = arith.constant 0 : i32
        %dma_wait3A_1207 = arith.constant 0 : i32
        %dma_wait3A_1208 = tpu.memref_slice %arg9[%dma_wait3A_1195, %dma_wait3A_1205, %dma_wait3A_1206, %dma_wait3A_1207] : memref<16x2x8x128xf32, #tpu.memory_space<vmem>> -> memref<1x2x8x16xf32, #tpu.memory_space<vmem>>
        %dma_wait3A_1209 = tpu.memref_squeeze %dma_wait3A_1208 : memref<1x2x8x16xf32, #tpu.memory_space<vmem>> -> memref<2x8x16xf32, #tpu.memory_space<vmem>>
        %dma_wait3A_1210 = arith.constant 0 : i32
        %dma_wait3A_1211 = arith.constant 0 : i32
        %dma_wait3A_1212 = arith.constant 0 : i32
        %dma_wait3A_1213 = tpu.memref_slice %arg4[%dma_wait3A_1210, %dma_wait3A_1211, %dma_wait3A_1212] : memref<8x8x1000000xf32, #tpu.memory_space<hbm>> -> memref<2x8x16xf32, #tpu.memory_space<hbm>>
        tpu.wait_dma2 semaphore(%arg12 : memref<!tpu.dma_semaphore, #tpu.memory_space<semaphore_mem>>) src(%dma_wait3A_1213 : memref<2x8x16xf32, #tpu.memory_space<hbm>>) dst(%dma_wait3A_1209 : memref<2x8x16xf32, #tpu.memory_space<vmem>>)
        %dma_wait3A_1214 = arith.constant 13 : i32
        %dma_wait3A_1215 = arith.constant 0 : i32
        %dma_wait3A_1216 = arith.constant 0 : i32
        %dma_wait3A_1217 = arith.constant 0 : i32
        %dma_wait3A_1218 = tpu.memref_slice %arg10[%dma_wait3A_1214, %dma_wait3A_1215, %dma_wait3A_1216, %dma_wait3A_1217] : memref<16x2x8x128xf32, #tpu.memory_space<vmem>> -> memref<1x2x8x16xf32, #tpu.memory_space<vmem>>
        %dma_wait3A_1219 = tpu.memref_squeeze %dma_wait3A_1218 : memref<1x2x8x16xf32, #tpu.memory_space<vmem>> -> memref<2x8x16xf32, #tpu.memory_space<vmem>>
        %dma_wait3A_1220 = arith.constant 0 : i32
        %dma_wait3A_1221 = arith.constant 0 : i32
        %dma_wait3A_1222 = arith.constant 0 : i32
        %dma_wait3A_1223 = tpu.memref_slice %arg4[%dma_wait3A_1220, %dma_wait3A_1221, %dma_wait3A_1222] : memref<8x8x1000000xf32, #tpu.memory_space<hbm>> -> memref<2x8x16xf32, #tpu.memory_space<hbm>>
        %dma_wait3A_1224 = arith.constant 0 : i32
        %dma_wait3A_1225 = arith.constant 0 : i32
        %dma_wait3A_1226 = arith.constant 0 : i32
        %dma_wait3A_1227 = tpu.memref_slice %arg10[%dma_wait3A_1214, %dma_wait3A_1224, %dma_wait3A_1225, %dma_wait3A_1226] : memref<16x2x8x128xf32, #tpu.memory_space<vmem>> -> memref<1x2x8x16xf32, #tpu.memory_space<vmem>>
        %dma_wait3A_1228 = tpu.memref_squeeze %dma_wait3A_1227 : memref<1x2x8x16xf32, #tpu.memory_space<vmem>> -> memref<2x8x16xf32, #tpu.memory_space<vmem>>
        %dma_wait3A_1229 = arith.constant 0 : i32
        %dma_wait3A_1230 = arith.constant 0 : i32
        %dma_wait3A_1231 = arith.constant 0 : i32
        %dma_wait3A_1232 = tpu.memref_slice %arg4[%dma_wait3A_1229, %dma_wait3A_1230, %dma_wait3A_1231] : memref<8x8x1000000xf32, #tpu.memory_space<hbm>> -> memref<2x8x16xf32, #tpu.memory_space<hbm>>
        tpu.wait_dma2 semaphore(%arg12 : memref<!tpu.dma_semaphore, #tpu.memory_space<semaphore_mem>>) src(%dma_wait3A_1232 : memref<2x8x16xf32, #tpu.memory_space<hbm>>) dst(%dma_wait3A_1228 : memref<2x8x16xf32, #tpu.memory_space<vmem>>)
        %dma_wait3A_1233 = arith.constant 14 : i32
        %dma_wait3A_1234 = arith.constant 0 : i32
        %dma_wait3A_1235 = arith.constant 0 : i32
        %dma_wait3A_1236 = arith.constant 0 : i32
        %dma_wait3A_1237 = tpu.memref_slice %arg9[%dma_wait3A_1233, %dma_wait3A_1234, %dma_wait3A_1235, %dma_wait3A_1236] : memref<16x2x8x128xf32, #tpu.memory_space<vmem>> -> memref<1x2x8x16xf32, #tpu.memory_space<vmem>>
        %dma_wait3A_1238 = tpu.memref_squeeze %dma_wait3A_1237 : memref<1x2x8x16xf32, #tpu.memory_space<vmem>> -> memref<2x8x16xf32, #tpu.memory_space<vmem>>
        %dma_wait3A_1239 = arith.constant 0 : i32
        %dma_wait3A_1240 = arith.constant 0 : i32
        %dma_wait3A_1241 = arith.constant 0 : i32
        %dma_wait3A_1242 = tpu.memref_slice %arg4[%dma_wait3A_1239, %dma_wait3A_1240, %dma_wait3A_1241] : memref<8x8x1000000xf32, #tpu.memory_space<hbm>> -> memref<2x8x16xf32, #tpu.memory_space<hbm>>
        %dma_wait3A_1243 = arith.constant 0 : i32
        %dma_wait3A_1244 = arith.constant 0 : i32
        %dma_wait3A_1245 = arith.constant 0 : i32
        %dma_wait3A_1246 = tpu.memref_slice %arg9[%dma_wait3A_1233, %dma_wait3A_1243, %dma_wait3A_1244, %dma_wait3A_1245] : memref<16x2x8x128xf32, #tpu.memory_space<vmem>> -> memref<1x2x8x16xf32, #tpu.memory_space<vmem>>
        %dma_wait3A_1247 = tpu.memref_squeeze %dma_wait3A_1246 : memref<1x2x8x16xf32, #tpu.memory_space<vmem>> -> memref<2x8x16xf32, #tpu.memory_space<vmem>>
        %dma_wait3A_1248 = arith.constant 0 : i32
        %dma_wait3A_1249 = arith.constant 0 : i32
        %dma_wait3A_1250 = arith.constant 0 : i32
        %dma_wait3A_1251 = tpu.memref_slice %arg4[%dma_wait3A_1248, %dma_wait3A_1249, %dma_wait3A_1250] : memref<8x8x1000000xf32, #tpu.memory_space<hbm>> -> memref<2x8x16xf32, #tpu.memory_space<hbm>>
        tpu.wait_dma2 semaphore(%arg12 : memref<!tpu.dma_semaphore, #tpu.memory_space<semaphore_mem>>) src(%dma_wait3A_1251 : memref<2x8x16xf32, #tpu.memory_space<hbm>>) dst(%dma_wait3A_1247 : memref<2x8x16xf32, #tpu.memory_space<vmem>>)
        %dma_wait3A_1252 = arith.constant 14 : i32
        %dma_wait3A_1253 = arith.constant 0 : i32
        %dma_wait3A_1254 = arith.constant 0 : i32
        %dma_wait3A_1255 = arith.constant 0 : i32
        %dma_wait3A_1256 = tpu.memref_slice %arg10[%dma_wait3A_1252, %dma_wait3A_1253, %dma_wait3A_1254, %dma_wait3A_1255] : memref<16x2x8x128xf32, #tpu.memory_space<vmem>> -> memref<1x2x8x16xf32, #tpu.memory_space<vmem>>
        %dma_wait3A_1257 = tpu.memref_squeeze %dma_wait3A_1256 : memref<1x2x8x16xf32, #tpu.memory_space<vmem>> -> memref<2x8x16xf32, #tpu.memory_space<vmem>>
        %dma_wait3A_1258 = arith.constant 0 : i32
        %dma_wait3A_1259 = arith.constant 0 : i32
        %dma_wait3A_1260 = arith.constant 0 : i32
        %dma_wait3A_1261 = tpu.memref_slice %arg4[%dma_wait3A_1258, %dma_wait3A_1259, %dma_wait3A_1260] : memref<8x8x1000000xf32, #tpu.memory_space<hbm>> -> memref<2x8x16xf32, #tpu.memory_space<hbm>>
        %dma_wait3A_1262 = arith.constant 0 : i32
        %dma_wait3A_1263 = arith.constant 0 : i32
        %dma_wait3A_1264 = arith.constant 0 : i32
        %dma_wait3A_1265 = tpu.memref_slice %arg10[%dma_wait3A_1252, %dma_wait3A_1262, %dma_wait3A_1263, %dma_wait3A_1264] : memref<16x2x8x128xf32, #tpu.memory_space<vmem>> -> memref<1x2x8x16xf32, #tpu.memory_space<vmem>>
        %dma_wait3A_1266 = tpu.memref_squeeze %dma_wait3A_1265 : memref<1x2x8x16xf32, #tpu.memory_space<vmem>> -> memref<2x8x16xf32, #tpu.memory_space<vmem>>
        %dma_wait3A_1267 = arith.constant 0 : i32
        %dma_wait3A_1268 = arith.constant 0 : i32
        %dma_wait3A_1269 = arith.constant 0 : i32
        %dma_wait3A_1270 = tpu.memref_slice %arg4[%dma_wait3A_1267, %dma_wait3A_1268, %dma_wait3A_1269] : memref<8x8x1000000xf32, #tpu.memory_space<hbm>> -> memref<2x8x16xf32, #tpu.memory_space<hbm>>
        tpu.wait_dma2 semaphore(%arg12 : memref<!tpu.dma_semaphore, #tpu.memory_space<semaphore_mem>>) src(%dma_wait3A_1270 : memref<2x8x16xf32, #tpu.memory_space<hbm>>) dst(%dma_wait3A_1266 : memref<2x8x16xf32, #tpu.memory_space<vmem>>)
        %dma_wait3A_1271 = arith.constant 15 : i32
        %dma_wait3A_1272 = arith.constant 0 : i32
        %dma_wait3A_1273 = arith.constant 0 : i32
        %dma_wait3A_1274 = arith.constant 0 : i32
        %dma_wait3A_1275 = tpu.memref_slice %arg9[%dma_wait3A_1271, %dma_wait3A_1272, %dma_wait3A_1273, %dma_wait3A_1274] : memref<16x2x8x128xf32, #tpu.memory_space<vmem>> -> memref<1x2x8x16xf32, #tpu.memory_space<vmem>>
        %dma_wait3A_1276 = tpu.memref_squeeze %dma_wait3A_1275 : memref<1x2x8x16xf32, #tpu.memory_space<vmem>> -> memref<2x8x16xf32, #tpu.memory_space<vmem>>
        %dma_wait3A_1277 = arith.constant 0 : i32
        %dma_wait3A_1278 = arith.constant 0 : i32
        %dma_wait3A_1279 = arith.constant 0 : i32
        %dma_wait3A_1280 = tpu.memref_slice %arg4[%dma_wait3A_1277, %dma_wait3A_1278, %dma_wait3A_1279] : memref<8x8x1000000xf32, #tpu.memory_space<hbm>> -> memref<2x8x16xf32, #tpu.memory_space<hbm>>
        %dma_wait3A_1281 = arith.constant 0 : i32
        %dma_wait3A_1282 = arith.constant 0 : i32
        %dma_wait3A_1283 = arith.constant 0 : i32
        %dma_wait3A_1284 = tpu.memref_slice %arg9[%dma_wait3A_1271, %dma_wait3A_1281, %dma_wait3A_1282, %dma_wait3A_1283] : memref<16x2x8x128xf32, #tpu.memory_space<vmem>> -> memref<1x2x8x16xf32, #tpu.memory_space<vmem>>
        %dma_wait3A_1285 = tpu.memref_squeeze %dma_wait3A_1284 : memref<1x2x8x16xf32, #tpu.memory_space<vmem>> -> memref<2x8x16xf32, #tpu.memory_space<vmem>>
        %dma_wait3A_1286 = arith.constant 0 : i32
        %dma_wait3A_1287 = arith.constant 0 : i32
        %dma_wait3A_1288 = arith.constant 0 : i32
        %dma_wait3A_1289 = tpu.memref_slice %arg4[%dma_wait3A_1286, %dma_wait3A_1287, %dma_wait3A_1288] : memref<8x8x1000000xf32, #tpu.memory_space<hbm>> -> memref<2x8x16xf32, #tpu.memory_space<hbm>>
        tpu.wait_dma2 semaphore(%arg12 : memref<!tpu.dma_semaphore, #tpu.memory_space<semaphore_mem>>) src(%dma_wait3A_1289 : memref<2x8x16xf32, #tpu.memory_space<hbm>>) dst(%dma_wait3A_1285 : memref<2x8x16xf32, #tpu.memory_space<vmem>>)
        %dma_wait3A_1290 = arith.constant 15 : i32
        %dma_wait3A_1291 = arith.constant 0 : i32
        %dma_wait3A_1292 = arith.constant 0 : i32
        %dma_wait3A_1293 = arith.constant 0 : i32
        %dma_wait3A_1294 = tpu.memref_slice %arg10[%dma_wait3A_1290, %dma_wait3A_1291, %dma_wait3A_1292, %dma_wait3A_1293] : memref<16x2x8x128xf32, #tpu.memory_space<vmem>> -> memref<1x2x8x16xf32, #tpu.memory_space<vmem>>
        %dma_wait3A_1295 = tpu.memref_squeeze %dma_wait3A_1294 : memref<1x2x8x16xf32, #tpu.memory_space<vmem>> -> memref<2x8x16xf32, #tpu.memory_space<vmem>>
        %dma_wait3A_1296 = arith.constant 0 : i32
        %dma_wait3A_1297 = arith.constant 0 : i32
        %dma_wait3A_1298 = arith.constant 0 : i32
        %dma_wait3A_1299 = tpu.memref_slice %arg4[%dma_wait3A_1296, %dma_wait3A_1297, %dma_wait3A_1298] : memref<8x8x1000000xf32, #tpu.memory_space<hbm>> -> memref<2x8x16xf32, #tpu.memory_space<hbm>>
        %dma_wait3A_1300 = arith.constant 0 : i32
        %dma_wait3A_1301 = arith.constant 0 : i32
        %dma_wait3A_1302 = arith.constant 0 : i32
        %dma_wait3A_1303 = tpu.memref_slice %arg10[%dma_wait3A_1290, %dma_wait3A_1300, %dma_wait3A_1301, %dma_wait3A_1302] : memref<16x2x8x128xf32, #tpu.memory_space<vmem>> -> memref<1x2x8x16xf32, #tpu.memory_space<vmem>>
        %dma_wait3A_1304 = tpu.memref_squeeze %dma_wait3A_1303 : memref<1x2x8x16xf32, #tpu.memory_space<vmem>> -> memref<2x8x16xf32, #tpu.memory_space<vmem>>
        %dma_wait3A_1305 = arith.constant 0 : i32
        %dma_wait3A_1306 = arith.constant 0 : i32
        %dma_wait3A_1307 = arith.constant 0 : i32
        %dma_wait3A_1308 = tpu.memref_slice %arg4[%dma_wait3A_1305, %dma_wait3A_1306, %dma_wait3A_1307] : memref<8x8x1000000xf32, #tpu.memory_space<hbm>> -> memref<2x8x16xf32, #tpu.memory_space<hbm>>
        tpu.wait_dma2 semaphore(%arg12 : memref<!tpu.dma_semaphore, #tpu.memory_space<semaphore_mem>>) src(%dma_wait3A_1308 : memref<2x8x16xf32, #tpu.memory_space<hbm>>) dst(%dma_wait3A_1304 : memref<2x8x16xf32, #tpu.memory_space<vmem>>)
        %broadcast_in_dim3A_1309 = arith.constant 0 : i32
        %broadcast_in_dim3A_1310 = vector.broadcast %broadcast_in_dim3A_1309 : i32 to vector<16xi32>
        %broadcast_in_dim3A_1311 = arith.constant 0 : i32
        %broadcast_in_dim3A_1312 = vector.broadcast %broadcast_in_dim3A_1311 : i32 to vector<16xi32>
        %gather3A = tpu.vector_load_idx %arg9[%iota3A, %broadcast_in_dim3A_1310, %broadcast_in_dim3A_1312, %and3A_17] : memref<16x2x8x128xf32, #tpu.memory_space<vmem>>[vector<16xi32>, vector<16xi32>, vector<16xi32>, vector<16xi32>], vector<16xf32>,
        %gather3A_1313 = tpu.vector_load_idx %arg10[%iota3A, %broadcast_in_dim3A_1310, %broadcast_in_dim3A_1312, %and3A_20] : memref<16x2x8x128xf32, #tpu.memory_space<vmem>>[vector<16xi32>, vector<16xi32>, vector<16xi32>, vector<16xi32>], vector<16xf32>,
        %mul3A_1314 = arith.mulf %gather3A, %gather3A_1313 : vector<16xf32>
        %add3A_1315 = arith.addf %scan3A_31, %mul3A_1314 : vector<16xf32>
        %broadcast_in_dim3A_1316 = arith.constant 0 : i32
        %broadcast_in_dim3A_1317 = vector.broadcast %broadcast_in_dim3A_1316 : i32 to vector<16xi32>
        %broadcast_in_dim3A_1318 = arith.constant 1 : i32
        %broadcast_in_dim3A_1319 = vector.broadcast %broadcast_in_dim3A_1318 : i32 to vector<16xi32>
        %gather3A_1320 = tpu.vector_load_idx %arg9[%iota3A, %broadcast_in_dim3A_1317, %broadcast_in_dim3A_1319, %and3A_17] : memref<16x2x8x128xf32, #tpu.memory_space<vmem>>[vector<16xi32>, vector<16xi32>, vector<16xi32>, vector<16xi32>], vector<16xf32>,
        %gather3A_1321 = tpu.vector_load_idx %arg10[%iota3A, %broadcast_in_dim3A_1317, %broadcast_in_dim3A_1319, %and3A_20] : memref<16x2x8x128xf32, #tpu.memory_space<vmem>>[vector<16xi32>, vector<16xi32>, vector<16xi32>, vector<16xi32>], vector<16xf32>,
        %mul3A_1322 = arith.mulf %gather3A_1320, %gather3A_1321 : vector<16xf32>
        %add3A_1323 = arith.addf %add3A_1315, %mul3A_1322 : vector<16xf32>
        %broadcast_in_dim3A_1324 = arith.constant 0 : i32
        %broadcast_in_dim3A_1325 = vector.broadcast %broadcast_in_dim3A_1324 : i32 to vector<16xi32>
        %broadcast_in_dim3A_1326 = arith.constant 2 : i32
        %broadcast_in_dim3A_1327 = vector.broadcast %broadcast_in_dim3A_1326 : i32 to vector<16xi32>
        %gather3A_1328 = tpu.vector_load_idx %arg9[%iota3A, %broadcast_in_dim3A_1325, %broadcast_in_dim3A_1327, %and3A_17] : memref<16x2x8x128xf32, #tpu.memory_space<vmem>>[vector<16xi32>, vector<16xi32>, vector<16xi32>, vector<16xi32>], vector<16xf32>,
        %gather3A_1329 = tpu.vector_load_idx %arg10[%iota3A, %broadcast_in_dim3A_1325, %broadcast_in_dim3A_1327, %and3A_20] : memref<16x2x8x128xf32, #tpu.memory_space<vmem>>[vector<16xi32>, vector<16xi32>, vector<16xi32>, vector<16xi32>], vector<16xf32>,
        %mul3A_1330 = arith.mulf %gather3A_1328, %gather3A_1329 : vector<16xf32>
        %add3A_1331 = arith.addf %add3A_1323, %mul3A_1330 : vector<16xf32>
        %broadcast_in_dim3A_1332 = arith.constant 0 : i32
        %broadcast_in_dim3A_1333 = vector.broadcast %broadcast_in_dim3A_1332 : i32 to vector<16xi32>
        %broadcast_in_dim3A_1334 = arith.constant 3 : i32
        %broadcast_in_dim3A_1335 = vector.broadcast %broadcast_in_dim3A_1334 : i32 to vector<16xi32>
        %gather3A_1336 = tpu.vector_load_idx %arg9[%iota3A, %broadcast_in_dim3A_1333, %broadcast_in_dim3A_1335, %and3A_17] : memref<16x2x8x128xf32, #tpu.memory_space<vmem>>[vector<16xi32>, vector<16xi32>, vector<16xi32>, vector<16xi32>], vector<16xf32>,
        %gather3A_1337 = tpu.vector_load_idx %arg10[%iota3A, %broadcast_in_dim3A_1333, %broadcast_in_dim3A_1335, %and3A_20] : memref<16x2x8x128xf32, #tpu.memory_space<vmem>>[vector<16xi32>, vector<16xi32>, vector<16xi32>, vector<16xi32>], vector<16xf32>,
        %mul3A_1338 = arith.mulf %gather3A_1336, %gather3A_1337 : vector<16xf32>
        %add3A_1339 = arith.addf %add3A_1331, %mul3A_1338 : vector<16xf32>
        %broadcast_in_dim3A_1340 = arith.constant 0 : i32
        %broadcast_in_dim3A_1341 = vector.broadcast %broadcast_in_dim3A_1340 : i32 to vector<16xi32>
        %broadcast_in_dim3A_1342 = arith.constant 4 : i32
        %broadcast_in_dim3A_1343 = vector.broadcast %broadcast_in_dim3A_1342 : i32 to vector<16xi32>
        %gather3A_1344 = tpu.vector_load_idx %arg9[%iota3A, %broadcast_in_dim3A_1341, %broadcast_in_dim3A_1343, %and3A_17] : memref<16x2x8x128xf32, #tpu.memory_space<vmem>>[vector<16xi32>, vector<16xi32>, vector<16xi32>, vector<16xi32>], vector<16xf32>,
        %gather3A_1345 = tpu.vector_load_idx %arg10[%iota3A, %broadcast_in_dim3A_1341, %broadcast_in_dim3A_1343, %and3A_20] : memref<16x2x8x128xf32, #tpu.memory_space<vmem>>[vector<16xi32>, vector<16xi32>, vector<16xi32>, vector<16xi32>], vector<16xf32>,
        %mul3A_1346 = arith.mulf %gather3A_1344, %gather3A_1345 : vector<16xf32>
        %add3A_1347 = arith.addf %add3A_1339, %mul3A_1346 : vector<16xf32>
        %broadcast_in_dim3A_1348 = arith.constant 0 : i32
        %broadcast_in_dim3A_1349 = vector.broadcast %broadcast_in_dim3A_1348 : i32 to vector<16xi32>
        %broadcast_in_dim3A_1350 = arith.constant 5 : i32
        %broadcast_in_dim3A_1351 = vector.broadcast %broadcast_in_dim3A_1350 : i32 to vector<16xi32>
        %gather3A_1352 = tpu.vector_load_idx %arg9[%iota3A, %broadcast_in_dim3A_1349, %broadcast_in_dim3A_1351, %and3A_17] : memref<16x2x8x128xf32, #tpu.memory_space<vmem>>[vector<16xi32>, vector<16xi32>, vector<16xi32>, vector<16xi32>], vector<16xf32>,
        %gather3A_1353 = tpu.vector_load_idx %arg10[%iota3A, %broadcast_in_dim3A_1349, %broadcast_in_dim3A_1351, %and3A_20] : memref<16x2x8x128xf32, #tpu.memory_space<vmem>>[vector<16xi32>, vector<16xi32>, vector<16xi32>, vector<16xi32>], vector<16xf32>,
        %mul3A_1354 = arith.mulf %gather3A_1352, %gather3A_1353 : vector<16xf32>
        %add3A_1355 = arith.addf %add3A_1347, %mul3A_1354 : vector<16xf32>
        %broadcast_in_dim3A_1356 = arith.constant 0 : i32
        %broadcast_in_dim3A_1357 = vector.broadcast %broadcast_in_dim3A_1356 : i32 to vector<16xi32>
        %broadcast_in_dim3A_1358 = arith.constant 6 : i32
        %broadcast_in_dim3A_1359 = vector.broadcast %broadcast_in_dim3A_1358 : i32 to vector<16xi32>
        %gather3A_1360 = tpu.vector_load_idx %arg9[%iota3A, %broadcast_in_dim3A_1357, %broadcast_in_dim3A_1359, %and3A_17] : memref<16x2x8x128xf32, #tpu.memory_space<vmem>>[vector<16xi32>, vector<16xi32>, vector<16xi32>, vector<16xi32>], vector<16xf32>,
        %gather3A_1361 = tpu.vector_load_idx %arg10[%iota3A, %broadcast_in_dim3A_1357, %broadcast_in_dim3A_1359, %and3A_20] : memref<16x2x8x128xf32, #tpu.memory_space<vmem>>[vector<16xi32>, vector<16xi32>, vector<16xi32>, vector<16xi32>], vector<16xf32>,
        %mul3A_1362 = arith.mulf %gather3A_1360, %gather3A_1361 : vector<16xf32>
        %add3A_1363 = arith.addf %add3A_1355, %mul3A_1362 : vector<16xf32>
        %broadcast_in_dim3A_1364 = arith.constant 0 : i32
        %broadcast_in_dim3A_1365 = vector.broadcast %broadcast_in_dim3A_1364 : i32 to vector<16xi32>
        %broadcast_in_dim3A_1366 = arith.constant 7 : i32
        %broadcast_in_dim3A_1367 = vector.broadcast %broadcast_in_dim3A_1366 : i32 to vector<16xi32>
        %gather3A_1368 = tpu.vector_load_idx %arg9[%iota3A, %broadcast_in_dim3A_1365, %broadcast_in_dim3A_1367, %and3A_17] : memref<16x2x8x128xf32, #tpu.memory_space<vmem>>[vector<16xi32>, vector<16xi32>, vector<16xi32>, vector<16xi32>], vector<16xf32>,
        %gather3A_1369 = tpu.vector_load_idx %arg10[%iota3A, %broadcast_in_dim3A_1365, %broadcast_in_dim3A_1367, %and3A_20] : memref<16x2x8x128xf32, #tpu.memory_space<vmem>>[vector<16xi32>, vector<16xi32>, vector<16xi32>, vector<16xi32>], vector<16xf32>,
        %mul3A_1370 = arith.mulf %gather3A_1368, %gather3A_1369 : vector<16xf32>
        %add3A_1371 = arith.addf %add3A_1363, %mul3A_1370 : vector<16xf32>
        %broadcast_in_dim3A_1372 = arith.constant 1 : i32
        %broadcast_in_dim3A_1373 = vector.broadcast %broadcast_in_dim3A_1372 : i32 to vector<16xi32>
        %broadcast_in_dim3A_1374 = arith.constant 0 : i32
        %broadcast_in_dim3A_1375 = vector.broadcast %broadcast_in_dim3A_1374 : i32 to vector<16xi32>
        %gather3A_1376 = tpu.vector_load_idx %arg9[%iota3A, %broadcast_in_dim3A_1373, %broadcast_in_dim3A_1375, %and3A_17] : memref<16x2x8x128xf32, #tpu.memory_space<vmem>>[vector<16xi32>, vector<16xi32>, vector<16xi32>, vector<16xi32>], vector<16xf32>,
        %gather3A_1377 = tpu.vector_load_idx %arg10[%iota3A, %broadcast_in_dim3A_1373, %broadcast_in_dim3A_1375, %and3A_20] : memref<16x2x8x128xf32, #tpu.memory_space<vmem>>[vector<16xi32>, vector<16xi32>, vector<16xi32>, vector<16xi32>], vector<16xf32>,
        %mul3A_1378 = arith.mulf %gather3A_1376, %gather3A_1377 : vector<16xf32>
        %add3A_1379 = arith.addf %add3A_1371, %mul3A_1378 : vector<16xf32>
        %broadcast_in_dim3A_1380 = arith.constant 1 : i32
        %broadcast_in_dim3A_1381 = vector.broadcast %broadcast_in_dim3A_1380 : i32 to vector<16xi32>
        %broadcast_in_dim3A_1382 = arith.constant 1 : i32
        %broadcast_in_dim3A_1383 = vector.broadcast %broadcast_in_dim3A_1382 : i32 to vector<16xi32>
        %gather3A_1384 = tpu.vector_load_idx %arg9[%iota3A, %broadcast_in_dim3A_1381, %broadcast_in_dim3A_1383, %and3A_17] : memref<16x2x8x128xf32, #tpu.memory_space<vmem>>[vector<16xi32>, vector<16xi32>, vector<16xi32>, vector<16xi32>], vector<16xf32>,
        %gather3A_1385 = tpu.vector_load_idx %arg10[%iota3A, %broadcast_in_dim3A_1381, %broadcast_in_dim3A_1383, %and3A_20] : memref<16x2x8x128xf32, #tpu.memory_space<vmem>>[vector<16xi32>, vector<16xi32>, vector<16xi32>, vector<16xi32>], vector<16xf32>,
        %mul3A_1386 = arith.mulf %gather3A_1384, %gather3A_1385 : vector<16xf32>
        %add3A_1387 = arith.addf %add3A_1379, %mul3A_1386 : vector<16xf32>
        %broadcast_in_dim3A_1388 = arith.constant 1 : i32
        %broadcast_in_dim3A_1389 = vector.broadcast %broadcast_in_dim3A_1388 : i32 to vector<16xi32>
        %broadcast_in_dim3A_1390 = arith.constant 2 : i32
        %broadcast_in_dim3A_1391 = vector.broadcast %broadcast_in_dim3A_1390 : i32 to vector<16xi32>
        %gather3A_1392 = tpu.vector_load_idx %arg9[%iota3A, %broadcast_in_dim3A_1389, %broadcast_in_dim3A_1391, %and3A_17] : memref<16x2x8x128xf32, #tpu.memory_space<vmem>>[vector<16xi32>, vector<16xi32>, vector<16xi32>, vector<16xi32>], vector<16xf32>,
        %gather3A_1393 = tpu.vector_load_idx %arg10[%iota3A, %broadcast_in_dim3A_1389, %broadcast_in_dim3A_1391, %and3A_20] : memref<16x2x8x128xf32, #tpu.memory_space<vmem>>[vector<16xi32>, vector<16xi32>, vector<16xi32>, vector<16xi32>], vector<16xf32>,
        %mul3A_1394 = arith.mulf %gather3A_1392, %gather3A_1393 : vector<16xf32>
        %add3A_1395 = arith.addf %add3A_1387, %mul3A_1394 : vector<16xf32>
        %broadcast_in_dim3A_1396 = arith.constant 1 : i32
        %broadcast_in_dim3A_1397 = vector.broadcast %broadcast_in_dim3A_1396 : i32 to vector<16xi32>
        %broadcast_in_dim3A_1398 = arith.constant 3 : i32
        %broadcast_in_dim3A_1399 = vector.broadcast %broadcast_in_dim3A_1398 : i32 to vector<16xi32>
        %gather3A_1400 = tpu.vector_load_idx %arg9[%iota3A, %broadcast_in_dim3A_1397, %broadcast_in_dim3A_1399, %and3A_17] : memref<16x2x8x128xf32, #tpu.memory_space<vmem>>[vector<16xi32>, vector<16xi32>, vector<16xi32>, vector<16xi32>], vector<16xf32>,
        %gather3A_1401 = tpu.vector_load_idx %arg10[%iota3A, %broadcast_in_dim3A_1397, %broadcast_in_dim3A_1399, %and3A_20] : memref<16x2x8x128xf32, #tpu.memory_space<vmem>>[vector<16xi32>, vector<16xi32>, vector<16xi32>, vector<16xi32>], vector<16xf32>,
        %mul3A_1402 = arith.mulf %gather3A_1400, %gather3A_1401 : vector<16xf32>
        %add3A_1403 = arith.addf %add3A_1395, %mul3A_1402 : vector<16xf32>
        %broadcast_in_dim3A_1404 = arith.constant 1 : i32
        %broadcast_in_dim3A_1405 = vector.broadcast %broadcast_in_dim3A_1404 : i32 to vector<16xi32>
        %broadcast_in_dim3A_1406 = arith.constant 4 : i32
        %broadcast_in_dim3A_1407 = vector.broadcast %broadcast_in_dim3A_1406 : i32 to vector<16xi32>
        %gather3A_1408 = tpu.vector_load_idx %arg9[%iota3A, %broadcast_in_dim3A_1405, %broadcast_in_dim3A_1407, %and3A_17] : memref<16x2x8x128xf32, #tpu.memory_space<vmem>>[vector<16xi32>, vector<16xi32>, vector<16xi32>, vector<16xi32>], vector<16xf32>,
        %gather3A_1409 = tpu.vector_load_idx %arg10[%iota3A, %broadcast_in_dim3A_1405, %broadcast_in_dim3A_1407, %and3A_20] : memref<16x2x8x128xf32, #tpu.memory_space<vmem>>[vector<16xi32>, vector<16xi32>, vector<16xi32>, vector<16xi32>], vector<16xf32>,
        %mul3A_1410 = arith.mulf %gather3A_1408, %gather3A_1409 : vector<16xf32>
        %add3A_1411 = arith.addf %add3A_1403, %mul3A_1410 : vector<16xf32>
        %broadcast_in_dim3A_1412 = arith.constant 1 : i32
        %broadcast_in_dim3A_1413 = vector.broadcast %broadcast_in_dim3A_1412 : i32 to vector<16xi32>
        %broadcast_in_dim3A_1414 = arith.constant 5 : i32
        %broadcast_in_dim3A_1415 = vector.broadcast %broadcast_in_dim3A_1414 : i32 to vector<16xi32>
        %gather3A_1416 = tpu.vector_load_idx %arg9[%iota3A, %broadcast_in_dim3A_1413, %broadcast_in_dim3A_1415, %and3A_17] : memref<16x2x8x128xf32, #tpu.memory_space<vmem>>[vector<16xi32>, vector<16xi32>, vector<16xi32>, vector<16xi32>], vector<16xf32>,
        %gather3A_1417 = tpu.vector_load_idx %arg10[%iota3A, %broadcast_in_dim3A_1413, %broadcast_in_dim3A_1415, %and3A_20] : memref<16x2x8x128xf32, #tpu.memory_space<vmem>>[vector<16xi32>, vector<16xi32>, vector<16xi32>, vector<16xi32>], vector<16xf32>,
        %mul3A_1418 = arith.mulf %gather3A_1416, %gather3A_1417 : vector<16xf32>
        %add3A_1419 = arith.addf %add3A_1411, %mul3A_1418 : vector<16xf32>
        %broadcast_in_dim3A_1420 = arith.constant 1 : i32
        %broadcast_in_dim3A_1421 = vector.broadcast %broadcast_in_dim3A_1420 : i32 to vector<16xi32>
        %broadcast_in_dim3A_1422 = arith.constant 6 : i32
        %broadcast_in_dim3A_1423 = vector.broadcast %broadcast_in_dim3A_1422 : i32 to vector<16xi32>
        %gather3A_1424 = tpu.vector_load_idx %arg9[%iota3A, %broadcast_in_dim3A_1421, %broadcast_in_dim3A_1423, %and3A_17] : memref<16x2x8x128xf32, #tpu.memory_space<vmem>>[vector<16xi32>, vector<16xi32>, vector<16xi32>, vector<16xi32>], vector<16xf32>,
        %gather3A_1425 = tpu.vector_load_idx %arg10[%iota3A, %broadcast_in_dim3A_1421, %broadcast_in_dim3A_1423, %and3A_20] : memref<16x2x8x128xf32, #tpu.memory_space<vmem>>[vector<16xi32>, vector<16xi32>, vector<16xi32>, vector<16xi32>], vector<16xf32>,
        %mul3A_1426 = arith.mulf %gather3A_1424, %gather3A_1425 : vector<16xf32>
        %add3A_1427 = arith.addf %add3A_1419, %mul3A_1426 : vector<16xf32>
        %broadcast_in_dim3A_1428 = arith.constant 1 : i32
        %broadcast_in_dim3A_1429 = vector.broadcast %broadcast_in_dim3A_1428 : i32 to vector<16xi32>
        %broadcast_in_dim3A_1430 = arith.constant 7 : i32
        %broadcast_in_dim3A_1431 = vector.broadcast %broadcast_in_dim3A_1430 : i32 to vector<16xi32>
        %gather3A_1432 = tpu.vector_load_idx %arg9[%iota3A, %broadcast_in_dim3A_1429, %broadcast_in_dim3A_1431, %and3A_17] : memref<16x2x8x128xf32, #tpu.memory_space<vmem>>[vector<16xi32>, vector<16xi32>, vector<16xi32>, vector<16xi32>], vector<16xf32>,
        %gather3A_1433 = tpu.vector_load_idx %arg10[%iota3A, %broadcast_in_dim3A_1429, %broadcast_in_dim3A_1431, %and3A_20] : memref<16x2x8x128xf32, #tpu.memory_space<vmem>>[vector<16xi32>, vector<16xi32>, vector<16xi32>, vector<16xi32>], vector<16xf32>,
        %mul3A_1434 = arith.mulf %gather3A_1432, %gather3A_1433 : vector<16xf32>
        %add3A_1435 = arith.addf %add3A_1427, %mul3A_1434 : vector<16xf32>
        scf.yield %add3A_1435 : vector<16xf32>
      }
      %scan3A_27 = arith.constant 4 : i32
      %swap3A = arith.index_cast %mul3A_12 : i32 to index
      %swap3A_28 = tpu.vector_load %arg11[%swap3A] {strides = array<i32>} : memref<512xf32, #tpu.memory_space<vmem>>, vector<16xf32>,
      tpu.vector_store %arg11[%swap3A], %scan3A_26 {strides = array<i32>} : memref<512xf32, #tpu.memory_space<vmem>>, vector<16xf32>,
      %scan3A_29 = arith.constant 0 : i32
      scf.yield %scan3A_29 : i32
    }
    %scan3A_8 = arith.constant 32 : i32
    "tpu.region"() ({
      %run_scoped3A = tpu.sem_alloc : memref<!tpu.dma_semaphore, #tpu.memory_space<semaphore_mem>>
      %dma_start3A = tpu.memref_slice %arg6[%mul3A_2] : memref<16384xf32, #tpu.memory_space<hbm>> -> memref<512xf32, #tpu.memory_space<hbm>>
      %dma_start3A_9 = tpu.memref_slice %arg6[%mul3A_2] : memref<16384xf32, #tpu.memory_space<hbm>> -> memref<512xf32, #tpu.memory_space<hbm>>
      tpu.enqueue_dma source(%arg11 : memref<512xf32, #tpu.memory_space<vmem>>) target(%dma_start3A_9 : memref<512xf32, #tpu.memory_space<hbm>>) target_semaphore(%run_scoped3A : memref<!tpu.dma_semaphore, #tpu.memory_space<semaphore_mem>>)
      %dma_wait3A = tpu.memref_slice %arg6[%mul3A_2] : memref<16384xf32, #tpu.memory_space<hbm>> -> memref<512xf32, #tpu.memory_space<hbm>>
      %dma_wait3A_10 = tpu.memref_slice %arg6[%mul3A_2] : memref<16384xf32, #tpu.memory_space<hbm>> -> memref<512xf32, #tpu.memory_space<hbm>>
      tpu.wait_dma2 semaphore(%run_scoped3A : memref<!tpu.dma_semaphore, #tpu.memory_space<semaphore_mem>>) src(%arg11 : memref<512xf32, #tpu.memory_space<vmem>>) dst(%dma_wait3A_10 : memref<512xf32, #tpu.memory_space<hbm>>)
      tpu.yield
    }) : () -> ()
    return
  }
}

module attributes {stable_mosaic.version = 14 : i64} {
  func.func @_loss_body(%arg0: memref<128x128xf32, #tpu.memory_space<vmem>>, %arg1: memref<128x128xf32, #tpu.memory_space<vmem>>, %arg2: memref<1x1xf32, #tpu.memory_space<smem>>) attributes {dimension_semantics = [], scalar_prefetch = 0 : i64, scratch_operands = 0 : i64, tpu.core_type = #tpu.core_type<tc>} {
    %get3A = arith.constant 0 : index
    %get3A_0 = arith.constant 0 : index
    %get3A_1 = vector.load %arg0[%get3A, %get3A_0] : memref<128x128xf32, #tpu.memory_space<vmem>>, vector<128x128xf32>
    %get3A_2 = arith.constant 0 : index
    %get3A_3 = arith.constant 0 : index
    %get3A_4 = vector.load %arg1[%get3A_2, %get3A_3] : memref<128x128xf32, #tpu.memory_space<vmem>>, vector<128x128xf32>
    %neg3A = arith.constant 0.000000e+00 : f32
    %neg3A_5 = vector.broadcast %neg3A : f32 to vector<128x128xf32>
    %neg3A_6 = arith.subf %neg3A_5, %get3A_1 : vector<128x128xf32>
    %max3A = arith.constant 0.000000e+00 : f32
    %max3A_7 = vector.broadcast %max3A : f32 to vector<128x128xf32>
    %max3A_8 = arith.maximumf %neg3A_6, %max3A_7 : vector<128x128xf32>
    %abs3A = math.absf %get3A_1 : vector<128x128xf32>
    %neg3A_9 = arith.constant 0.000000e+00 : f32
    %neg3A_10 = vector.broadcast %neg3A_9 : f32 to vector<128x128xf32>
    %neg3A_11 = arith.subf %neg3A_10, %abs3A : vector<128x128xf32>
    %exp3A = math.exp %neg3A_11 : vector<128x128xf32>
    %log1p3A = math.log1p %exp3A : vector<128x128xf32>
    %add3A = arith.addf %max3A_8, %log1p3A : vector<128x128xf32>
    %mul3A = arith.mulf %get3A_4, %add3A : vector<128x128xf32>
    %reduce_sum3A = vector.shape_cast %mul3A : vector<128x128xf32> to vector<1x128x128xf32>
    %reduce_sum3A_12 = arith.constant dense<0.000000e+00> : vector<1xf32>
    %reduce_sum3A_13 = vector.multi_reduction <add>, %reduce_sum3A, %reduce_sum3A_12 [1, 2] : vector<1x128x128xf32> to vector<1xf32>
    %reduce_sum3A_14 = vector.shape_cast %reduce_sum3A_13 : vector<1xf32> to vector<1x1x1xf32>
    %reduce_sum3A_15 = vector.extract %reduce_sum3A_14[0, 0, 0] : f32 from vector<1x1x1xf32>
    %mul3A_16 = arith.constant 6.10351563E-5 : f32
    %mul3A_17 = arith.mulf %reduce_sum3A_15, %mul3A_16 : f32
    %swap3A = arith.constant 0 : index
    %swap3A_18 = arith.constant 0 : index
    %swap3A_19 = memref.load %arg2[%swap3A, %swap3A_18] : memref<1x1xf32, #tpu.memory_space<smem>>
    memref.store %mul3A_17, %arg2[%swap3A, %swap3A_18] : memref<1x1xf32, #tpu.memory_space<smem>>
    return
  }
}

</mosaic_0001>

<sc_bundles>
// kernel: kernel.4.cloned.1.call-start
scs
__scs_entry_jumppad:
0x0: {  	(pc) =	sbr.rel $0x88, $3  }
0x1: {  	(tag) =	ssettag $0x0;
	lr =	simm.s32 $0x1  }
0x2: {  	[smem:$0x3F9C] =	sst lr;
	_ =	strace $0xD0000000  }
0x3: {  	_ = 	snop  }
0x4: {  	_ = 	snop  }
0x5: {  	_ = 	snop  }
0x6: {  	_ = 	snop  }
0x7: {  	_ = 	snop  }
__scs_overlays_trampoline_lowered:
0x8: {  	[smem:$0x3FAB] =	sst s0  }
0x9: {  	[smem:$0x3FAC] =	sst s1  }
0xa: {  	[smem:$0x3FAD] =	sst s2  }
0xb: {  	[smem:$0x3FAE] =	sst s3  }
0xc: {  	[smem:$0x3FAF] =	sst s4  }
0xd: {  	[smem:$0x3FB0] =	sst s5  }
0xe: {  	[smem:$0x3FB1] =	sst s6  }
0xf: {  	[smem:$0x3FB2] =	sst s7  }
0x10: {  	[smem:$0x3FB3] =	sst s8  }
0x11: {  	[smem:$0x3FB4] =	sst s9;
	s0 =	simm.s32 @!p0 $0x0  }
0x12: {  	s1 =	sld [smem:$0x3F9A];
	s0 =	simm.s32 @p0 $0x1  }
0x13: {  	[smem:$0x3FB5] =	sst s0;
	s0 =	simm.s32 @!p1 $0x0  }
0x14: {  	s2 =	sld [smem:$0x3F99];
	s0 =	simm.s32 @p1 $0x1  }
0x15: {  	[smem:$0x3FB6] =	sst s0;
	s0 =	simm.s32 @!p2 $0x0  }
0x16: {  	s3 =	sld [smem:$0x3FDB];
	s0 =	simm.s32 @p2 $0x1  }
0x17: {  	s4 =	simm.s32 $0x1BF5;
	[smem:$0x3FB8] =	sst s0  }
0x18: {  	s0 =	sld [smem:$0x3F9B];
	_ =	swait.ge [sflag:s4], $0x0  }
0x19: {  	s7 =	sld [smem:$0x3F9C]  }
0x1a: {  	s8 =	sadd.s32 $0xFFFFE003, lr  }
0x1b: {  	s9 =	sadd.s32 $0xFFFFFEF7, lr;
	s5 =	simm.s32 $0xFFFFFFFF;
	p2 =	slt.u32 s8, $0xFFFFF086  }
0x1c: {  	p1 =	slt.u32 s9, $0xF7A;
	s5 =	simm.s32 @!p2 $0x0  }
0x1d: {  	s5 =	simm.s32 @p1 $0x1;
	p0 =	seq.s32 s7, s2  }
0x1e: {  	s7 =	smul.u32 @!p0 $0xF7A, s2;
	p2 =	seq.s32 @!p0 s5, $0x0  }
0x1f: {  	s9 =	smul.u32 $0xF7A, s1;
	s8 =	simm.s32 @!p0 $0x1BF5;
	p2 =	por !p2, p0  }
0x20: {  	[sflag:s8] =	ssyncset.s32 @!p0 $0xFFFFF086;
	s6 =	sadd.s32 @!p0 s3, s7;
	s7 =	simm.s32 @!p0 $0x108  }
0x21: {  	s3 =	sadd.s32 s3, s9;
	s6 =	sadd.s32 @!p0 $0x88, s6;
	s7 =	simm.s32 @p2 $0x1082  }
0x22: {  	[simem:s7], [sflag:s8] =	dma.local @!p0 [hbm:s6], $0xF7A  }
0x23: {  	s9 =	sor.u32 $0xD0000000, s2;
	s6 =	simm.s32 $0x108;
	_ =	swait.ge @!p0 [sflag:s8], $0x0  }
0x24: {  	s3 =	sadd.s32 $0x88, s3;
	s6 =	simm.s32 @!p1 $0x1082;
	[sflag:s4] =	ssyncset.s32 $0xFFFFF086  }
0x25: {  	[simem:s6], [sflag:s4] =	dma.local [hbm:s3], $0xF7A  }
0x26: {  	[smem:$0x3F9C] =	sst s1;
	(tag) =	ssettag s2;
	_ =	strace s9  }
0x27: {  	s1 =	sld [smem:$0x3FAC]  }
0x28: {  	s2 =	sld [smem:$0x3FAD]  }
0x29: {  	s4 =	sld [smem:$0x3FAF]  }
0x2a: {  	p0 =	seq.s32 s5, $0x0;
	s5 =	sld [smem:$0x3FB0]  }
0x2b: {  	s6 =	sld [smem:$0x3FB1]  }
0x2c: {  	s7 =	sld [smem:$0x3FB2]  }
0x2d: {  	s3 =	simm.s32 $0x108;
	s8 =	sld [smem:$0x3FB3]  }
0x2e: {  	s3 =	simm.s32 @!p0 $0x1082;
	s9 =	sld [smem:$0x3FB4]  }
0x2f: {  	lr =	sadd.s32 s0, s3;
	s0 =	sld [smem:$0x3FAB]  }
0x30: {  	s3 =	sld [smem:$0x3FAE]  }
0x31: {  	[smem:$0x3FB7] =	sst s10  }
0x32: {  	s10 =	sld [smem:$0x3FB5];
	_ =	sdelay $0x3  }
0x33: {  	p0 =	seq.s32 s10, $0x1;
	s10 =	sld [smem:$0x3FB7];
	_ =	sdelay $0x3  }
0x34: {  	[smem:$0x3FB7] =	sst s10  }
0x35: {  	s10 =	sld [smem:$0x3FB6];
	_ =	sdelay $0x3  }
0x36: {  	p1 =	seq.s32 s10, $0x1;
	s10 =	sld [smem:$0x3FB7];
	_ =	sdelay $0x3  }
0x37: {  	[smem:$0x3FB7] =	sst s10  }
0x38: {  	s10 =	sld [smem:$0x3FB8]  }
0x39: {  	_ = 	snop;
	(pc) =	sbr.ind lr, $3  }
0x3a: {  	_ = 	snop  }
0x3b: {  	_ = 	snop  }
0x3c: {  	p2 =	seq.s32 s10, $0x1;
	s10 =	sld [smem:$0x3FB7]  }
0x3d: {  	_ =	shalt  }
0x3e: {  	_ =	shalt  }
0x3f: {  	_ =	shalt  }
0x40: {  	_ =	shalt  }
0x41: {  	_ =	shalt  }
0x42: {  	_ =	shalt  }
0x43: {  	_ =	shalt  }
0x44: {  	_ =	shalt  }
0x45: {  	_ =	shalt  }
0x46: {  	_ =	shalt  }
0x47: {  	_ =	shalt  }
0x48: {  	_ =	shalt  }
0x49: {  	_ =	shalt  }
0x4a: {  	_ =	shalt  }
0x4b: {  	_ =	shalt  }
0x4c: {  	_ =	shalt  }
0x4d: {  	_ =	shalt  }
0x4e: {  	_ =	shalt  }
0x4f: {  	_ =	shalt  }
0x50: {  	_ =	shalt  }
0x51: {  	_ =	shalt  }
0x52: {  	_ =	shalt  }
0x53: {  	_ =	shalt  }
0x54: {  	_ =	shalt  }
0x55: {  	_ =	shalt  }
0x56: {  	_ =	shalt  }
0x57: {  	_ =	shalt  }
0x58: {  	_ =	shalt  }
0x59: {  	_ =	shalt  }
0x5a: {  	_ =	shalt  }
0x5b: {  	_ =	shalt  }
0x5c: {  	_ =	shalt  }
0x5d: {  	_ =	shalt  }
0x5e: {  	_ =	shalt  }
0x5f: {  	_ =	shalt  }
0x60: {  	_ =	shalt  }
0x61: {  	_ =	shalt  }
0x62: {  	_ =	shalt  }
0x63: {  	_ =	shalt  }
0x64: {  	_ =	shalt  }
0x65: {  	_ =	shalt  }
0x66: {  	_ =	shalt  }
0x67: {  	_ =	shalt  }
0x68: {  	_ =	shalt  }
0x69: {  	_ =	shalt  }
0x6a: {  	_ =	shalt  }
0x6b: {  	_ =	shalt  }
0x6c: {  	_ =	shalt  }
0x6d: {  	_ =	shalt  }
0x6e: {  	_ =	shalt  }
0x6f: {  	_ =	shalt  }
0x70: {  	_ =	shalt  }
0x71: {  	_ =	shalt  }
0x72: {  	_ =	shalt  }
0x73: {  	_ =	shalt  }
0x74: {  	_ =	shalt  }
0x75: {  	_ =	shalt  }
0x76: {  	_ =	shalt  }
0x77: {  	_ =	shalt  }
0x78: {  	_ =	shalt  }
0x79: {  	_ =	shalt  }
0x7a: {  	_ =	shalt  }
0x7b: {  	_ =	shalt  }
0x7c: {  	_ =	shalt  }
0x7d: {  	_ =	shalt  }
0x7e: {  	_ =	shalt  }
0x7f: {  	_ =	shalt  }
0x80: {  	_ =	shalt  }
0x81: {  	_ =	shalt  }
0x82: {  	_ =	shalt  }
0x83: {  	_ =	shalt  }
0x84: {  	_ =	shalt  }
0x85: {  	_ =	shalt  }
0x86: {  	_ =	shalt  }
0x87: {  	_ =	shalt  }
.Lfunc_end0:
.L_simem_size_0:
called_computation_lowered:
.L_overlay_start_0:
0x88: {  	s2 =	sld [smem:$0x3FD9]  }
0x89: {  	s3 =	sld [smem:$0x3FFE];
	_ =	sdelay $0x1  }
0x8a: {  	s1 =	srdreg.scid  }
0x8b: {  	s0 =	sand.u32 $0x1, s1  }
0x8c: {  	s17 =	sshll.u32 s0, $0xA;
	s2 =	sadd.s32 s3, s2  }
0x8d: {  	s2 =	sadd.s32 s2, s17  }
0x8e: {  	[smem:$0x3FC3] =	sst s2  }
0x8f: {  	_ = 	snop  }
0x90: {  	s2 =	sld [smem:$0x3FC9]  }
0x91: {  	s18 =	sld [smem:$0x3FC8]  }
0x92: {  	s4 =	sld [smem:$0x3FC6]  }
0x93: {  	s5 =	sld [smem:$0x3FC5];
	(tm) =	ssettm $0x1  }
0x94: {  	s6 =	sld [smem:$0x3FFB];
	_ =	sdelay $0x3  }
0x95: {  	_ =	strace s6  }
0x96: {  	s6 =	sld [smem:$0x3FFC];
	_ =	sdelay $0x3  }
0x97: {  	_ =	strace s6  }
0x98: {  	s6 =	sld [smem:$0x3FFD];
	_ =	sdelay $0x3  }
0x99: {  	_ =	strace s6  }
0x9a: {  	_ =	strace $0x8FFFFFFF  }
0x9b: {  	s19 =	sld [smem:$0x3FDB];
	_ =	sdelay $0x1  }
0x9c: {  	s7 =	simm.s32 $_scs_section_size  }
0x9d: {  	s8 =	simm.s32 $_size__tile_overlayer_lowered;
	s9 =	simm.s32 $_tile_overlayer_lowered  }
0x9e: {  	s22 =	simm.s32 $0x1BFF;
	s21 =	sshll.u32 s9, $0x1;
	s6 =	sadd.s32 s7, s19  }
0x9f: {  	s10 =	simm.s32 $0x0;
	s20 =	sshll.u32 s8, $0x1;
	s8 =	sadd.s32 s21, s6  }
0xa0: {  	[timem:s10], [sflag:s22] =	dma.local [hbm:s8], s20  }
0xa1: {  	_ =	swait.ge [sflag:s22], s20  }
0xa2: {  	s7 =	ssub.s32 $0x0, s20;
	[sflag:s22] =	ssyncset.done $0x0  }
0xa3: {  	[sflag:s22] =	ssyncadd.s32 s7;
	_ =	sdelay $0x1  }
0xa4: {  	s23 =	simm.s32 $0x1B8B  }
0xa5: {  	_ =	swait.ge [sflag:s23], $0x1  }
0xa6: {  	[sflag:s23] =	ssyncset.done $0x0  }
0xa7: {  	s25 =	simm.s32 $0x1B8E;
	s24 =	sld [smem:$0x3FFE];
	[sflag:s23] =	ssyncadd.s32 $0xFFFFFFFF  }
0xa8: {  	s26 =	simm.s32 $execute0_lowered;
	[smem:$0x3FD2] =	sst s25  }
0xa9: {  	s8 =	sshll.u32 s26, $0x1;
	_ =	strace $0x80000046;
	[dreg:$0x1] =	wrdreg $0xFFFFFFFF  }
0xaa: {  	s28 =	simm.s32 $_size_execute0_lowered;
	s6 =	sadd.s32 s6, s8;
	[dreg:$0x0] =	wrdreg $0x0  }
0xab: {  	s8 =	sshll.u32 s28, $0x1;
	[dreg:$0x2] =	wrdreg s6  }
0xac: {  	[dreg:$0x3] =	wrdreg s8  }
0xad: {  	[dreg:$0x4] =	wrdreg $0xC0  }
0xae: {  	_ =	task [dreg:s10], $0x5FFFF  }
0xaf: {  	[dreg:$0x1] =	wrdreg $0xFFFFFFFF  }
0xb0: {  	[dreg:$0x0] =	wrdreg $0x60  }
0xb1: {  	[dreg:$0x2] =	wrdreg s2  }
0xb2: {  	[dreg:$0x3] =	wrdreg s18  }
0xb3: {  	[dreg:$0x4] =	wrdreg s4  }
0xb4: {  	[dreg:$0x5] =	wrdreg s5  }
0xb5: {  	[dreg:$0x6] =	wrdreg s24  }
0xb6: {  	[dreg:$0x7] =	wrdreg $0x9  }
0xb7: {  	_ =	task.clear_ibuf [dreg:s10], $0x8FFFF;
	_ =	strace $0x90000046  }
0xb8: {  	s29 =	simm.s32 $0x9;
	_ =	strace $0x80000048  }
0xb9: {  	_ =	swait.ge [sflag:s29], $0x1  }
0xba: {  	[sflag:s29] =	ssyncadd.s32 $0xFFFFFFFF  }
0xbb: {  	_ =	strace $0x90000048  }
0xbc: {  	_ =	sfence  }
0xbd: {  	s30 =	sld [smem:$0x0];
	_ =	sdelay $0x2  }
0xbe: {  	s31 =	sshll.u32 s1, $0xD;
	s1 =	sshrl.u32 s1, $0x2  }
0xbf: {  	s3 =	sand.u32 $0x4000, s31;
	s1 =	sadd.s32 s1, s30  }
0xc0: {  	s0 =	sor.u32 s3, s0;
	s1 =	sshll.u32 s1, $0x11  }
0xc1: {  	s0 =	sor.u32 s1, s0  }
0xc2: {  	s0 =	sadd.s32 $0x8F2B, s0  }
0xc3: {  	[sflag:s0] =	ssyncadd.remote.s32 $0x1  }
0xc4: {  	_ =	sfence.sel $0xFFFF  }
0xc5: {  	[dreg:$0x0] =	wrdreg $0xFFFFFFFF;
	(pc) =	sbr.abs _section_cstart, $3  }
0xc6: {  	[dreg:$0x1] =	wrdreg $0xFFFFFFFF  }
0xc7: {  	_ =	task.clear_ibuf [dreg:s10], $0x2FFFF;
	_ =	strace $0x9FFFFFFF  }
0xc8: {  	(tm) =	ssettm $0x7FFFFFFF  }
0xc9: {  	_ =	shalt  }
tec
execute0_lowered:
.L_overlay_start_1:
0x0: {  	(tag) =	ssettag $0x1  }
0x1: {  	s5 =	rddreg [dreg:$0x0]  }
0x2: {  	s6 =	rddreg [dreg:$0x1]  }
0x3: {  	s24 =	rddreg [dreg:$0x2]  }
0x4: {  	s2 =	rddreg [dreg:$0x3]  }
0x5: {  	s7 =	rddreg [dreg:$0x4];
	s3 =	simm.s32 $0x0  }
0x6: {  	s0 =	simm.s32 $0x480;
	[smem:$0x7FF] =	sst s3  }
0x7: {  	s20 =	simm.s32 $0x500;
	_ =	strace $0x80000047;
	[smem:$0x5FC] =	sst s0  }
0x8: {  	s21 =	simm.s32 $0x580;
	[smem:$0x5FD] =	sst s20  }
0x9: {  	s22 =	simm.s32 $0x600;
	[smem:$0x5FE] =	sst s21  }
0xa: {  	s23 =	simm.s32 $0x680;
	[smem:$0x5FF] =	sst s22  }
0xb: {  	s25 =	simm.s32 $0x700;
	[smem:$0x600] =	sst s23  }
0xc: {  	s26 =	simm.s32 $0x780;
	[smem:$0x601] =	sst s25  }
0xd: {  	s28 =	simm.s32 $0x800;
	[smem:$0x602] =	sst s26  }
0xe: {  	s29 =	simm.s32 $0x880;
	[smem:$0x603] =	sst s28  }
0xf: {  	s30 =	simm.s32 $0x900;
	[smem:$0x604] =	sst s29  }
0x10: {  	s31 =	simm.s32 $0x980;
	[smem:$0x605] =	sst s30  }
0x11: {  	s1 =	simm.s32 $0xA00;
	[smem:$0x606] =	sst s31  }
0x12: {  	s4 =	simm.s32 $0xA80;
	[smem:$0x607] =	sst s1  }
0x13: {  	s8 =	simm.s32 $0xB00;
	[smem:$0x608] =	sst s4  }
0x14: {  	s9 =	simm.s32 $0xB80;
	[smem:$0x609] =	sst s8  }
0x15: {  	s10 =	simm.s32 $0x8480;
	[smem:$0x60A] =	sst s9  }
0x16: {  	s11 =	simm.s32 $0x8500;
	[smem:$0x60B] =	sst s10  }
0x17: {  	s12 =	simm.s32 $0x8580;
	[smem:$0x60C] =	sst s11  }
0x18: {  	s13 =	simm.s32 $0x8600;
	[smem:$0x60D] =	sst s12  }
0x19: {  	s14 =	simm.s32 $0x8680;
	[smem:$0x60E] =	sst s13  }
0x1a: {  	s15 =	simm.s32 $0x8700;
	[smem:$0x60F] =	sst s14  }
0x1b: {  	s16 =	simm.s32 $0x8780;
	[smem:$0x610] =	sst s15  }
0x1c: {  	s17 =	simm.s32 $0x8800;
	[smem:$0x611] =	sst s16  }
0x1d: {  	s18 =	simm.s32 $0x8880;
	[smem:$0x612] =	sst s17  }
0x1e: {  	s19 =	simm.s32 $0x8900;
	[smem:$0x613] =	sst s18  }
0x1f: {  	[smem:$0x614] =	sst s19;
	s20 =	simm.s32 $0x8980  }
0x20: {  	s21 =	simm.s32 $0x8A00;
	[smem:$0x615] =	sst s20  }
0x21: {  	s22 =	simm.s32 $0x8A80;
	[smem:$0x616] =	sst s21  }
0x22: {  	s23 =	simm.s32 $0x8B00;
	[smem:$0x617] =	sst s22  }
0x23: {  	s25 =	simm.s32 $0x8B80;
	[smem:$0x618] =	sst s23  }
0x24: {  	s26 =	simm.s32 $0xC00;
	[smem:$0x619] =	sst s25  }
0x25: {  	s28 =	simm.s32 $0xC80;
	[smem:$0x61A] =	sst s26  }
0x26: {  	s29 =	simm.s32 $0xD00;
	[smem:$0x61B] =	sst s28  }
0x27: {  	s30 =	simm.s32 $0xD80;
	[smem:$0x61C] =	sst s29  }
0x28: {  	s31 =	simm.s32 $0xE00;
	[smem:$0x61D] =	sst s30  }
0x29: {  	s1 =	simm.s32 $0xE80;
	[smem:$0x61E] =	sst s31  }
0x2a: {  	s4 =	simm.s32 $0xF00;
	[smem:$0x61F] =	sst s1  }
0x2b: {  	s8 =	simm.s32 $0xF80;
	[smem:$0x620] =	sst s4  }
0x2c: {  	s9 =	simm.s32 $0x1000;
	[smem:$0x621] =	sst s8  }
0x2d: {  	s10 =	simm.s32 $0x1080;
	[smem:$0x622] =	sst s9  }
0x2e: {  	s11 =	simm.s32 $0x1100;
	[smem:$0x623] =	sst s10  }
0x2f: {  	s12 =	simm.s32 $0x1180;
	[smem:$0x624] =	sst s11  }
0x30: {  	s13 =	simm.s32 $0x1200;
	[smem:$0x625] =	sst s12  }
0x31: {  	s14 =	simm.s32 $0x1280;
	[smem:$0x626] =	sst s13  }
0x32: {  	s15 =	simm.s32 $0x1300;
	[smem:$0x627] =	sst s14  }
0x33: {  	s16 =	simm.s32 $0x1380;
	[smem:$0x628] =	sst s15  }
0x34: {  	s17 =	simm.s32 $0x8C00;
	[smem:$0x629] =	sst s16  }
0x35: {  	s18 =	simm.s32 $0x8C80;
	[smem:$0x62A] =	sst s17  }
0x36: {  	s19 =	simm.s32 $0x8D00;
	[smem:$0x62B] =	sst s18  }
0x37: {  	[smem:$0x62C] =	sst s19;
	s20 =	simm.s32 $0x8D80  }
0x38: {  	s21 =	simm.s32 $0x8E00;
	[smem:$0x62D] =	sst s20  }
0x39: {  	s22 =	simm.s32 $0x8E80;
	[smem:$0x62E] =	sst s21  }
0x3a: {  	s23 =	simm.s32 $0x8F00;
	[smem:$0x62F] =	sst s22  }
0x3b: {  	s25 =	simm.s32 $0x8F80;
	[smem:$0x630] =	sst s23  }
0x3c: {  	s26 =	simm.s32 $0x9000;
	[smem:$0x631] =	sst s25  }
0x3d: {  	s28 =	simm.s32 $0x9080;
	[smem:$0x632] =	sst s26  }
0x3e: {  	s29 =	simm.s32 $0x9100;
	[smem:$0x633] =	sst s28  }
0x3f: {  	s30 =	simm.s32 $0x9180;
	[smem:$0x634] =	sst s29  }
0x40: {  	s31 =	simm.s32 $0x9200;
	[smem:$0x635] =	sst s30  }
0x41: {  	s1 =	simm.s32 $0x9280;
	[smem:$0x636] =	sst s31  }
0x42: {  	s4 =	simm.s32 $0x9300;
	[smem:$0x637] =	sst s1  }
0x43: {  	s8 =	simm.s32 $0x9380;
	[smem:$0x638] =	sst s4  }
0x44: {  	s9 =	simm.s32 $0x1400;
	[smem:$0x639] =	sst s8  }
0x45: {  	s10 =	simm.s32 $0x1480;
	[smem:$0x63A] =	sst s9  }
0x46: {  	s11 =	simm.s32 $0x1500;
	[smem:$0x63B] =	sst s10  }
0x47: {  	s12 =	simm.s32 $0x1580;
	[smem:$0x63C] =	sst s11  }
0x48: {  	s13 =	simm.s32 $0x1600;
	[smem:$0x63D] =	sst s12  }
0x49: {  	s14 =	simm.s32 $0x1680;
	[smem:$0x63E] =	sst s13  }
0x4a: {  	s15 =	simm.s32 $0x1700;
	[smem:$0x63F] =	sst s14  }
0x4b: {  	s16 =	simm.s32 $0x1780;
	[smem:$0x640] =	sst s15  }
0x4c: {  	s17 =	simm.s32 $0x1800;
	[smem:$0x641] =	sst s16  }
0x4d: {  	s18 =	simm.s32 $0x1880;
	[smem:$0x642] =	sst s17  }
0x4e: {  	s19 =	simm.s32 $0x1900;
	[smem:$0x643] =	sst s18  }
0x4f: {  	[smem:$0x644] =	sst s19;
	s20 =	simm.s32 $0x1980  }
0x50: {  	s21 =	simm.s32 $0x1A00;
	[smem:$0x645] =	sst s20  }
0x51: {  	s22 =	simm.s32 $0x1A80;
	[smem:$0x646] =	sst s21  }
0x52: {  	s23 =	simm.s32 $0x1B00;
	[smem:$0x647] =	sst s22  }
0x53: {  	s25 =	simm.s32 $0x1B80;
	[smem:$0x648] =	sst s23  }
0x54: {  	s26 =	simm.s32 $0x9400;
	[smem:$0x649] =	sst s25  }
0x55: {  	s28 =	simm.s32 $0x9480;
	[smem:$0x64A] =	sst s26  }
0x56: {  	s29 =	simm.s32 $0x9500;
	[smem:$0x64B] =	sst s28  }
0x57: {  	s30 =	simm.s32 $0x9580;
	[smem:$0x64C] =	sst s29  }
0x58: {  	s31 =	simm.s32 $0x9600;
	[smem:$0x64D] =	sst s30  }
0x59: {  	s1 =	simm.s32 $0x9680;
	[smem:$0x64E] =	sst s31  }
0x5a: {  	s4 =	simm.s32 $0x9700;
	[smem:$0x64F] =	sst s1  }
0x5b: {  	s8 =	simm.s32 $0x9780;
	[smem:$0x650] =	sst s4  }
0x5c: {  	s9 =	simm.s32 $0x9800;
	[smem:$0x651] =	sst s8  }
0x5d: {  	s10 =	simm.s32 $0x9880;
	[smem:$0x652] =	sst s9  }
0x5e: {  	s11 =	simm.s32 $0x9900;
	[smem:$0x653] =	sst s10  }
0x5f: {  	s12 =	simm.s32 $0x9980;
	[smem:$0x654] =	sst s11  }
0x60: {  	s13 =	simm.s32 $0x9A00;
	[smem:$0x655] =	sst s12  }
0x61: {  	s14 =	simm.s32 $0x9A80;
	[smem:$0x656] =	sst s13  }
0x62: {  	s15 =	simm.s32 $0x9B00;
	[smem:$0x657] =	sst s14  }
0x63: {  	s16 =	simm.s32 $0x9B80;
	[smem:$0x658] =	sst s15  }
0x64: {  	s17 =	simm.s32 $0x1C00;
	[smem:$0x659] =	sst s16  }
0x65: {  	s18 =	simm.s32 $0x1C80;
	[smem:$0x65A] =	sst s17  }
0x66: {  	s19 =	simm.s32 $0x1D00;
	[smem:$0x65B] =	sst s18  }
0x67: {  	[smem:$0x65C] =	sst s19;
	s20 =	simm.s32 $0x1D80  }
0x68: {  	s21 =	simm.s32 $0x1E00;
	[smem:$0x65D] =	sst s20  }
0x69: {  	s22 =	simm.s32 $0x1E80;
	[smem:$0x65E] =	sst s21  }
0x6a: {  	s23 =	simm.s32 $0x1F00;
	[smem:$0x65F] =	sst s22  }
0x6b: {  	s25 =	simm.s32 $0x1F80;
	[smem:$0x660] =	sst s23  }
0x6c: {  	s26 =	simm.s32 $0x2000;
	[smem:$0x661] =	sst s25  }
0x6d: {  	s28 =	simm.s32 $0x2080;
	[smem:$0x662] =	sst s26  }
0x6e: {  	s29 =	simm.s32 $0x2100;
	[smem:$0x663] =	sst s28  }
0x6f: {  	s30 =	simm.s32 $0x2180;
	[smem:$0x664] =	sst s29  }
0x70: {  	s31 =	simm.s32 $0x2200;
	[smem:$0x665] =	sst s30  }
0x71: {  	s1 =	simm.s32 $0x2280;
	[smem:$0x666] =	sst s31  }
0x72: {  	s4 =	simm.s32 $0x2300;
	[smem:$0x667] =	sst s1  }
0x73: {  	s8 =	simm.s32 $0x2380;
	[smem:$0x668] =	sst s4  }
0x74: {  	s9 =	simm.s32 $0x9C00;
	[smem:$0x669] =	sst s8  }
0x75: {  	s10 =	simm.s32 $0x9C80;
	[smem:$0x66A] =	sst s9  }
0x76: {  	s11 =	simm.s32 $0x9D00;
	[smem:$0x66B] =	sst s10  }
0x77: {  	s12 =	simm.s32 $0x9D80;
	[smem:$0x66C] =	sst s11  }
0x78: {  	s13 =	simm.s32 $0x9E00;
	[smem:$0x66D] =	sst s12  }
0x79: {  	s14 =	simm.s32 $0x9E80;
	[smem:$0x66E] =	sst s13  }
0x7a: {  	s15 =	simm.s32 $0x9F00;
	[smem:$0x66F] =	sst s14  }
0x7b: {  	s16 =	simm.s32 $0x9F80;
	[smem:$0x670] =	sst s15  }
0x7c: {  	s17 =	simm.s32 $0xA000;
	[smem:$0x671] =	sst s16  }
0x7d: {  	s18 =	simm.s32 $0xA080;
	[smem:$0x672] =	sst s17  }
0x7e: {  	s19 =	simm.s32 $0xA100;
	[smem:$0x673] =	sst s18  }
0x7f: {  	[smem:$0x674] =	sst s19;
	s20 =	simm.s32 $0xA180  }
0x80: {  	s21 =	simm.s32 $0xA200;
	[smem:$0x675] =	sst s20  }
0x81: {  	s22 =	simm.s32 $0xA280;
	[smem:$0x676] =	sst s21  }
0x82: {  	s23 =	simm.s32 $0xA300;
	[smem:$0x677] =	sst s22  }
0x83: {  	s25 =	simm.s32 $0xA380;
	[smem:$0x678] =	sst s23  }
0x84: {  	s26 =	simm.s32 $0x2400;
	[smem:$0x679] =	sst s25  }
0x85: {  	s28 =	simm.s32 $0x2480;
	[smem:$0x67A] =	sst s26  }
0x86: {  	s29 =	simm.s32 $0x2500;
	[smem:$0x67B] =	sst s28  }
0x87: {  	s30 =	simm.s32 $0x2580;
	[smem:$0x67C] =	sst s29  }
0x88: {  	s31 =	simm.s32 $0x2600;
	[smem:$0x67D] =	sst s30  }
0x89: {  	s1 =	simm.s32 $0x2680;
	[smem:$0x67E] =	sst s31  }
0x8a: {  	s4 =	simm.s32 $0x2700;
	[smem:$0x67F] =	sst s1  }
0x8b: {  	s8 =	simm.s32 $0x2780;
	[smem:$0x680] =	sst s4  }
0x8c: {  	s9 =	simm.s32 $0x2800;
	[smem:$0x681] =	sst s8  }
0x8d: {  	s10 =	simm.s32 $0x2880;
	[smem:$0x682] =	sst s9  }
0x8e: {  	s11 =	simm.s32 $0x2900;
	[smem:$0x683] =	sst s10  }
0x8f: {  	s12 =	simm.s32 $0x2980;
	[smem:$0x684] =	sst s11  }
0x90: {  	s13 =	simm.s32 $0x2A00;
	[smem:$0x685] =	sst s12  }
0x91: {  	s14 =	simm.s32 $0x2A80;
	[smem:$0x686] =	sst s13  }
0x92: {  	s15 =	simm.s32 $0x2B00;
	[smem:$0x687] =	sst s14  }
0x93: {  	s16 =	simm.s32 $0x2B80;
	[smem:$0x688] =	sst s15  }
0x94: {  	s17 =	simm.s32 $0xA400;
	[smem:$0x689] =	sst s16  }
0x95: {  	s18 =	simm.s32 $0xA480;
	[smem:$0x68A] =	sst s17  }
0x96: {  	s19 =	simm.s32 $0xA500;
	[smem:$0x68B] =	sst s18  }
0x97: {  	[smem:$0x68C] =	sst s19;
	s20 =	simm.s32 $0xA580  }
0x98: {  	s21 =	simm.s32 $0xA600;
	[smem:$0x68D] =	sst s20  }
0x99: {  	s22 =	simm.s32 $0xA680;
	[smem:$0x68E] =	sst s21  }
0x9a: {  	s23 =	simm.s32 $0xA700;
	[smem:$0x68F] =	sst s22  }
0x9b: {  	s25 =	simm.s32 $0xA780;
	[smem:$0x690] =	sst s23  }
0x9c: {  	s26 =	simm.s32 $0xA800;
	[smem:$0x691] =	sst s25  }
0x9d: {  	s28 =	simm.s32 $0xA880;
	[smem:$0x692] =	sst s26  }
0x9e: {  	s29 =	simm.s32 $0xA900;
	[smem:$0x693] =	sst s28  }
0x9f: {  	s30 =	simm.s32 $0xA980;
	[smem:$0x694] =	sst s29  }
0xa0: {  	s31 =	simm.s32 $0xAA00;
	[smem:$0x695] =	sst s30  }
0xa1: {  	s1 =	simm.s32 $0xAA80;
	[smem:$0x696] =	sst s31  }
0xa2: {  	s4 =	simm.s32 $0xAB00;
	[smem:$0x697] =	sst s1  }
0xa3: {  	s8 =	simm.s32 $0xAB80;
	[smem:$0x698] =	sst s4  }
0xa4: {  	s9 =	simm.s32 $0x2C00;
	[smem:$0x699] =	sst s8  }
0xa5: {  	s10 =	simm.s32 $0x2C80;
	[smem:$0x69A] =	sst s9  }
0xa6: {  	s11 =	simm.s32 $0x2D00;
	[smem:$0x69B] =	sst s10  }
0xa7: {  	s12 =	simm.s32 $0x2D80;
	[smem:$0x69C] =	sst s11  }
0xa8: {  	s13 =	simm.s32 $0x2E00;
	[smem:$0x69D] =	sst s12  }
0xa9: {  	s14 =	simm.s32 $0x2E80;
	[smem:$0x69E] =	sst s13  }
0xaa: {  	s15 =	simm.s32 $0x2F00;
	[smem:$0x69F] =	sst s14  }
0xab: {  	s16 =	simm.s32 $0x2F80;
	[smem:$0x6A0] =	sst s15  }
0xac: {  	s17 =	simm.s32 $0x3000;
	[smem:$0x6A1] =	sst s16  }
0xad: {  	s18 =	simm.s32 $0x3080;
	[smem:$0x6A2] =	sst s17  }
0xae: {  	s19 =	simm.s32 $0x3100;
	[smem:$0x6A3] =	sst s18  }
0xaf: {  	[smem:$0x6A4] =	sst s19;
	s20 =	simm.s32 $0x3180  }
0xb0: {  	s21 =	simm.s32 $0x3200;
	[smem:$0x6A5] =	sst s20  }
0xb1: {  	s22 =	simm.s32 $0x3280;
	[smem:$0x6A6] =	sst s21  }
0xb2: {  	s23 =	simm.s32 $0x3300;
	[smem:$0x6A7] =	sst s22  }
0xb3: {  	s25 =	simm.s32 $0x3380;
	[smem:$0x6A8] =	sst s23  }
0xb4: {  	s26 =	simm.s32 $0xAC00;
	[smem:$0x6A9] =	sst s25  }
0xb5: {  	s28 =	simm.s32 $0xAC80;
	[smem:$0x6AA] =	sst s26  }
0xb6: {  	s29 =	simm.s32 $0xAD00;
	[smem:$0x6AB] =	sst s28  }
0xb7: {  	s30 =	simm.s32 $0xAD80;
	[smem:$0x6AC] =	sst s29  }
0xb8: {  	s31 =	simm.s32 $0xAE00;
	[smem:$0x6AD] =	sst s30  }
0xb9: {  	s1 =	simm.s32 $0xAE80;
	[smem:$0x6AE] =	sst s31  }
0xba: {  	s4 =	simm.s32 $0xAF00;
	[smem:$0x6AF] =	sst s1  }
0xbb: {  	s8 =	simm.s32 $0xAF80;
	[smem:$0x6B0] =	sst s4  }
0xbc: {  	s9 =	simm.s32 $0xB000;
	[smem:$0x6B1] =	sst s8  }
0xbd: {  	s10 =	simm.s32 $0xB080;
	[smem:$0x6B2] =	sst s9  }
0xbe: {  	s11 =	simm.s32 $0xB100;
	[smem:$0x6B3] =	sst s10  }
0xbf: {  	s12 =	simm.s32 $0xB180;
	[smem:$0x6B4] =	sst s11  }
0xc0: {  	s13 =	simm.s32 $0xB200;
	[smem:$0x6B5] =	sst s12  }
0xc1: {  	s14 =	simm.s32 $0xB280;
	[smem:$0x6B6] =	sst s13  }
0xc2: {  	s15 =	simm.s32 $0xB300;
	[smem:$0x6B7] =	sst s14  }
0xc3: {  	s16 =	simm.s32 $0xB380;
	[smem:$0x6B8] =	sst s15  }
0xc4: {  	s17 =	simm.s32 $0x3400;
	[smem:$0x6B9] =	sst s16  }
0xc5: {  	s18 =	simm.s32 $0x3480;
	[smem:$0x6BA] =	sst s17  }
0xc6: {  	s19 =	simm.s32 $0x3500;
	[smem:$0x6BB] =	sst s18  }
0xc7: {  	[smem:$0x6BC] =	sst s19;
	s20 =	simm.s32 $0x3580  }
0xc8: {  	s21 =	simm.s32 $0x3600;
	[smem:$0x6BD] =	sst s20  }
0xc9: {  	s22 =	simm.s32 $0x3680;
	[smem:$0x6BE] =	sst s21  }
0xca: {  	s23 =	simm.s32 $0x3700;
	[smem:$0x6BF] =	sst s22  }
0xcb: {  	s25 =	simm.s32 $0x3780;
	[smem:$0x6C0] =	sst s23  }
0xcc: {  	s26 =	simm.s32 $0x3800;
	[smem:$0x6C1] =	sst s25  }
0xcd: {  	s28 =	simm.s32 $0x3880;
	[smem:$0x6C2] =	sst s26  }
0xce: {  	s29 =	simm.s32 $0x3900;
	[smem:$0x6C3] =	sst s28  }
0xcf: {  	s30 =	simm.s32 $0x3980;
	[smem:$0x6C4] =	sst s29  }
0xd0: {  	s31 =	simm.s32 $0x3A00;
	[smem:$0x6C5] =	sst s30  }
0xd1: {  	s1 =	simm.s32 $0x3A80;
	[smem:$0x6C6] =	sst s31  }
0xd2: {  	s4 =	simm.s32 $0x3B00;
	[smem:$0x6C7] =	sst s1  }
0xd3: {  	s8 =	simm.s32 $0x3B80;
	[smem:$0x6C8] =	sst s4  }
0xd4: {  	s9 =	simm.s32 $0xB400;
	[smem:$0x6C9] =	sst s8  }
0xd5: {  	s10 =	simm.s32 $0xB480;
	[smem:$0x6CA] =	sst s9  }
0xd6: {  	s11 =	simm.s32 $0xB500;
	[smem:$0x6CB] =	sst s10  }
0xd7: {  	s12 =	simm.s32 $0xB580;
	[smem:$0x6CC] =	sst s11  }
0xd8: {  	s13 =	simm.s32 $0xB600;
	[smem:$0x6CD] =	sst s12  }
0xd9: {  	s14 =	simm.s32 $0xB680;
	[smem:$0x6CE] =	sst s13  }
0xda: {  	s15 =	simm.s32 $0xB700;
	[smem:$0x6CF] =	sst s14  }
0xdb: {  	s16 =	simm.s32 $0xB780;
	[smem:$0x6D0] =	sst s15  }
0xdc: {  	s17 =	simm.s32 $0xB800;
	[smem:$0x6D1] =	sst s16  }
0xdd: {  	s18 =	simm.s32 $0xB880;
	[smem:$0x6D2] =	sst s17  }
0xde: {  	s19 =	simm.s32 $0xB900;
	[smem:$0x6D3] =	sst s18  }
0xdf: {  	[smem:$0x6D4] =	sst s19;
	s20 =	simm.s32 $0xB980  }
0xe0: {  	s21 =	simm.s32 $0xBA00;
	[smem:$0x6D5] =	sst s20  }
0xe1: {  	s22 =	simm.s32 $0xBA80;
	[smem:$0x6D6] =	sst s21  }
0xe2: {  	s23 =	simm.s32 $0xBB00;
	[smem:$0x6D7] =	sst s22  }
0xe3: {  	s25 =	simm.s32 $0xBB80;
	[smem:$0x6D8] =	sst s23  }
0xe4: {  	s26 =	simm.s32 $0x3C00;
	[smem:$0x6D9] =	sst s25  }
0xe5: {  	s28 =	simm.s32 $0x3C80;
	[smem:$0x6DA] =	sst s26  }
0xe6: {  	s29 =	simm.s32 $0x3D00;
	[smem:$0x6DB] =	sst s28  }
0xe7: {  	s30 =	simm.s32 $0x3D80;
	[smem:$0x6DC] =	sst s29  }
0xe8: {  	s31 =	simm.s32 $0x3E00;
	[smem:$0x6DD] =	sst s30  }
0xe9: {  	s1 =	simm.s32 $0x3E80;
	[smem:$0x6DE] =	sst s31  }
0xea: {  	s4 =	simm.s32 $0x3F00;
	[smem:$0x6DF] =	sst s1  }
0xeb: {  	s8 =	simm.s32 $0x3F80;
	[smem:$0x6E0] =	sst s4  }
0xec: {  	s9 =	simm.s32 $0x4000;
	[smem:$0x6E1] =	sst s8  }
0xed: {  	s10 =	simm.s32 $0x4080;
	[smem:$0x6E2] =	sst s9  }
0xee: {  	s11 =	simm.s32 $0x4100;
	[smem:$0x6E3] =	sst s10  }
0xef: {  	s12 =	simm.s32 $0x4180;
	[smem:$0x6E4] =	sst s11  }
0xf0: {  	s13 =	simm.s32 $0x4200;
	[smem:$0x6E5] =	sst s12  }
0xf1: {  	s14 =	simm.s32 $0x4280;
	[smem:$0x6E6] =	sst s13  }
0xf2: {  	s15 =	simm.s32 $0x4300;
	[smem:$0x6E7] =	sst s14  }
0xf3: {  	s16 =	simm.s32 $0x4380;
	[smem:$0x6E8] =	sst s15  }
0xf4: {  	s17 =	simm.s32 $0xBC00;
	[smem:$0x6E9] =	sst s16  }
0xf5: {  	s18 =	simm.s32 $0xBC80;
	[smem:$0x6EA] =	sst s17  }
0xf6: {  	s19 =	simm.s32 $0xBD00;
	[smem:$0x6EB] =	sst s18  }
0xf7: {  	[smem:$0x6EC] =	sst s19;
	s20 =	simm.s32 $0xBD80  }
0xf8: {  	s21 =	simm.s32 $0xBE00;
	[smem:$0x6ED] =	sst s20  }
0xf9: {  	s22 =	simm.s32 $0xBE80;
	[smem:$0x6EE] =	sst s21  }
0xfa: {  	s23 =	simm.s32 $0xBF00;
	[smem:$0x6EF] =	sst s22  }
0xfb: {  	s25 =	simm.s32 $0xBF80;
	[smem:$0x6F0] =	sst s23  }
0xfc: {  	s26 =	simm.s32 $0xC000;
	[smem:$0x6F1] =	sst s25  }
0xfd: {  	s28 =	simm.s32 $0xC080;
	[smem:$0x6F2] =	sst s26  }
0xfe: {  	s29 =	simm.s32 $0xC100;
	[smem:$0x6F3] =	sst s28  }
0xff: {  	s30 =	simm.s32 $0xC180;
	[smem:$0x6F4] =	sst s29  }
0x100: {  	s31 =	simm.s32 $0xC200;
	[smem:$0x6F5] =	sst s30  }
0x101: {  	s1 =	simm.s32 $0xC280;
	[smem:$0x6F6] =	sst s31  }
0x102: {  	s4 =	simm.s32 $0xC300;
	[smem:$0x6F7] =	sst s1  }
0x103: {  	s8 =	simm.s32 $0xC380;
	[smem:$0x6F8] =	sst s4  }
0x104: {  	s9 =	simm.s32 $0x4400;
	[smem:$0x6F9] =	sst s8  }
0x105: {  	s10 =	simm.s32 $0x4480;
	[smem:$0x6FA] =	sst s9  }
0x106: {  	s11 =	simm.s32 $0x4500;
	[smem:$0x6FB] =	sst s10  }
0x107: {  	s12 =	simm.s32 $0x4580;
	[smem:$0x6FC] =	sst s11  }
0x108: {  	s13 =	simm.s32 $0x4600;
	[smem:$0x6FD] =	sst s12  }
0x109: {  	s14 =	simm.s32 $0x4680;
	[smem:$0x6FE] =	sst s13  }
0x10a: {  	s15 =	simm.s32 $0x4700;
	[smem:$0x6FF] =	sst s14  }
0x10b: {  	s16 =	simm.s32 $0x4780;
	[smem:$0x700] =	sst s15  }
0x10c: {  	s17 =	simm.s32 $0x4800;
	[smem:$0x701] =	sst s16  }
0x10d: {  	s18 =	simm.s32 $0x4880;
	[smem:$0x702] =	sst s17  }
0x10e: {  	s19 =	simm.s32 $0x4900;
	[smem:$0x703] =	sst s18  }
0x10f: {  	[smem:$0x704] =	sst s19;
	s20 =	simm.s32 $0x4980  }
0x110: {  	s21 =	simm.s32 $0x4A00;
	[smem:$0x705] =	sst s20  }
0x111: {  	s22 =	simm.s32 $0x4A80;
	[smem:$0x706] =	sst s21  }
0x112: {  	s4 =	simm.s32 $0x4B00;
	[smem:$0x707] =	sst s22  }
0x113: {  	s23 =	simm.s32 $0x4B80;
	[smem:$0x708] =	sst s4  }
0x114: {  	s25 =	simm.s32 $0xC400;
	[smem:$0x709] =	sst s23  }
0x115: {  	s26 =	simm.s32 $0xC480;
	[smem:$0x70A] =	sst s25  }
0x116: {  	s28 =	simm.s32 $0xC500;
	[smem:$0x70B] =	sst s26  }
0x117: {  	s29 =	simm.s32 $0xC580;
	[smem:$0x70C] =	sst s28  }
0x118: {  	s30 =	simm.s32 $0xC600;
	[smem:$0x70D] =	sst s29  }
0x119: {  	s31 =	simm.s32 $0xC680;
	[smem:$0x70E] =	sst s30  }
0x11a: {  	s1 =	simm.s32 $0xC700;
	[smem:$0x70F] =	sst s31  }
0x11b: {  	s8 =	simm.s32 $0xC800;
	[smem:$0x710] =	sst s1  }
0x11c: {  	s9 =	simm.s32 $0xC880;
	[smem:$0x712] =	sst s8  }
0x11d: {  	s10 =	simm.s32 $0xC900;
	[smem:$0x713] =	sst s9  }
0x11e: {  	s11 =	simm.s32 $0xC980;
	[smem:$0x714] =	sst s10  }
0x11f: {  	s12 =	simm.s32 $0xCA00;
	[smem:$0x715] =	sst s11  }
0x120: {  	s13 =	simm.s32 $0xCA80;
	[smem:$0x716] =	sst s12  }
0x121: {  	s14 =	simm.s32 $0xCB00;
	[smem:$0x717] =	sst s13  }
0x122: {  	s15 =	simm.s32 $0xCB80;
	[smem:$0x718] =	sst s14  }
0x123: {  	s16 =	simm.s32 $0x4C00;
	[smem:$0x719] =	sst s15  }
0x124: {  	s17 =	simm.s32 $0x4C80;
	[smem:$0x71A] =	sst s16  }
0x125: {  	s18 =	simm.s32 $0x4D00;
	[smem:$0x71B] =	sst s17  }
0x126: {  	s19 =	simm.s32 $0x4D80;
	[smem:$0x71C] =	sst s18  }
0x127: {  	s4 =	simm.s32 $0xC780;
	[smem:$0x71D] =	sst s19  }
0x128: {  	s20 =	simm.s32 $0x4E00;
	[smem:$0x711] =	sst s4  }
0x129: {  	s21 =	simm.s32 $0x4E80;
	[smem:$0x71E] =	sst s20  }
0x12a: {  	s22 =	simm.s32 $0x4F00;
	[smem:$0x71F] =	sst s21  }
0x12b: {  	s23 =	simm.s32 $0x4F80;
	[smem:$0x720] =	sst s22  }
0x12c: {  	s25 =	simm.s32 $0x5000;
	[smem:$0x721] =	sst s23  }
0x12d: {  	s26 =	simm.s32 $0x5080;
	[smem:$0x722] =	sst s25  }
0x12e: {  	s28 =	simm.s32 $0x5100;
	[smem:$0x723] =	sst s26  }
0x12f: {  	s29 =	simm.s32 $0x5180;
	[smem:$0x724] =	sst s28  }
0x130: {  	s30 =	simm.s32 $0x5200;
	[smem:$0x725] =	sst s29  }
0x131: {  	s31 =	simm.s32 $0x5280;
	[smem:$0x726] =	sst s30  }
0x132: {  	s1 =	simm.s32 $0x5300;
	[smem:$0x727] =	sst s31  }
0x133: {  	s8 =	simm.s32 $0xCC00;
	[smem:$0x728] =	sst s1  }
0x134: {  	s9 =	simm.s32 $0xCC80;
	[smem:$0x72A] =	sst s8  }
0x135: {  	s10 =	simm.s32 $0xCD00;
	[smem:$0x72B] =	sst s9  }
0x136: {  	s11 =	simm.s32 $0xCD80;
	[smem:$0x72C] =	sst s10  }
0x137: {  	s12 =	simm.s32 $0xCE00;
	[smem:$0x72D] =	sst s11  }
0x138: {  	s13 =	simm.s32 $0xCE80;
	[smem:$0x72E] =	sst s12  }
0x139: {  	s14 =	simm.s32 $0xCF00;
	[smem:$0x72F] =	sst s13  }
0x13a: {  	s15 =	simm.s32 $0xCF80;
	[smem:$0x730] =	sst s14  }
0x13b: {  	s16 =	simm.s32 $0xD000;
	[smem:$0x731] =	sst s15  }
0x13c: {  	s17 =	simm.s32 $0xD080;
	[smem:$0x732] =	sst s16  }
0x13d: {  	s18 =	simm.s32 $0xD100;
	[smem:$0x733] =	sst s17  }
0x13e: {  	s19 =	simm.s32 $0xD180;
	[smem:$0x734] =	sst s18  }
0x13f: {  	s4 =	simm.s32 $0x5380;
	[smem:$0x735] =	sst s19  }
0x140: {  	s20 =	simm.s32 $0xD200;
	[smem:$0x729] =	sst s4  }
0x141: {  	s21 =	simm.s32 $0xD280;
	[smem:$0x736] =	sst s20  }
0x142: {  	s22 =	simm.s32 $0xD300;
	[smem:$0x737] =	sst s21  }
0x143: {  	s23 =	simm.s32 $0xD380;
	[smem:$0x738] =	sst s22  }
0x144: {  	s25 =	simm.s32 $0x5400;
	[smem:$0x739] =	sst s23  }
0x145: {  	s26 =	simm.s32 $0x5480;
	[smem:$0x73A] =	sst s25  }
0x146: {  	s28 =	simm.s32 $0x5500;
	[smem:$0x73B] =	sst s26  }
0x147: {  	s29 =	simm.s32 $0x5580;
	[smem:$0x73C] =	sst s28  }
0x148: {  	s30 =	simm.s32 $0x5600;
	[smem:$0x73D] =	sst s29  }
0x149: {  	s31 =	simm.s32 $0x5680;
	[smem:$0x73E] =	sst s30  }
0x14a: {  	s1 =	simm.s32 $0x5700;
	[smem:$0x73F] =	sst s31  }
0x14b: {  	s8 =	simm.s32 $0x5800;
	[smem:$0x740] =	sst s1  }
0x14c: {  	s9 =	simm.s32 $0x5880;
	[smem:$0x742] =	sst s8  }
0x14d: {  	s10 =	simm.s32 $0x5900;
	[smem:$0x743] =	sst s9  }
0x14e: {  	s11 =	simm.s32 $0x5980;
	[smem:$0x744] =	sst s10  }
0x14f: {  	s12 =	simm.s32 $0x5A00;
	[smem:$0x745] =	sst s11  }
0x150: {  	s13 =	simm.s32 $0x5A80;
	[smem:$0x746] =	sst s12  }
0x151: {  	s14 =	simm.s32 $0x5B00;
	[smem:$0x747] =	sst s13  }
0x152: {  	s15 =	simm.s32 $0x5B80;
	[smem:$0x748] =	sst s14  }
0x153: {  	s16 =	simm.s32 $0xD400;
	[smem:$0x749] =	sst s15  }
0x154: {  	s17 =	simm.s32 $0xD480;
	[smem:$0x74A] =	sst s16  }
0x155: {  	s18 =	simm.s32 $0xD500;
	[smem:$0x74B] =	sst s17  }
0x156: {  	s19 =	simm.s32 $0xD580;
	[smem:$0x74C] =	sst s18  }
0x157: {  	s4 =	simm.s32 $0x5780;
	[smem:$0x74D] =	sst s19  }
0x158: {  	s20 =	simm.s32 $0xD600;
	[smem:$0x741] =	sst s4  }
0x159: {  	s21 =	simm.s32 $0xD680;
	[smem:$0x74E] =	sst s20  }
0x15a: {  	s22 =	simm.s32 $0xD700;
	[smem:$0x74F] =	sst s21  }
0x15b: {  	s23 =	simm.s32 $0xD780;
	[smem:$0x750] =	sst s22  }
0x15c: {  	s25 =	simm.s32 $0xD800;
	[smem:$0x751] =	sst s23  }
0x15d: {  	s26 =	simm.s32 $0xD880;
	[smem:$0x752] =	sst s25  }
0x15e: {  	s28 =	simm.s32 $0xD900;
	[smem:$0x753] =	sst s26  }
0x15f: {  	s29 =	simm.s32 $0xD980;
	[smem:$0x754] =	sst s28  }
0x160: {  	s30 =	simm.s32 $0xDA00;
	[smem:$0x755] =	sst s29  }
0x161: {  	s31 =	simm.s32 $0xDA80;
	[smem:$0x756] =	sst s30  }
0x162: {  	s1 =	simm.s32 $0xDB00;
	[smem:$0x757] =	sst s31  }
0x163: {  	s8 =	simm.s32 $0x5C00;
	[smem:$0x758] =	sst s1  }
0x164: {  	s9 =	simm.s32 $0x5C80;
	[smem:$0x75A] =	sst s8  }
0x165: {  	s10 =	simm.s32 $0x5D00;
	[smem:$0x75B] =	sst s9  }
0x166: {  	s11 =	simm.s32 $0x5D80;
	[smem:$0x75C] =	sst s10  }
0x167: {  	s12 =	simm.s32 $0x5E00;
	[smem:$0x75D] =	sst s11  }
0x168: {  	s13 =	simm.s32 $0x5E80;
	[smem:$0x75E] =	sst s12  }
0x169: {  	s14 =	simm.s32 $0x5F00;
	[smem:$0x75F] =	sst s13  }
0x16a: {  	s15 =	simm.s32 $0x5F80;
	[smem:$0x760] =	sst s14  }
0x16b: {  	s16 =	simm.s32 $0x6000;
	[smem:$0x761] =	sst s15  }
0x16c: {  	s17 =	simm.s32 $0x6080;
	[smem:$0x762] =	sst s16  }
0x16d: {  	s18 =	simm.s32 $0x6100;
	[smem:$0x763] =	sst s17  }
0x16e: {  	s19 =	simm.s32 $0x6180;
	[smem:$0x764] =	sst s18  }
0x16f: {  	s4 =	simm.s32 $0xDB80;
	[smem:$0x765] =	sst s19  }
0x170: {  	s20 =	simm.s32 $0x6200;
	[smem:$0x759] =	sst s4  }
0x171: {  	s21 =	simm.s32 $0x6280;
	[smem:$0x766] =	sst s20  }
0x172: {  	s22 =	simm.s32 $0x6300;
	[smem:$0x767] =	sst s21  }
0x173: {  	s23 =	simm.s32 $0x6380;
	[smem:$0x768] =	sst s22  }
0x174: {  	s25 =	simm.s32 $0xDC00;
	[smem:$0x769] =	sst s23  }
0x175: {  	s26 =	simm.s32 $0xDC80;
	[smem:$0x76A] =	sst s25  }
0x176: {  	s28 =	simm.s32 $0xDD00;
	[smem:$0x76B] =	sst s26  }
0x177: {  	s29 =	simm.s32 $0xDD80;
	[smem:$0x76C] =	sst s28  }
0x178: {  	s30 =	simm.s32 $0xDE00;
	[smem:$0x76D] =	sst s29  }
0x179: {  	s31 =	simm.s32 $0xDE80;
	[smem:$0x76E] =	sst s30  }
0x17a: {  	s1 =	simm.s32 $0xDF00;
	[smem:$0x76F] =	sst s31  }
0x17b: {  	s8 =	simm.s32 $0xE000;
	[smem:$0x770] =	sst s1  }
0x17c: {  	s9 =	simm.s32 $0xE080;
	[smem:$0x772] =	sst s8  }
0x17d: {  	s10 =	simm.s32 $0xE100;
	[smem:$0x773] =	sst s9  }
0x17e: {  	s11 =	simm.s32 $0xE180;
	[smem:$0x774] =	sst s10  }
0x17f: {  	s12 =	simm.s32 $0xE200;
	[smem:$0x775] =	sst s11  }
0x180: {  	s13 =	simm.s32 $0xE280;
	[smem:$0x776] =	sst s12  }
0x181: {  	s14 =	simm.s32 $0xE300;
	[smem:$0x777] =	sst s13  }
0x182: {  	s15 =	simm.s32 $0xE380;
	[smem:$0x778] =	sst s14  }
0x183: {  	s16 =	simm.s32 $0x6400;
	[smem:$0x779] =	sst s15  }
0x184: {  	s17 =	simm.s32 $0x6480;
	[smem:$0x77A] =	sst s16  }
0x185: {  	s18 =	simm.s32 $0x6500;
	[smem:$0x77B] =	sst s17  }
0x186: {  	s19 =	simm.s32 $0x6580;
	[smem:$0x77C] =	sst s18  }
0x187: {  	s4 =	simm.s32 $0xDF80;
	[smem:$0x77D] =	sst s19  }
0x188: {  	s20 =	simm.s32 $0x6600;
	[smem:$0x771] =	sst s4  }
0x189: {  	s21 =	simm.s32 $0x6680;
	[smem:$0x77E] =	sst s20  }
0x18a: {  	s22 =	simm.s32 $0x6700;
	[smem:$0x77F] =	sst s21  }
0x18b: {  	s23 =	simm.s32 $0x6780;
	[smem:$0x780] =	sst s22  }
0x18c: {  	s25 =	simm.s32 $0x6800;
	[smem:$0x781] =	sst s23  }
0x18d: {  	s26 =	simm.s32 $0x6880;
	[smem:$0x782] =	sst s25  }
0x18e: {  	s28 =	simm.s32 $0x6900;
	[smem:$0x783] =	sst s26  }
0x18f: {  	s29 =	simm.s32 $0x6980;
	[smem:$0x784] =	sst s28  }
0x190: {  	s30 =	simm.s32 $0x6A00;
	[smem:$0x785] =	sst s29  }
0x191: {  	s31 =	simm.s32 $0x6A80;
	[smem:$0x786] =	sst s30  }
0x192: {  	s1 =	simm.s32 $0x6B00;
	[smem:$0x787] =	sst s31  }
0x193: {  	s8 =	simm.s32 $0xE400;
	[smem:$0x788] =	sst s1  }
0x194: {  	s9 =	simm.s32 $0xE480;
	[smem:$0x78A] =	sst s8  }
0x195: {  	s10 =	simm.s32 $0xE500;
	[smem:$0x78B] =	sst s9  }
0x196: {  	s11 =	simm.s32 $0xE580;
	[smem:$0x78C] =	sst s10  }
0x197: {  	s12 =	simm.s32 $0xE600;
	[smem:$0x78D] =	sst s11  }
0x198: {  	s13 =	simm.s32 $0xE680;
	[smem:$0x78E] =	sst s12  }
0x199: {  	s14 =	simm.s32 $0xE700;
	[smem:$0x78F] =	sst s13  }
0x19a: {  	s15 =	simm.s32 $0xE780;
	[smem:$0x790] =	sst s14  }
0x19b: {  	s16 =	simm.s32 $0xE800;
	[smem:$0x791] =	sst s15  }
0x19c: {  	s17 =	simm.s32 $0xE880;
	[smem:$0x792] =	sst s16  }
0x19d: {  	s18 =	simm.s32 $0xE900;
	[smem:$0x793] =	sst s17  }
0x19e: {  	s19 =	simm.s32 $0xE980;
	[smem:$0x794] =	sst s18  }
0x19f: {  	s4 =	simm.s32 $0x6B80;
	[smem:$0x795] =	sst s19  }
0x1a0: {  	s20 =	simm.s32 $0xEA00;
	[smem:$0x789] =	sst s4  }
0x1a1: {  	s21 =	simm.s32 $0xEA80;
	[smem:$0x796] =	sst s20  }
0x1a2: {  	s22 =	simm.s32 $0xEB00;
	[smem:$0x797] =	sst s21  }
0x1a3: {  	s23 =	simm.s32 $0xEB80;
	[smem:$0x798] =	sst s22  }
0x1a4: {  	s25 =	simm.s32 $0x6C00;
	[smem:$0x799] =	sst s23  }
0x1a5: {  	s26 =	simm.s32 $0x6C80;
	[smem:$0x79A] =	sst s25  }
0x1a6: {  	s28 =	simm.s32 $0x6D00;
	[smem:$0x79B] =	sst s26  }
0x1a7: {  	s29 =	simm.s32 $0x6D80;
	[smem:$0x79C] =	sst s28  }
0x1a8: {  	s30 =	simm.s32 $0x6E00;
	[smem:$0x79D] =	sst s29  }
0x1a9: {  	s31 =	simm.s32 $0x6E80;
	[smem:$0x79E] =	sst s30  }
0x1aa: {  	s1 =	simm.s32 $0x6F00;
	[smem:$0x79F] =	sst s31  }
0x1ab: {  	s8 =	simm.s32 $0x7000;
	[smem:$0x7A0] =	sst s1  }
0x1ac: {  	s9 =	simm.s32 $0x7080;
	[smem:$0x7A2] =	sst s8  }
0x1ad: {  	s10 =	simm.s32 $0x7100;
	[smem:$0x7A3] =	sst s9  }
0x1ae: {  	s11 =	simm.s32 $0x7180;
	[smem:$0x7A4] =	sst s10  }
0x1af: {  	s12 =	simm.s32 $0x7200;
	[smem:$0x7A5] =	sst s11  }
0x1b0: {  	s13 =	simm.s32 $0x7280;
	[smem:$0x7A6] =	sst s12  }
0x1b1: {  	s14 =	simm.s32 $0x7300;
	[smem:$0x7A7] =	sst s13  }
0x1b2: {  	s15 =	simm.s32 $0x7380;
	[smem:$0x7A8] =	sst s14  }
0x1b3: {  	s16 =	simm.s32 $0xEC00;
	[smem:$0x7A9] =	sst s15  }
0x1b4: {  	s17 =	simm.s32 $0xEC80;
	[smem:$0x7AA] =	sst s16  }
0x1b5: {  	s18 =	simm.s32 $0xED00;
	[smem:$0x7AB] =	sst s17  }
0x1b6: {  	s19 =	simm.s32 $0xED80;
	[smem:$0x7AC] =	sst s18  }
0x1b7: {  	s4 =	simm.s32 $0x6F80;
	[smem:$0x7AD] =	sst s19  }
0x1b8: {  	s20 =	simm.s32 $0xEE00;
	[smem:$0x7A1] =	sst s4  }
0x1b9: {  	s21 =	simm.s32 $0xEE80;
	[smem:$0x7AE] =	sst s20  }
0x1ba: {  	s22 =	simm.s32 $0xEF00;
	[smem:$0x7AF] =	sst s21  }
0x1bb: {  	s23 =	simm.s32 $0xEF80;
	[smem:$0x7B0] =	sst s22  }
0x1bc: {  	s25 =	simm.s32 $0xF000;
	[smem:$0x7B1] =	sst s23  }
0x1bd: {  	s26 =	simm.s32 $0xF080;
	[smem:$0x7B2] =	sst s25  }
0x1be: {  	s28 =	simm.s32 $0xF100;
	[smem:$0x7B3] =	sst s26  }
0x1bf: {  	s29 =	simm.s32 $0xF180;
	[smem:$0x7B4] =	sst s28  }
0x1c0: {  	s30 =	simm.s32 $0xF200;
	[smem:$0x7B5] =	sst s29  }
0x1c1: {  	s31 =	simm.s32 $0xF280;
	[smem:$0x7B6] =	sst s30  }
0x1c2: {  	s1 =	simm.s32 $0xF300;
	[smem:$0x7B7] =	sst s31  }
0x1c3: {  	s8 =	simm.s32 $0x7400;
	[smem:$0x7B8] =	sst s1  }
0x1c4: {  	s9 =	simm.s32 $0x7480;
	[smem:$0x7BA] =	sst s8  }
0x1c5: {  	s10 =	simm.s32 $0x7500;
	[smem:$0x7BB] =	sst s9  }
0x1c6: {  	s11 =	simm.s32 $0x7580;
	[smem:$0x7BC] =	sst s10  }
0x1c7: {  	s12 =	simm.s32 $0x7600;
	[smem:$0x7BD] =	sst s11  }
0x1c8: {  	s13 =	simm.s32 $0x7680;
	[smem:$0x7BE] =	sst s12  }
0x1c9: {  	s14 =	simm.s32 $0x7700;
	[smem:$0x7BF] =	sst s13  }
0x1ca: {  	s15 =	simm.s32 $0x7780;
	[smem:$0x7C0] =	sst s14  }
0x1cb: {  	s16 =	simm.s32 $0x7800;
	[smem:$0x7C1] =	sst s15  }
0x1cc: {  	s17 =	simm.s32 $0x7880;
	[smem:$0x7C2] =	sst s16  }
0x1cd: {  	s18 =	simm.s32 $0x7900;
	[smem:$0x7C3] =	sst s17  }
0x1ce: {  	s19 =	simm.s32 $0x7980;
	[smem:$0x7C4] =	sst s18  }
0x1cf: {  	s4 =	simm.s32 $0xF380;
	[smem:$0x7C5] =	sst s19  }
0x1d0: {  	s20 =	simm.s32 $0x7A00;
	[smem:$0x7B9] =	sst s4  }
0x1d1: {  	s21 =	simm.s32 $0x7A80;
	[smem:$0x7C6] =	sst s20  }
0x1d2: {  	s22 =	simm.s32 $0x7B00;
	[smem:$0x7C7] =	sst s21  }
0x1d3: {  	s23 =	simm.s32 $0x7B80;
	[smem:$0x7C8] =	sst s22  }
0x1d4: {  	s25 =	simm.s32 $0xF400;
	[smem:$0x7C9] =	sst s23  }
0x1d5: {  	s26 =	simm.s32 $0xF480;
	[smem:$0x7CA] =	sst s25  }
0x1d6: {  	s28 =	simm.s32 $0xF500;
	[smem:$0x7CB] =	sst s26  }
0x1d7: {  	s29 =	simm.s32 $0xF580;
	[smem:$0x7CC] =	sst s28  }
0x1d8: {  	s30 =	simm.s32 $0xF600;
	[smem:$0x7CD] =	sst s29  }
0x1d9: {  	s31 =	simm.s32 $0xF680;
	[smem:$0x7CE] =	sst s30  }
0x1da: {  	s1 =	simm.s32 $0xF700;
	[smem:$0x7CF] =	sst s31  }
0x1db: {  	s8 =	simm.s32 $0xF800;
	[smem:$0x7D0] =	sst s1  }
0x1dc: {  	s9 =	simm.s32 $0xF880;
	[smem:$0x7D2] =	sst s8  }
0x1dd: {  	s10 =	simm.s32 $0xF900;
	[smem:$0x7D3] =	sst s9  }
0x1de: {  	s11 =	simm.s32 $0xF980;
	[smem:$0x7D4] =	sst s10  }
0x1df: {  	s12 =	simm.s32 $0xFA00;
	[smem:$0x7D5] =	sst s11  }
0x1e0: {  	s13 =	simm.s32 $0xFA80;
	[smem:$0x7D6] =	sst s12  }
0x1e1: {  	s14 =	simm.s32 $0xFB00;
	[smem:$0x7D7] =	sst s13  }
0x1e2: {  	s15 =	simm.s32 $0xFB80;
	[smem:$0x7D8] =	sst s14  }
0x1e3: {  	s16 =	simm.s32 $0x7C00;
	[smem:$0x7D9] =	sst s15  }
0x1e4: {  	s17 =	simm.s32 $0x7C80;
	[smem:$0x7DA] =	sst s16  }
0x1e5: {  	s18 =	simm.s32 $0x7D00;
	[smem:$0x7DB] =	sst s17  }
0x1e6: {  	s19 =	simm.s32 $0x7D80;
	[smem:$0x7DC] =	sst s18  }
0x1e7: {  	s4 =	simm.s32 $0xF780;
	[smem:$0x7DD] =	sst s19  }
0x1e8: {  	s20 =	simm.s32 $0x7E00;
	[smem:$0x7D1] =	sst s4  }
0x1e9: {  	s21 =	simm.s32 $0x7E80;
	[smem:$0x7DE] =	sst s20  }
0x1ea: {  	s22 =	simm.s32 $0x7F00;
	[smem:$0x7DF] =	sst s21  }
0x1eb: {  	s23 =	simm.s32 $0x7F80;
	[smem:$0x7E0] =	sst s22  }
0x1ec: {  	s25 =	simm.s32 $0x8000;
	[smem:$0x7E1] =	sst s23  }
0x1ed: {  	s26 =	simm.s32 $0x8080;
	[smem:$0x7E2] =	sst s25  }
0x1ee: {  	s28 =	simm.s32 $0x8100;
	[smem:$0x7E3] =	sst s26  }
0x1ef: {  	s29 =	simm.s32 $0x8180;
	[smem:$0x7E4] =	sst s28  }
0x1f0: {  	s30 =	simm.s32 $0x8200;
	[smem:$0x7E5] =	sst s29  }
0x1f1: {  	s31 =	simm.s32 $0x8280;
	[smem:$0x7E6] =	sst s30  }
0x1f2: {  	s1 =	simm.s32 $0x8300;
	[smem:$0x7E7] =	sst s31  }
0x1f3: {  	s8 =	simm.s32 $0x8380;
	[smem:$0x7E8] =	sst s1  }
0x1f4: {  	s10 =	simm.s32 $0xFC00;
	[smem:$0x7E9] =	sst s8  }
0x1f5: {  	s12 =	simm.s32 $0xFD80;
	[smem:$0x7EA] =	sst s10  }
0x1f6: {  	s15 =	simm.s32 $0xFE80;
	[smem:$0x7EC] =	sst s12  }
0x1f7: {  	s16 =	simm.s32 $0xFF80;
	[smem:$0x7EE] =	sst s15  }
0x1f8: {  	s17 =	simm.s32 $0x10000;
	[smem:$0x7EF] =	sst s16  }
0x1f9: {  	s18 =	simm.s32 $0x10080;
	[smem:$0x7F0] =	sst s17  }
0x1fa: {  	s9 =	srdreg.scid;
	s8 =	simm.s32 $0xFC80;
	[smem:$0x7F1] =	sst s18  }
0x1fb: {  	s11 =	sand.u32 $0x1, s9;
	s9 =	simm.s32 $0xFE00;
	[smem:$0x7EB] =	sst s8  }
0x1fc: {  	s10 =	simm.s32 $0x10100;
	[smem:$0x7ED] =	sst s9  }
0x1fd: {  	s1 =	stileid.u32;
	s20 =	simm.s32 $0x10200;
	[smem:$0x7F2] =	sst s10  }
0x1fe: {  	s22 =	simm.s32 $0x10280;
	s25 =	simm.s32 $0x10300;
	[smem:$0x7F4] =	sst s20  }
0x1ff: {  	s28 =	simm.s32 $0x10380;
	s29 =	simm.s32 $0x10180;
	[smem:$0x7F6] =	sst s22  }
0x200: {  	s30 =	simm.s32 $0xFF00;
	s31 =	simm.s32 $0xFD00;
	[smem:$0x7F8] =	sst s25  }
0x201: {  	v0 =	vlaneseq.u32;
	s12 =	simm.s32 $0x8400;
	s13 =	sshll.u32 s1, $0x7;
	[smem:$0x7FA] =	sst s28  }
0x202: {  	v0 =	vmul.u32 $0x800, v0;
	s14 =	sshll.u32 s11, $0x6;
	s0 =	ssub.s32 $0x2, s11;
	[smem:$0x7FB] =	sst s29  }
0x203: {  	s1 =	simm.s32 $0x2;
	[smem:$0x7FC] =	sst s30;
	s4 =	sor.u32 s14, s13  }
0x204: {  	v1 =	vor.u32 $0x80, v0;
	v2 =	vor.u32 $0x100, v0;
	v3 =	vor.u32 $0x180, v0;
	[smem:$0x7FD] =	sst s31;
	s19 =	sshrl.u32 s0, $0x1;
	s21 =	sadd.s32 s5, s4  }
0x205: {  	v4 =	vor.u32 $0x200, v0;
	v5 =	vor.u32 $0x280, v0;
	v6 =	vor.u32 $0x300, v0;
	s7 =	sadd.s32 s4, s7;
	s23 =	sadd.s32 s6, s4;
	[smem:$0x7F3] =	sst s21  }
0x206: {  	v7 =	vor.u32 $0x380, v0;
	v8 =	vor.u32 $0x400, v0;
	v9 =	vor.u32 $0x480, v0;
	s0 =	ssub.s32 s0, s19;
	[smem:$0x7F5] =	sst s23;
	s26 =	sadd.s32 $0x800, s7  }
0x207: {  	v10 =	vor.u32 $0x500, v0;
	v11 =	vor.u32 $0x580, v0;
	v12 =	vor.u32 $0x600, v0;
	s11 =	simm.s32 $0x400;
	s0 =	smax.u32 s0, $0x1;
	[smem:$0x7F7] =	sst s26  }
0x208: {  	v13 =	vor.u32 $0x680, v0;
	v14 =	vor.u32 $0x700, v0;
	v15 =	vor.u32 $0x780, v0;
	s13 =	simm.s32 $0x1;
	s4 =	simm.s32 $0x0;
	[smem:$0x7F9] =	sst s0  }
.LBB2_1:
0x209: {  	s0 =	sld [smem:$0x7F3];
	_ =	sdelay $0x1  }
0x20a: {  	[smem:$0x5FB] =	sst s4  }
0x20b: {  	[tilespmem:s3], [sflag:$0x2] =	stream.linear.gather [hbm4b:s0+s3], $0x200, $0x38;
	[tilespmem:$0x10600] =	vst v63  }
0x20c: {  	_ =	swait.ge [sflag:s1], $0x200  }
0x20d: {  	s30 =	sld [smem:$0x7F5]  }
0x20e: {  	[sflag:s1] =	ssyncset.done $0x0  }
0x20f: {  	s31 =	simm.s32 $0x200;
	[sflag:s1] =	ssyncadd.s32 $0xFFFFFE00  }
0x210: {  	[tilespmem:s31], [sflag:$0x2] =	stream.linear.gather [hbm4b:s30+s3], $0x200, $0x38;
	[tilespmem:$0x10600] =	vst v63  }
0x211: {  	_ =	swait.ge [sflag:s1], $0x200  }
0x212: {  	[sflag:s1] =	ssyncset.done $0x0  }
0x213: {  	s0 =	simm.s32 $0x0;
	[sflag:s1] =	ssyncadd.s32 $0xFFFFFE00  }
.LBB2_2:
0x214: {  	s21 =	sshll.u32 s0, $0x4  }
0x215: {  	v16 =	vld [tilespmem:s21+$0x200]  }
0x216: {  	v17 =	vld [tilespmem:s21+$0x0];
	_ =	sdelay $0x3  }
0x217: {  	(v2sf) =	vpush v16, $0x0  }
0x218: {  	(v2sf) =	vpush v17, $0x0  }
0x219: {  	(v2sf) =	vpush v16, $0x1  }
0x21a: {  	(v2sf) =	vpush v17, $0x1  }
0x21b: {  	(v2sf) =	vpush v16, $0x2  }
0x21c: {  	(v2sf) =	vpush v17, $0x2  }
0x21d: {  	(v2sf) =	vpush v16, $0x3  }
0x21e: {  	(v2sf) =	vpush v17, $0x3  }
0x21f: {  	(v2sf) =	vpush v16, $0x4  }
0x220: {  	(v2sf) =	vpush v17, $0x4  }
0x221: {  	(v2sf) =	vpush v16, $0x5  }
0x222: {  	(v2sf) =	vpush v17, $0x5  }
0x223: {  	(v2sf) =	vpush v16, $0x6  }
0x224: {  	(v2sf) =	vpush v17, $0x6  }
0x225: {  	(v2sf) =	vpush v16, $0x7  }
0x226: {  	s22 =	spop (v2sf);
	(v2sf) =	vpush v17, $0x7  }
0x227: {  	s23 =	spop (v2sf);
	(v2sf) =	vpush v16, $0x8  }
0x228: {  	s25 =	spop (v2sf);
	(v2sf) =	vpush v17, $0x8  }
0x229: {  	s26 =	spop (v2sf);
	(v2sf) =	vpush v16, $0x9  }
0x22a: {  	s28 =	spop (v2sf);
	(v2sf) =	vpush v17, $0x9  }
0x22b: {  	s29 =	spop (v2sf);
	(v2sf) =	vpush v16, $0xA  }
0x22c: {  	s30 =	spop (v2sf);
	(v2sf) =	vpush v17, $0xA  }
0x22d: {  	s31 =	spop (v2sf);
	(v2sf) =	vpush v16, $0xB  }
0x22e: {  	[smem:$0x5EF] =	sst s28;
	s28 =	spop (v2sf);
	(v2sf) =	vpush v17, $0xB  }
0x22f: {  	s1 =	spop (v2sf);
	(v2sf) =	vpush v16, $0xC  }
0x230: {  	[smem:$0x5ED] =	sst s30;
	s30 =	spop (v2sf);
	(v2sf) =	vpush v17, $0xC  }
0x231: {  	[smem:$0x5F0] =	sst s29;
	s29 =	spop (v2sf);
	(v2sf) =	vpush v16, $0xD  }
0x232: {  	[smem:$0x5F4] =	sst s26;
	s26 =	spop (v2sf);
	(v2sf) =	vpush v17, $0xD  }
0x233: {  	[smem:$0x5EE] =	sst s31;
	s31 =	spop (v2sf);
	(v2sf) =	vpush v16, $0xE  }
0x234: {  	[smem:$0x5F6] =	sst s22;
	s22 =	spop (v2sf);
	(v2sf) =	vpush v17, $0xE  }
0x235: {  	[smem:$0x5F8] =	sst s23;
	s23 =	spop (v2sf);
	(v2sf) =	vpush v16, $0xF  }
0x236: {  	s20 =	spop (v2sf);
	(v2sf) =	vpush v17, $0xF  }
0x237: {  	[smem:$0x5EB] =	sst s21;
	s21 =	spop (v2sf)  }
0x238: {  	s18 =	spop (v2sf)  }
0x239: {  	s19 =	spop (v2sf)  }
0x23a: {  	s10 =	spop (v2sf)  }
0x23b: {  	s14 =	spop (v2sf)  }
0x23c: {  	s15 =	spop (v2sf)  }
0x23d: {  	s17 =	spop (v2sf)  }
0x23e: {  	s16 =	spop (v2sf)  }
0x23f: {  	s9 =	spop (v2sf)  }
0x240: {  	s7 =	spop (v2sf)  }
0x241: {  	s8 =	spop (v2sf)  }
0x242: {  	s5 =	spop (v2sf)  }
0x243: {  	[smem:$0x5EA] =	sst s0;
	s6 =	spop (v2sf)  }
0x244: {  	[smem:$0x5F2] =	sst s25;
	s4 =	spop (v2sf)  }
0x245: {  	[smem:$0x5EC] =	sst s1;
	s1 =	spop (v2sf);
	s25 =	sshll.u32 s4, $0x3  }
0x246: {  	s0 =	sand.u32 $0x70, s4;
	s25 =	sand.u32 $0xFFFFFC00, s25;
	s4 =	sshll.u32 s1, $0x3  }
0x247: {  	s1 =	sand.u32 $0x70, s1;
	s0 =	sor.u32 s0, s25;
	s4 =	sand.u32 $0xFFFFFC00, s4  }
0x248: {  	s25 =	sshll.u32 s6, $0x3;
	s1 =	sor.u32 s1, s4;
	s4 =	sshll.u32 s5, $0x3  }
0x249: {  	[dreg:$0x6] =	wrdreg s0;
	s5 =	sand.u32 $0x70, s5;
	s0 =	sand.u32 $0xFFFFFC00, s4  }
0x24a: {  	[dreg:$0x7] =	wrdreg s1;
	s4 =	sshll.u32 s7, $0x3;
	s0 =	sor.u32 s5, s0  }
0x24b: {  	s5 =	sand.u32 $0xFFFFFC00, s25;
	s25 =	sand.u32 $0x70, s6;
	s6 =	sshll.u32 s8, $0x3  }
0x24c: {  	s8 =	sand.u32 $0x70, s8;
	[dreg:$0x8] =	wrdreg s0;
	s1 =	sor.u32 s25, s5  }
0x24d: {  	s0 =	sand.u32 $0xFFFFFC00, s4;
	s5 =	sand.u32 $0x70, s7;
	s7 =	sand.u32 $0xFFFFFC00, s6  }
0x24e: {  	s4 =	sand.u32 $0x70, s16;
	[dreg:$0x9] =	wrdreg s1;
	s0 =	sor.u32 s5, s0  }
0x24f: {  	s25 =	sor.u32 s8, s7;
	s1 =	sshll.u32 s16, $0x3;
	s5 =	sshll.u32 s9, $0x3  }
0x250: {  	s7 =	sand.u32 $0x70, s9;
	s9 =	sshll.u32 s15, $0x3;
	[dreg:$0xa] =	wrdreg s0  }
0x251: {  	s16 =	sand.u32 $0x70, s15;
	s15 =	sand.u32 $0x70, s14;
	[dreg:$0xb] =	wrdreg s25  }
0x252: {  	s0 =	sand.u32 $0xFFFFFC00, s1;
	s6 =	sand.u32 $0xFFFFFC00, s5;
	s25 =	sshll.u32 s17, $0x3  }
0x253: {  	s0 =	sor.u32 s4, s0;
	s8 =	sor.u32 s7, s6;
	s5 =	sand.u32 $0xFFFFFC00, s25  }
0x254: {  	s6 =	sand.u32 $0x70, s17;
	s17 =	sshll.u32 s19, $0x3;
	[dreg:$0xc] =	wrdreg s0  }
0x255: {  	s25 =	sand.u32 $0x70, s18;
	[dreg:$0xd] =	wrdreg s8;
	s0 =	sand.u32 $0xFFFFFC00, s9  }
0x256: {  	s7 =	sor.u32 s6, s5;
	s8 =	sshll.u32 s10, $0x3;
	s9 =	sshll.u32 s14, $0x3  }
0x257: {  	s10 =	sand.u32 $0x70, s10;
	s5 =	sand.u32 $0x70, s19;
	s6 =	sshll.u32 s20, $0x3  }
0x258: {  	s14 =	sshll.u32 s23, $0x3;
	s19 =	sand.u32 $0x70, s26;
	s0 =	sor.u32 s16, s0  }
0x259: {  	[dreg:$0xf] =	wrdreg s7;
	s1 =	sand.u32 $0xFFFFFC00, s8;
	s16 =	sshll.u32 s18, $0x3  }
0x25a: {  	s7 =	sshll.u32 s21, $0x3;
	s8 =	sand.u32 $0x70, s20;
	s18 =	sshll.u32 s31, $0x3  }
0x25b: {  	s20 =	sand.u32 $0x70, s31;
	[dreg:$0xe] =	wrdreg s0;
	s1 =	sor.u32 s10, s1  }
0x25c: {  	s0 =	sand.u32 $0xFFFFFC00, s9;
	s10 =	sshll.u32 s22, $0x3;
	[dreg:$0x10] =	wrdreg s1  }
0x25d: {  	s0 =	sor.u32 s15, s0;
	s1 =	sand.u32 $0xFFFFFC00, s16;
	s15 =	sand.u32 $0x70, s22  }
0x25e: {  	s22 =	sshll.u32 s29, $0x3;
	[dreg:$0x11] =	wrdreg s0;
	s1 =	sor.u32 s25, s1  }
0x25f: {  	s0 =	sand.u32 $0xFFFFFC00, s17;
	s25 =	sand.u32 $0x70, s29;
	s29 =	sld [smem:$0x5EC]  }
0x260: {  	s31 =	sand.u32 $0x70, s28;
	[dreg:$0x12] =	wrdreg s1;
	s0 =	sor.u32 s5, s0  }
0x261: {  	s9 =	sand.u32 $0x70, s21;
	s1 =	sand.u32 $0xFFFFFC00, s6;
	[dreg:$0x13] =	wrdreg s0  }
0x262: {  	s1 =	sor.u32 s8, s1;
	s0 =	sand.u32 $0xFFFFFC00, s7;
	s7 =	sld [smem:$0x5ED]  }
0x263: {  	s21 =	sshll.u32 s30, $0x3;
	s16 =	sand.u32 $0x70, s23;
	[dreg:$0x14] =	wrdreg s1  }
0x264: {  	s23 =	sand.u32 $0x70, s30;
	s0 =	sor.u32 s9, s0;
	s9 =	sld [smem:$0x5EE]  }
0x265: {  	s30 =	sshll.u32 s29, $0x3;
	s6 =	sand.u32 $0x70, s29;
	s29 =	sld [smem:$0x5F8]  }
0x266: {  	s17 =	sshll.u32 s26, $0x3;
	s1 =	sand.u32 $0xFFFFFC00, s10;
	[dreg:$0x15] =	wrdreg s0  }
0x267: {  	s1 =	sor.u32 s15, s1;
	s0 =	sand.u32 $0xFFFFFC00, s14;
	s15 =	sld [smem:$0x5EF]  }
0x268: {  	s26 =	sshll.u32 s28, $0x3;
	[dreg:$0x16] =	wrdreg s1;
	s0 =	sor.u32 s16, s0  }
0x269: {  	s1 =	sand.u32 $0xFFFFFC00, s17;
	s8 =	sshll.u32 s7, $0x3;
	s17 =	sld [smem:$0x5F0]  }
0x26a: {  	s4 =	sand.u32 $0x70, s7;
	[dreg:$0x17] =	wrdreg s0;
	s1 =	sor.u32 s19, s1  }
0x26b: {  	s0 =	sand.u32 $0xFFFFFC00, s18;
	s10 =	sshll.u32 s9, $0x3;
	[dreg:$0x18] =	wrdreg s1  }
0x26c: {  	s14 =	sand.u32 $0x70, s9;
	s0 =	sor.u32 s20, s0;
	s20 =	sld [smem:$0x5F2]  }
0x26d: {  	s1 =	sand.u32 $0xFFFFFC00, s21;
	s16 =	sshll.u32 s15, $0x3;
	[dreg:$0x19] =	wrdreg s0  }
0x26e: {  	s1 =	sor.u32 s23, s1;
	s0 =	sand.u32 $0xFFFFFC00, s22;
	s22 =	sld [smem:$0x5F4]  }
0x26f: {  	s18 =	sshll.u32 s17, $0x3;
	s19 =	sand.u32 $0x70, s17;
	[dreg:$0x1a] =	wrdreg s1  }
0x270: {  	s0 =	sor.u32 s25, s0;
	s1 =	sand.u32 $0xFFFFFC00, s26;
	s26 =	sld [smem:$0x5F6]  }
0x271: {  	[dreg:$0x1b] =	wrdreg s0;
	s1 =	sor.u32 s31, s1;
	s0 =	sand.u32 $0xFFFFFC00, s30  }
0x272: {  	s21 =	sshll.u32 s20, $0x3;
	s30 =	sshll.u32 s29, $0x3;
	s31 =	sand.u32 $0x70, s29  }
0x273: {  	v46 =	vand.u32 $0xF, v17;
	v47 =	vand.u32 $0xF, v16;
	[dreg:$0x1c] =	wrdreg s1;
	s0 =	sor.u32 s6, s0;
	s1 =	sand.u32 $0xFFFFFC00, s8  }
0x274: {  	v48 =	vimm.f32 $0.0e+00;
	v18 =	vor.u32 v1, v46;
	v19 =	vor.u32 v1, v47;
	s23 =	sshll.u32 s22, $0x3;
	s25 =	sand.u32 $0x70, s22;
	[dreg:$0x1d] =	wrdreg s0  }
0x275: {  	v20 =	vor.u32 v2, v46;
	v21 =	vor.u32 v2, v47;
	v22 =	vor.u32 v3, v46;
	s1 =	sor.u32 s4, s1;
	s0 =	sand.u32 $0xFFFFFC00, s10;
	s4 =	sand.u32 $0x70, s15  }
0x276: {  	v23 =	vor.u32 v3, v47;
	v24 =	vor.u32 v4, v46;
	v25 =	vor.u32 v4, v47;
	[dreg:$0x1e] =	wrdreg s1;
	s0 =	sor.u32 s14, s0;
	s1 =	sand.u32 $0xFFFFFC00, s16  }
0x277: {  	v26 =	vor.u32 v5, v46;
	v27 =	vor.u32 v5, v47;
	v28 =	vor.u32 v6, v46;
	[dreg:$0x1f] =	wrdreg s0;
	s1 =	sor.u32 s4, s1;
	s0 =	sand.u32 $0xFFFFFC00, s18  }
0x278: {  	v29 =	vor.u32 v6, v47;
	v30 =	vor.u32 v7, v46;
	v31 =	vor.u32 v7, v47;
	s28 =	sshll.u32 s26, $0x3;
	[smem:$0x5F1] =	sst s1;
	s0 =	sor.u32 s19, s0  }
0x279: {  	v32 =	vor.u32 v8, v46;
	v33 =	vor.u32 v8, v47;
	v34 =	vor.u32 v9, v46;
	s4 =	sand.u32 $0x70, s20;
	s1 =	sand.u32 $0xFFFFFC00, s21;
	[smem:$0x5F3] =	sst s0  }
0x27a: {  	v35 =	vor.u32 v9, v47;
	v36 =	vor.u32 v10, v46;
	v37 =	vor.u32 v10, v47;
	s1 =	sor.u32 s4, s1;
	s0 =	sand.u32 $0xFFFFFC00, s23;
	s4 =	sand.u32 $0x70, s26  }
0x27b: {  	v38 =	vor.u32 v11, v46;
	v39 =	vor.u32 v11, v47;
	v40 =	vor.u32 v12, v46;
	[smem:$0x5F5] =	sst s1;
	s0 =	sor.u32 s25, s0;
	s1 =	sand.u32 $0xFFFFFC00, s28  }
0x27c: {  	v41 =	vor.u32 v12, v47;
	v42 =	vor.u32 v13, v46;
	v43 =	vor.u32 v13, v47;
	[smem:$0x5F7] =	sst s0;
	s1 =	sor.u32 s4, s1;
	s0 =	sand.u32 $0xFFFFFC00, s30  }
0x27d: {  	v44 =	vor.u32 v14, v46;
	v45 =	vor.u32 v14, v47;
	v16 =	vor.u32 v0, v46;
	[smem:$0x5F9] =	sst s1;
	s0 =	sor.u32 s31, s0  }
0x27e: {  	v46 =	vor.u32 v15, v46;
	v17 =	vor.u32 v0, v47;
	v47 =	vor.u32 v15, v47;
	s18 =	simm.s32 $0x0;
	[smem:$0x5FA] =	sst s0  }
.LBB2_3:
0x27f: {  	s0 =	sld [smem:$0x5FA];
	_ =	sdelay $0x2  }
0x280: {  	s0 =	sadd.s32 s18, s0  }
0x281: {  	s1 =	sld [smem:$0x5FC];
	s0 =	sshrl.u32 s0, $0x3  }
0x282: {  	s5 =	sld [smem:$0x5FD];
	s0 =	sadd.s32 s24, s0  }
0x283: {  	[tilespmem:s11], [sflag:$0x1] =	stream.linear.gather [hbm4b:s0+s3], $0x10, $0x38;
	[tilespmem:$0x10600] =	vst v63  }
0x284: {  	s19 =	sld [smem:$0x5FE];
	s4 =	sadd.s32 $0x10, s0  }
0x285: {  	[tilespmem:s1], [sflag:$0x1] =	stream.linear.gather [hbm4b:s4+s3], $0x10, $0x38;
	[tilespmem:$0x10600] =	vst v63  }
0x286: {  	s21 =	sld [smem:$0x5FF];
	s17 =	sadd.s32 $0x20, s0  }
0x287: {  	[tilespmem:s5], [sflag:$0x1] =	stream.linear.gather [hbm4b:s17+s3], $0x10, $0x38;
	[tilespmem:$0x10600] =	vst v63  }
0x288: {  	s23 =	sld [smem:$0x600];
	s20 =	sadd.s32 $0x30, s0  }
0x289: {  	[tilespmem:s19], [sflag:$0x1] =	stream.linear.gather [hbm4b:s20+s3], $0x10, $0x38;
	[tilespmem:$0x10600] =	vst v63  }
0x28a: {  	s26 =	sld [smem:$0x601];
	s22 =	sadd.s32 $0x40, s0  }
0x28b: {  	[tilespmem:s21], [sflag:$0x1] =	stream.linear.gather [hbm4b:s22+s3], $0x10, $0x38;
	[tilespmem:$0x10600] =	vst v63  }
0x28c: {  	s29 =	sld [smem:$0x602];
	s25 =	sadd.s32 $0x50, s0  }
0x28d: {  	[tilespmem:s23], [sflag:$0x1] =	stream.linear.gather [hbm4b:s25+s3], $0x10, $0x38;
	[tilespmem:$0x10600] =	vst v63  }
0x28e: {  	s31 =	sld [smem:$0x603];
	s28 =	sadd.s32 $0x60, s0  }
0x28f: {  	[tilespmem:s26], [sflag:$0x1] =	stream.linear.gather [hbm4b:s28+s3], $0x10, $0x38;
	[tilespmem:$0x10600] =	vst v63  }
0x290: {  	s6 =	sld [smem:$0x604];
	s30 =	sadd.s32 $0x70, s0  }
0x291: {  	[tilespmem:s29], [sflag:$0x1] =	stream.linear.gather [hbm4b:s30+s3], $0x10, $0x38;
	[tilespmem:$0x10600] =	vst v63  }
0x292: {  	s8 =	sld [smem:$0x605];
	s0 =	sadd.s32 $0xF4280, s0  }
0x293: {  	[tilespmem:s31], [sflag:$0x1] =	stream.linear.gather [hbm4b:s0+s3], $0x10, $0x38;
	[tilespmem:$0x10600] =	vst v63  }
0x294: {  	s10 =	sld [smem:$0x606];
	s7 =	sadd.s32 $0x10, s0  }
0x295: {  	[tilespmem:s6], [sflag:$0x1] =	stream.linear.gather [hbm4b:s7+s3], $0x10, $0x38;
	[tilespmem:$0x10600] =	vst v63  }
0x296: {  	s15 =	sld [smem:$0x607];
	s9 =	sadd.s32 $0x20, s0  }
0x297: {  	[tilespmem:s8], [sflag:$0x1] =	stream.linear.gather [hbm4b:s9+s3], $0x10, $0x38;
	[tilespmem:$0x10600] =	vst v63  }
0x298: {  	s14 =	sadd.s32 $0x30, s0;
	s17 =	sld [smem:$0x608]  }
0x299: {  	[tilespmem:s10], [sflag:$0x1] =	stream.linear.gather [hbm4b:s14+s3], $0x10, $0x38;
	[tilespmem:$0x10600] =	vst v63  }
0x29a: {  	s16 =	sadd.s32 $0x40, s0;
	s20 =	sld [smem:$0x609]  }
0x29b: {  	[tilespmem:s15], [sflag:$0x1] =	stream.linear.gather [hbm4b:s16+s3], $0x10, $0x38;
	[tilespmem:$0x10600] =	vst v63  }
0x29c: {  	s19 =	sadd.s32 $0x50, s0;
	s23 =	sld [smem:$0x5F9]  }
0x29d: {  	[tilespmem:s17], [sflag:$0x1] =	stream.linear.gather [hbm4b:s19+s3], $0x10, $0x38;
	[tilespmem:$0x10600] =	vst v63  }
0x29e: {  	s21 =	sadd.s32 $0x60, s0;
	s22 =	sld [smem:$0x60A]  }
0x29f: {  	[tilespmem:s20], [sflag:$0x1] =	stream.linear.gather [hbm4b:s21+s3], $0x10, $0x38;
	[tilespmem:$0x10600] =	vst v63  }
0x2a0: {  	s25 =	sadd.s32 s18, s23;
	s0 =	sadd.s32 $0x70, s0  }
0x2a1: {  	[tilespmem:s22], [sflag:$0x1] =	stream.linear.gather [hbm4b:s0+s3], $0x10, $0x38;
	[tilespmem:$0x10600] =	vst v63  }
0x2a2: {  	s26 =	sld [smem:$0x60B];
	s0 =	sshrl.u32 s25, $0x3  }
0x2a3: {  	s23 =	sld [smem:$0x615];
	s0 =	sadd.s32 s2, s0  }
0x2a4: {  	[tilespmem:s12], [sflag:$0x1] =	stream.linear.gather [hbm4b:s0+s3], $0x10, $0x38;
	[tilespmem:$0x10600] =	vst v63  }
0x2a5: {  	s29 =	sld [smem:$0x60C];
	s28 =	sadd.s32 $0x10, s0  }
0x2a6: {  	[tilespmem:s26], [sflag:$0x1] =	stream.linear.gather [hbm4b:s28+s3], $0x10, $0x38;
	[tilespmem:$0x10600] =	vst v63  }
0x2a7: {  	s31 =	sld [smem:$0x60D];
	s30 =	sadd.s32 $0x20, s0  }
0x2a8: {  	[tilespmem:s29], [sflag:$0x1] =	stream.linear.gather [hbm4b:s30+s3], $0x10, $0x38;
	[tilespmem:$0x10600] =	vst v63  }
0x2a9: {  	s6 =	sld [smem:$0x60E];
	s5 =	sadd.s32 $0x30, s0  }
0x2aa: {  	[tilespmem:s31], [sflag:$0x1] =	stream.linear.gather [hbm4b:s5+s3], $0x10, $0x38;
	[tilespmem:$0x10600] =	vst v63  }
0x2ab: {  	s8 =	sld [smem:$0x60F];
	s7 =	sadd.s32 $0x40, s0  }
0x2ac: {  	[tilespmem:s6], [sflag:$0x1] =	stream.linear.gather [hbm4b:s7+s3], $0x10, $0x38;
	[tilespmem:$0x10600] =	vst v63  }
0x2ad: {  	s10 =	sld [smem:$0x610];
	s9 =	sadd.s32 $0x50, s0  }
0x2ae: {  	[tilespmem:s8], [sflag:$0x1] =	stream.linear.gather [hbm4b:s9+s3], $0x10, $0x38;
	[tilespmem:$0x10600] =	vst v63  }
0x2af: {  	s15 =	sld [smem:$0x611];
	s14 =	sadd.s32 $0x60, s0  }
0x2b0: {  	[tilespmem:s10], [sflag:$0x1] =	stream.linear.gather [hbm4b:s14+s3], $0x10, $0x38;
	[tilespmem:$0x10600] =	vst v63  }
0x2b1: {  	s17 =	sld [smem:$0x612];
	s16 =	sadd.s32 $0x70, s0  }
0x2b2: {  	[tilespmem:s15], [sflag:$0x1] =	stream.linear.gather [hbm4b:s16+s3], $0x10, $0x38;
	[tilespmem:$0x10600] =	vst v63  }
0x2b3: {  	s19 =	sld [smem:$0x613];
	s0 =	sadd.s32 $0xF4280, s0  }
0x2b4: {  	[tilespmem:s17], [sflag:$0x1] =	stream.linear.gather [hbm4b:s0+s3], $0x10, $0x38;
	[tilespmem:$0x10600] =	vst v63  }
0x2b5: {  	s21 =	sld [smem:$0x614];
	s20 =	sadd.s32 $0x10, s0  }
0x2b6: {  	[tilespmem:s19], [sflag:$0x1] =	stream.linear.gather [hbm4b:s20+s3], $0x10, $0x38;
	[tilespmem:$0x10600] =	vst v63  }
0x2b7: {  	s22 =	sadd.s32 $0x20, s0;
	s26 =	sld [smem:$0x616]  }
0x2b8: {  	[tilespmem:s21], [sflag:$0x1] =	stream.linear.gather [hbm4b:s22+s3], $0x10, $0x38;
	[tilespmem:$0x10600] =	vst v63  }
0x2b9: {  	s25 =	sadd.s32 $0x30, s0;
	s29 =	sld [smem:$0x617]  }
0x2ba: {  	[tilespmem:s23], [sflag:$0x1] =	stream.linear.gather [hbm4b:s25+s3], $0x10, $0x38;
	[tilespmem:$0x10600] =	vst v63  }
0x2bb: {  	s28 =	sadd.s32 $0x40, s0;
	s31 =	sld [smem:$0x618]  }
0x2bc: {  	[tilespmem:s26], [sflag:$0x1] =	stream.linear.gather [hbm4b:s28+s3], $0x10, $0x38;
	[tilespmem:$0x10600] =	vst v63  }
0x2bd: {  	s30 =	sadd.s32 $0x50, s0;
	s8 =	sld [smem:$0x5F7]  }
0x2be: {  	[tilespmem:s29], [sflag:$0x1] =	stream.linear.gather [hbm4b:s30+s3], $0x10, $0x38;
	[tilespmem:$0x10600] =	vst v63  }
0x2bf: {  	s6 =	sadd.s32 $0x60, s0;
	s7 =	sld [smem:$0x619]  }
0x2c0: {  	[tilespmem:s31], [sflag:$0x1] =	stream.linear.gather [hbm4b:s6+s3], $0x10, $0x38;
	[tilespmem:$0x10600] =	vst v63  }
0x2c1: {  	s10 =	sld [smem:$0x61A];
	s9 =	sadd.s32 s18, s8;
	s0 =	sadd.s32 $0x70, s0  }
0x2c2: {  	[tilespmem:s7], [sflag:$0x1] =	stream.linear.gather [hbm4b:s0+s3], $0x10, $0x38;
	[tilespmem:$0x10600] =	vst v63  }
0x2c3: {  	s4 =	sld [smem:$0x623];
	s0 =	sshrl.u32 s9, $0x3  }
0x2c4: {  	s14 =	sld [smem:$0x61B];
	s0 =	sadd.s32 s24, s0  }
0x2c5: {  	[tilespmem:s10], [sflag:$0x1] =	stream.linear.gather [hbm4b:s0+s3], $0x10, $0x38;
	[tilespmem:$0x10600] =	vst v63  }
0x2c6: {  	s16 =	sld [smem:$0x61C];
	s15 =	sadd.s32 $0x10, s0  }
0x2c7: {  	[tilespmem:s14], [sflag:$0x1] =	stream.linear.gather [hbm4b:s15+s3], $0x10, $0x38;
	[tilespmem:$0x10600] =	vst v63  }
0x2c8: {  	s19 =	sld [smem:$0x61D];
	s17 =	sadd.s32 $0x20, s0  }
0x2c9: {  	[tilespmem:s16], [sflag:$0x1] =	stream.linear.gather [hbm4b:s17+s3], $0x10, $0x38;
	[tilespmem:$0x10600] =	vst v63  }
0x2ca: {  	s21 =	sld [smem:$0x61E];
	s20 =	sadd.s32 $0x30, s0  }
0x2cb: {  	[tilespmem:s19], [sflag:$0x1] =	stream.linear.gather [hbm4b:s20+s3], $0x10, $0x38;
	[tilespmem:$0x10600] =	vst v63  }
0x2cc: {  	s23 =	sld [smem:$0x61F];
	s22 =	sadd.s32 $0x40, s0  }
0x2cd: {  	[tilespmem:s21], [sflag:$0x1] =	stream.linear.gather [hbm4b:s22+s3], $0x10, $0x38;
	[tilespmem:$0x10600] =	vst v63  }
0x2ce: {  	s26 =	sld [smem:$0x620];
	s25 =	sadd.s32 $0x50, s0  }
0x2cf: {  	[tilespmem:s23], [sflag:$0x1] =	stream.linear.gather [hbm4b:s25+s3], $0x10, $0x38;
	[tilespmem:$0x10600] =	vst v63  }
0x2d0: {  	s29 =	sld [smem:$0x621];
	s28 =	sadd.s32 $0x60, s0  }
0x2d1: {  	[tilespmem:s26], [sflag:$0x1] =	stream.linear.gather [hbm4b:s28+s3], $0x10, $0x38;
	[tilespmem:$0x10600] =	vst v63  }
0x2d2: {  	s31 =	sld [smem:$0x622];
	s30 =	sadd.s32 $0x70, s0  }
0x2d3: {  	[tilespmem:s29], [sflag:$0x1] =	stream.linear.gather [hbm4b:s30+s3], $0x10, $0x38;
	[tilespmem:$0x10600] =	vst v63  }
0x2d4: {  	s7 =	sld [smem:$0x624];
	s0 =	sadd.s32 $0xF4280, s0  }
0x2d5: {  	[tilespmem:s31], [sflag:$0x1] =	stream.linear.gather [hbm4b:s0+s3], $0x10, $0x38;
	[tilespmem:$0x10600] =	vst v63  }
0x2d6: {  	s9 =	sld [smem:$0x625];
	s6 =	sadd.s32 $0x10, s0  }
0x2d7: {  	[tilespmem:s4], [sflag:$0x1] =	stream.linear.gather [hbm4b:s6+s3], $0x10, $0x38;
	[tilespmem:$0x10600] =	vst v63  }
0x2d8: {  	s8 =	sadd.s32 $0x20, s0;
	s14 =	sld [smem:$0x626]  }
0x2d9: {  	[tilespmem:s7], [sflag:$0x1] =	stream.linear.gather [hbm4b:s8+s3], $0x10, $0x38;
	[tilespmem:$0x10600] =	vst v63  }
0x2da: {  	s10 =	sadd.s32 $0x30, s0;
	s16 =	sld [smem:$0x627]  }
0x2db: {  	[tilespmem:s9], [sflag:$0x1] =	stream.linear.gather [hbm4b:s10+s3], $0x10, $0x38;
	[tilespmem:$0x10600] =	vst v63  }
0x2dc: {  	s15 =	sadd.s32 $0x40, s0;
	s19 =	sld [smem:$0x628]  }
0x2dd: {  	[tilespmem:s14], [sflag:$0x1] =	stream.linear.gather [hbm4b:s15+s3], $0x10, $0x38;
	[tilespmem:$0x10600] =	vst v63  }
0x2de: {  	s17 =	sadd.s32 $0x50, s0;
	s22 =	sld [smem:$0x5F5]  }
0x2df: {  	[tilespmem:s16], [sflag:$0x1] =	stream.linear.gather [hbm4b:s17+s3], $0x10, $0x38;
	[tilespmem:$0x10600] =	vst v63  }
0x2e0: {  	s20 =	sadd.s32 $0x60, s0;
	s21 =	sld [smem:$0x629]  }
0x2e1: {  	[tilespmem:s19], [sflag:$0x1] =	stream.linear.gather [hbm4b:s20+s3], $0x10, $0x38;
	[tilespmem:$0x10600] =	vst v63  }
0x2e2: {  	s25 =	sld [smem:$0x62A];
	s23 =	sadd.s32 s18, s22;
	s0 =	sadd.s32 $0x70, s0  }
0x2e3: {  	[tilespmem:s21], [sflag:$0x1] =	stream.linear.gather [hbm4b:s0+s3], $0x10, $0x38;
	[tilespmem:$0x10600] =	vst v63  }
0x2e4: {  	s26 =	sld [smem:$0x62B];
	s0 =	sshrl.u32 s23, $0x3  }
0x2e5: {  	s29 =	sld [smem:$0x62C];
	s0 =	sadd.s32 s2, s0  }
0x2e6: {  	[tilespmem:s25], [sflag:$0x1] =	stream.linear.gather [hbm4b:s0+s3], $0x10, $0x38;
	[tilespmem:$0x10600] =	vst v63  }
0x2e7: {  	s31 =	sld [smem:$0x62D];
	s28 =	sadd.s32 $0x10, s0  }
0x2e8: {  	[tilespmem:s26], [sflag:$0x1] =	stream.linear.gather [hbm4b:s28+s3], $0x10, $0x38;
	[tilespmem:$0x10600] =	vst v63  }
0x2e9: {  	s6 =	sld [smem:$0x62E];
	s30 =	sadd.s32 $0x20, s0  }
0x2ea: {  	[tilespmem:s29], [sflag:$0x1] =	stream.linear.gather [hbm4b:s30+s3], $0x10, $0x38;
	[tilespmem:$0x10600] =	vst v63  }
0x2eb: {  	s8 =	sld [smem:$0x62F];
	s5 =	sadd.s32 $0x30, s0  }
0x2ec: {  	[tilespmem:s31], [sflag:$0x1] =	stream.linear.gather [hbm4b:s5+s3], $0x10, $0x38;
	[tilespmem:$0x10600] =	vst v63  }
0x2ed: {  	s10 =	sld [smem:$0x630];
	s7 =	sadd.s32 $0x40, s0  }
0x2ee: {  	[tilespmem:s6], [sflag:$0x1] =	stream.linear.gather [hbm4b:s7+s3], $0x10, $0x38;
	[tilespmem:$0x10600] =	vst v63  }
0x2ef: {  	s15 =	sld [smem:$0x631];
	s9 =	sadd.s32 $0x50, s0  }
0x2f0: {  	[tilespmem:s8], [sflag:$0x1] =	stream.linear.gather [hbm4b:s9+s3], $0x10, $0x38;
	[tilespmem:$0x10600] =	vst v63  }
0x2f1: {  	s17 =	sld [smem:$0x632];
	s14 =	sadd.s32 $0x60, s0  }
0x2f2: {  	[tilespmem:s10], [sflag:$0x1] =	stream.linear.gather [hbm4b:s14+s3], $0x10, $0x38;
	[tilespmem:$0x10600] =	vst v63  }
0x2f3: {  	s19 =	sld [smem:$0x633];
	s16 =	sadd.s32 $0x70, s0  }
0x2f4: {  	[tilespmem:s15], [sflag:$0x1] =	stream.linear.gather [hbm4b:s16+s3], $0x10, $0x38;
	[tilespmem:$0x10600] =	vst v63  }
0x2f5: {  	s21 =	sld [smem:$0x634];
	s0 =	sadd.s32 $0xF4280, s0  }
0x2f6: {  	[tilespmem:s17], [sflag:$0x1] =	stream.linear.gather [hbm4b:s0+s3], $0x10, $0x38;
	[tilespmem:$0x10600] =	vst v63  }
0x2f7: {  	s23 =	sld [smem:$0x635];
	s20 =	sadd.s32 $0x10, s0  }
0x2f8: {  	[tilespmem:s19], [sflag:$0x1] =	stream.linear.gather [hbm4b:s20+s3], $0x10, $0x38;
	[tilespmem:$0x10600] =	vst v63  }
0x2f9: {  	s22 =	sadd.s32 $0x20, s0;
	s26 =	sld [smem:$0x636]  }
0x2fa: {  	[tilespmem:s21], [sflag:$0x1] =	stream.linear.gather [hbm4b:s22+s3], $0x10, $0x38;
	[tilespmem:$0x10600] =	vst v63  }
0x2fb: {  	s25 =	sadd.s32 $0x30, s0;
	s29 =	sld [smem:$0x637]  }
0x2fc: {  	[tilespmem:s23], [sflag:$0x1] =	stream.linear.gather [hbm4b:s25+s3], $0x10, $0x38;
	[tilespmem:$0x10600] =	vst v63  }
0x2fd: {  	s28 =	sadd.s32 $0x40, s0;
	s31 =	sld [smem:$0x638]  }
0x2fe: {  	[tilespmem:s26], [sflag:$0x1] =	stream.linear.gather [hbm4b:s28+s3], $0x10, $0x38;
	[tilespmem:$0x10600] =	vst v63  }
0x2ff: {  	s30 =	sadd.s32 $0x50, s0;
	s8 =	sld [smem:$0x5F3]  }
0x300: {  	[tilespmem:s29], [sflag:$0x1] =	stream.linear.gather [hbm4b:s30+s3], $0x10, $0x38;
	[tilespmem:$0x10600] =	vst v63  }
0x301: {  	s6 =	sadd.s32 $0x60, s0;
	s7 =	sld [smem:$0x639]  }
0x302: {  	[tilespmem:s31], [sflag:$0x1] =	stream.linear.gather [hbm4b:s6+s3], $0x10, $0x38;
	[tilespmem:$0x10600] =	vst v63  }
0x303: {  	s10 =	sld [smem:$0x63A];
	s9 =	sadd.s32 s18, s8;
	s0 =	sadd.s32 $0x70, s0  }
0x304: {  	[tilespmem:s7], [sflag:$0x1] =	stream.linear.gather [hbm4b:s0+s3], $0x10, $0x38;
	[tilespmem:$0x10600] =	vst v63  }
0x305: {  	s0 =	sshrl.u32 s9, $0x3  }
0x306: {  	s14 =	sld [smem:$0x63B];
	s0 =	sadd.s32 s24, s0  }
0x307: {  	[tilespmem:s10], [sflag:$0x1] =	stream.linear.gather [hbm4b:s0+s3], $0x10, $0x38;
	[tilespmem:$0x10600] =	vst v63  }
0x308: {  	s16 =	sld [smem:$0x63C];
	s15 =	sadd.s32 $0x10, s0  }
0x309: {  	[tilespmem:s14], [sflag:$0x1] =	stream.linear.gather [hbm4b:s15+s3], $0x10, $0x38;
	[tilespmem:$0x10600] =	vst v63  }
0x30a: {  	s19 =	sld [smem:$0x63D];
	s17 =	sadd.s32 $0x20, s0  }
0x30b: {  	[tilespmem:s16], [sflag:$0x1] =	stream.linear.gather [hbm4b:s17+s3], $0x10, $0x38;
	[tilespmem:$0x10600] =	vst v63  }
0x30c: {  	s21 =	sld [smem:$0x63E];
	s20 =	sadd.s32 $0x30, s0  }
0x30d: {  	[tilespmem:s19], [sflag:$0x1] =	stream.linear.gather [hbm4b:s20+s3], $0x10, $0x38;
	[tilespmem:$0x10600] =	vst v63  }
0x30e: {  	s23 =	sld [smem:$0x63F];
	s22 =	sadd.s32 $0x40, s0  }
0x30f: {  	[tilespmem:s21], [sflag:$0x1] =	stream.linear.gather [hbm4b:s22+s3], $0x10, $0x38;
	[tilespmem:$0x10600] =	vst v63  }
0x310: {  	s26 =	sld [smem:$0x640];
	s25 =	sadd.s32 $0x50, s0  }
0x311: {  	[tilespmem:s23], [sflag:$0x1] =	stream.linear.gather [hbm4b:s25+s3], $0x10, $0x38;
	[tilespmem:$0x10600] =	vst v63  }
0x312: {  	s29 =	sld [smem:$0x641];
	s28 =	sadd.s32 $0x60, s0  }
0x313: {  	[tilespmem:s26], [sflag:$0x1] =	stream.linear.gather [hbm4b:s28+s3], $0x10, $0x38;
	[tilespmem:$0x10600] =	vst v63  }
0x314: {  	s31 =	sld [smem:$0x642];
	s30 =	sadd.s32 $0x70, s0  }
0x315: {  	[tilespmem:s29], [sflag:$0x1] =	stream.linear.gather [hbm4b:s30+s3], $0x10, $0x38;
	[tilespmem:$0x10600] =	vst v63  }
0x316: {  	s6 =	sld [smem:$0x643];
	s0 =	sadd.s32 $0xF4280, s0  }
0x317: {  	[tilespmem:s31], [sflag:$0x1] =	stream.linear.gather [hbm4b:s0+s3], $0x10, $0x38;
	[tilespmem:$0x10600] =	vst v63  }
0x318: {  	s7 =	sadd.s32 $0x10, s0  }
0x319: {  	[tilespmem:s6], [sflag:$0x1] =	stream.linear.gather [hbm4b:s7+s3], $0x10, $0x38;
	[tilespmem:$0x10600] =	vst v63  }
0x31a: {  	s1 =	sld [smem:$0x644]  }
0x31b: {  	s9 =	sld [smem:$0x645]  }
0x31c: {  	s8 =	sadd.s32 $0x20, s0;
	s14 =	sld [smem:$0x646]  }
0x31d: {  	[tilespmem:s1], [sflag:$0x1] =	stream.linear.gather [hbm4b:s8+s3], $0x10, $0x38;
	[tilespmem:$0x10600] =	vst v63  }
0x31e: {  	s10 =	sadd.s32 $0x30, s0;
	s16 =	sld [smem:$0x647]  }
0x31f: {  	[tilespmem:s9], [sflag:$0x1] =	stream.linear.gather [hbm4b:s10+s3], $0x10, $0x38;
	[tilespmem:$0x10600] =	vst v63  }
0x320: {  	s15 =	sadd.s32 $0x40, s0;
	s19 =	sld [smem:$0x648]  }
0x321: {  	[tilespmem:s14], [sflag:$0x1] =	stream.linear.gather [hbm4b:s15+s3], $0x10, $0x38;
	[tilespmem:$0x10600] =	vst v63  }
0x322: {  	s17 =	sadd.s32 $0x50, s0;
	s22 =	sld [smem:$0x5F1]  }
0x323: {  	[tilespmem:s16], [sflag:$0x1] =	stream.linear.gather [hbm4b:s17+s3], $0x10, $0x38;
	[tilespmem:$0x10600] =	vst v63  }
0x324: {  	s20 =	sadd.s32 $0x60, s0;
	s21 =	sld [smem:$0x649]  }
0x325: {  	[tilespmem:s19], [sflag:$0x1] =	stream.linear.gather [hbm4b:s20+s3], $0x10, $0x38;
	[tilespmem:$0x10600] =	vst v63  }
0x326: {  	s0 =	sadd.s32 $0x70, s0;
	s25 =	sld [smem:$0x64A];
	s23 =	sadd.s32 s18, s22  }
0x327: {  	[tilespmem:s21], [sflag:$0x1] =	stream.linear.gather [hbm4b:s0+s3], $0x10, $0x38;
	[tilespmem:$0x10600] =	vst v63  }
0x328: {  	s26 =	sld [smem:$0x64B];
	s0 =	sshrl.u32 s23, $0x3  }
0x329: {  	s29 =	sld [smem:$0x64C];
	s0 =	sadd.s32 s2, s0  }
0x32a: {  	[tilespmem:s25], [sflag:$0x1] =	stream.linear.gather [hbm4b:s0+s3], $0x10, $0x38;
	[tilespmem:$0x10600] =	vst v63  }
0x32b: {  	s31 =	sld [smem:$0x64D];
	s28 =	sadd.s32 $0x10, s0  }
0x32c: {  	[tilespmem:s26], [sflag:$0x1] =	stream.linear.gather [hbm4b:s28+s3], $0x10, $0x38;
	[tilespmem:$0x10600] =	vst v63  }
0x32d: {  	s6 =	sld [smem:$0x64E];
	s30 =	sadd.s32 $0x20, s0  }
0x32e: {  	[tilespmem:s29], [sflag:$0x1] =	stream.linear.gather [hbm4b:s30+s3], $0x10, $0x38;
	[tilespmem:$0x10600] =	vst v63  }
0x32f: {  	s8 =	sld [smem:$0x64F];
	s5 =	sadd.s32 $0x30, s0  }
0x330: {  	[tilespmem:s31], [sflag:$0x1] =	stream.linear.gather [hbm4b:s5+s3], $0x10, $0x38;
	[tilespmem:$0x10600] =	vst v63  }
0x331: {  	s10 =	sld [smem:$0x650];
	s7 =	sadd.s32 $0x40, s0  }
0x332: {  	[tilespmem:s6], [sflag:$0x1] =	stream.linear.gather [hbm4b:s7+s3], $0x10, $0x38;
	[tilespmem:$0x10600] =	vst v63  }
0x333: {  	s15 =	sld [smem:$0x651];
	s9 =	sadd.s32 $0x50, s0  }
0x334: {  	[tilespmem:s8], [sflag:$0x1] =	stream.linear.gather [hbm4b:s9+s3], $0x10, $0x38;
	[tilespmem:$0x10600] =	vst v63  }
0x335: {  	s17 =	sld [smem:$0x652];
	s14 =	sadd.s32 $0x60, s0  }
0x336: {  	[tilespmem:s10], [sflag:$0x1] =	stream.linear.gather [hbm4b:s14+s3], $0x10, $0x38;
	[tilespmem:$0x10600] =	vst v63  }
0x337: {  	s19 =	sld [smem:$0x653];
	s16 =	sadd.s32 $0x70, s0  }
0x338: {  	[tilespmem:s15], [sflag:$0x1] =	stream.linear.gather [hbm4b:s16+s3], $0x10, $0x38;
	[tilespmem:$0x10600] =	vst v63  }
0x339: {  	s21 =	sld [smem:$0x654];
	s0 =	sadd.s32 $0xF4280, s0  }
0x33a: {  	[tilespmem:s17], [sflag:$0x1] =	stream.linear.gather [hbm4b:s0+s3], $0x10, $0x38;
	[tilespmem:$0x10600] =	vst v63  }
0x33b: {  	s23 =	sld [smem:$0x655];
	s20 =	sadd.s32 $0x10, s0  }
0x33c: {  	[tilespmem:s19], [sflag:$0x1] =	stream.linear.gather [hbm4b:s20+s3], $0x10, $0x38;
	[tilespmem:$0x10600] =	vst v63  }
0x33d: {  	s22 =	sadd.s32 $0x20, s0;
	s26 =	sld [smem:$0x656]  }
0x33e: {  	[tilespmem:s21], [sflag:$0x1] =	stream.linear.gather [hbm4b:s22+s3], $0x10, $0x38;
	[tilespmem:$0x10600] =	vst v63  }
0x33f: {  	s25 =	sadd.s32 $0x30, s0;
	s29 =	sld [smem:$0x657]  }
0x340: {  	[tilespmem:s23], [sflag:$0x1] =	stream.linear.gather [hbm4b:s25+s3], $0x10, $0x38;
	[tilespmem:$0x10600] =	vst v63  }
0x341: {  	s28 =	sadd.s32 $0x40, s0;
	s31 =	sld [smem:$0x658]  }
0x342: {  	[tilespmem:s26], [sflag:$0x1] =	stream.linear.gather [hbm4b:s28+s3], $0x10, $0x38;
	[tilespmem:$0x10600] =	vst v63  }
0x343: {  	s30 =	sadd.s32 $0x50, s0;
	s7 =	sld [smem:$0x659]  }
0x344: {  	[tilespmem:s29], [sflag:$0x1] =	stream.linear.gather [hbm4b:s30+s3], $0x10, $0x38;
	[tilespmem:$0x10600] =	vst v63  }
0x345: {  	s6 =	sadd.s32 $0x60, s0;
	s8 =	rddreg [dreg:$0x1f]  }
0x346: {  	[tilespmem:s31], [sflag:$0x1] =	stream.linear.gather [hbm4b:s6+s3], $0x10, $0x38;
	[tilespmem:$0x10600] =	vst v63  }
0x347: {  	s9 =	sadd.s32 s18, s8;
	s10 =	sld [smem:$0x65A];
	s0 =	sadd.s32 $0x70, s0  }
0x348: {  	[tilespmem:s7], [sflag:$0x1] =	stream.linear.gather [hbm4b:s0+s3], $0x10, $0x38;
	[tilespmem:$0x10600] =	vst v63  }
0x349: {  	s4 =	sld [smem:$0x663];
	s0 =	sshrl.u32 s9, $0x3  }
0x34a: {  	s14 =	sld [smem:$0x65B];
	s0 =	sadd.s32 s24, s0  }
0x34b: {  	[tilespmem:s10], [sflag:$0x1] =	stream.linear.gather [hbm4b:s0+s3], $0x10, $0x38;
	[tilespmem:$0x10600] =	vst v63  }
0x34c: {  	s16 =	sld [smem:$0x65C];
	s15 =	sadd.s32 $0x10, s0  }
0x34d: {  	[tilespmem:s14], [sflag:$0x1] =	stream.linear.gather [hbm4b:s15+s3], $0x10, $0x38;
	[tilespmem:$0x10600] =	vst v63  }
0x34e: {  	s19 =	sld [smem:$0x65D];
	s17 =	sadd.s32 $0x20, s0  }
0x34f: {  	[tilespmem:s16], [sflag:$0x1] =	stream.linear.gather [hbm4b:s17+s3], $0x10, $0x38;
	[tilespmem:$0x10600] =	vst v63  }
0x350: {  	s21 =	sld [smem:$0x65E];
	s20 =	sadd.s32 $0x30, s0  }
0x351: {  	[tilespmem:s19], [sflag:$0x1] =	stream.linear.gather [hbm4b:s20+s3], $0x10, $0x38;
	[tilespmem:$0x10600] =	vst v63  }
0x352: {  	s23 =	sld [smem:$0x65F];
	s22 =	sadd.s32 $0x40, s0  }
0x353: {  	[tilespmem:s21], [sflag:$0x1] =	stream.linear.gather [hbm4b:s22+s3], $0x10, $0x38;
	[tilespmem:$0x10600] =	vst v63  }
0x354: {  	s26 =	sld [smem:$0x660];
	s25 =	sadd.s32 $0x50, s0  }
0x355: {  	[tilespmem:s23], [sflag:$0x1] =	stream.linear.gather [hbm4b:s25+s3], $0x10, $0x38;
	[tilespmem:$0x10600] =	vst v63  }
0x356: {  	s29 =	sld [smem:$0x661];
	s28 =	sadd.s32 $0x60, s0  }
0x357: {  	[tilespmem:s26], [sflag:$0x1] =	stream.linear.gather [hbm4b:s28+s3], $0x10, $0x38;
	[tilespmem:$0x10600] =	vst v63  }
0x358: {  	s31 =	sld [smem:$0x662];
	s30 =	sadd.s32 $0x70, s0  }
0x359: {  	[tilespmem:s29], [sflag:$0x1] =	stream.linear.gather [hbm4b:s30+s3], $0x10, $0x38;
	[tilespmem:$0x10600] =	vst v63  }
0x35a: {  	s7 =	sld [smem:$0x664];
	s0 =	sadd.s32 $0xF4280, s0  }
0x35b: {  	[tilespmem:s31], [sflag:$0x1] =	stream.linear.gather [hbm4b:s0+s3], $0x10, $0x38;
	[tilespmem:$0x10600] =	vst v63  }
0x35c: {  	s9 =	sld [smem:$0x665];
	s6 =	sadd.s32 $0x10, s0  }
0x35d: {  	[tilespmem:s4], [sflag:$0x1] =	stream.linear.gather [hbm4b:s6+s3], $0x10, $0x38;
	[tilespmem:$0x10600] =	vst v63  }
0x35e: {  	s8 =	sadd.s32 $0x20, s0;
	s14 =	sld [smem:$0x666]  }
0x35f: {  	[tilespmem:s7], [sflag:$0x1] =	stream.linear.gather [hbm4b:s8+s3], $0x10, $0x38;
	[tilespmem:$0x10600] =	vst v63  }
0x360: {  	s10 =	sadd.s32 $0x30, s0;
	s16 =	sld [smem:$0x667]  }
0x361: {  	[tilespmem:s9], [sflag:$0x1] =	stream.linear.gather [hbm4b:s10+s3], $0x10, $0x38;
	[tilespmem:$0x10600] =	vst v63  }
0x362: {  	s15 =	sadd.s32 $0x40, s0;
	s19 =	sld [smem:$0x668]  }
0x363: {  	[tilespmem:s14], [sflag:$0x1] =	stream.linear.gather [hbm4b:s15+s3], $0x10, $0x38;
	[tilespmem:$0x10600] =	vst v63  }
0x364: {  	s17 =	sadd.s32 $0x50, s0;
	s21 =	sld [smem:$0x669]  }
0x365: {  	[tilespmem:s16], [sflag:$0x1] =	stream.linear.gather [hbm4b:s17+s3], $0x10, $0x38;
	[tilespmem:$0x10600] =	vst v63  }
0x366: {  	s20 =	sadd.s32 $0x60, s0;
	s22 =	rddreg [dreg:$0x1e]  }
0x367: {  	[tilespmem:s19], [sflag:$0x1] =	stream.linear.gather [hbm4b:s20+s3], $0x10, $0x38;
	[tilespmem:$0x10600] =	vst v63  }
0x368: {  	s23 =	sadd.s32 s18, s22;
	s25 =	sld [smem:$0x66A];
	s0 =	sadd.s32 $0x70, s0  }
0x369: {  	[tilespmem:s21], [sflag:$0x1] =	stream.linear.gather [hbm4b:s0+s3], $0x10, $0x38;
	[tilespmem:$0x10600] =	vst v63  }
0x36a: {  	s26 =	sld [smem:$0x66B];
	s0 =	sshrl.u32 s23, $0x3  }
0x36b: {  	s29 =	sld [smem:$0x66C];
	s0 =	sadd.s32 s2, s0  }
0x36c: {  	[tilespmem:s25], [sflag:$0x1] =	stream.linear.gather [hbm4b:s0+s3], $0x10, $0x38;
	[tilespmem:$0x10600] =	vst v63  }
0x36d: {  	s31 =	sld [smem:$0x66D];
	s28 =	sadd.s32 $0x10, s0  }
0x36e: {  	[tilespmem:s26], [sflag:$0x1] =	stream.linear.gather [hbm4b:s28+s3], $0x10, $0x38;
	[tilespmem:$0x10600] =	vst v63  }
0x36f: {  	s6 =	sld [smem:$0x66E];
	s30 =	sadd.s32 $0x20, s0  }
0x370: {  	[tilespmem:s29], [sflag:$0x1] =	stream.linear.gather [hbm4b:s30+s3], $0x10, $0x38;
	[tilespmem:$0x10600] =	vst v63  }
0x371: {  	s8 =	sld [smem:$0x66F];
	s5 =	sadd.s32 $0x30, s0  }
0x372: {  	[tilespmem:s31], [sflag:$0x1] =	stream.linear.gather [hbm4b:s5+s3], $0x10, $0x38;
	[tilespmem:$0x10600] =	vst v63  }
0x373: {  	s10 =	sld [smem:$0x670];
	s7 =	sadd.s32 $0x40, s0  }
0x374: {  	[tilespmem:s6], [sflag:$0x1] =	stream.linear.gather [hbm4b:s7+s3], $0x10, $0x38;
	[tilespmem:$0x10600] =	vst v63  }
0x375: {  	s15 =	sld [smem:$0x671];
	s9 =	sadd.s32 $0x50, s0  }
0x376: {  	[tilespmem:s8], [sflag:$0x1] =	stream.linear.gather [hbm4b:s9+s3], $0x10, $0x38;
	[tilespmem:$0x10600] =	vst v63  }
0x377: {  	s17 =	sld [smem:$0x672];
	s14 =	sadd.s32 $0x60, s0  }
0x378: {  	[tilespmem:s10], [sflag:$0x1] =	stream.linear.gather [hbm4b:s14+s3], $0x10, $0x38;
	[tilespmem:$0x10600] =	vst v63  }
0x379: {  	s19 =	sld [smem:$0x673];
	s16 =	sadd.s32 $0x70, s0  }
0x37a: {  	[tilespmem:s15], [sflag:$0x1] =	stream.linear.gather [hbm4b:s16+s3], $0x10, $0x38;
	[tilespmem:$0x10600] =	vst v63  }
0x37b: {  	s21 =	sld [smem:$0x674];
	s0 =	sadd.s32 $0xF4280, s0  }
0x37c: {  	[tilespmem:s17], [sflag:$0x1] =	stream.linear.gather [hbm4b:s0+s3], $0x10, $0x38;
	[tilespmem:$0x10600] =	vst v63  }
0x37d: {  	s23 =	sld [smem:$0x675];
	s20 =	sadd.s32 $0x10, s0  }
0x37e: {  	[tilespmem:s19], [sflag:$0x1] =	stream.linear.gather [hbm4b:s20+s3], $0x10, $0x38;
	[tilespmem:$0x10600] =	vst v63  }
0x37f: {  	s22 =	sadd.s32 $0x20, s0;
	s26 =	sld [smem:$0x676]  }
0x380: {  	[tilespmem:s21], [sflag:$0x1] =	stream.linear.gather [hbm4b:s22+s3], $0x10, $0x38;
	[tilespmem:$0x10600] =	vst v63  }
0x381: {  	s25 =	sadd.s32 $0x30, s0;
	s29 =	sld [smem:$0x677]  }
0x382: {  	[tilespmem:s23], [sflag:$0x1] =	stream.linear.gather [hbm4b:s25+s3], $0x10, $0x38;
	[tilespmem:$0x10600] =	vst v63  }
0x383: {  	s28 =	sadd.s32 $0x40, s0;
	s31 =	sld [smem:$0x678]  }
0x384: {  	[tilespmem:s26], [sflag:$0x1] =	stream.linear.gather [hbm4b:s28+s3], $0x10, $0x38;
	[tilespmem:$0x10600] =	vst v63  }
0x385: {  	s30 =	sadd.s32 $0x50, s0;
	s7 =	sld [smem:$0x679]  }
0x386: {  	[tilespmem:s29], [sflag:$0x1] =	stream.linear.gather [hbm4b:s30+s3], $0x10, $0x38;
	[tilespmem:$0x10600] =	vst v63  }
0x387: {  	s6 =	sadd.s32 $0x60, s0;
	s8 =	rddreg [dreg:$0x1d]  }
0x388: {  	[tilespmem:s31], [sflag:$0x1] =	stream.linear.gather [hbm4b:s6+s3], $0x10, $0x38;
	[tilespmem:$0x10600] =	vst v63  }
0x389: {  	s9 =	sadd.s32 s18, s8;
	s10 =	sld [smem:$0x67A];
	s0 =	sadd.s32 $0x70, s0  }
0x38a: {  	[tilespmem:s7], [sflag:$0x1] =	stream.linear.gather [hbm4b:s0+s3], $0x10, $0x38;
	[tilespmem:$0x10600] =	vst v63  }
0x38b: {  	s4 =	sld [smem:$0x683];
	s0 =	sshrl.u32 s9, $0x3  }
0x38c: {  	s14 =	sld [smem:$0x67B];
	s0 =	sadd.s32 s24, s0  }
0x38d: {  	[tilespmem:s10], [sflag:$0x1] =	stream.linear.gather [hbm4b:s0+s3], $0x10, $0x38;
	[tilespmem:$0x10600] =	vst v63  }
0x38e: {  	s16 =	sld [smem:$0x67C];
	s15 =	sadd.s32 $0x10, s0  }
0x38f: {  	[tilespmem:s14], [sflag:$0x1] =	stream.linear.gather [hbm4b:s15+s3], $0x10, $0x38;
	[tilespmem:$0x10600] =	vst v63  }
0x390: {  	s19 =	sld [smem:$0x67D];
	s17 =	sadd.s32 $0x20, s0  }
0x391: {  	[tilespmem:s16], [sflag:$0x1] =	stream.linear.gather [hbm4b:s17+s3], $0x10, $0x38;
	[tilespmem:$0x10600] =	vst v63  }
0x392: {  	s21 =	sld [smem:$0x67E];
	s20 =	sadd.s32 $0x30, s0  }
0x393: {  	[tilespmem:s19], [sflag:$0x1] =	stream.linear.gather [hbm4b:s20+s3], $0x10, $0x38;
	[tilespmem:$0x10600] =	vst v63  }
0x394: {  	s23 =	sld [smem:$0x67F];
	s22 =	sadd.s32 $0x40, s0  }
0x395: {  	[tilespmem:s21], [sflag:$0x1] =	stream.linear.gather [hbm4b:s22+s3], $0x10, $0x38;
	[tilespmem:$0x10600] =	vst v63  }
0x396: {  	s26 =	sld [smem:$0x680];
	s25 =	sadd.s32 $0x50, s0  }
0x397: {  	[tilespmem:s23], [sflag:$0x1] =	stream.linear.gather [hbm4b:s25+s3], $0x10, $0x38;
	[tilespmem:$0x10600] =	vst v63  }
0x398: {  	s29 =	sld [smem:$0x681];
	s28 =	sadd.s32 $0x60, s0  }
0x399: {  	[tilespmem:s26], [sflag:$0x1] =	stream.linear.gather [hbm4b:s28+s3], $0x10, $0x38;
	[tilespmem:$0x10600] =	vst v63  }
0x39a: {  	s31 =	sld [smem:$0x682];
	s30 =	sadd.s32 $0x70, s0  }
0x39b: {  	[tilespmem:s29], [sflag:$0x1] =	stream.linear.gather [hbm4b:s30+s3], $0x10, $0x38;
	[tilespmem:$0x10600] =	vst v63  }
0x39c: {  	s7 =	sld [smem:$0x684];
	s0 =	sadd.s32 $0xF4280, s0  }
0x39d: {  	[tilespmem:s31], [sflag:$0x1] =	stream.linear.gather [hbm4b:s0+s3], $0x10, $0x38;
	[tilespmem:$0x10600] =	vst v63  }
0x39e: {  	s9 =	sld [smem:$0x685];
	s6 =	sadd.s32 $0x10, s0  }
0x39f: {  	[tilespmem:s4], [sflag:$0x1] =	stream.linear.gather [hbm4b:s6+s3], $0x10, $0x38;
	[tilespmem:$0x10600] =	vst v63  }
0x3a0: {  	s8 =	sadd.s32 $0x20, s0;
	s14 =	sld [smem:$0x686]  }
0x3a1: {  	[tilespmem:s7], [sflag:$0x1] =	stream.linear.gather [hbm4b:s8+s3], $0x10, $0x38;
	[tilespmem:$0x10600] =	vst v63  }
0x3a2: {  	s10 =	sadd.s32 $0x30, s0;
	s16 =	sld [smem:$0x687]  }
0x3a3: {  	[tilespmem:s9], [sflag:$0x1] =	stream.linear.gather [hbm4b:s10+s3], $0x10, $0x38;
	[tilespmem:$0x10600] =	vst v63  }
0x3a4: {  	s15 =	sadd.s32 $0x40, s0;
	s19 =	sld [smem:$0x688]  }
0x3a5: {  	[tilespmem:s14], [sflag:$0x1] =	stream.linear.gather [hbm4b:s15+s3], $0x10, $0x38;
	[tilespmem:$0x10600] =	vst v63  }
0x3a6: {  	s17 =	sadd.s32 $0x50, s0;
	s21 =	sld [smem:$0x689]  }
0x3a7: {  	[tilespmem:s16], [sflag:$0x1] =	stream.linear.gather [hbm4b:s17+s3], $0x10, $0x38;
	[tilespmem:$0x10600] =	vst v63  }
0x3a8: {  	s20 =	sadd.s32 $0x60, s0;
	s22 =	rddreg [dreg:$0x1c]  }
0x3a9: {  	[tilespmem:s19], [sflag:$0x1] =	stream.linear.gather [hbm4b:s20+s3], $0x10, $0x38;
	[tilespmem:$0x10600] =	vst v63  }
0x3aa: {  	s23 =	sadd.s32 s18, s22;
	s25 =	sld [smem:$0x68A];
	s0 =	sadd.s32 $0x70, s0  }
0x3ab: {  	[tilespmem:s21], [sflag:$0x1] =	stream.linear.gather [hbm4b:s0+s3], $0x10, $0x38;
	[tilespmem:$0x10600] =	vst v63  }
0x3ac: {  	s26 =	sld [smem:$0x68B];
	s0 =	sshrl.u32 s23, $0x3  }
0x3ad: {  	s29 =	sld [smem:$0x68C];
	s0 =	sadd.s32 s2, s0  }
0x3ae: {  	[tilespmem:s25], [sflag:$0x1] =	stream.linear.gather [hbm4b:s0+s3], $0x10, $0x38;
	[tilespmem:$0x10600] =	vst v63  }
0x3af: {  	s31 =	sld [smem:$0x68D];
	s28 =	sadd.s32 $0x10, s0  }
0x3b0: {  	[tilespmem:s26], [sflag:$0x1] =	stream.linear.gather [hbm4b:s28+s3], $0x10, $0x38;
	[tilespmem:$0x10600] =	vst v63  }
0x3b1: {  	s6 =	sld [smem:$0x68E];
	s30 =	sadd.s32 $0x20, s0  }
0x3b2: {  	[tilespmem:s29], [sflag:$0x1] =	stream.linear.gather [hbm4b:s30+s3], $0x10, $0x38;
	[tilespmem:$0x10600] =	vst v63  }
0x3b3: {  	s8 =	sld [smem:$0x68F];
	s5 =	sadd.s32 $0x30, s0  }
0x3b4: {  	[tilespmem:s31], [sflag:$0x1] =	stream.linear.gather [hbm4b:s5+s3], $0x10, $0x38;
	[tilespmem:$0x10600] =	vst v63  }
0x3b5: {  	s10 =	sld [smem:$0x690];
	s7 =	sadd.s32 $0x40, s0  }
0x3b6: {  	[tilespmem:s6], [sflag:$0x1] =	stream.linear.gather [hbm4b:s7+s3], $0x10, $0x38;
	[tilespmem:$0x10600] =	vst v63  }
0x3b7: {  	s15 =	sld [smem:$0x691];
	s9 =	sadd.s32 $0x50, s0  }
0x3b8: {  	[tilespmem:s8], [sflag:$0x1] =	stream.linear.gather [hbm4b:s9+s3], $0x10, $0x38;
	[tilespmem:$0x10600] =	vst v63  }
0x3b9: {  	s17 =	sld [smem:$0x692];
	s14 =	sadd.s32 $0x60, s0  }
0x3ba: {  	[tilespmem:s10], [sflag:$0x1] =	stream.linear.gather [hbm4b:s14+s3], $0x10, $0x38;
	[tilespmem:$0x10600] =	vst v63  }
0x3bb: {  	s19 =	sld [smem:$0x693];
	s16 =	sadd.s32 $0x70, s0  }
0x3bc: {  	[tilespmem:s15], [sflag:$0x1] =	stream.linear.gather [hbm4b:s16+s3], $0x10, $0x38;
	[tilespmem:$0x10600] =	vst v63  }
0x3bd: {  	s21 =	sld [smem:$0x694];
	s0 =	sadd.s32 $0xF4280, s0  }
0x3be: {  	[tilespmem:s17], [sflag:$0x1] =	stream.linear.gather [hbm4b:s0+s3], $0x10, $0x38;
	[tilespmem:$0x10600] =	vst v63  }
0x3bf: {  	s23 =	sld [smem:$0x695];
	s20 =	sadd.s32 $0x10, s0  }
0x3c0: {  	[tilespmem:s19], [sflag:$0x1] =	stream.linear.gather [hbm4b:s20+s3], $0x10, $0x38;
	[tilespmem:$0x10600] =	vst v63  }
0x3c1: {  	s22 =	sadd.s32 $0x20, s0;
	s26 =	sld [smem:$0x696]  }
0x3c2: {  	[tilespmem:s21], [sflag:$0x1] =	stream.linear.gather [hbm4b:s22+s3], $0x10, $0x38;
	[tilespmem:$0x10600] =	vst v63  }
0x3c3: {  	s25 =	sadd.s32 $0x30, s0;
	s29 =	sld [smem:$0x697]  }
0x3c4: {  	[tilespmem:s23], [sflag:$0x1] =	stream.linear.gather [hbm4b:s25+s3], $0x10, $0x38;
	[tilespmem:$0x10600] =	vst v63  }
0x3c5: {  	s28 =	sadd.s32 $0x40, s0;
	s31 =	sld [smem:$0x698]  }
0x3c6: {  	[tilespmem:s26], [sflag:$0x1] =	stream.linear.gather [hbm4b:s28+s3], $0x10, $0x38;
	[tilespmem:$0x10600] =	vst v63  }
0x3c7: {  	s30 =	sadd.s32 $0x50, s0;
	s7 =	sld [smem:$0x699]  }
0x3c8: {  	[tilespmem:s29], [sflag:$0x1] =	stream.linear.gather [hbm4b:s30+s3], $0x10, $0x38;
	[tilespmem:$0x10600] =	vst v63  }
0x3c9: {  	s6 =	sadd.s32 $0x60, s0;
	s8 =	rddreg [dreg:$0x1b]  }
0x3ca: {  	[tilespmem:s31], [sflag:$0x1] =	stream.linear.gather [hbm4b:s6+s3], $0x10, $0x38;
	[tilespmem:$0x10600] =	vst v63  }
0x3cb: {  	s9 =	sadd.s32 s18, s8;
	s10 =	sld [smem:$0x69A];
	s0 =	sadd.s32 $0x70, s0  }
0x3cc: {  	[tilespmem:s7], [sflag:$0x1] =	stream.linear.gather [hbm4b:s0+s3], $0x10, $0x38;
	[tilespmem:$0x10600] =	vst v63  }
0x3cd: {  	s4 =	sld [smem:$0x6A3];
	s0 =	sshrl.u32 s9, $0x3  }
0x3ce: {  	s14 =	sld [smem:$0x69B];
	s0 =	sadd.s32 s24, s0  }
0x3cf: {  	[tilespmem:s10], [sflag:$0x1] =	stream.linear.gather [hbm4b:s0+s3], $0x10, $0x38;
	[tilespmem:$0x10600] =	vst v63  }
0x3d0: {  	s16 =	sld [smem:$0x69C];
	s15 =	sadd.s32 $0x10, s0  }
0x3d1: {  	[tilespmem:s14], [sflag:$0x1] =	stream.linear.gather [hbm4b:s15+s3], $0x10, $0x38;
	[tilespmem:$0x10600] =	vst v63  }
0x3d2: {  	s19 =	sld [smem:$0x69D];
	s17 =	sadd.s32 $0x20, s0  }
0x3d3: {  	[tilespmem:s16], [sflag:$0x1] =	stream.linear.gather [hbm4b:s17+s3], $0x10, $0x38;
	[tilespmem:$0x10600] =	vst v63  }
0x3d4: {  	s21 =	sld [smem:$0x69E];
	s20 =	sadd.s32 $0x30, s0  }
0x3d5: {  	[tilespmem:s19], [sflag:$0x1] =	stream.linear.gather [hbm4b:s20+s3], $0x10, $0x38;
	[tilespmem:$0x10600] =	vst v63  }
0x3d6: {  	s23 =	sld [smem:$0x69F];
	s22 =	sadd.s32 $0x40, s0  }
0x3d7: {  	[tilespmem:s21], [sflag:$0x1] =	stream.linear.gather [hbm4b:s22+s3], $0x10, $0x38;
	[tilespmem:$0x10600] =	vst v63  }
0x3d8: {  	s26 =	sld [smem:$0x6A0];
	s25 =	sadd.s32 $0x50, s0  }
0x3d9: {  	[tilespmem:s23], [sflag:$0x1] =	stream.linear.gather [hbm4b:s25+s3], $0x10, $0x38;
	[tilespmem:$0x10600] =	vst v63  }
0x3da: {  	s29 =	sld [smem:$0x6A1];
	s28 =	sadd.s32 $0x60, s0  }
0x3db: {  	[tilespmem:s26], [sflag:$0x1] =	stream.linear.gather [hbm4b:s28+s3], $0x10, $0x38;
	[tilespmem:$0x10600] =	vst v63  }
0x3dc: {  	s31 =	sld [smem:$0x6A2];
	s30 =	sadd.s32 $0x70, s0  }
0x3dd: {  	[tilespmem:s29], [sflag:$0x1] =	stream.linear.gather [hbm4b:s30+s3], $0x10, $0x38;
	[tilespmem:$0x10600] =	vst v63  }
0x3de: {  	s7 =	sld [smem:$0x6A4];
	s0 =	sadd.s32 $0xF4280, s0  }
0x3df: {  	[tilespmem:s31], [sflag:$0x1] =	stream.linear.gather [hbm4b:s0+s3], $0x10, $0x38;
	[tilespmem:$0x10600] =	vst v63  }
0x3e0: {  	s9 =	sld [smem:$0x6A5];
	s6 =	sadd.s32 $0x10, s0  }
0x3e1: {  	[tilespmem:s4], [sflag:$0x1] =	stream.linear.gather [hbm4b:s6+s3], $0x10, $0x38;
	[tilespmem:$0x10600] =	vst v63  }
0x3e2: {  	s8 =	sadd.s32 $0x20, s0;
	s14 =	sld [smem:$0x6A6]  }
0x3e3: {  	[tilespmem:s7], [sflag:$0x1] =	stream.linear.gather [hbm4b:s8+s3], $0x10, $0x38;
	[tilespmem:$0x10600] =	vst v63  }
0x3e4: {  	s10 =	sadd.s32 $0x30, s0;
	s16 =	sld [smem:$0x6A7]  }
0x3e5: {  	[tilespmem:s9], [sflag:$0x1] =	stream.linear.gather [hbm4b:s10+s3], $0x10, $0x38;
	[tilespmem:$0x10600] =	vst v63  }
0x3e6: {  	s15 =	sadd.s32 $0x40, s0;
	s19 =	sld [smem:$0x6A8]  }
0x3e7: {  	[tilespmem:s14], [sflag:$0x1] =	stream.linear.gather [hbm4b:s15+s3], $0x10, $0x38;
	[tilespmem:$0x10600] =	vst v63  }
0x3e8: {  	s17 =	sadd.s32 $0x50, s0;
	s21 =	sld [smem:$0x6A9]  }
0x3e9: {  	[tilespmem:s16], [sflag:$0x1] =	stream.linear.gather [hbm4b:s17+s3], $0x10, $0x38;
	[tilespmem:$0x10600] =	vst v63  }
0x3ea: {  	s20 =	sadd.s32 $0x60, s0;
	s22 =	rddreg [dreg:$0x1a]  }
0x3eb: {  	[tilespmem:s19], [sflag:$0x1] =	stream.linear.gather [hbm4b:s20+s3], $0x10, $0x38;
	[tilespmem:$0x10600] =	vst v63  }
0x3ec: {  	s23 =	sadd.s32 s18, s22;
	s25 =	sld [smem:$0x6AA];
	s0 =	sadd.s32 $0x70, s0  }
0x3ed: {  	[tilespmem:s21], [sflag:$0x1] =	stream.linear.gather [hbm4b:s0+s3], $0x10, $0x38;
	[tilespmem:$0x10600] =	vst v63  }
0x3ee: {  	s26 =	sld [smem:$0x6AB];
	s0 =	sshrl.u32 s23, $0x3  }
0x3ef: {  	s29 =	sld [smem:$0x6AC];
	s0 =	sadd.s32 s2, s0  }
0x3f0: {  	[tilespmem:s25], [sflag:$0x1] =	stream.linear.gather [hbm4b:s0+s3], $0x10, $0x38;
	[tilespmem:$0x10600] =	vst v63  }
0x3f1: {  	s31 =	sld [smem:$0x6AD];
	s28 =	sadd.s32 $0x10, s0  }
0x3f2: {  	[tilespmem:s26], [sflag:$0x1] =	stream.linear.gather [hbm4b:s28+s3], $0x10, $0x38;
	[tilespmem:$0x10600] =	vst v63  }
0x3f3: {  	s6 =	sld [smem:$0x6AE];
	s30 =	sadd.s32 $0x20, s0  }
0x3f4: {  	[tilespmem:s29], [sflag:$0x1] =	stream.linear.gather [hbm4b:s30+s3], $0x10, $0x38;
	[tilespmem:$0x10600] =	vst v63  }
0x3f5: {  	s8 =	sld [smem:$0x6AF];
	s5 =	sadd.s32 $0x30, s0  }
0x3f6: {  	[tilespmem:s31], [sflag:$0x1] =	stream.linear.gather [hbm4b:s5+s3], $0x10, $0x38;
	[tilespmem:$0x10600] =	vst v63  }
0x3f7: {  	s10 =	sld [smem:$0x6B0];
	s7 =	sadd.s32 $0x40, s0  }
0x3f8: {  	[tilespmem:s6], [sflag:$0x1] =	stream.linear.gather [hbm4b:s7+s3], $0x10, $0x38;
	[tilespmem:$0x10600] =	vst v63  }
0x3f9: {  	s15 =	sld [smem:$0x6B1];
	s9 =	sadd.s32 $0x50, s0  }
0x3fa: {  	[tilespmem:s8], [sflag:$0x1] =	stream.linear.gather [hbm4b:s9+s3], $0x10, $0x38;
	[tilespmem:$0x10600] =	vst v63  }
0x3fb: {  	s17 =	sld [smem:$0x6B2];
	s14 =	sadd.s32 $0x60, s0  }
0x3fc: {  	[tilespmem:s10], [sflag:$0x1] =	stream.linear.gather [hbm4b:s14+s3], $0x10, $0x38;
	[tilespmem:$0x10600] =	vst v63  }
0x3fd: {  	s19 =	sld [smem:$0x6B3];
	s16 =	sadd.s32 $0x70, s0  }
0x3fe: {  	[tilespmem:s15], [sflag:$0x1] =	stream.linear.gather [hbm4b:s16+s3], $0x10, $0x38;
	[tilespmem:$0x10600] =	vst v63  }
0x3ff: {  	s21 =	sld [smem:$0x6B4];
	s0 =	sadd.s32 $0xF4280, s0  }
0x400: {  	[tilespmem:s17], [sflag:$0x1] =	stream.linear.gather [hbm4b:s0+s3], $0x10, $0x38;
	[tilespmem:$0x10600] =	vst v63  }
0x401: {  	s23 =	sld [smem:$0x6B5];
	s20 =	sadd.s32 $0x10, s0  }
0x402: {  	[tilespmem:s19], [sflag:$0x1] =	stream.linear.gather [hbm4b:s20+s3], $0x10, $0x38;
	[tilespmem:$0x10600] =	vst v63  }
0x403: {  	s22 =	sadd.s32 $0x20, s0;
	s26 =	sld [smem:$0x6B6]  }
0x404: {  	[tilespmem:s21], [sflag:$0x1] =	stream.linear.gather [hbm4b:s22+s3], $0x10, $0x38;
	[tilespmem:$0x10600] =	vst v63  }
0x405: {  	s25 =	sadd.s32 $0x30, s0;
	s29 =	sld [smem:$0x6B7]  }
0x406: {  	[tilespmem:s23], [sflag:$0x1] =	stream.linear.gather [hbm4b:s25+s3], $0x10, $0x38;
	[tilespmem:$0x10600] =	vst v63  }
0x407: {  	s28 =	sadd.s32 $0x40, s0;
	s31 =	sld [smem:$0x6B8]  }
0x408: {  	[tilespmem:s26], [sflag:$0x1] =	stream.linear.gather [hbm4b:s28+s3], $0x10, $0x38;
	[tilespmem:$0x10600] =	vst v63  }
0x409: {  	s30 =	sadd.s32 $0x50, s0;
	s7 =	sld [smem:$0x6B9]  }
0x40a: {  	[tilespmem:s29], [sflag:$0x1] =	stream.linear.gather [hbm4b:s30+s3], $0x10, $0x38;
	[tilespmem:$0x10600] =	vst v63  }
0x40b: {  	s6 =	sadd.s32 $0x60, s0;
	s8 =	rddreg [dreg:$0x19]  }
0x40c: {  	[tilespmem:s31], [sflag:$0x1] =	stream.linear.gather [hbm4b:s6+s3], $0x10, $0x38;
	[tilespmem:$0x10600] =	vst v63  }
0x40d: {  	s9 =	sadd.s32 s18, s8;
	s10 =	sld [smem:$0x6BA];
	s0 =	sadd.s32 $0x70, s0  }
0x40e: {  	[tilespmem:s7], [sflag:$0x1] =	stream.linear.gather [hbm4b:s0+s3], $0x10, $0x38;
	[tilespmem:$0x10600] =	vst v63  }
0x40f: {  	s4 =	sld [smem:$0x6C3];
	s0 =	sshrl.u32 s9, $0x3  }
0x410: {  	s14 =	sld [smem:$0x6BB];
	s0 =	sadd.s32 s24, s0  }
0x411: {  	[tilespmem:s10], [sflag:$0x1] =	stream.linear.gather [hbm4b:s0+s3], $0x10, $0x38;
	[tilespmem:$0x10600] =	vst v63  }
0x412: {  	s16 =	sld [smem:$0x6BC];
	s15 =	sadd.s32 $0x10, s0  }
0x413: {  	[tilespmem:s14], [sflag:$0x1] =	stream.linear.gather [hbm4b:s15+s3], $0x10, $0x38;
	[tilespmem:$0x10600] =	vst v63  }
0x414: {  	s19 =	sld [smem:$0x6BD];
	s17 =	sadd.s32 $0x20, s0  }
0x415: {  	[tilespmem:s16], [sflag:$0x1] =	stream.linear.gather [hbm4b:s17+s3], $0x10, $0x38;
	[tilespmem:$0x10600] =	vst v63  }
0x416: {  	s21 =	sld [smem:$0x6BE];
	s20 =	sadd.s32 $0x30, s0  }
0x417: {  	[tilespmem:s19], [sflag:$0x1] =	stream.linear.gather [hbm4b:s20+s3], $0x10, $0x38;
	[tilespmem:$0x10600] =	vst v63  }
0x418: {  	s23 =	sld [smem:$0x6BF];
	s22 =	sadd.s32 $0x40, s0  }
0x419: {  	[tilespmem:s21], [sflag:$0x1] =	stream.linear.gather [hbm4b:s22+s3], $0x10, $0x38;
	[tilespmem:$0x10600] =	vst v63  }
0x41a: {  	s26 =	sld [smem:$0x6C0];
	s25 =	sadd.s32 $0x50, s0  }
0x41b: {  	[tilespmem:s23], [sflag:$0x1] =	stream.linear.gather [hbm4b:s25+s3], $0x10, $0x38;
	[tilespmem:$0x10600] =	vst v63  }
0x41c: {  	s29 =	sld [smem:$0x6C1];
	s28 =	sadd.s32 $0x60, s0  }
0x41d: {  	[tilespmem:s26], [sflag:$0x1] =	stream.linear.gather [hbm4b:s28+s3], $0x10, $0x38;
	[tilespmem:$0x10600] =	vst v63  }
0x41e: {  	s31 =	sld [smem:$0x6C2];
	s30 =	sadd.s32 $0x70, s0  }
0x41f: {  	[tilespmem:s29], [sflag:$0x1] =	stream.linear.gather [hbm4b:s30+s3], $0x10, $0x38;
	[tilespmem:$0x10600] =	vst v63  }
0x420: {  	s7 =	sld [smem:$0x6C4];
	s0 =	sadd.s32 $0xF4280, s0  }
0x421: {  	[tilespmem:s31], [sflag:$0x1] =	stream.linear.gather [hbm4b:s0+s3], $0x10, $0x38;
	[tilespmem:$0x10600] =	vst v63  }
0x422: {  	s9 =	sld [smem:$0x6C5];
	s6 =	sadd.s32 $0x10, s0  }
0x423: {  	[tilespmem:s4], [sflag:$0x1] =	stream.linear.gather [hbm4b:s6+s3], $0x10, $0x38;
	[tilespmem:$0x10600] =	vst v63  }
0x424: {  	s8 =	sadd.s32 $0x20, s0;
	s14 =	sld [smem:$0x6C6]  }
0x425: {  	[tilespmem:s7], [sflag:$0x1] =	stream.linear.gather [hbm4b:s8+s3], $0x10, $0x38;
	[tilespmem:$0x10600] =	vst v63  }
0x426: {  	s10 =	sadd.s32 $0x30, s0;
	s16 =	sld [smem:$0x6C7]  }
0x427: {  	[tilespmem:s9], [sflag:$0x1] =	stream.linear.gather [hbm4b:s10+s3], $0x10, $0x38;
	[tilespmem:$0x10600] =	vst v63  }
0x428: {  	s15 =	sadd.s32 $0x40, s0;
	s19 =	sld [smem:$0x6C8]  }
0x429: {  	[tilespmem:s14], [sflag:$0x1] =	stream.linear.gather [hbm4b:s15+s3], $0x10, $0x38;
	[tilespmem:$0x10600] =	vst v63  }
0x42a: {  	s17 =	sadd.s32 $0x50, s0;
	s21 =	sld [smem:$0x6C9]  }
0x42b: {  	[tilespmem:s16], [sflag:$0x1] =	stream.linear.gather [hbm4b:s17+s3], $0x10, $0x38;
	[tilespmem:$0x10600] =	vst v63  }
0x42c: {  	s20 =	sadd.s32 $0x60, s0;
	s22 =	rddreg [dreg:$0x18]  }
0x42d: {  	[tilespmem:s19], [sflag:$0x1] =	stream.linear.gather [hbm4b:s20+s3], $0x10, $0x38;
	[tilespmem:$0x10600] =	vst v63  }
0x42e: {  	s23 =	sadd.s32 s18, s22;
	s25 =	sld [smem:$0x6CA];
	s0 =	sadd.s32 $0x70, s0  }
0x42f: {  	[tilespmem:s21], [sflag:$0x1] =	stream.linear.gather [hbm4b:s0+s3], $0x10, $0x38;
	[tilespmem:$0x10600] =	vst v63  }
0x430: {  	s26 =	sld [smem:$0x6CB];
	s0 =	sshrl.u32 s23, $0x3  }
0x431: {  	s29 =	sld [smem:$0x6CC];
	s0 =	sadd.s32 s2, s0  }
0x432: {  	[tilespmem:s25], [sflag:$0x1] =	stream.linear.gather [hbm4b:s0+s3], $0x10, $0x38;
	[tilespmem:$0x10600] =	vst v63  }
0x433: {  	s31 =	sld [smem:$0x6CD];
	s28 =	sadd.s32 $0x10, s0  }
0x434: {  	[tilespmem:s26], [sflag:$0x1] =	stream.linear.gather [hbm4b:s28+s3], $0x10, $0x38;
	[tilespmem:$0x10600] =	vst v63  }
0x435: {  	s6 =	sld [smem:$0x6CE];
	s30 =	sadd.s32 $0x20, s0  }
0x436: {  	[tilespmem:s29], [sflag:$0x1] =	stream.linear.gather [hbm4b:s30+s3], $0x10, $0x38;
	[tilespmem:$0x10600] =	vst v63  }
0x437: {  	s8 =	sld [smem:$0x6CF];
	s5 =	sadd.s32 $0x30, s0  }
0x438: {  	[tilespmem:s31], [sflag:$0x1] =	stream.linear.gather [hbm4b:s5+s3], $0x10, $0x38;
	[tilespmem:$0x10600] =	vst v63  }
0x439: {  	s10 =	sld [smem:$0x6D0];
	s7 =	sadd.s32 $0x40, s0  }
0x43a: {  	[tilespmem:s6], [sflag:$0x1] =	stream.linear.gather [hbm4b:s7+s3], $0x10, $0x38;
	[tilespmem:$0x10600] =	vst v63  }
0x43b: {  	s15 =	sld [smem:$0x6D1];
	s9 =	sadd.s32 $0x50, s0  }
0x43c: {  	[tilespmem:s8], [sflag:$0x1] =	stream.linear.gather [hbm4b:s9+s3], $0x10, $0x38;
	[tilespmem:$0x10600] =	vst v63  }
0x43d: {  	s17 =	sld [smem:$0x6D2];
	s14 =	sadd.s32 $0x60, s0  }
0x43e: {  	[tilespmem:s10], [sflag:$0x1] =	stream.linear.gather [hbm4b:s14+s3], $0x10, $0x38;
	[tilespmem:$0x10600] =	vst v63  }
0x43f: {  	s19 =	sld [smem:$0x6D3];
	s16 =	sadd.s32 $0x70, s0  }
0x440: {  	[tilespmem:s15], [sflag:$0x1] =	stream.linear.gather [hbm4b:s16+s3], $0x10, $0x38;
	[tilespmem:$0x10600] =	vst v63  }
0x441: {  	s21 =	sld [smem:$0x6D4];
	s0 =	sadd.s32 $0xF4280, s0  }
0x442: {  	[tilespmem:s17], [sflag:$0x1] =	stream.linear.gather [hbm4b:s0+s3], $0x10, $0x38;
	[tilespmem:$0x10600] =	vst v63  }
0x443: {  	s23 =	sld [smem:$0x6D5];
	s20 =	sadd.s32 $0x10, s0  }
0x444: {  	[tilespmem:s19], [sflag:$0x1] =	stream.linear.gather [hbm4b:s20+s3], $0x10, $0x38;
	[tilespmem:$0x10600] =	vst v63  }
0x445: {  	s22 =	sadd.s32 $0x20, s0;
	s26 =	sld [smem:$0x6D6]  }
0x446: {  	[tilespmem:s21], [sflag:$0x1] =	stream.linear.gather [hbm4b:s22+s3], $0x10, $0x38;
	[tilespmem:$0x10600] =	vst v63  }
0x447: {  	s25 =	sadd.s32 $0x30, s0;
	s29 =	sld [smem:$0x6D7]  }
0x448: {  	[tilespmem:s23], [sflag:$0x1] =	stream.linear.gather [hbm4b:s25+s3], $0x10, $0x38;
	[tilespmem:$0x10600] =	vst v63  }
0x449: {  	s28 =	sadd.s32 $0x40, s0;
	s31 =	sld [smem:$0x6D8]  }
0x44a: {  	[tilespmem:s26], [sflag:$0x1] =	stream.linear.gather [hbm4b:s28+s3], $0x10, $0x38;
	[tilespmem:$0x10600] =	vst v63  }
0x44b: {  	s30 =	sadd.s32 $0x50, s0;
	s7 =	sld [smem:$0x6D9]  }
0x44c: {  	[tilespmem:s29], [sflag:$0x1] =	stream.linear.gather [hbm4b:s30+s3], $0x10, $0x38;
	[tilespmem:$0x10600] =	vst v63  }
0x44d: {  	s6 =	sadd.s32 $0x60, s0;
	s8 =	rddreg [dreg:$0x17]  }
0x44e: {  	[tilespmem:s31], [sflag:$0x1] =	stream.linear.gather [hbm4b:s6+s3], $0x10, $0x38;
	[tilespmem:$0x10600] =	vst v63  }
0x44f: {  	s9 =	sadd.s32 s18, s8;
	s10 =	sld [smem:$0x6DA];
	s0 =	sadd.s32 $0x70, s0  }
0x450: {  	[tilespmem:s7], [sflag:$0x1] =	stream.linear.gather [hbm4b:s0+s3], $0x10, $0x38;
	[tilespmem:$0x10600] =	vst v63  }
0x451: {  	s4 =	sld [smem:$0x6E3];
	s0 =	sshrl.u32 s9, $0x3  }
0x452: {  	s14 =	sld [smem:$0x6DB];
	s0 =	sadd.s32 s24, s0  }
0x453: {  	[tilespmem:s10], [sflag:$0x1] =	stream.linear.gather [hbm4b:s0+s3], $0x10, $0x38;
	[tilespmem:$0x10600] =	vst v63  }
0x454: {  	s16 =	sld [smem:$0x6DC];
	s15 =	sadd.s32 $0x10, s0  }
0x455: {  	[tilespmem:s14], [sflag:$0x1] =	stream.linear.gather [hbm4b:s15+s3], $0x10, $0x38;
	[tilespmem:$0x10600] =	vst v63  }
0x456: {  	s19 =	sld [smem:$0x6DD];
	s17 =	sadd.s32 $0x20, s0  }
0x457: {  	[tilespmem:s16], [sflag:$0x1] =	stream.linear.gather [hbm4b:s17+s3], $0x10, $0x38;
	[tilespmem:$0x10600] =	vst v63  }
0x458: {  	s21 =	sld [smem:$0x6DE];
	s20 =	sadd.s32 $0x30, s0  }
0x459: {  	[tilespmem:s19], [sflag:$0x1] =	stream.linear.gather [hbm4b:s20+s3], $0x10, $0x38;
	[tilespmem:$0x10600] =	vst v63  }
0x45a: {  	s23 =	sld [smem:$0x6DF];
	s22 =	sadd.s32 $0x40, s0  }
0x45b: {  	[tilespmem:s21], [sflag:$0x1] =	stream.linear.gather [hbm4b:s22+s3], $0x10, $0x38;
	[tilespmem:$0x10600] =	vst v63  }
0x45c: {  	s26 =	sld [smem:$0x6E0];
	s25 =	sadd.s32 $0x50, s0  }
0x45d: {  	[tilespmem:s23], [sflag:$0x1] =	stream.linear.gather [hbm4b:s25+s3], $0x10, $0x38;
	[tilespmem:$0x10600] =	vst v63  }
0x45e: {  	s29 =	sld [smem:$0x6E1];
	s28 =	sadd.s32 $0x60, s0  }
0x45f: {  	[tilespmem:s26], [sflag:$0x1] =	stream.linear.gather [hbm4b:s28+s3], $0x10, $0x38;
	[tilespmem:$0x10600] =	vst v63  }
0x460: {  	s31 =	sld [smem:$0x6E2];
	s30 =	sadd.s32 $0x70, s0  }
0x461: {  	[tilespmem:s29], [sflag:$0x1] =	stream.linear.gather [hbm4b:s30+s3], $0x10, $0x38;
	[tilespmem:$0x10600] =	vst v63  }
0x462: {  	s7 =	sld [smem:$0x6E4];
	s0 =	sadd.s32 $0xF4280, s0  }
0x463: {  	[tilespmem:s31], [sflag:$0x1] =	stream.linear.gather [hbm4b:s0+s3], $0x10, $0x38;
	[tilespmem:$0x10600] =	vst v63  }
0x464: {  	s9 =	sld [smem:$0x6E5];
	s6 =	sadd.s32 $0x10, s0  }
0x465: {  	[tilespmem:s4], [sflag:$0x1] =	stream.linear.gather [hbm4b:s6+s3], $0x10, $0x38;
	[tilespmem:$0x10600] =	vst v63  }
0x466: {  	s8 =	sadd.s32 $0x20, s0;
	s14 =	sld [smem:$0x6E6]  }
0x467: {  	[tilespmem:s7], [sflag:$0x1] =	stream.linear.gather [hbm4b:s8+s3], $0x10, $0x38;
	[tilespmem:$0x10600] =	vst v63  }
0x468: {  	s10 =	sadd.s32 $0x30, s0;
	s16 =	sld [smem:$0x6E7]  }
0x469: {  	[tilespmem:s9], [sflag:$0x1] =	stream.linear.gather [hbm4b:s10+s3], $0x10, $0x38;
	[tilespmem:$0x10600] =	vst v63  }
0x46a: {  	s15 =	sadd.s32 $0x40, s0;
	s19 =	sld [smem:$0x6E8]  }
0x46b: {  	[tilespmem:s14], [sflag:$0x1] =	stream.linear.gather [hbm4b:s15+s3], $0x10, $0x38;
	[tilespmem:$0x10600] =	vst v63  }
0x46c: {  	s17 =	sadd.s32 $0x50, s0;
	s21 =	sld [smem:$0x6E9]  }
0x46d: {  	[tilespmem:s16], [sflag:$0x1] =	stream.linear.gather [hbm4b:s17+s3], $0x10, $0x38;
	[tilespmem:$0x10600] =	vst v63  }
0x46e: {  	s20 =	sadd.s32 $0x60, s0;
	s22 =	rddreg [dreg:$0x16]  }
0x46f: {  	[tilespmem:s19], [sflag:$0x1] =	stream.linear.gather [hbm4b:s20+s3], $0x10, $0x38;
	[tilespmem:$0x10600] =	vst v63  }
0x470: {  	s23 =	sadd.s32 s18, s22;
	s25 =	sld [smem:$0x6EA];
	s0 =	sadd.s32 $0x70, s0  }
0x471: {  	[tilespmem:s21], [sflag:$0x1] =	stream.linear.gather [hbm4b:s0+s3], $0x10, $0x38;
	[tilespmem:$0x10600] =	vst v63  }
0x472: {  	s26 =	sld [smem:$0x6EB];
	s0 =	sshrl.u32 s23, $0x3  }
0x473: {  	s29 =	sld [smem:$0x6EC];
	s0 =	sadd.s32 s2, s0  }
0x474: {  	[tilespmem:s25], [sflag:$0x1] =	stream.linear.gather [hbm4b:s0+s3], $0x10, $0x38;
	[tilespmem:$0x10600] =	vst v63  }
0x475: {  	s31 =	sld [smem:$0x6ED];
	s28 =	sadd.s32 $0x10, s0  }
0x476: {  	[tilespmem:s26], [sflag:$0x1] =	stream.linear.gather [hbm4b:s28+s3], $0x10, $0x38;
	[tilespmem:$0x10600] =	vst v63  }
0x477: {  	s6 =	sld [smem:$0x6EE];
	s30 =	sadd.s32 $0x20, s0  }
0x478: {  	[tilespmem:s29], [sflag:$0x1] =	stream.linear.gather [hbm4b:s30+s3], $0x10, $0x38;
	[tilespmem:$0x10600] =	vst v63  }
0x479: {  	s8 =	sld [smem:$0x6EF];
	s5 =	sadd.s32 $0x30, s0  }
0x47a: {  	[tilespmem:s31], [sflag:$0x1] =	stream.linear.gather [hbm4b:s5+s3], $0x10, $0x38;
	[tilespmem:$0x10600] =	vst v63  }
0x47b: {  	s10 =	sld [smem:$0x6F0];
	s7 =	sadd.s32 $0x40, s0  }
0x47c: {  	[tilespmem:s6], [sflag:$0x1] =	stream.linear.gather [hbm4b:s7+s3], $0x10, $0x38;
	[tilespmem:$0x10600] =	vst v63  }
0x47d: {  	s15 =	sld [smem:$0x6F1];
	s9 =	sadd.s32 $0x50, s0  }
0x47e: {  	[tilespmem:s8], [sflag:$0x1] =	stream.linear.gather [hbm4b:s9+s3], $0x10, $0x38;
	[tilespmem:$0x10600] =	vst v63  }
0x47f: {  	s17 =	sld [smem:$0x6F2];
	s14 =	sadd.s32 $0x60, s0  }
0x480: {  	[tilespmem:s10], [sflag:$0x1] =	stream.linear.gather [hbm4b:s14+s3], $0x10, $0x38;
	[tilespmem:$0x10600] =	vst v63  }
0x481: {  	s19 =	sld [smem:$0x6F3];
	s16 =	sadd.s32 $0x70, s0  }
0x482: {  	[tilespmem:s15], [sflag:$0x1] =	stream.linear.gather [hbm4b:s16+s3], $0x10, $0x38;
	[tilespmem:$0x10600] =	vst v63  }
0x483: {  	s21 =	sld [smem:$0x6F4];
	s0 =	sadd.s32 $0xF4280, s0  }
0x484: {  	[tilespmem:s17], [sflag:$0x1] =	stream.linear.gather [hbm4b:s0+s3], $0x10, $0x38;
	[tilespmem:$0x10600] =	vst v63  }
0x485: {  	s23 =	sld [smem:$0x6F5];
	s20 =	sadd.s32 $0x10, s0  }
0x486: {  	[tilespmem:s19], [sflag:$0x1] =	stream.linear.gather [hbm4b:s20+s3], $0x10, $0x38;
	[tilespmem:$0x10600] =	vst v63  }
0x487: {  	s22 =	sadd.s32 $0x20, s0;
	s26 =	sld [smem:$0x6F6]  }
0x488: {  	[tilespmem:s21], [sflag:$0x1] =	stream.linear.gather [hbm4b:s22+s3], $0x10, $0x38;
	[tilespmem:$0x10600] =	vst v63  }
0x489: {  	s25 =	sadd.s32 $0x30, s0;
	s29 =	sld [smem:$0x6F7]  }
0x48a: {  	[tilespmem:s23], [sflag:$0x1] =	stream.linear.gather [hbm4b:s25+s3], $0x10, $0x38;
	[tilespmem:$0x10600] =	vst v63  }
0x48b: {  	s28 =	sadd.s32 $0x40, s0;
	s31 =	sld [smem:$0x6F8]  }
0x48c: {  	[tilespmem:s26], [sflag:$0x1] =	stream.linear.gather [hbm4b:s28+s3], $0x10, $0x38;
	[tilespmem:$0x10600] =	vst v63  }
0x48d: {  	s30 =	sadd.s32 $0x50, s0;
	s7 =	sld [smem:$0x6F9]  }
0x48e: {  	[tilespmem:s29], [sflag:$0x1] =	stream.linear.gather [hbm4b:s30+s3], $0x10, $0x38;
	[tilespmem:$0x10600] =	vst v63  }
0x48f: {  	s6 =	sadd.s32 $0x60, s0;
	s8 =	rddreg [dreg:$0x15]  }
0x490: {  	[tilespmem:s31], [sflag:$0x1] =	stream.linear.gather [hbm4b:s6+s3], $0x10, $0x38;
	[tilespmem:$0x10600] =	vst v63  }
0x491: {  	s9 =	sadd.s32 s18, s8;
	s10 =	sld [smem:$0x6FA];
	s0 =	sadd.s32 $0x70, s0  }
0x492: {  	[tilespmem:s7], [sflag:$0x1] =	stream.linear.gather [hbm4b:s0+s3], $0x10, $0x38;
	[tilespmem:$0x10600] =	vst v63  }
0x493: {  	s4 =	sld [smem:$0x703];
	s0 =	sshrl.u32 s9, $0x3  }
0x494: {  	s14 =	sld [smem:$0x6FB];
	s0 =	sadd.s32 s24, s0  }
0x495: {  	[tilespmem:s10], [sflag:$0x1] =	stream.linear.gather [hbm4b:s0+s3], $0x10, $0x38;
	[tilespmem:$0x10600] =	vst v63  }
0x496: {  	s16 =	sld [smem:$0x6FC];
	s15 =	sadd.s32 $0x10, s0  }
0x497: {  	[tilespmem:s14], [sflag:$0x1] =	stream.linear.gather [hbm4b:s15+s3], $0x10, $0x38;
	[tilespmem:$0x10600] =	vst v63  }
0x498: {  	s19 =	sld [smem:$0x6FD];
	s17 =	sadd.s32 $0x20, s0  }
0x499: {  	[tilespmem:s16], [sflag:$0x1] =	stream.linear.gather [hbm4b:s17+s3], $0x10, $0x38;
	[tilespmem:$0x10600] =	vst v63  }
0x49a: {  	s21 =	sld [smem:$0x6FE];
	s20 =	sadd.s32 $0x30, s0  }
0x49b: {  	[tilespmem:s19], [sflag:$0x1] =	stream.linear.gather [hbm4b:s20+s3], $0x10, $0x38;
	[tilespmem:$0x10600] =	vst v63  }
0x49c: {  	s23 =	sld [smem:$0x6FF];
	s22 =	sadd.s32 $0x40, s0  }
0x49d: {  	[tilespmem:s21], [sflag:$0x1] =	stream.linear.gather [hbm4b:s22+s3], $0x10, $0x38;
	[tilespmem:$0x10600] =	vst v63  }
0x49e: {  	s26 =	sld [smem:$0x700];
	s25 =	sadd.s32 $0x50, s0  }
0x49f: {  	[tilespmem:s23], [sflag:$0x1] =	stream.linear.gather [hbm4b:s25+s3], $0x10, $0x38;
	[tilespmem:$0x10600] =	vst v63  }
0x4a0: {  	s29 =	sld [smem:$0x701];
	s28 =	sadd.s32 $0x60, s0  }
0x4a1: {  	[tilespmem:s26], [sflag:$0x1] =	stream.linear.gather [hbm4b:s28+s3], $0x10, $0x38;
	[tilespmem:$0x10600] =	vst v63  }
0x4a2: {  	s31 =	sld [smem:$0x702];
	s30 =	sadd.s32 $0x70, s0  }
0x4a3: {  	[tilespmem:s29], [sflag:$0x1] =	stream.linear.gather [hbm4b:s30+s3], $0x10, $0x38;
	[tilespmem:$0x10600] =	vst v63  }
0x4a4: {  	s7 =	sld [smem:$0x704];
	s0 =	sadd.s32 $0xF4280, s0  }
0x4a5: {  	[tilespmem:s31], [sflag:$0x1] =	stream.linear.gather [hbm4b:s0+s3], $0x10, $0x38;
	[tilespmem:$0x10600] =	vst v63  }
0x4a6: {  	s9 =	sld [smem:$0x705];
	s6 =	sadd.s32 $0x10, s0  }
0x4a7: {  	[tilespmem:s4], [sflag:$0x1] =	stream.linear.gather [hbm4b:s6+s3], $0x10, $0x38;
	[tilespmem:$0x10600] =	vst v63  }
0x4a8: {  	s8 =	sadd.s32 $0x20, s0;
	s14 =	sld [smem:$0x706]  }
0x4a9: {  	[tilespmem:s7], [sflag:$0x1] =	stream.linear.gather [hbm4b:s8+s3], $0x10, $0x38;
	[tilespmem:$0x10600] =	vst v63  }
0x4aa: {  	s10 =	sadd.s32 $0x30, s0;
	s16 =	sld [smem:$0x707]  }
0x4ab: {  	[tilespmem:s9], [sflag:$0x1] =	stream.linear.gather [hbm4b:s10+s3], $0x10, $0x38;
	[tilespmem:$0x10600] =	vst v63  }
0x4ac: {  	s15 =	sadd.s32 $0x40, s0;
	s19 =	sld [smem:$0x708]  }
0x4ad: {  	[tilespmem:s14], [sflag:$0x1] =	stream.linear.gather [hbm4b:s15+s3], $0x10, $0x38;
	[tilespmem:$0x10600] =	vst v63  }
0x4ae: {  	s17 =	sadd.s32 $0x50, s0;
	s21 =	sld [smem:$0x709]  }
0x4af: {  	[tilespmem:s16], [sflag:$0x1] =	stream.linear.gather [hbm4b:s17+s3], $0x10, $0x38;
	[tilespmem:$0x10600] =	vst v63  }
0x4b0: {  	s20 =	sadd.s32 $0x60, s0;
	s22 =	rddreg [dreg:$0x14]  }
0x4b1: {  	[tilespmem:s19], [sflag:$0x1] =	stream.linear.gather [hbm4b:s20+s3], $0x10, $0x38;
	[tilespmem:$0x10600] =	vst v63  }
0x4b2: {  	s23 =	sadd.s32 s18, s22;
	s25 =	sld [smem:$0x70A];
	s0 =	sadd.s32 $0x70, s0  }
0x4b3: {  	[tilespmem:s21], [sflag:$0x1] =	stream.linear.gather [hbm4b:s0+s3], $0x10, $0x38;
	[tilespmem:$0x10600] =	vst v63  }
0x4b4: {  	s26 =	sld [smem:$0x70B];
	s0 =	sshrl.u32 s23, $0x3  }
0x4b5: {  	s29 =	sld [smem:$0x70C];
	s0 =	sadd.s32 s2, s0  }
0x4b6: {  	[tilespmem:s25], [sflag:$0x1] =	stream.linear.gather [hbm4b:s0+s3], $0x10, $0x38;
	[tilespmem:$0x10600] =	vst v63  }
0x4b7: {  	s31 =	sld [smem:$0x70D];
	s28 =	sadd.s32 $0x10, s0  }
0x4b8: {  	[tilespmem:s26], [sflag:$0x1] =	stream.linear.gather [hbm4b:s28+s3], $0x10, $0x38;
	[tilespmem:$0x10600] =	vst v63  }
0x4b9: {  	s6 =	sld [smem:$0x70E];
	s30 =	sadd.s32 $0x20, s0  }
0x4ba: {  	[tilespmem:s29], [sflag:$0x1] =	stream.linear.gather [hbm4b:s30+s3], $0x10, $0x38;
	[tilespmem:$0x10600] =	vst v63  }
0x4bb: {  	s8 =	sld [smem:$0x70F];
	s5 =	sadd.s32 $0x30, s0  }
0x4bc: {  	[tilespmem:s31], [sflag:$0x1] =	stream.linear.gather [hbm4b:s5+s3], $0x10, $0x38;
	[tilespmem:$0x10600] =	vst v63  }
0x4bd: {  	s10 =	sld [smem:$0x710];
	s7 =	sadd.s32 $0x40, s0  }
0x4be: {  	[tilespmem:s6], [sflag:$0x1] =	stream.linear.gather [hbm4b:s7+s3], $0x10, $0x38;
	[tilespmem:$0x10600] =	vst v63  }
0x4bf: {  	s15 =	sld [smem:$0x711];
	s9 =	sadd.s32 $0x50, s0  }
0x4c0: {  	[tilespmem:s8], [sflag:$0x1] =	stream.linear.gather [hbm4b:s9+s3], $0x10, $0x38;
	[tilespmem:$0x10600] =	vst v63  }
0x4c1: {  	s17 =	sld [smem:$0x712];
	s14 =	sadd.s32 $0x60, s0  }
0x4c2: {  	[tilespmem:s10], [sflag:$0x1] =	stream.linear.gather [hbm4b:s14+s3], $0x10, $0x38;
	[tilespmem:$0x10600] =	vst v63  }
0x4c3: {  	s19 =	sld [smem:$0x713];
	s16 =	sadd.s32 $0x70, s0  }
0x4c4: {  	[tilespmem:s15], [sflag:$0x1] =	stream.linear.gather [hbm4b:s16+s3], $0x10, $0x38;
	[tilespmem:$0x10600] =	vst v63  }
0x4c5: {  	s21 =	sld [smem:$0x714];
	s0 =	sadd.s32 $0xF4280, s0  }
0x4c6: {  	[tilespmem:s17], [sflag:$0x1] =	stream.linear.gather [hbm4b:s0+s3], $0x10, $0x38;
	[tilespmem:$0x10600] =	vst v63  }
0x4c7: {  	s23 =	sld [smem:$0x715];
	s20 =	sadd.s32 $0x10, s0  }
0x4c8: {  	[tilespmem:s19], [sflag:$0x1] =	stream.linear.gather [hbm4b:s20+s3], $0x10, $0x38;
	[tilespmem:$0x10600] =	vst v63  }
0x4c9: {  	s22 =	sadd.s32 $0x20, s0;
	s26 =	sld [smem:$0x716]  }
0x4ca: {  	[tilespmem:s21], [sflag:$0x1] =	stream.linear.gather [hbm4b:s22+s3], $0x10, $0x38;
	[tilespmem:$0x10600] =	vst v63  }
0x4cb: {  	s25 =	sadd.s32 $0x30, s0;
	s29 =	sld [smem:$0x717]  }
0x4cc: {  	[tilespmem:s23], [sflag:$0x1] =	stream.linear.gather [hbm4b:s25+s3], $0x10, $0x38;
	[tilespmem:$0x10600] =	vst v63  }
0x4cd: {  	s28 =	sadd.s32 $0x40, s0;
	s31 =	sld [smem:$0x718]  }
0x4ce: {  	[tilespmem:s26], [sflag:$0x1] =	stream.linear.gather [hbm4b:s28+s3], $0x10, $0x38;
	[tilespmem:$0x10600] =	vst v63  }
0x4cf: {  	s30 =	sadd.s32 $0x50, s0;
	s7 =	sld [smem:$0x719]  }
0x4d0: {  	[tilespmem:s29], [sflag:$0x1] =	stream.linear.gather [hbm4b:s30+s3], $0x10, $0x38;
	[tilespmem:$0x10600] =	vst v63  }
0x4d1: {  	s6 =	sadd.s32 $0x60, s0;
	s8 =	rddreg [dreg:$0x13]  }
0x4d2: {  	[tilespmem:s31], [sflag:$0x1] =	stream.linear.gather [hbm4b:s6+s3], $0x10, $0x38;
	[tilespmem:$0x10600] =	vst v63  }
0x4d3: {  	s9 =	sadd.s32 s18, s8;
	s10 =	sld [smem:$0x71A];
	s0 =	sadd.s32 $0x70, s0  }
0x4d4: {  	[tilespmem:s7], [sflag:$0x1] =	stream.linear.gather [hbm4b:s0+s3], $0x10, $0x38;
	[tilespmem:$0x10600] =	vst v63  }
0x4d5: {  	s4 =	sld [smem:$0x723];
	s0 =	sshrl.u32 s9, $0x3  }
0x4d6: {  	s14 =	sld [smem:$0x71B];
	s0 =	sadd.s32 s24, s0  }
0x4d7: {  	[tilespmem:s10], [sflag:$0x1] =	stream.linear.gather [hbm4b:s0+s3], $0x10, $0x38;
	[tilespmem:$0x10600] =	vst v63  }
0x4d8: {  	s16 =	sld [smem:$0x71C];
	s15 =	sadd.s32 $0x10, s0  }
0x4d9: {  	[tilespmem:s14], [sflag:$0x1] =	stream.linear.gather [hbm4b:s15+s3], $0x10, $0x38;
	[tilespmem:$0x10600] =	vst v63  }
0x4da: {  	s19 =	sld [smem:$0x71D];
	s17 =	sadd.s32 $0x20, s0  }
0x4db: {  	[tilespmem:s16], [sflag:$0x1] =	stream.linear.gather [hbm4b:s17+s3], $0x10, $0x38;
	[tilespmem:$0x10600] =	vst v63  }
0x4dc: {  	s21 =	sld [smem:$0x71E];
	s20 =	sadd.s32 $0x30, s0  }
0x4dd: {  	[tilespmem:s19], [sflag:$0x1] =	stream.linear.gather [hbm4b:s20+s3], $0x10, $0x38;
	[tilespmem:$0x10600] =	vst v63  }
0x4de: {  	s23 =	sld [smem:$0x71F];
	s22 =	sadd.s32 $0x40, s0  }
0x4df: {  	[tilespmem:s21], [sflag:$0x1] =	stream.linear.gather [hbm4b:s22+s3], $0x10, $0x38;
	[tilespmem:$0x10600] =	vst v63  }
0x4e0: {  	s26 =	sld [smem:$0x720];
	s25 =	sadd.s32 $0x50, s0  }
0x4e1: {  	[tilespmem:s23], [sflag:$0x1] =	stream.linear.gather [hbm4b:s25+s3], $0x10, $0x38;
	[tilespmem:$0x10600] =	vst v63  }
0x4e2: {  	s29 =	sld [smem:$0x721];
	s28 =	sadd.s32 $0x60, s0  }
0x4e3: {  	[tilespmem:s26], [sflag:$0x1] =	stream.linear.gather [hbm4b:s28+s3], $0x10, $0x38;
	[tilespmem:$0x10600] =	vst v63  }
0x4e4: {  	s31 =	sld [smem:$0x722];
	s30 =	sadd.s32 $0x70, s0  }
0x4e5: {  	[tilespmem:s29], [sflag:$0x1] =	stream.linear.gather [hbm4b:s30+s3], $0x10, $0x38;
	[tilespmem:$0x10600] =	vst v63  }
0x4e6: {  	s7 =	sld [smem:$0x724];
	s0 =	sadd.s32 $0xF4280, s0  }
0x4e7: {  	[tilespmem:s31], [sflag:$0x1] =	stream.linear.gather [hbm4b:s0+s3], $0x10, $0x38;
	[tilespmem:$0x10600] =	vst v63  }
0x4e8: {  	s9 =	sld [smem:$0x725];
	s6 =	sadd.s32 $0x10, s0  }
0x4e9: {  	[tilespmem:s4], [sflag:$0x1] =	stream.linear.gather [hbm4b:s6+s3], $0x10, $0x38;
	[tilespmem:$0x10600] =	vst v63  }
0x4ea: {  	s8 =	sadd.s32 $0x20, s0;
	s14 =	sld [smem:$0x726]  }
0x4eb: {  	[tilespmem:s7], [sflag:$0x1] =	stream.linear.gather [hbm4b:s8+s3], $0x10, $0x38;
	[tilespmem:$0x10600] =	vst v63  }
0x4ec: {  	s10 =	sadd.s32 $0x30, s0;
	s16 =	sld [smem:$0x727]  }
0x4ed: {  	[tilespmem:s9], [sflag:$0x1] =	stream.linear.gather [hbm4b:s10+s3], $0x10, $0x38;
	[tilespmem:$0x10600] =	vst v63  }
0x4ee: {  	s15 =	sadd.s32 $0x40, s0;
	s19 =	sld [smem:$0x728]  }
0x4ef: {  	[tilespmem:s14], [sflag:$0x1] =	stream.linear.gather [hbm4b:s15+s3], $0x10, $0x38;
	[tilespmem:$0x10600] =	vst v63  }
0x4f0: {  	s17 =	sadd.s32 $0x50, s0;
	s21 =	sld [smem:$0x729]  }
0x4f1: {  	[tilespmem:s16], [sflag:$0x1] =	stream.linear.gather [hbm4b:s17+s3], $0x10, $0x38;
	[tilespmem:$0x10600] =	vst v63  }
0x4f2: {  	s20 =	sadd.s32 $0x60, s0;
	s22 =	rddreg [dreg:$0x12]  }
0x4f3: {  	[tilespmem:s19], [sflag:$0x1] =	stream.linear.gather [hbm4b:s20+s3], $0x10, $0x38;
	[tilespmem:$0x10600] =	vst v63  }
0x4f4: {  	s23 =	sadd.s32 s18, s22;
	s25 =	sld [smem:$0x72A];
	s0 =	sadd.s32 $0x70, s0  }
0x4f5: {  	[tilespmem:s21], [sflag:$0x1] =	stream.linear.gather [hbm4b:s0+s3], $0x10, $0x38;
	[tilespmem:$0x10600] =	vst v63  }
0x4f6: {  	s0 =	sshrl.u32 s23, $0x3  }
0x4f7: {  	s26 =	sld [smem:$0x72B];
	s0 =	sadd.s32 s2, s0  }
0x4f8: {  	[tilespmem:s25], [sflag:$0x1] =	stream.linear.gather [hbm4b:s0+s3], $0x10, $0x38;
	[tilespmem:$0x10600] =	vst v63  }
0x4f9: {  	s29 =	sld [smem:$0x72C];
	s28 =	sadd.s32 $0x10, s0  }
0x4fa: {  	[tilespmem:s26], [sflag:$0x1] =	stream.linear.gather [hbm4b:s28+s3], $0x10, $0x38;
	[tilespmem:$0x10600] =	vst v63  }
0x4fb: {  	s31 =	sld [smem:$0x72D];
	s30 =	sadd.s32 $0x20, s0  }
0x4fc: {  	[tilespmem:s29], [sflag:$0x1] =	stream.linear.gather [hbm4b:s30+s3], $0x10, $0x38;
	[tilespmem:$0x10600] =	vst v63  }
0x4fd: {  	s6 =	sld [smem:$0x72E];
	s5 =	sadd.s32 $0x30, s0  }
0x4fe: {  	[tilespmem:s31], [sflag:$0x1] =	stream.linear.gather [hbm4b:s5+s3], $0x10, $0x38;
	[tilespmem:$0x10600] =	vst v63  }
0x4ff: {  	s8 =	sld [smem:$0x72F];
	s7 =	sadd.s32 $0x40, s0  }
0x500: {  	[tilespmem:s6], [sflag:$0x1] =	stream.linear.gather [hbm4b:s7+s3], $0x10, $0x38;
	[tilespmem:$0x10600] =	vst v63  }
0x501: {  	s10 =	sld [smem:$0x730];
	s9 =	sadd.s32 $0x50, s0  }
0x502: {  	[tilespmem:s8], [sflag:$0x1] =	stream.linear.gather [hbm4b:s9+s3], $0x10, $0x38;
	[tilespmem:$0x10600] =	vst v63  }
0x503: {  	s15 =	sld [smem:$0x731];
	s14 =	sadd.s32 $0x60, s0  }
0x504: {  	[tilespmem:s10], [sflag:$0x1] =	stream.linear.gather [hbm4b:s14+s3], $0x10, $0x38;
	[tilespmem:$0x10600] =	vst v63  }
0x505: {  	s17 =	sld [smem:$0x732];
	s16 =	sadd.s32 $0x70, s0  }
0x506: {  	[tilespmem:s15], [sflag:$0x1] =	stream.linear.gather [hbm4b:s16+s3], $0x10, $0x38;
	[tilespmem:$0x10600] =	vst v63  }
0x507: {  	s19 =	sld [smem:$0x733];
	s0 =	sadd.s32 $0xF4280, s0  }
0x508: {  	[tilespmem:s17], [sflag:$0x1] =	stream.linear.gather [hbm4b:s0+s3], $0x10, $0x38;
	[tilespmem:$0x10600] =	vst v63  }
0x509: {  	s21 =	sld [smem:$0x734];
	s20 =	sadd.s32 $0x10, s0  }
0x50a: {  	[tilespmem:s19], [sflag:$0x1] =	stream.linear.gather [hbm4b:s20+s3], $0x10, $0x38;
	[tilespmem:$0x10600] =	vst v63  }
0x50b: {  	s23 =	sld [smem:$0x735];
	s22 =	sadd.s32 $0x20, s0  }
0x50c: {  	[tilespmem:s21], [sflag:$0x1] =	stream.linear.gather [hbm4b:s22+s3], $0x10, $0x38;
	[tilespmem:$0x10600] =	vst v63  }
0x50d: {  	s25 =	sadd.s32 $0x30, s0  }
0x50e: {  	[tilespmem:s23], [sflag:$0x1] =	stream.linear.gather [hbm4b:s25+s3], $0x10, $0x38;
	[tilespmem:$0x10600] =	vst v63  }
0x50f: {  	s1 =	sld [smem:$0x736]  }
0x510: {  	s5 =	rddreg [dreg:$0x11]  }
0x511: {  	s26 =	sadd.s32 $0x40, s0;
	s28 =	sld [smem:$0x737]  }
0x512: {  	[tilespmem:s1], [sflag:$0x1] =	stream.linear.gather [hbm4b:s26+s3], $0x10, $0x38;
	[tilespmem:$0x10600] =	vst v63  }
0x513: {  	s29 =	sadd.s32 $0x50, s0;
	s30 =	sld [smem:$0x738]  }
0x514: {  	[tilespmem:s28], [sflag:$0x1] =	stream.linear.gather [hbm4b:s29+s3], $0x10, $0x38;
	[tilespmem:$0x10600] =	vst v63  }
0x515: {  	s31 =	sadd.s32 $0x60, s0;
	s4 =	sld [smem:$0x739]  }
0x516: {  	[tilespmem:s30], [sflag:$0x1] =	stream.linear.gather [hbm4b:s31+s3], $0x10, $0x38;
	[tilespmem:$0x10600] =	vst v63  }
0x517: {  	s0 =	sadd.s32 $0x70, s0;
	s6 =	sadd.s32 s18, s5;
	s7 =	sld [smem:$0x73A]  }
0x518: {  	[tilespmem:s4], [sflag:$0x1] =	stream.linear.gather [hbm4b:s0+s3], $0x10, $0x38;
	[tilespmem:$0x10600] =	vst v63  }
0x519: {  	s8 =	sld [smem:$0x73B];
	s0 =	sshrl.u32 s6, $0x3  }
0x51a: {  	s10 =	sld [smem:$0x73C];
	s0 =	sadd.s32 s24, s0  }
0x51b: {  	[tilespmem:s7], [sflag:$0x1] =	stream.linear.gather [hbm4b:s0+s3], $0x10, $0x38;
	[tilespmem:$0x10600] =	vst v63  }
0x51c: {  	s15 =	sld [smem:$0x73D];
	s9 =	sadd.s32 $0x10, s0  }
0x51d: {  	[tilespmem:s8], [sflag:$0x1] =	stream.linear.gather [hbm4b:s9+s3], $0x10, $0x38;
	[tilespmem:$0x10600] =	vst v63  }
0x51e: {  	s17 =	sld [smem:$0x73E];
	s14 =	sadd.s32 $0x20, s0  }
0x51f: {  	[tilespmem:s10], [sflag:$0x1] =	stream.linear.gather [hbm4b:s14+s3], $0x10, $0x38;
	[tilespmem:$0x10600] =	vst v63  }
0x520: {  	s20 =	sld [smem:$0x73F];
	s16 =	sadd.s32 $0x30, s0  }
0x521: {  	[tilespmem:s15], [sflag:$0x1] =	stream.linear.gather [hbm4b:s16+s3], $0x10, $0x38;
	[tilespmem:$0x10600] =	vst v63  }
0x522: {  	s22 =	sld [smem:$0x740];
	s19 =	sadd.s32 $0x40, s0  }
0x523: {  	[tilespmem:s17], [sflag:$0x1] =	stream.linear.gather [hbm4b:s19+s3], $0x10, $0x38;
	[tilespmem:$0x10600] =	vst v63  }
0x524: {  	s25 =	sld [smem:$0x741];
	s21 =	sadd.s32 $0x50, s0  }
0x525: {  	[tilespmem:s20], [sflag:$0x1] =	stream.linear.gather [hbm4b:s21+s3], $0x10, $0x38;
	[tilespmem:$0x10600] =	vst v63  }
0x526: {  	s28 =	sld [smem:$0x742];
	s23 =	sadd.s32 $0x60, s0  }
0x527: {  	[tilespmem:s22], [sflag:$0x1] =	stream.linear.gather [hbm4b:s23+s3], $0x10, $0x38;
	[tilespmem:$0x10600] =	vst v63  }
0x528: {  	s29 =	sld [smem:$0x743];
	s26 =	sadd.s32 $0x70, s0  }
0x529: {  	[tilespmem:s25], [sflag:$0x1] =	stream.linear.gather [hbm4b:s26+s3], $0x10, $0x38;
	[tilespmem:$0x10600] =	vst v63  }
0x52a: {  	s31 =	sld [smem:$0x744];
	s0 =	sadd.s32 $0xF4280, s0  }
0x52b: {  	[tilespmem:s28], [sflag:$0x1] =	stream.linear.gather [hbm4b:s0+s3], $0x10, $0x38;
	[tilespmem:$0x10600] =	vst v63  }
0x52c: {  	s7 =	sld [smem:$0x745];
	s30 =	sadd.s32 $0x10, s0  }
0x52d: {  	[tilespmem:s29], [sflag:$0x1] =	stream.linear.gather [hbm4b:s30+s3], $0x10, $0x38;
	[tilespmem:$0x10600] =	vst v63  }
0x52e: {  	s6 =	sadd.s32 $0x20, s0;
	s9 =	sld [smem:$0x746]  }
0x52f: {  	[tilespmem:s31], [sflag:$0x1] =	stream.linear.gather [hbm4b:s6+s3], $0x10, $0x38;
	[tilespmem:$0x10600] =	vst v63  }
0x530: {  	s8 =	sadd.s32 $0x30, s0;
	s14 =	sld [smem:$0x747]  }
0x531: {  	[tilespmem:s7], [sflag:$0x1] =	stream.linear.gather [hbm4b:s8+s3], $0x10, $0x38;
	[tilespmem:$0x10600] =	vst v63  }
0x532: {  	s10 =	sadd.s32 $0x40, s0;
	s16 =	sld [smem:$0x748]  }
0x533: {  	[tilespmem:s9], [sflag:$0x1] =	stream.linear.gather [hbm4b:s10+s3], $0x10, $0x38;
	[tilespmem:$0x10600] =	vst v63  }
0x534: {  	s15 =	sadd.s32 $0x50, s0;
	s19 =	sld [smem:$0x749]  }
0x535: {  	[tilespmem:s14], [sflag:$0x1] =	stream.linear.gather [hbm4b:s15+s3], $0x10, $0x38;
	[tilespmem:$0x10600] =	vst v63  }
0x536: {  	s17 =	sadd.s32 $0x60, s0;
	s20 =	rddreg [dreg:$0x10]  }
0x537: {  	[tilespmem:s16], [sflag:$0x1] =	stream.linear.gather [hbm4b:s17+s3], $0x10, $0x38;
	[tilespmem:$0x10600] =	vst v63  }
0x538: {  	s21 =	sadd.s32 s18, s20;
	s22 =	sld [smem:$0x74A];
	s0 =	sadd.s32 $0x70, s0  }
0x539: {  	[tilespmem:s19], [sflag:$0x1] =	stream.linear.gather [hbm4b:s0+s3], $0x10, $0x38;
	[tilespmem:$0x10600] =	vst v63  }
0x53a: {  	s5 =	rddreg [dreg:$0xf];
	s0 =	sshrl.u32 s21, $0x3  }
0x53b: {  	s23 =	sld [smem:$0x74B];
	s0 =	sadd.s32 s2, s0  }
0x53c: {  	[tilespmem:s22], [sflag:$0x1] =	stream.linear.gather [hbm4b:s0+s3], $0x10, $0x38;
	[tilespmem:$0x10600] =	vst v63  }
0x53d: {  	s26 =	sld [smem:$0x74C];
	s25 =	sadd.s32 $0x10, s0  }
0x53e: {  	[tilespmem:s23], [sflag:$0x1] =	stream.linear.gather [hbm4b:s25+s3], $0x10, $0x38;
	[tilespmem:$0x10600] =	vst v63  }
0x53f: {  	s29 =	sld [smem:$0x74D];
	s28 =	sadd.s32 $0x20, s0  }
0x540: {  	[tilespmem:s26], [sflag:$0x1] =	stream.linear.gather [hbm4b:s28+s3], $0x10, $0x38;
	[tilespmem:$0x10600] =	vst v63  }
0x541: {  	s31 =	sld [smem:$0x74E];
	s30 =	sadd.s32 $0x30, s0  }
0x542: {  	[tilespmem:s29], [sflag:$0x1] =	stream.linear.gather [hbm4b:s30+s3], $0x10, $0x38;
	[tilespmem:$0x10600] =	vst v63  }
0x543: {  	s7 =	sld [smem:$0x74F];
	s6 =	sadd.s32 $0x40, s0  }
0x544: {  	[tilespmem:s31], [sflag:$0x1] =	stream.linear.gather [hbm4b:s6+s3], $0x10, $0x38;
	[tilespmem:$0x10600] =	vst v63  }
0x545: {  	s9 =	sld [smem:$0x750];
	s8 =	sadd.s32 $0x50, s0  }
0x546: {  	[tilespmem:s7], [sflag:$0x1] =	stream.linear.gather [hbm4b:s8+s3], $0x10, $0x38;
	[tilespmem:$0x10600] =	vst v63  }
0x547: {  	s14 =	sld [smem:$0x751];
	s10 =	sadd.s32 $0x60, s0  }
0x548: {  	[tilespmem:s9], [sflag:$0x1] =	stream.linear.gather [hbm4b:s10+s3], $0x10, $0x38;
	[tilespmem:$0x10600] =	vst v63  }
0x549: {  	s16 =	sld [smem:$0x752];
	s15 =	sadd.s32 $0x70, s0  }
0x54a: {  	[tilespmem:s14], [sflag:$0x1] =	stream.linear.gather [hbm4b:s15+s3], $0x10, $0x38;
	[tilespmem:$0x10600] =	vst v63  }
0x54b: {  	s17 =	sld [smem:$0x753];
	s0 =	sadd.s32 $0xF4280, s0  }
0x54c: {  	[tilespmem:s16], [sflag:$0x1] =	stream.linear.gather [hbm4b:s0+s3], $0x10, $0x38;
	[tilespmem:$0x10600] =	vst v63  }
0x54d: {  	s20 =	sld [smem:$0x754];
	s19 =	sadd.s32 $0x10, s0  }
0x54e: {  	[tilespmem:s17], [sflag:$0x1] =	stream.linear.gather [hbm4b:s19+s3], $0x10, $0x38;
	[tilespmem:$0x10600] =	vst v63  }
0x54f: {  	s22 =	sld [smem:$0x755];
	s21 =	sadd.s32 $0x20, s0  }
0x550: {  	[tilespmem:s20], [sflag:$0x1] =	stream.linear.gather [hbm4b:s21+s3], $0x10, $0x38;
	[tilespmem:$0x10600] =	vst v63  }
0x551: {  	s23 =	sadd.s32 $0x30, s0;
	s25 =	sld [smem:$0x756]  }
0x552: {  	[tilespmem:s22], [sflag:$0x1] =	stream.linear.gather [hbm4b:s23+s3], $0x10, $0x38;
	[tilespmem:$0x10600] =	vst v63  }
0x553: {  	s26 =	sadd.s32 $0x40, s0;
	s28 =	sld [smem:$0x757]  }
0x554: {  	[tilespmem:s25], [sflag:$0x1] =	stream.linear.gather [hbm4b:s26+s3], $0x10, $0x38;
	[tilespmem:$0x10600] =	vst v63  }
0x555: {  	s29 =	sadd.s32 $0x50, s0;
	s30 =	sld [smem:$0x758]  }
0x556: {  	[tilespmem:s28], [sflag:$0x1] =	stream.linear.gather [hbm4b:s29+s3], $0x10, $0x38;
	[tilespmem:$0x10600] =	vst v63  }
0x557: {  	s4 =	sld [smem:$0x759];
	s31 =	sadd.s32 $0x60, s0  }
0x558: {  	[tilespmem:s30], [sflag:$0x1] =	stream.linear.gather [hbm4b:s31+s3], $0x10, $0x38;
	[tilespmem:$0x10600] =	vst v63  }
0x559: {  	s6 =	sadd.s32 s18, s5;
	s7 =	sld [smem:$0x75A];
	s0 =	sadd.s32 $0x70, s0  }
0x55a: {  	[tilespmem:s4], [sflag:$0x1] =	stream.linear.gather [hbm4b:s0+s3], $0x10, $0x38;
	[tilespmem:$0x10600] =	vst v63  }
0x55b: {  	s8 =	sld [smem:$0x75B];
	s0 =	sshrl.u32 s6, $0x3  }
0x55c: {  	s10 =	sld [smem:$0x75C];
	s0 =	sadd.s32 s24, s0  }
0x55d: {  	[tilespmem:s7], [sflag:$0x1] =	stream.linear.gather [hbm4b:s0+s3], $0x10, $0x38;
	[tilespmem:$0x10600] =	vst v63  }
0x55e: {  	s15 =	sld [smem:$0x75D];
	s9 =	sadd.s32 $0x10, s0  }
0x55f: {  	[tilespmem:s8], [sflag:$0x1] =	stream.linear.gather [hbm4b:s9+s3], $0x10, $0x38;
	[tilespmem:$0x10600] =	vst v63  }
0x560: {  	s17 =	sld [smem:$0x75E];
	s14 =	sadd.s32 $0x20, s0  }
0x561: {  	[tilespmem:s10], [sflag:$0x1] =	stream.linear.gather [hbm4b:s14+s3], $0x10, $0x38;
	[tilespmem:$0x10600] =	vst v63  }
0x562: {  	s20 =	sld [smem:$0x75F];
	s16 =	sadd.s32 $0x30, s0  }
0x563: {  	[tilespmem:s15], [sflag:$0x1] =	stream.linear.gather [hbm4b:s16+s3], $0x10, $0x38;
	[tilespmem:$0x10600] =	vst v63  }
0x564: {  	s22 =	sld [smem:$0x760];
	s19 =	sadd.s32 $0x40, s0  }
0x565: {  	[tilespmem:s17], [sflag:$0x1] =	stream.linear.gather [hbm4b:s19+s3], $0x10, $0x38;
	[tilespmem:$0x10600] =	vst v63  }
0x566: {  	s25 =	sld [smem:$0x761];
	s21 =	sadd.s32 $0x50, s0  }
0x567: {  	[tilespmem:s20], [sflag:$0x1] =	stream.linear.gather [hbm4b:s21+s3], $0x10, $0x38;
	[tilespmem:$0x10600] =	vst v63  }
0x568: {  	s28 =	sld [smem:$0x762];
	s23 =	sadd.s32 $0x60, s0  }
0x569: {  	[tilespmem:s22], [sflag:$0x1] =	stream.linear.gather [hbm4b:s23+s3], $0x10, $0x38;
	[tilespmem:$0x10600] =	vst v63  }
0x56a: {  	s29 =	sld [smem:$0x763];
	s26 =	sadd.s32 $0x70, s0  }
0x56b: {  	[tilespmem:s25], [sflag:$0x1] =	stream.linear.gather [hbm4b:s26+s3], $0x10, $0x38;
	[tilespmem:$0x10600] =	vst v63  }
0x56c: {  	s31 =	sld [smem:$0x764];
	s0 =	sadd.s32 $0xF4280, s0  }
0x56d: {  	[tilespmem:s28], [sflag:$0x1] =	stream.linear.gather [hbm4b:s0+s3], $0x10, $0x38;
	[tilespmem:$0x10600] =	vst v63  }
0x56e: {  	s7 =	sld [smem:$0x765];
	s30 =	sadd.s32 $0x10, s0  }
0x56f: {  	[tilespmem:s29], [sflag:$0x1] =	stream.linear.gather [hbm4b:s30+s3], $0x10, $0x38;
	[tilespmem:$0x10600] =	vst v63  }
0x570: {  	s6 =	sadd.s32 $0x20, s0;
	s9 =	sld [smem:$0x766]  }
0x571: {  	[tilespmem:s31], [sflag:$0x1] =	stream.linear.gather [hbm4b:s6+s3], $0x10, $0x38;
	[tilespmem:$0x10600] =	vst v63  }
0x572: {  	s8 =	sadd.s32 $0x30, s0;
	s14 =	sld [smem:$0x767]  }
0x573: {  	[tilespmem:s7], [sflag:$0x1] =	stream.linear.gather [hbm4b:s8+s3], $0x10, $0x38;
	[tilespmem:$0x10600] =	vst v63  }
0x574: {  	s10 =	sadd.s32 $0x40, s0;
	s16 =	sld [smem:$0x768]  }
0x575: {  	[tilespmem:s9], [sflag:$0x1] =	stream.linear.gather [hbm4b:s10+s3], $0x10, $0x38;
	[tilespmem:$0x10600] =	vst v63  }
0x576: {  	s15 =	sadd.s32 $0x50, s0;
	s19 =	sld [smem:$0x769]  }
0x577: {  	[tilespmem:s14], [sflag:$0x1] =	stream.linear.gather [hbm4b:s15+s3], $0x10, $0x38;
	[tilespmem:$0x10600] =	vst v63  }
0x578: {  	s17 =	sadd.s32 $0x60, s0;
	s20 =	rddreg [dreg:$0xe]  }
0x579: {  	[tilespmem:s16], [sflag:$0x1] =	stream.linear.gather [hbm4b:s17+s3], $0x10, $0x38;
	[tilespmem:$0x10600] =	vst v63  }
0x57a: {  	s21 =	sadd.s32 s18, s20;
	s22 =	sld [smem:$0x76A];
	s0 =	sadd.s32 $0x70, s0  }
0x57b: {  	[tilespmem:s19], [sflag:$0x1] =	stream.linear.gather [hbm4b:s0+s3], $0x10, $0x38;
	[tilespmem:$0x10600] =	vst v63  }
0x57c: {  	s5 =	rddreg [dreg:$0xd];
	s0 =	sshrl.u32 s21, $0x3  }
0x57d: {  	s23 =	sld [smem:$0x76B];
	s0 =	sadd.s32 s2, s0  }
0x57e: {  	[tilespmem:s22], [sflag:$0x1] =	stream.linear.gather [hbm4b:s0+s3], $0x10, $0x38;
	[tilespmem:$0x10600] =	vst v63  }
0x57f: {  	s26 =	sld [smem:$0x76C];
	s25 =	sadd.s32 $0x10, s0  }
0x580: {  	[tilespmem:s23], [sflag:$0x1] =	stream.linear.gather [hbm4b:s25+s3], $0x10, $0x38;
	[tilespmem:$0x10600] =	vst v63  }
0x581: {  	s29 =	sld [smem:$0x76D];
	s28 =	sadd.s32 $0x20, s0  }
0x582: {  	[tilespmem:s26], [sflag:$0x1] =	stream.linear.gather [hbm4b:s28+s3], $0x10, $0x38;
	[tilespmem:$0x10600] =	vst v63  }
0x583: {  	s31 =	sld [smem:$0x76E];
	s30 =	sadd.s32 $0x30, s0  }
0x584: {  	[tilespmem:s29], [sflag:$0x1] =	stream.linear.gather [hbm4b:s30+s3], $0x10, $0x38;
	[tilespmem:$0x10600] =	vst v63  }
0x585: {  	s7 =	sld [smem:$0x76F];
	s6 =	sadd.s32 $0x40, s0  }
0x586: {  	[tilespmem:s31], [sflag:$0x1] =	stream.linear.gather [hbm4b:s6+s3], $0x10, $0x38;
	[tilespmem:$0x10600] =	vst v63  }
0x587: {  	s9 =	sld [smem:$0x770];
	s8 =	sadd.s32 $0x50, s0  }
0x588: {  	[tilespmem:s7], [sflag:$0x1] =	stream.linear.gather [hbm4b:s8+s3], $0x10, $0x38;
	[tilespmem:$0x10600] =	vst v63  }
0x589: {  	s14 =	sld [smem:$0x771];
	s10 =	sadd.s32 $0x60, s0  }
0x58a: {  	[tilespmem:s9], [sflag:$0x1] =	stream.linear.gather [hbm4b:s10+s3], $0x10, $0x38;
	[tilespmem:$0x10600] =	vst v63  }
0x58b: {  	s16 =	sld [smem:$0x772];
	s15 =	sadd.s32 $0x70, s0  }
0x58c: {  	[tilespmem:s14], [sflag:$0x1] =	stream.linear.gather [hbm4b:s15+s3], $0x10, $0x38;
	[tilespmem:$0x10600] =	vst v63  }
0x58d: {  	s17 =	sld [smem:$0x773];
	s0 =	sadd.s32 $0xF4280, s0  }
0x58e: {  	[tilespmem:s16], [sflag:$0x1] =	stream.linear.gather [hbm4b:s0+s3], $0x10, $0x38;
	[tilespmem:$0x10600] =	vst v63  }
0x58f: {  	s20 =	sld [smem:$0x774];
	s19 =	sadd.s32 $0x10, s0  }
0x590: {  	[tilespmem:s17], [sflag:$0x1] =	stream.linear.gather [hbm4b:s19+s3], $0x10, $0x38;
	[tilespmem:$0x10600] =	vst v63  }
0x591: {  	s22 =	sld [smem:$0x775];
	s21 =	sadd.s32 $0x20, s0  }
0x592: {  	[tilespmem:s20], [sflag:$0x1] =	stream.linear.gather [hbm4b:s21+s3], $0x10, $0x38;
	[tilespmem:$0x10600] =	vst v63  }
0x593: {  	s23 =	sadd.s32 $0x30, s0;
	s25 =	sld [smem:$0x776]  }
0x594: {  	[tilespmem:s22], [sflag:$0x1] =	stream.linear.gather [hbm4b:s23+s3], $0x10, $0x38;
	[tilespmem:$0x10600] =	vst v63  }
0x595: {  	s26 =	sadd.s32 $0x40, s0;
	s28 =	sld [smem:$0x777]  }
0x596: {  	[tilespmem:s25], [sflag:$0x1] =	stream.linear.gather [hbm4b:s26+s3], $0x10, $0x38;
	[tilespmem:$0x10600] =	vst v63  }
0x597: {  	s29 =	sadd.s32 $0x50, s0;
	s30 =	sld [smem:$0x778]  }
0x598: {  	[tilespmem:s28], [sflag:$0x1] =	stream.linear.gather [hbm4b:s29+s3], $0x10, $0x38;
	[tilespmem:$0x10600] =	vst v63  }
0x599: {  	s4 =	sld [smem:$0x779];
	s31 =	sadd.s32 $0x60, s0  }
0x59a: {  	[tilespmem:s30], [sflag:$0x1] =	stream.linear.gather [hbm4b:s31+s3], $0x10, $0x38;
	[tilespmem:$0x10600] =	vst v63  }
0x59b: {  	s6 =	sadd.s32 s18, s5;
	s7 =	sld [smem:$0x77A];
	s0 =	sadd.s32 $0x70, s0  }
0x59c: {  	[tilespmem:s4], [sflag:$0x1] =	stream.linear.gather [hbm4b:s0+s3], $0x10, $0x38;
	[tilespmem:$0x10600] =	vst v63  }
0x59d: {  	s8 =	sld [smem:$0x77B];
	s0 =	sshrl.u32 s6, $0x3  }
0x59e: {  	s10 =	sld [smem:$0x77C];
	s0 =	sadd.s32 s24, s0  }
0x59f: {  	[tilespmem:s7], [sflag:$0x1] =	stream.linear.gather [hbm4b:s0+s3], $0x10, $0x38;
	[tilespmem:$0x10600] =	vst v63  }
0x5a0: {  	s15 =	sld [smem:$0x77D];
	s9 =	sadd.s32 $0x10, s0  }
0x5a1: {  	[tilespmem:s8], [sflag:$0x1] =	stream.linear.gather [hbm4b:s9+s3], $0x10, $0x38;
	[tilespmem:$0x10600] =	vst v63  }
0x5a2: {  	s17 =	sld [smem:$0x77E];
	s14 =	sadd.s32 $0x20, s0  }
0x5a3: {  	[tilespmem:s10], [sflag:$0x1] =	stream.linear.gather [hbm4b:s14+s3], $0x10, $0x38;
	[tilespmem:$0x10600] =	vst v63  }
0x5a4: {  	s20 =	sld [smem:$0x77F];
	s16 =	sadd.s32 $0x30, s0  }
0x5a5: {  	[tilespmem:s15], [sflag:$0x1] =	stream.linear.gather [hbm4b:s16+s3], $0x10, $0x38;
	[tilespmem:$0x10600] =	vst v63  }
0x5a6: {  	s22 =	sld [smem:$0x780];
	s19 =	sadd.s32 $0x40, s0  }
0x5a7: {  	[tilespmem:s17], [sflag:$0x1] =	stream.linear.gather [hbm4b:s19+s3], $0x10, $0x38;
	[tilespmem:$0x10600] =	vst v63  }
0x5a8: {  	s25 =	sld [smem:$0x781];
	s21 =	sadd.s32 $0x50, s0  }
0x5a9: {  	[tilespmem:s20], [sflag:$0x1] =	stream.linear.gather [hbm4b:s21+s3], $0x10, $0x38;
	[tilespmem:$0x10600] =	vst v63  }
0x5aa: {  	s28 =	sld [smem:$0x782];
	s23 =	sadd.s32 $0x60, s0  }
0x5ab: {  	[tilespmem:s22], [sflag:$0x1] =	stream.linear.gather [hbm4b:s23+s3], $0x10, $0x38;
	[tilespmem:$0x10600] =	vst v63  }
0x5ac: {  	s29 =	sld [smem:$0x783];
	s26 =	sadd.s32 $0x70, s0  }
0x5ad: {  	[tilespmem:s25], [sflag:$0x1] =	stream.linear.gather [hbm4b:s26+s3], $0x10, $0x38;
	[tilespmem:$0x10600] =	vst v63  }
0x5ae: {  	s31 =	sld [smem:$0x784];
	s0 =	sadd.s32 $0xF4280, s0  }
0x5af: {  	[tilespmem:s28], [sflag:$0x1] =	stream.linear.gather [hbm4b:s0+s3], $0x10, $0x38;
	[tilespmem:$0x10600] =	vst v63  }
0x5b0: {  	s7 =	sld [smem:$0x785];
	s30 =	sadd.s32 $0x10, s0  }
0x5b1: {  	[tilespmem:s29], [sflag:$0x1] =	stream.linear.gather [hbm4b:s30+s3], $0x10, $0x38;
	[tilespmem:$0x10600] =	vst v63  }
0x5b2: {  	s6 =	sadd.s32 $0x20, s0;
	s9 =	sld [smem:$0x786]  }
0x5b3: {  	[tilespmem:s31], [sflag:$0x1] =	stream.linear.gather [hbm4b:s6+s3], $0x10, $0x38;
	[tilespmem:$0x10600] =	vst v63  }
0x5b4: {  	s8 =	sadd.s32 $0x30, s0;
	s14 =	sld [smem:$0x787]  }
0x5b5: {  	[tilespmem:s7], [sflag:$0x1] =	stream.linear.gather [hbm4b:s8+s3], $0x10, $0x38;
	[tilespmem:$0x10600] =	vst v63  }
0x5b6: {  	s10 =	sadd.s32 $0x40, s0;
	s16 =	sld [smem:$0x788]  }
0x5b7: {  	[tilespmem:s9], [sflag:$0x1] =	stream.linear.gather [hbm4b:s10+s3], $0x10, $0x38;
	[tilespmem:$0x10600] =	vst v63  }
0x5b8: {  	s15 =	sadd.s32 $0x50, s0;
	s19 =	sld [smem:$0x789]  }
0x5b9: {  	[tilespmem:s14], [sflag:$0x1] =	stream.linear.gather [hbm4b:s15+s3], $0x10, $0x38;
	[tilespmem:$0x10600] =	vst v63  }
0x5ba: {  	s17 =	sadd.s32 $0x60, s0;
	s20 =	rddreg [dreg:$0xc]  }
0x5bb: {  	[tilespmem:s16], [sflag:$0x1] =	stream.linear.gather [hbm4b:s17+s3], $0x10, $0x38;
	[tilespmem:$0x10600] =	vst v63  }
0x5bc: {  	s21 =	sadd.s32 s18, s20;
	s22 =	sld [smem:$0x78A];
	s0 =	sadd.s32 $0x70, s0  }
0x5bd: {  	[tilespmem:s19], [sflag:$0x1] =	stream.linear.gather [hbm4b:s0+s3], $0x10, $0x38;
	[tilespmem:$0x10600] =	vst v63  }
0x5be: {  	s5 =	rddreg [dreg:$0xb];
	s0 =	sshrl.u32 s21, $0x3  }
0x5bf: {  	s23 =	sld [smem:$0x78B];
	s0 =	sadd.s32 s2, s0  }
0x5c0: {  	[tilespmem:s22], [sflag:$0x1] =	stream.linear.gather [hbm4b:s0+s3], $0x10, $0x38;
	[tilespmem:$0x10600] =	vst v63  }
0x5c1: {  	s26 =	sld [smem:$0x78C];
	s25 =	sadd.s32 $0x10, s0  }
0x5c2: {  	[tilespmem:s23], [sflag:$0x1] =	stream.linear.gather [hbm4b:s25+s3], $0x10, $0x38;
	[tilespmem:$0x10600] =	vst v63  }
0x5c3: {  	s29 =	sld [smem:$0x78D];
	s28 =	sadd.s32 $0x20, s0  }
0x5c4: {  	[tilespmem:s26], [sflag:$0x1] =	stream.linear.gather [hbm4b:s28+s3], $0x10, $0x38;
	[tilespmem:$0x10600] =	vst v63  }
0x5c5: {  	s31 =	sld [smem:$0x78E];
	s30 =	sadd.s32 $0x30, s0  }
0x5c6: {  	[tilespmem:s29], [sflag:$0x1] =	stream.linear.gather [hbm4b:s30+s3], $0x10, $0x38;
	[tilespmem:$0x10600] =	vst v63  }
0x5c7: {  	s7 =	sld [smem:$0x78F];
	s6 =	sadd.s32 $0x40, s0  }
0x5c8: {  	[tilespmem:s31], [sflag:$0x1] =	stream.linear.gather [hbm4b:s6+s3], $0x10, $0x38;
	[tilespmem:$0x10600] =	vst v63  }
0x5c9: {  	s9 =	sld [smem:$0x790];
	s8 =	sadd.s32 $0x50, s0  }
0x5ca: {  	[tilespmem:s7], [sflag:$0x1] =	stream.linear.gather [hbm4b:s8+s3], $0x10, $0x38;
	[tilespmem:$0x10600] =	vst v63  }
0x5cb: {  	s14 =	sld [smem:$0x791];
	s10 =	sadd.s32 $0x60, s0  }
0x5cc: {  	[tilespmem:s9], [sflag:$0x1] =	stream.linear.gather [hbm4b:s10+s3], $0x10, $0x38;
	[tilespmem:$0x10600] =	vst v63  }
0x5cd: {  	s16 =	sld [smem:$0x792];
	s15 =	sadd.s32 $0x70, s0  }
0x5ce: {  	[tilespmem:s14], [sflag:$0x1] =	stream.linear.gather [hbm4b:s15+s3], $0x10, $0x38;
	[tilespmem:$0x10600] =	vst v63  }
0x5cf: {  	s17 =	sld [smem:$0x793];
	s0 =	sadd.s32 $0xF4280, s0  }
0x5d0: {  	[tilespmem:s16], [sflag:$0x1] =	stream.linear.gather [hbm4b:s0+s3], $0x10, $0x38;
	[tilespmem:$0x10600] =	vst v63  }
0x5d1: {  	s20 =	sld [smem:$0x794];
	s19 =	sadd.s32 $0x10, s0  }
0x5d2: {  	[tilespmem:s17], [sflag:$0x1] =	stream.linear.gather [hbm4b:s19+s3], $0x10, $0x38;
	[tilespmem:$0x10600] =	vst v63  }
0x5d3: {  	s22 =	sld [smem:$0x795];
	s21 =	sadd.s32 $0x20, s0  }
0x5d4: {  	[tilespmem:s20], [sflag:$0x1] =	stream.linear.gather [hbm4b:s21+s3], $0x10, $0x38;
	[tilespmem:$0x10600] =	vst v63  }
0x5d5: {  	s23 =	sadd.s32 $0x30, s0;
	s25 =	sld [smem:$0x796]  }
0x5d6: {  	[tilespmem:s22], [sflag:$0x1] =	stream.linear.gather [hbm4b:s23+s3], $0x10, $0x38;
	[tilespmem:$0x10600] =	vst v63  }
0x5d7: {  	s26 =	sadd.s32 $0x40, s0;
	s28 =	sld [smem:$0x797]  }
0x5d8: {  	[tilespmem:s25], [sflag:$0x1] =	stream.linear.gather [hbm4b:s26+s3], $0x10, $0x38;
	[tilespmem:$0x10600] =	vst v63  }
0x5d9: {  	s29 =	sadd.s32 $0x50, s0;
	s30 =	sld [smem:$0x798]  }
0x5da: {  	[tilespmem:s28], [sflag:$0x1] =	stream.linear.gather [hbm4b:s29+s3], $0x10, $0x38;
	[tilespmem:$0x10600] =	vst v63  }
0x5db: {  	s4 =	sld [smem:$0x799];
	s31 =	sadd.s32 $0x60, s0  }
0x5dc: {  	[tilespmem:s30], [sflag:$0x1] =	stream.linear.gather [hbm4b:s31+s3], $0x10, $0x38;
	[tilespmem:$0x10600] =	vst v63  }
0x5dd: {  	s6 =	sadd.s32 s18, s5;
	s7 =	sld [smem:$0x79A];
	s0 =	sadd.s32 $0x70, s0  }
0x5de: {  	[tilespmem:s4], [sflag:$0x1] =	stream.linear.gather [hbm4b:s0+s3], $0x10, $0x38;
	[tilespmem:$0x10600] =	vst v63  }
0x5df: {  	s8 =	sld [smem:$0x79B];
	s0 =	sshrl.u32 s6, $0x3  }
0x5e0: {  	s10 =	sld [smem:$0x79C];
	s0 =	sadd.s32 s24, s0  }
0x5e1: {  	[tilespmem:s7], [sflag:$0x1] =	stream.linear.gather [hbm4b:s0+s3], $0x10, $0x38;
	[tilespmem:$0x10600] =	vst v63  }
0x5e2: {  	s15 =	sld [smem:$0x79D];
	s9 =	sadd.s32 $0x10, s0  }
0x5e3: {  	[tilespmem:s8], [sflag:$0x1] =	stream.linear.gather [hbm4b:s9+s3], $0x10, $0x38;
	[tilespmem:$0x10600] =	vst v63  }
0x5e4: {  	s17 =	sld [smem:$0x79E];
	s14 =	sadd.s32 $0x20, s0  }
0x5e5: {  	[tilespmem:s10], [sflag:$0x1] =	stream.linear.gather [hbm4b:s14+s3], $0x10, $0x38;
	[tilespmem:$0x10600] =	vst v63  }
0x5e6: {  	s20 =	sld [smem:$0x79F];
	s16 =	sadd.s32 $0x30, s0  }
0x5e7: {  	[tilespmem:s15], [sflag:$0x1] =	stream.linear.gather [hbm4b:s16+s3], $0x10, $0x38;
	[tilespmem:$0x10600] =	vst v63  }
0x5e8: {  	s22 =	sld [smem:$0x7A0];
	s19 =	sadd.s32 $0x40, s0  }
0x5e9: {  	[tilespmem:s17], [sflag:$0x1] =	stream.linear.gather [hbm4b:s19+s3], $0x10, $0x38;
	[tilespmem:$0x10600] =	vst v63  }
0x5ea: {  	s25 =	sld [smem:$0x7A1];
	s21 =	sadd.s32 $0x50, s0  }
0x5eb: {  	[tilespmem:s20], [sflag:$0x1] =	stream.linear.gather [hbm4b:s21+s3], $0x10, $0x38;
	[tilespmem:$0x10600] =	vst v63  }
0x5ec: {  	s28 =	sld [smem:$0x7A2];
	s23 =	sadd.s32 $0x60, s0  }
0x5ed: {  	[tilespmem:s22], [sflag:$0x1] =	stream.linear.gather [hbm4b:s23+s3], $0x10, $0x38;
	[tilespmem:$0x10600] =	vst v63  }
0x5ee: {  	s29 =	sld [smem:$0x7A3];
	s26 =	sadd.s32 $0x70, s0  }
0x5ef: {  	[tilespmem:s25], [sflag:$0x1] =	stream.linear.gather [hbm4b:s26+s3], $0x10, $0x38;
	[tilespmem:$0x10600] =	vst v63  }
0x5f0: {  	s31 =	sld [smem:$0x7A4];
	s0 =	sadd.s32 $0xF4280, s0  }
0x5f1: {  	[tilespmem:s28], [sflag:$0x1] =	stream.linear.gather [hbm4b:s0+s3], $0x10, $0x38;
	[tilespmem:$0x10600] =	vst v63  }
0x5f2: {  	s7 =	sld [smem:$0x7A5];
	s30 =	sadd.s32 $0x10, s0  }
0x5f3: {  	[tilespmem:s29], [sflag:$0x1] =	stream.linear.gather [hbm4b:s30+s3], $0x10, $0x38;
	[tilespmem:$0x10600] =	vst v63  }
0x5f4: {  	s6 =	sadd.s32 $0x20, s0;
	s9 =	sld [smem:$0x7A6]  }
0x5f5: {  	[tilespmem:s31], [sflag:$0x1] =	stream.linear.gather [hbm4b:s6+s3], $0x10, $0x38;
	[tilespmem:$0x10600] =	vst v63  }
0x5f6: {  	s8 =	sadd.s32 $0x30, s0;
	s14 =	sld [smem:$0x7A7]  }
0x5f7: {  	[tilespmem:s7], [sflag:$0x1] =	stream.linear.gather [hbm4b:s8+s3], $0x10, $0x38;
	[tilespmem:$0x10600] =	vst v63  }
0x5f8: {  	s10 =	sadd.s32 $0x40, s0;
	s16 =	sld [smem:$0x7A8]  }
0x5f9: {  	[tilespmem:s9], [sflag:$0x1] =	stream.linear.gather [hbm4b:s10+s3], $0x10, $0x38;
	[tilespmem:$0x10600] =	vst v63  }
0x5fa: {  	s15 =	sadd.s32 $0x50, s0;
	s19 =	sld [smem:$0x7A9]  }
0x5fb: {  	[tilespmem:s14], [sflag:$0x1] =	stream.linear.gather [hbm4b:s15+s3], $0x10, $0x38;
	[tilespmem:$0x10600] =	vst v63  }
0x5fc: {  	s17 =	sadd.s32 $0x60, s0;
	s20 =	rddreg [dreg:$0xa]  }
0x5fd: {  	[tilespmem:s16], [sflag:$0x1] =	stream.linear.gather [hbm4b:s17+s3], $0x10, $0x38;
	[tilespmem:$0x10600] =	vst v63  }
0x5fe: {  	s21 =	sadd.s32 s18, s20;
	s22 =	sld [smem:$0x7AA];
	s0 =	sadd.s32 $0x70, s0  }
0x5ff: {  	[tilespmem:s19], [sflag:$0x1] =	stream.linear.gather [hbm4b:s0+s3], $0x10, $0x38;
	[tilespmem:$0x10600] =	vst v63  }
0x600: {  	s5 =	rddreg [dreg:$0x9];
	s0 =	sshrl.u32 s21, $0x3  }
0x601: {  	s23 =	sld [smem:$0x7AB];
	s0 =	sadd.s32 s2, s0  }
0x602: {  	[tilespmem:s22], [sflag:$0x1] =	stream.linear.gather [hbm4b:s0+s3], $0x10, $0x38;
	[tilespmem:$0x10600] =	vst v63  }
0x603: {  	s26 =	sld [smem:$0x7AC];
	s25 =	sadd.s32 $0x10, s0  }
0x604: {  	[tilespmem:s23], [sflag:$0x1] =	stream.linear.gather [hbm4b:s25+s3], $0x10, $0x38;
	[tilespmem:$0x10600] =	vst v63  }
0x605: {  	s29 =	sld [smem:$0x7AD];
	s28 =	sadd.s32 $0x20, s0  }
0x606: {  	[tilespmem:s26], [sflag:$0x1] =	stream.linear.gather [hbm4b:s28+s3], $0x10, $0x38;
	[tilespmem:$0x10600] =	vst v63  }
0x607: {  	s31 =	sld [smem:$0x7AE];
	s30 =	sadd.s32 $0x30, s0  }
0x608: {  	[tilespmem:s29], [sflag:$0x1] =	stream.linear.gather [hbm4b:s30+s3], $0x10, $0x38;
	[tilespmem:$0x10600] =	vst v63  }
0x609: {  	s7 =	sld [smem:$0x7AF];
	s6 =	sadd.s32 $0x40, s0  }
0x60a: {  	[tilespmem:s31], [sflag:$0x1] =	stream.linear.gather [hbm4b:s6+s3], $0x10, $0x38;
	[tilespmem:$0x10600] =	vst v63  }
0x60b: {  	s9 =	sld [smem:$0x7B0];
	s8 =	sadd.s32 $0x50, s0  }
0x60c: {  	[tilespmem:s7], [sflag:$0x1] =	stream.linear.gather [hbm4b:s8+s3], $0x10, $0x38;
	[tilespmem:$0x10600] =	vst v63  }
0x60d: {  	s14 =	sld [smem:$0x7B1];
	s10 =	sadd.s32 $0x60, s0  }
0x60e: {  	[tilespmem:s9], [sflag:$0x1] =	stream.linear.gather [hbm4b:s10+s3], $0x10, $0x38;
	[tilespmem:$0x10600] =	vst v63  }
0x60f: {  	s16 =	sld [smem:$0x7B2];
	s15 =	sadd.s32 $0x70, s0  }
0x610: {  	[tilespmem:s14], [sflag:$0x1] =	stream.linear.gather [hbm4b:s15+s3], $0x10, $0x38;
	[tilespmem:$0x10600] =	vst v63  }
0x611: {  	s17 =	sld [smem:$0x7B3];
	s0 =	sadd.s32 $0xF4280, s0  }
0x612: {  	[tilespmem:s16], [sflag:$0x1] =	stream.linear.gather [hbm4b:s0+s3], $0x10, $0x38;
	[tilespmem:$0x10600] =	vst v63  }
0x613: {  	s20 =	sld [smem:$0x7B4];
	s19 =	sadd.s32 $0x10, s0  }
0x614: {  	[tilespmem:s17], [sflag:$0x1] =	stream.linear.gather [hbm4b:s19+s3], $0x10, $0x38;
	[tilespmem:$0x10600] =	vst v63  }
0x615: {  	s22 =	sld [smem:$0x7B5];
	s21 =	sadd.s32 $0x20, s0  }
0x616: {  	[tilespmem:s20], [sflag:$0x1] =	stream.linear.gather [hbm4b:s21+s3], $0x10, $0x38;
	[tilespmem:$0x10600] =	vst v63  }
0x617: {  	s23 =	sadd.s32 $0x30, s0;
	s25 =	sld [smem:$0x7B6]  }
0x618: {  	[tilespmem:s22], [sflag:$0x1] =	stream.linear.gather [hbm4b:s23+s3], $0x10, $0x38;
	[tilespmem:$0x10600] =	vst v63  }
0x619: {  	s26 =	sadd.s32 $0x40, s0;
	s28 =	sld [smem:$0x7B7]  }
0x61a: {  	[tilespmem:s25], [sflag:$0x1] =	stream.linear.gather [hbm4b:s26+s3], $0x10, $0x38;
	[tilespmem:$0x10600] =	vst v63  }
0x61b: {  	s29 =	sadd.s32 $0x50, s0;
	s30 =	sld [smem:$0x7B8]  }
0x61c: {  	[tilespmem:s28], [sflag:$0x1] =	stream.linear.gather [hbm4b:s29+s3], $0x10, $0x38;
	[tilespmem:$0x10600] =	vst v63  }
0x61d: {  	s4 =	sld [smem:$0x7B9];
	s31 =	sadd.s32 $0x60, s0  }
0x61e: {  	[tilespmem:s30], [sflag:$0x1] =	stream.linear.gather [hbm4b:s31+s3], $0x10, $0x38;
	[tilespmem:$0x10600] =	vst v63  }
0x61f: {  	s6 =	sadd.s32 s18, s5;
	s7 =	sld [smem:$0x7BA];
	s0 =	sadd.s32 $0x70, s0  }
0x620: {  	[tilespmem:s4], [sflag:$0x1] =	stream.linear.gather [hbm4b:s0+s3], $0x10, $0x38;
	[tilespmem:$0x10600] =	vst v63  }
0x621: {  	s8 =	sld [smem:$0x7BB];
	s0 =	sshrl.u32 s6, $0x3  }
0x622: {  	s10 =	sld [smem:$0x7BC];
	s0 =	sadd.s32 s24, s0  }
0x623: {  	[tilespmem:s7], [sflag:$0x1] =	stream.linear.gather [hbm4b:s0+s3], $0x10, $0x38;
	[tilespmem:$0x10600] =	vst v63  }
0x624: {  	s15 =	sld [smem:$0x7BD];
	s9 =	sadd.s32 $0x10, s0  }
0x625: {  	[tilespmem:s8], [sflag:$0x1] =	stream.linear.gather [hbm4b:s9+s3], $0x10, $0x38;
	[tilespmem:$0x10600] =	vst v63  }
0x626: {  	s17 =	sld [smem:$0x7BE];
	s14 =	sadd.s32 $0x20, s0  }
0x627: {  	[tilespmem:s10], [sflag:$0x1] =	stream.linear.gather [hbm4b:s14+s3], $0x10, $0x38;
	[tilespmem:$0x10600] =	vst v63  }
0x628: {  	s20 =	sld [smem:$0x7BF];
	s16 =	sadd.s32 $0x30, s0  }
0x629: {  	[tilespmem:s15], [sflag:$0x1] =	stream.linear.gather [hbm4b:s16+s3], $0x10, $0x38;
	[tilespmem:$0x10600] =	vst v63  }
0x62a: {  	s22 =	sld [smem:$0x7C0];
	s19 =	sadd.s32 $0x40, s0  }
0x62b: {  	[tilespmem:s17], [sflag:$0x1] =	stream.linear.gather [hbm4b:s19+s3], $0x10, $0x38;
	[tilespmem:$0x10600] =	vst v63  }
0x62c: {  	s25 =	sld [smem:$0x7C1];
	s21 =	sadd.s32 $0x50, s0  }
0x62d: {  	[tilespmem:s20], [sflag:$0x1] =	stream.linear.gather [hbm4b:s21+s3], $0x10, $0x38;
	[tilespmem:$0x10600] =	vst v63  }
0x62e: {  	s28 =	sld [smem:$0x7C2];
	s23 =	sadd.s32 $0x60, s0  }
0x62f: {  	[tilespmem:s22], [sflag:$0x1] =	stream.linear.gather [hbm4b:s23+s3], $0x10, $0x38;
	[tilespmem:$0x10600] =	vst v63  }
0x630: {  	s29 =	sld [smem:$0x7C3];
	s26 =	sadd.s32 $0x70, s0  }
0x631: {  	[tilespmem:s25], [sflag:$0x1] =	stream.linear.gather [hbm4b:s26+s3], $0x10, $0x38;
	[tilespmem:$0x10600] =	vst v63  }
0x632: {  	s31 =	sld [smem:$0x7C4];
	s0 =	sadd.s32 $0xF4280, s0  }
0x633: {  	[tilespmem:s28], [sflag:$0x1] =	stream.linear.gather [hbm4b:s0+s3], $0x10, $0x38;
	[tilespmem:$0x10600] =	vst v63  }
0x634: {  	s7 =	sld [smem:$0x7C5];
	s30 =	sadd.s32 $0x10, s0  }
0x635: {  	[tilespmem:s29], [sflag:$0x1] =	stream.linear.gather [hbm4b:s30+s3], $0x10, $0x38;
	[tilespmem:$0x10600] =	vst v63  }
0x636: {  	s6 =	sadd.s32 $0x20, s0;
	s9 =	sld [smem:$0x7C6]  }
0x637: {  	[tilespmem:s31], [sflag:$0x1] =	stream.linear.gather [hbm4b:s6+s3], $0x10, $0x38;
	[tilespmem:$0x10600] =	vst v63  }
0x638: {  	s8 =	sadd.s32 $0x30, s0;
	s14 =	sld [smem:$0x7C7]  }
0x639: {  	[tilespmem:s7], [sflag:$0x1] =	stream.linear.gather [hbm4b:s8+s3], $0x10, $0x38;
	[tilespmem:$0x10600] =	vst v63  }
0x63a: {  	s10 =	sadd.s32 $0x40, s0;
	s16 =	sld [smem:$0x7C8]  }
0x63b: {  	[tilespmem:s9], [sflag:$0x1] =	stream.linear.gather [hbm4b:s10+s3], $0x10, $0x38;
	[tilespmem:$0x10600] =	vst v63  }
0x63c: {  	s15 =	sadd.s32 $0x50, s0;
	s19 =	sld [smem:$0x7C9]  }
0x63d: {  	[tilespmem:s14], [sflag:$0x1] =	stream.linear.gather [hbm4b:s15+s3], $0x10, $0x38;
	[tilespmem:$0x10600] =	vst v63  }
0x63e: {  	s17 =	sadd.s32 $0x60, s0;
	s20 =	rddreg [dreg:$0x8]  }
0x63f: {  	[tilespmem:s16], [sflag:$0x1] =	stream.linear.gather [hbm4b:s17+s3], $0x10, $0x38;
	[tilespmem:$0x10600] =	vst v63  }
0x640: {  	s21 =	sadd.s32 s18, s20;
	s22 =	sld [smem:$0x7CA];
	s0 =	sadd.s32 $0x70, s0  }
0x641: {  	[tilespmem:s19], [sflag:$0x1] =	stream.linear.gather [hbm4b:s0+s3], $0x10, $0x38;
	[tilespmem:$0x10600] =	vst v63  }
0x642: {  	s5 =	rddreg [dreg:$0x7];
	s0 =	sshrl.u32 s21, $0x3  }
0x643: {  	s23 =	sld [smem:$0x7CB];
	s0 =	sadd.s32 s2, s0  }
0x644: {  	[tilespmem:s22], [sflag:$0x1] =	stream.linear.gather [hbm4b:s0+s3], $0x10, $0x38;
	[tilespmem:$0x10600] =	vst v63  }
0x645: {  	s26 =	sld [smem:$0x7CC];
	s25 =	sadd.s32 $0x10, s0  }
0x646: {  	[tilespmem:s23], [sflag:$0x1] =	stream.linear.gather [hbm4b:s25+s3], $0x10, $0x38;
	[tilespmem:$0x10600] =	vst v63  }
0x647: {  	s29 =	sld [smem:$0x7CD];
	s28 =	sadd.s32 $0x20, s0  }
0x648: {  	[tilespmem:s26], [sflag:$0x1] =	stream.linear.gather [hbm4b:s28+s3], $0x10, $0x38;
	[tilespmem:$0x10600] =	vst v63  }
0x649: {  	s31 =	sld [smem:$0x7CE];
	s30 =	sadd.s32 $0x30, s0  }
0x64a: {  	[tilespmem:s29], [sflag:$0x1] =	stream.linear.gather [hbm4b:s30+s3], $0x10, $0x38;
	[tilespmem:$0x10600] =	vst v63  }
0x64b: {  	s7 =	sld [smem:$0x7CF];
	s6 =	sadd.s32 $0x40, s0  }
0x64c: {  	[tilespmem:s31], [sflag:$0x1] =	stream.linear.gather [hbm4b:s6+s3], $0x10, $0x38;
	[tilespmem:$0x10600] =	vst v63  }
0x64d: {  	s9 =	sld [smem:$0x7D0];
	s8 =	sadd.s32 $0x50, s0  }
0x64e: {  	[tilespmem:s7], [sflag:$0x1] =	stream.linear.gather [hbm4b:s8+s3], $0x10, $0x38;
	[tilespmem:$0x10600] =	vst v63  }
0x64f: {  	s14 =	sld [smem:$0x7D1];
	s10 =	sadd.s32 $0x60, s0  }
0x650: {  	[tilespmem:s9], [sflag:$0x1] =	stream.linear.gather [hbm4b:s10+s3], $0x10, $0x38;
	[tilespmem:$0x10600] =	vst v63  }
0x651: {  	s16 =	sld [smem:$0x7D2];
	s15 =	sadd.s32 $0x70, s0  }
0x652: {  	[tilespmem:s14], [sflag:$0x1] =	stream.linear.gather [hbm4b:s15+s3], $0x10, $0x38;
	[tilespmem:$0x10600] =	vst v63  }
0x653: {  	s17 =	sld [smem:$0x7D3];
	s0 =	sadd.s32 $0xF4280, s0  }
0x654: {  	[tilespmem:s16], [sflag:$0x1] =	stream.linear.gather [hbm4b:s0+s3], $0x10, $0x38;
	[tilespmem:$0x10600] =	vst v63  }
0x655: {  	s20 =	sld [smem:$0x7D4];
	s19 =	sadd.s32 $0x10, s0  }
0x656: {  	[tilespmem:s17], [sflag:$0x1] =	stream.linear.gather [hbm4b:s19+s3], $0x10, $0x38;
	[tilespmem:$0x10600] =	vst v63  }
0x657: {  	s22 =	sld [smem:$0x7D5];
	s21 =	sadd.s32 $0x20, s0  }
0x658: {  	[tilespmem:s20], [sflag:$0x1] =	stream.linear.gather [hbm4b:s21+s3], $0x10, $0x38;
	[tilespmem:$0x10600] =	vst v63  }
0x659: {  	s23 =	sadd.s32 $0x30, s0;
	s25 =	sld [smem:$0x7D6]  }
0x65a: {  	[tilespmem:s22], [sflag:$0x1] =	stream.linear.gather [hbm4b:s23+s3], $0x10, $0x38;
	[tilespmem:$0x10600] =	vst v63  }
0x65b: {  	s26 =	sadd.s32 $0x40, s0;
	s28 =	sld [smem:$0x7D7]  }
0x65c: {  	[tilespmem:s25], [sflag:$0x1] =	stream.linear.gather [hbm4b:s26+s3], $0x10, $0x38;
	[tilespmem:$0x10600] =	vst v63  }
0x65d: {  	s29 =	sadd.s32 $0x50, s0;
	s30 =	sld [smem:$0x7D8]  }
0x65e: {  	[tilespmem:s28], [sflag:$0x1] =	stream.linear.gather [hbm4b:s29+s3], $0x10, $0x38;
	[tilespmem:$0x10600] =	vst v63  }
0x65f: {  	s4 =	sld [smem:$0x7D9];
	s31 =	sadd.s32 $0x60, s0  }
0x660: {  	[tilespmem:s30], [sflag:$0x1] =	stream.linear.gather [hbm4b:s31+s3], $0x10, $0x38;
	[tilespmem:$0x10600] =	vst v63  }
0x661: {  	s6 =	sadd.s32 s18, s5;
	s7 =	sld [smem:$0x7DA];
	s0 =	sadd.s32 $0x70, s0  }
0x662: {  	[tilespmem:s4], [sflag:$0x1] =	stream.linear.gather [hbm4b:s0+s3], $0x10, $0x38;
	[tilespmem:$0x10600] =	vst v63  }
0x663: {  	s8 =	sld [smem:$0x7DB];
	s0 =	sshrl.u32 s6, $0x3  }
0x664: {  	s10 =	sld [smem:$0x7DC];
	s0 =	sadd.s32 s24, s0  }
0x665: {  	[tilespmem:s7], [sflag:$0x1] =	stream.linear.gather [hbm4b:s0+s3], $0x10, $0x38;
	[tilespmem:$0x10600] =	vst v63  }
0x666: {  	s15 =	sld [smem:$0x7DD];
	s9 =	sadd.s32 $0x10, s0  }
0x667: {  	[tilespmem:s8], [sflag:$0x1] =	stream.linear.gather [hbm4b:s9+s3], $0x10, $0x38;
	[tilespmem:$0x10600] =	vst v63  }
0x668: {  	s17 =	sld [smem:$0x7DE];
	s14 =	sadd.s32 $0x20, s0  }
0x669: {  	[tilespmem:s10], [sflag:$0x1] =	stream.linear.gather [hbm4b:s14+s3], $0x10, $0x38;
	[tilespmem:$0x10600] =	vst v63  }
0x66a: {  	s20 =	sld [smem:$0x7DF];
	s16 =	sadd.s32 $0x30, s0  }
0x66b: {  	[tilespmem:s15], [sflag:$0x1] =	stream.linear.gather [hbm4b:s16+s3], $0x10, $0x38;
	[tilespmem:$0x10600] =	vst v63  }
0x66c: {  	s22 =	sld [smem:$0x7E0];
	s19 =	sadd.s32 $0x40, s0  }
0x66d: {  	[tilespmem:s17], [sflag:$0x1] =	stream.linear.gather [hbm4b:s19+s3], $0x10, $0x38;
	[tilespmem:$0x10600] =	vst v63  }
0x66e: {  	s25 =	sld [smem:$0x7E1];
	s21 =	sadd.s32 $0x50, s0  }
0x66f: {  	[tilespmem:s20], [sflag:$0x1] =	stream.linear.gather [hbm4b:s21+s3], $0x10, $0x38;
	[tilespmem:$0x10600] =	vst v63  }
0x670: {  	s28 =	sld [smem:$0x7E2];
	s23 =	sadd.s32 $0x60, s0  }
0x671: {  	[tilespmem:s22], [sflag:$0x1] =	stream.linear.gather [hbm4b:s23+s3], $0x10, $0x38;
	[tilespmem:$0x10600] =	vst v63  }
0x672: {  	s29 =	sld [smem:$0x7E3];
	s26 =	sadd.s32 $0x70, s0  }
0x673: {  	[tilespmem:s25], [sflag:$0x1] =	stream.linear.gather [hbm4b:s26+s3], $0x10, $0x38;
	[tilespmem:$0x10600] =	vst v63  }
0x674: {  	s31 =	sld [smem:$0x7E4];
	s0 =	sadd.s32 $0xF4280, s0  }
0x675: {  	[tilespmem:s28], [sflag:$0x1] =	stream.linear.gather [hbm4b:s0+s3], $0x10, $0x38;
	[tilespmem:$0x10600] =	vst v63  }
0x676: {  	s7 =	sld [smem:$0x7E5];
	s30 =	sadd.s32 $0x10, s0  }
0x677: {  	[tilespmem:s29], [sflag:$0x1] =	stream.linear.gather [hbm4b:s30+s3], $0x10, $0x38;
	[tilespmem:$0x10600] =	vst v63  }
0x678: {  	s6 =	sadd.s32 $0x20, s0;
	s9 =	sld [smem:$0x7E6]  }
0x679: {  	[tilespmem:s31], [sflag:$0x1] =	stream.linear.gather [hbm4b:s6+s3], $0x10, $0x38;
	[tilespmem:$0x10600] =	vst v63  }
0x67a: {  	s8 =	sadd.s32 $0x30, s0;
	s14 =	sld [smem:$0x7E7]  }
0x67b: {  	[tilespmem:s7], [sflag:$0x1] =	stream.linear.gather [hbm4b:s8+s3], $0x10, $0x38;
	[tilespmem:$0x10600] =	vst v63  }
0x67c: {  	s10 =	sadd.s32 $0x40, s0;
	s16 =	sld [smem:$0x7E8]  }
0x67d: {  	[tilespmem:s9], [sflag:$0x1] =	stream.linear.gather [hbm4b:s10+s3], $0x10, $0x38;
	[tilespmem:$0x10600] =	vst v63  }
0x67e: {  	s15 =	sadd.s32 $0x50, s0;
	s19 =	sld [smem:$0x7E9]  }
0x67f: {  	[tilespmem:s14], [sflag:$0x1] =	stream.linear.gather [hbm4b:s15+s3], $0x10, $0x38;
	[tilespmem:$0x10600] =	vst v63  }
0x680: {  	s17 =	sadd.s32 $0x60, s0;
	s20 =	rddreg [dreg:$0x6]  }
0x681: {  	[tilespmem:s16], [sflag:$0x1] =	stream.linear.gather [hbm4b:s17+s3], $0x10, $0x38;
	[tilespmem:$0x10600] =	vst v63  }
0x682: {  	s21 =	sadd.s32 s18, s20;
	s22 =	sld [smem:$0x7EA];
	s0 =	sadd.s32 $0x70, s0  }
0x683: {  	[tilespmem:s19], [sflag:$0x1] =	stream.linear.gather [hbm4b:s0+s3], $0x10, $0x38;
	[tilespmem:$0x10600] =	vst v63  }
0x684: {  	s0 =	sshrl.u32 s21, $0x3  }
0x685: {  	s23 =	sld [smem:$0x7EB];
	s0 =	sadd.s32 s2, s0  }
0x686: {  	[tilespmem:s22], [sflag:$0x1] =	stream.linear.gather [hbm4b:s0+s3], $0x10, $0x38;
	[tilespmem:$0x10600] =	vst v63  }
0x687: {  	s26 =	sld [smem:$0x7FD];
	s25 =	sadd.s32 $0x10, s0  }
0x688: {  	[tilespmem:s23], [sflag:$0x1] =	stream.linear.gather [hbm4b:s25+s3], $0x10, $0x38;
	[tilespmem:$0x10600] =	vst v63  }
0x689: {  	s29 =	sld [smem:$0x7EC];
	s28 =	sadd.s32 $0x20, s0  }
0x68a: {  	[tilespmem:s26], [sflag:$0x1] =	stream.linear.gather [hbm4b:s28+s3], $0x10, $0x38;
	[tilespmem:$0x10600] =	vst v63  }
0x68b: {  	s31 =	sld [smem:$0x7ED];
	s30 =	sadd.s32 $0x30, s0  }
0x68c: {  	[tilespmem:s29], [sflag:$0x1] =	stream.linear.gather [hbm4b:s30+s3], $0x10, $0x38;
	[tilespmem:$0x10600] =	vst v63  }
0x68d: {  	s6 =	sld [smem:$0x7EE];
	s4 =	sadd.s32 $0x40, s0  }
0x68e: {  	[tilespmem:s31], [sflag:$0x1] =	stream.linear.gather [hbm4b:s4+s3], $0x10, $0x38;
	[tilespmem:$0x10600] =	vst v63  }
0x68f: {  	s8 =	sld [smem:$0x7FC];
	s7 =	sadd.s32 $0x50, s0  }
0x690: {  	[tilespmem:s6], [sflag:$0x1] =	stream.linear.gather [hbm4b:s7+s3], $0x10, $0x38;
	[tilespmem:$0x10600] =	vst v63  }
0x691: {  	s10 =	sld [smem:$0x7EF];
	s9 =	sadd.s32 $0x60, s0  }
0x692: {  	[tilespmem:s8], [sflag:$0x1] =	stream.linear.gather [hbm4b:s9+s3], $0x10, $0x38;
	[tilespmem:$0x10600] =	vst v63  }
0x693: {  	s15 =	sld [smem:$0x7F0];
	s14 =	sadd.s32 $0x70, s0  }
0x694: {  	[tilespmem:s10], [sflag:$0x1] =	stream.linear.gather [hbm4b:s14+s3], $0x10, $0x38;
	[tilespmem:$0x10600] =	vst v63  }
0x695: {  	s16 =	sld [smem:$0x7F1];
	s0 =	sadd.s32 $0xF4280, s0  }
0x696: {  	[tilespmem:s15], [sflag:$0x1] =	stream.linear.gather [hbm4b:s0+s3], $0x10, $0x38;
	[tilespmem:$0x10600] =	vst v63  }
0x697: {  	s19 =	sld [smem:$0x7F2];
	s17 =	sadd.s32 $0x10, s0  }
0x698: {  	[tilespmem:s16], [sflag:$0x1] =	stream.linear.gather [hbm4b:s17+s3], $0x10, $0x38;
	[tilespmem:$0x10600] =	vst v63  }
0x699: {  	s21 =	sld [smem:$0x7FB];
	s20 =	sadd.s32 $0x20, s0  }
0x69a: {  	[tilespmem:s19], [sflag:$0x1] =	stream.linear.gather [hbm4b:s20+s3], $0x10, $0x38;
	[tilespmem:$0x10600] =	vst v63  }
0x69b: {  	s22 =	sadd.s32 $0x30, s0;
	s23 =	sld [smem:$0x7F4]  }
0x69c: {  	[tilespmem:s21], [sflag:$0x1] =	stream.linear.gather [hbm4b:s22+s3], $0x10, $0x38;
	[tilespmem:$0x10600] =	vst v63  }
0x69d: {  	s25 =	sadd.s32 $0x40, s0;
	s26 =	sld [smem:$0x7F6]  }
0x69e: {  	[tilespmem:s23], [sflag:$0x1] =	stream.linear.gather [hbm4b:s25+s3], $0x10, $0x38;
	[tilespmem:$0x10600] =	vst v63  }
0x69f: {  	s28 =	sadd.s32 $0x50, s0;
	s29 =	sld [smem:$0x7F8]  }
0x6a0: {  	[tilespmem:s26], [sflag:$0x1] =	stream.linear.gather [hbm4b:s28+s3], $0x10, $0x38;
	[tilespmem:$0x10600] =	vst v63  }
0x6a1: {  	s30 =	sadd.s32 $0x60, s0;
	s31 =	sld [smem:$0x7FA]  }
0x6a2: {  	[tilespmem:s29], [sflag:$0x1] =	stream.linear.gather [hbm4b:s30+s3], $0x10, $0x38;
	[tilespmem:$0x10600] =	vst v63  }
0x6a3: {  	s0 =	sadd.s32 $0x70, s0  }
0x6a4: {  	[tilespmem:s31], [sflag:$0x1] =	stream.linear.gather [hbm4b:s0+s3], $0x10, $0x38;
	[tilespmem:$0x10600] =	vst v63  }
0x6a5: {  	_ =	swait.ge [sflag:s13], $0x100  }
0x6a6: {  	[sflag:s13] =	ssyncset.done $0x0  }
0x6a7: {  	[sflag:s13] =	ssyncadd.s32 $0xFFFFFF00  }
0x6a8: {  	_ =	swait.ge [sflag:s13], $0x100  }
0x6a9: {  	[sflag:s13] =	ssyncset.done $0x0  }
0x6aa: {  	[sflag:s13] =	ssyncadd.s32 $0xFFFFFF00  }
0x6ab: {  	_ =	swait.ge [sflag:s13], $0x100  }
0x6ac: {  	[sflag:s13] =	ssyncset.done $0x0  }
0x6ad: {  	[sflag:s13] =	ssyncadd.s32 $0xFFFFFF00  }
0x6ae: {  	_ =	swait.ge [sflag:s13], $0x100  }
0x6af: {  	[sflag:s13] =	ssyncset.done $0x0  }
0x6b0: {  	[sflag:s13] =	ssyncadd.s32 $0xFFFFFF00  }
0x6b1: {  	_ =	swait.ge [sflag:s13], $0x100  }
0x6b2: {  	[sflag:s13] =	ssyncset.done $0x0  }
0x6b3: {  	[sflag:s13] =	ssyncadd.s32 $0xFFFFFF00  }
0x6b4: {  	_ =	swait.ge [sflag:s13], $0x100  }
0x6b5: {  	[sflag:s13] =	ssyncset.done $0x0  }
0x6b6: {  	[sflag:s13] =	ssyncadd.s32 $0xFFFFFF00  }
0x6b7: {  	_ =	swait.ge [sflag:s13], $0x100  }
0x6b8: {  	[sflag:s13] =	ssyncset.done $0x0  }
0x6b9: {  	[sflag:s13] =	ssyncadd.s32 $0xFFFFFF00  }
0x6ba: {  	_ =	swait.ge [sflag:s13], $0x100  }
0x6bb: {  	[sflag:s13] =	ssyncset.done $0x0  }
0x6bc: {  	[sflag:s13] =	ssyncadd.s32 $0xFFFFFF00  }
0x6bd: {  	_ =	swait.ge [sflag:s13], $0x100  }
0x6be: {  	[sflag:s13] =	ssyncset.done $0x0  }
0x6bf: {  	[sflag:s13] =	ssyncadd.s32 $0xFFFFFF00  }
0x6c0: {  	_ =	swait.ge [sflag:s13], $0x100  }
0x6c1: {  	[sflag:s13] =	ssyncset.done $0x0  }
0x6c2: {  	[sflag:s13] =	ssyncadd.s32 $0xFFFFFF00  }
0x6c3: {  	_ =	swait.ge [sflag:s13], $0x100  }
0x6c4: {  	[sflag:s13] =	ssyncset.done $0x0  }
0x6c5: {  	[sflag:s13] =	ssyncadd.s32 $0xFFFFFF00  }
0x6c6: {  	_ =	swait.ge [sflag:s13], $0x100  }
0x6c7: {  	[sflag:s13] =	ssyncset.done $0x0  }
0x6c8: {  	[sflag:s13] =	ssyncadd.s32 $0xFFFFFF00  }
0x6c9: {  	_ =	swait.ge [sflag:s13], $0x100  }
0x6ca: {  	[sflag:s13] =	ssyncset.done $0x0  }
0x6cb: {  	[sflag:s13] =	ssyncadd.s32 $0xFFFFFF00  }
0x6cc: {  	_ =	swait.ge [sflag:s13], $0x100  }
0x6cd: {  	[sflag:s13] =	ssyncset.done $0x0  }
0x6ce: {  	[sflag:s13] =	ssyncadd.s32 $0xFFFFFF00  }
0x6cf: {  	_ =	swait.ge [sflag:s13], $0x100  }
0x6d0: {  	[sflag:s13] =	ssyncset.done $0x0  }
0x6d1: {  	[sflag:s13] =	ssyncadd.s32 $0xFFFFFF00  }
0x6d2: {  	_ =	swait.ge [sflag:s13], $0x100  }
0x6d3: {  	[sflag:s13] =	ssyncset.done $0x0  }
0x6d4: {  	[sflag:s13] =	ssyncadd.s32 $0xFFFFFF00  }
0x6d5: {  	_ =	swait.ge [sflag:s13], $0x100  }
0x6d6: {  	[sflag:s13] =	ssyncset.done $0x0  }
0x6d7: {  	[sflag:s13] =	ssyncadd.s32 $0xFFFFFF00  }
0x6d8: {  	_ =	swait.ge [sflag:s13], $0x100  }
0x6d9: {  	[sflag:s13] =	ssyncset.done $0x0  }
0x6da: {  	[sflag:s13] =	ssyncadd.s32 $0xFFFFFF00  }
0x6db: {  	_ =	swait.ge [sflag:s13], $0x100  }
0x6dc: {  	[sflag:s13] =	ssyncset.done $0x0  }
0x6dd: {  	[sflag:s13] =	ssyncadd.s32 $0xFFFFFF00  }
0x6de: {  	_ =	swait.ge [sflag:s13], $0x100  }
0x6df: {  	[sflag:s13] =	ssyncset.done $0x0  }
0x6e0: {  	[sflag:s13] =	ssyncadd.s32 $0xFFFFFF00  }
0x6e1: {  	_ =	swait.ge [sflag:s13], $0x100  }
0x6e2: {  	[sflag:s13] =	ssyncset.done $0x0  }
0x6e3: {  	[sflag:s13] =	ssyncadd.s32 $0xFFFFFF00  }
0x6e4: {  	_ =	swait.ge [sflag:s13], $0x100  }
0x6e5: {  	[sflag:s13] =	ssyncset.done $0x0  }
0x6e6: {  	[sflag:s13] =	ssyncadd.s32 $0xFFFFFF00  }
0x6e7: {  	_ =	swait.ge [sflag:s13], $0x100  }
0x6e8: {  	[sflag:s13] =	ssyncset.done $0x0  }
0x6e9: {  	[sflag:s13] =	ssyncadd.s32 $0xFFFFFF00  }
0x6ea: {  	_ =	swait.ge [sflag:s13], $0x100  }
0x6eb: {  	[sflag:s13] =	ssyncset.done $0x0  }
0x6ec: {  	[sflag:s13] =	ssyncadd.s32 $0xFFFFFF00  }
0x6ed: {  	_ =	swait.ge [sflag:s13], $0x100  }
0x6ee: {  	[sflag:s13] =	ssyncset.done $0x0  }
0x6ef: {  	[sflag:s13] =	ssyncadd.s32 $0xFFFFFF00  }
0x6f0: {  	_ =	swait.ge [sflag:s13], $0x100  }
0x6f1: {  	[sflag:s13] =	ssyncset.done $0x0  }
0x6f2: {  	[sflag:s13] =	ssyncadd.s32 $0xFFFFFF00  }
0x6f3: {  	_ =	swait.ge [sflag:s13], $0x100  }
0x6f4: {  	[sflag:s13] =	ssyncset.done $0x0  }
0x6f5: {  	[sflag:s13] =	ssyncadd.s32 $0xFFFFFF00  }
0x6f6: {  	_ =	swait.ge [sflag:s13], $0x100  }
0x6f7: {  	[sflag:s13] =	ssyncset.done $0x0  }
0x6f8: {  	[sflag:s13] =	ssyncadd.s32 $0xFFFFFF00  }
0x6f9: {  	_ =	swait.ge [sflag:s13], $0x100  }
0x6fa: {  	[sflag:s13] =	ssyncset.done $0x0  }
0x6fb: {  	[sflag:s13] =	ssyncadd.s32 $0xFFFFFF00  }
0x6fc: {  	_ =	swait.ge [sflag:s13], $0x100  }
0x6fd: {  	[sflag:s13] =	ssyncset.done $0x0  }
0x6fe: {  	[sflag:s13] =	ssyncadd.s32 $0xFFFFFF00  }
0x6ff: {  	_ =	swait.ge [sflag:s13], $0x100  }
0x700: {  	[sflag:s13] =	ssyncset.done $0x0  }
0x701: {  	[sflag:s13] =	ssyncadd.s32 $0xFFFFFF00  }
0x702: {  	_ =	swait.ge [sflag:s13], $0x100  }
0x703: {  	[sflag:s13] =	ssyncset.done $0x0  }
0x704: {  	[sflag:s13] =	ssyncadd.s32 $0xFFFFFF00  }
0x705: {  	v49 =	vld.idx.msk [tilespmem:v16+s11+$0x0], $0xffff  }
0x706: {  	v50 =	vld.idx.msk [tilespmem:v17+s12+$0x0], $0xffff  }
0x707: {  	v51 =	vld.idx.msk [tilespmem:v18+s11+$0x0], $0xffff  }
0x708: {  	v52 =	vld.idx.msk [tilespmem:v19+s12+$0x0], $0xffff  }
0x709: {  	v53 =	vld.idx.msk [tilespmem:v20+s11+$0x0], $0xffff  }
0x70a: {  	v54 =	vld.idx.msk [tilespmem:v21+s12+$0x0], $0xffff  }
0x70b: {  	v63 =	vld.idx.msk [tilespmem:v22+s11+$0x0], $0xffff;
	v49 =	vmul.f32 v50, v49  }
0x70c: {  	v55 =	vld.idx.msk [tilespmem:v23+s12+$0x0], $0xffff  }
0x70d: {  	v58 =	vld.idx.msk [tilespmem:v25+s12+$0x0], $0xffff;
	v57 =	vmul.f32 v52, v51;
	v48 =	vadd.f32 v49, v48  }
0x70e: {  	v51 =	vld.idx.msk [tilespmem:v24+s11+$0x0], $0xffff  }
0x70f: {  	v60 =	vld.idx.msk [tilespmem:v26+s11+$0x0], $0xffff;
	v59 =	vmul.f32 v54, v53;
	v48 =	vadd.f32 v57, v48  }
0x710: {  	v61 =	vld.idx.msk [tilespmem:v27+s12+$0x0], $0xffff  }
0x711: {  	v62 =	vmul.f32 v55, v63;
	v63 =	vld.idx.msk [tilespmem:v28+s11+$0x0], $0xffff;
	v48 =	vadd.f32 v59, v48  }
0x712: {  	v57 =	vld.idx.msk [tilespmem:v29+s12+$0x0], $0xffff  }
0x713: {  	v58 =	vmul.f32 v58, v51;
	v51 =	vld.idx.msk [tilespmem:v30+s11+$0x0], $0xffff;
	v48 =	vadd.f32 v62, v48  }
0x714: {  	v59 =	vld.idx.msk [tilespmem:v31+s12+$0x0], $0xffff  }
0x715: {  	v60 =	vmul.f32 v61, v60;
	v61 =	vld.idx.msk [tilespmem:v32+s11+$0x0], $0xffff;
	v48 =	vadd.f32 v58, v48  }
0x716: {  	v62 =	vld.idx.msk [tilespmem:v33+s12+$0x0], $0xffff  }
0x717: {  	v63 =	vmul.f32 v57, v63;
	v57 =	vld.idx.msk [tilespmem:v34+s11+$0x0], $0xffff;
	v48 =	vadd.f32 v60, v48  }
0x718: {  	v58 =	vld.idx.msk [tilespmem:v35+s12+$0x0], $0xffff  }
0x719: {  	v59 =	vmul.f32 v59, v51;
	v51 =	vld.idx.msk [tilespmem:v36+s11+$0x0], $0xffff;
	v48 =	vadd.f32 v63, v48  }
0x71a: {  	v60 =	vld.idx.msk [tilespmem:v37+s12+$0x0], $0xffff  }
0x71b: {  	v61 =	vmul.f32 v62, v61;
	v62 =	vld.idx.msk [tilespmem:v38+s11+$0x0], $0xffff;
	v48 =	vadd.f32 v59, v48  }
0x71c: {  	v63 =	vld.idx.msk [tilespmem:v39+s12+$0x0], $0xffff  }
0x71d: {  	v57 =	vmul.f32 v58, v57;
	v58 =	vld.idx.msk [tilespmem:v40+s11+$0x0], $0xffff;
	v48 =	vadd.f32 v61, v48  }
0x71e: {  	v59 =	vld.idx.msk [tilespmem:v41+s12+$0x0], $0xffff  }
0x71f: {  	v60 =	vmul.f32 v60, v51;
	v51 =	vld.idx.msk [tilespmem:v42+s11+$0x0], $0xffff;
	v48 =	vadd.f32 v57, v48  }
0x720: {  	v61 =	vld.idx.msk [tilespmem:v43+s12+$0x0], $0xffff  }
0x721: {  	v62 =	vmul.f32 v63, v62;
	v63 =	vld.idx.msk [tilespmem:v44+s11+$0x0], $0xffff;
	v48 =	vadd.f32 v60, v48  }
0x722: {  	v57 =	vld.idx.msk [tilespmem:v45+s12+$0x0], $0xffff  }
0x723: {  	v58 =	vmul.f32 v59, v58;
	v59 =	vld.idx.msk [tilespmem:v46+s11+$0x0], $0xffff;
	v48 =	vadd.f32 v62, v48  }
0x724: {  	v60 =	vld.idx.msk [tilespmem:v47+s12+$0x0], $0xffff  }
0x725: {  	v61 =	vmul.f32 v61, v51;
	v48 =	vadd.f32 v58, v48  }
0x726: {  	p0 =	sne.s32 s18, $0x2DC7800  }
.Ltmp0:
0x727: {  	v62 =	vmul.f32 v57, v63;
	v48 =	vadd.f32 v61, v48;
	(pc) =	sbr.rel @p0 .LBB2_3-.Ltmp0, $3  }
0x728: {  	_ = 	snop  }
0x729: {  	v63 =	vmul.f32 v60, v59;
	v48 =	vadd.f32 v62, v48;
	_ =	sdelay $0x1  }
0x72a: {  	s18 =	sadd.s32 $0xF42800, s18;
	v48 =	vadd.f32 v63, v48  }
0x72b: {  	s0 =	sld [smem:$0x5EA];
	_ =	sdelay $0x2  }
0x72c: {  	s0 =	sadd.s32 $0x1, s0  }
0x72d: {  	p0 =	sne.s32 s0, $0x20  }
.Ltmp1:
0x72e: {  	_ = 	snop;
	(pc) =	sbr.rel @p0 .LBB2_2-.Ltmp1, $2  }
0x72f: {  	s1 =	sld [smem:$0x5EB];
	_ =	sdelay $0x2  }
0x730: {  	[tilespmem:s1+$0x10400] =	vst v48  }
0x731: {  	s0 =	sld [smem:$0x7F7];
	_ =	sdelay $0x1  }
0x732: {  	s1 =	simm.s32 $0x10400  }
0x733: {  	[hbm4b:s0+s3] =	stream.linear.scatter [tilespmem:s1], [sflag:$0x2], $0x200, $0x38;
	[tilespmem:$0x10600] =	vst v63  }
0x734: {  	s1 =	simm.s32 $0x2  }
0x735: {  	_ =	swait.ge [sflag:s1], $0x200  }
0x736: {  	s4 =	sld [smem:$0x5FB]  }
0x737: {  	s31 =	sld [smem:$0x7F9];
	_ =	sdelay $0x1  }
0x738: {  	s4 =	sadd.s32 $0x1, s4  }
0x739: {  	p0 =	sne.s32 s4, s31  }
.Ltmp2:
0x73a: {  	_ = 	snop;
	(pc) =	sbr.rel @p0 .LBB2_1-.Ltmp2, $3  }
0x73b: {  	_ =	sdelay $0x1  }
0x73c: {  	[sflag:s1] =	ssyncset.done $0x0  }
0x73d: {  	[sflag:s1] =	ssyncadd.s32 $0xFFFFFE00  }
0x73e: {  	_ =	sfence.sel $0x180000  }
0x73f: {  	[bflag:$0x0] =	sbarrier.arrive $0xFFFF  }
0x740: {  	_ =	strace $0x90000047  }
0x741: {  	s0 =	stileid.u32;
	[bflag:$0x2] =	sbarrier.arrive $0xFFFF  }
0x742: {  	p0 =	sne.s32 s0, $0x0;
	s0 =	rddreg [dreg:$0x5]  }
0x743: {  	s0 =	sadd.s32 @!p0 $0x100000, s0  }
0x744: {  	[sflag:s0] =	ssyncadd.tile.s32 @!p0 $0x1;
	_ =	shalt  }
.Lfunc_end2:
_tile_overlayer_lowered:
.L_overlay_start_2:
0x745: {  	(tag) =	ssettag $0x2  }
0x746: {  	s0 =	rddreg [dreg:$0x0];
	s2 =	stileid.u32  }
0x747: {  	s1 =	rddreg [dreg:$0x1];
	p0 =	sne.s32 s2, $0x0  }
0x748: {  	s3 =	rddreg [dreg:$0x2];
	[bflag:$0x3] =	sbarrier.arrive $0xFFFF;
	s2 =	simm.s32 @!p0 $0x1C02  }
0x749: {  	[timem:s3], [sflag:s2] =	dma.local @!p0 [hbm:s0], s1  }
0x74a: {  	s0 =	simm.s32 @!p0 $0x2  }
0x74b: {  	_ =	swait.ge @!p0 [sflag:s0], s1  }
0x74c: {  	s1 =	ssub.s32 @!p0 $0x0, s1;
	[sflag:s0] =	ssyncset.done @!p0 $0x0  }
0x74d: {  	[sflag:s0] =	ssyncadd.s32 @!p0 s1  }
0x74e: {  	[bflag:$0x3] =	sbarrier.arrive $0xFFFF  }
0x74f: {  	_ =	shalt  }

</sc_bundles>
